<compile_context>
chip_gen: v7x
topology: tpu7x:2x2x1
jax: 0.10.2.dev20260603
libtpu: 0.0.44.dev20260713+nightly
codegen_flags: <defaults>
</compile_context>

<pallas_src>
import functools

import jax
import jax.numpy as jnp
from jax import lax
from jax.experimental import pallas as pl
from jax.experimental.pallas import tpu as pltpu
import jax.experimental.pallas.tpu_sc as plsc

N = 10000
E = 320000
IN_DIM = 128
H = 8
D = 16
HD = H * D
NEG_SLOPE = 0.2

NC = 2
NS = 16
NW = NC * NS
LANES = 16
CH = 128
NCHP = 2560
EPAD = NCHP * CH
KTOT = NCHP // NW
NPAD = N + 128

_SC_PARAMS = pltpu.CompilerParams(
    use_tc_tiling_on_sc=False, needs_layout_passes=False)



def _proj_body(x_ref, w_ref, ml_ref, mr_ref, f_ref, el_ref, er_ref):
    f = jnp.dot(x_ref[...], w_ref[...], preferred_element_type=jnp.float32)
    f_ref[...] = f
    el_ref[...] = jnp.dot(f, ml_ref[...], preferred_element_type=jnp.float32)
    er_ref[...] = jnp.dot(f, mr_ref[...], preferred_element_type=jnp.float32)


def _project(x, W, Ml, Mr):
    BR = 2000
    return pl.pallas_call(
        _proj_body,
        grid=(N // BR,),
        in_specs=[
            pl.BlockSpec((BR, IN_DIM), lambda i: (i, 0)),
            pl.BlockSpec((IN_DIM, HD), lambda i: (0, 0)),
            pl.BlockSpec((HD, H), lambda i: (0, 0)),
            pl.BlockSpec((HD, H), lambda i: (0, 0)),
        ],
        out_specs=[
            pl.BlockSpec((BR, HD), lambda i: (i, 0)),
            pl.BlockSpec((BR, H), lambda i: (i, 0)),
            pl.BlockSpec((BR, H), lambda i: (i, 0)),
        ],
        out_shape=[
            jax.ShapeDtypeStruct((N, HD), jnp.float32),
            jax.ShapeDtypeStruct((N, H), jnp.float32),
            jax.ShapeDtypeStruct((N, H), jnp.float32),
        ],
    )(x, W, Ml, Mr)


def _comb_body(a_ref, o_ref):
    o_ref[...] = 1.0 / (a_ref[0] + a_ref[1])


def _combine(parts):
    _, R, C = parts.shape
    return pl.pallas_call(
        _comb_body,
        out_shape=jax.ShapeDtypeStruct((R, C), jnp.float32),
    )(parts)


def _fin_body(a_ref, b_ref, o_ref):
    o_ref[...] = (a_ref[0] + a_ref[1]) * (1.0 / H) + b_ref[...]


def _finalize(parts, bm):
    _, R, C = parts.shape
    return pl.pallas_call(
        _fin_body,
        out_shape=jax.ShapeDtypeStruct((R, C), jnp.float32),
    )(parts, bm)



def _make_passA():
    mesh = plsc.VectorSubcoreMesh(core_axis_name="c", subcore_axis_name="s")

    slot_scratch = [
        pltpu.VMEM((CH,), jnp.int32),
        pltpu.VMEM((CH,), jnp.int32),
        pltpu.VMEM((CH, H), jnp.float32),
        pltpu.VMEM((CH, H), jnp.float32),
        pltpu.VMEM((CH, H), jnp.float32),
        pltpu.SemaphoreType.DMA,
        pltpu.SemaphoreType.DMA,
    ]

    @functools.partial(
        pl.kernel,
        out_type=[
            jax.ShapeDtypeStruct((NC, NPAD, H), jnp.float32),
            jax.ShapeDtypeStruct((NCHP, CH, H), jnp.float32),
        ],
        mesh=mesh,
        scratch_types=slot_scratch * 2 + [
            pltpu.VMEM_SHARED((NPAD, H), jnp.float32),
        ],
        compiler_params=_SC_PARAMS,
    )
    def passA(src_h, dst_h, el_h, er_h, z8_h,
              den_out, w_out, *scr):
        bufs = (scr[0:7], scr[7:14])
        den_sh = scr[14]
        cid = lax.axis_index("c")
        sid = lax.axis_index("s")
        wid = sid * NC + cid

        @pl.when(sid == 0)
        def _():
            pltpu.sync_copy(z8_h, den_sh)

        plsc.subcore_barrier()

        iota = lax.iota(jnp.int32, LANES)
        rpat = iota // H
        cpat = lax.rem(iota, H)

        def issue(buf, k):
            idx_s, idx_d, elg, erg, _, gsem, _ = buf
            r = wid + k * NW
            pltpu.sync_copy(src_h.at[r], idx_s)
            pltpu.sync_copy(dst_h.at[r], idx_d)
            pltpu.async_copy(el_h.at[idx_s], elg, gsem)
            pltpu.async_copy(er_h.at[idx_d], erg, gsem)

        def finish(buf, k):
            idx_s, idx_d, elg, erg, wv, gsem, _ = buf
            r = wid + k * NW
            pltpu.make_async_copy(el_h.at[idx_s], elg, gsem).wait()
            pltpu.make_async_copy(er_h.at[idx_d], erg, gsem).wait()

            def inner(i, c):
                rows = 2 * i + rpat
                s = (plsc.load_gather(elg, [rows, cpat])
                     + plsc.load_gather(erg, [rows, cpat]))
                s = jnp.maximum(s, s * NEG_SLOPE)
                plsc.store_scatter(wv, [rows, cpat], jnp.exp(s))
                return c

            lax.fori_loop(0, CH * H // LANES, inner, 0, unroll=8)
            pltpu.sync_copy(wv, den_sh.at[idx_d], add=True)
            pltpu.sync_copy(wv, w_out.at[r])

        issue(bufs[0], 0)

        def chunk2(j, carry):
            k = 2 * j
            issue(bufs[1], k + 1)
            finish(bufs[0], k)

            @pl.when(k + 2 < KTOT)
            def _():
                issue(bufs[0], k + 2)

            finish(bufs[1], k + 1)
            return carry

        lax.fori_loop(0, KTOT // 2, chunk2, 0)
        plsc.subcore_barrier()

        @pl.when(sid == 0)
        def _():
            pltpu.sync_copy(den_sh, den_out.at[cid])

    return passA



def _make_passB():
    mesh = plsc.VectorSubcoreMesh(core_axis_name="c", subcore_axis_name="s")

    slot_scratch = [
        pltpu.VMEM((CH,), jnp.int32),
        pltpu.VMEM((CH,), jnp.int32),
        pltpu.VMEM((CH, HD), jnp.float32),
        pltpu.VMEM((CH, H), jnp.float32),
        pltpu.VMEM((CH, H), jnp.float32),
        pltpu.VMEM((CH, D), jnp.float32),
        pltpu.SemaphoreType.DMA,
        pltpu.SemaphoreType.DMA,
    ]

    @functools.partial(
        pl.kernel,
        out_type=jax.ShapeDtypeStruct((NC, NPAD, D), jnp.float32),
        mesh=mesh,
        scratch_types=slot_scratch * 2 + [
            pltpu.VMEM_SHARED((NPAD, D), jnp.float32),
        ],
        compiler_params=_SC_PARAMS,
    )
    def passB(src_h, dst_h, feat_h, den_h, w_h, z16_h,
              acc_out, *scr):
        bufs = (scr[0:8], scr[8:16])
        acc_sh = scr[16]
        cid = lax.axis_index("c")
        sid = lax.axis_index("s")
        wid = sid * NC + cid

        @pl.when(sid == 0)
        def _():
            pltpu.sync_copy(z16_h, acc_sh)

        plsc.subcore_barrier()

        iota = lax.iota(jnp.int32, LANES)
        rpat = iota // H
        cpat = lax.rem(iota, H)

        def issue(buf, k):
            idx_s, idx_d, fv, wv, dg, _, gsem, _ = buf
            r = wid + k * NW
            pltpu.sync_copy(src_h.at[r], idx_s)
            pltpu.sync_copy(dst_h.at[r], idx_d)
            pltpu.async_copy(feat_h.at[idx_s], fv, gsem)
            pltpu.async_copy(den_h.at[idx_d], dg, gsem)
            pltpu.async_copy(w_h.at[r], wv, gsem)

        def finish(buf, k):
            idx_s, idx_d, fv, wv, dg, msg, gsem, _ = buf
            r = wid + k * NW
            pltpu.make_async_copy(feat_h.at[idx_s], fv, gsem).wait()
            pltpu.make_async_copy(den_h.at[idx_d], dg, gsem).wait()
            pltpu.make_async_copy(w_h.at[r], wv, gsem).wait()

            def msg_t(t, c):
                rows = 2 * t + rpat
                a2 = (plsc.load_gather(wv, [rows, cpat])
                      * plsc.load_gather(dg, [rows, cpat]))
                b0 = 2 * t
                b1 = b0 + 1
                acc0 = jnp.zeros((D,), jnp.float32)
                acc1 = jnp.zeros((D,), jnp.float32)
                for h in range(H):
                    al0 = jnp.take_along_axis(
                        a2, jnp.full((LANES,), h, jnp.int32), axis=0)
                    al1 = jnp.take_along_axis(
                        a2, jnp.full((LANES,), H + h, jnp.int32), axis=0)
                    acc0 = acc0 + al0 * fv[b0, pl.ds(h * D, D)]
                    acc1 = acc1 + al1 * fv[b1, pl.ds(h * D, D)]
                msg[b0, :] = acc0
                msg[b1, :] = acc1
                return c

            lax.fori_loop(0, CH // 2, msg_t, 0, unroll=2)
            pltpu.sync_copy(msg, acc_sh.at[idx_d], add=True)

        issue(bufs[0], 0)

        def chunk2(j, carry):
            k = 2 * j
            issue(bufs[1], k + 1)
            finish(bufs[0], k)

            @pl.when(k + 2 < KTOT)
            def _():
                issue(bufs[0], k + 2)

            finish(bufs[1], k + 1)
            return carry

        lax.fori_loop(0, KTOT // 2, chunk2, 0)
        plsc.subcore_barrier()

        @pl.when(sid == 0)
        def _():
            pltpu.sync_copy(acc_sh, acc_out.at[cid])

    return passB


_passA = _make_passA()
_passB = _make_passB()


def kernel(x, edge_index, W, attn_l, attn_r, bias):
    src = edge_index[0].astype(jnp.int32)
    dst = edge_index[1].astype(jnp.int32)
    dummy_src = jnp.arange(EPAD - E, dtype=jnp.int32) % 128
    src_p = jnp.concatenate([src, dummy_src]).reshape(NCHP, CH)
    trash = N + jnp.arange(EPAD - E, dtype=jnp.int32) % 128
    dst_p = jnp.concatenate([dst, trash]).reshape(NCHP, CH)

    eye = jnp.eye(H, dtype=jnp.float32)
    Ml = (attn_l[:, :, None] * eye[:, None, :]).reshape(HD, H)
    Mr = (attn_r[:, :, None] * eye[:, None, :]).reshape(HD, H)

    feat, el, er = _project(x, W, Ml, Mr)
    el_p = jnp.pad(el, ((0, NPAD - N), (0, 0)))
    er_p = jnp.pad(er, ((0, NPAD - N), (0, 0)))

    z8 = jnp.zeros((NPAD, H), jnp.float32)
    z16 = jnp.zeros((NPAD, D), jnp.float32)

    den_part, w_all = _passA(src_p, dst_p, el_p, er_p, z8)
    dreci = _combine(den_part.reshape(NC, NPAD * H // 128, 128))
    dreci = dreci.reshape(NPAD, H)

    acc_part = _passB(src_p, dst_p, feat, dreci, w_all, z16)

    bm = jnp.tile(bias.reshape(H, D).mean(axis=0), H).reshape(1, HD)
    out = _finalize(acc_part.reshape(NC, NPAD * D // 128, 128), bm)
    return out.reshape(NPAD, D)[:N]

# --- scband reference (transcript-rebuilt; emitter-appended) ---
"""Pipeline reference for scband-gat1-83897891160312 (READ-ONLY COPY).

The authoritative reference and input builder live on the scoring server;
editing this copy changes nothing except your own understanding.
"""

import jax, jax.numpy as jnp
import numpy as np

N_NODES = 10000
N_EDGES = 320000
IN_DIM = 128
H = 8
D = 16
NEG_SLOPE = 0.2


def setup_inputs(seed: int = 0) -> dict:
    key = jax.random.key(seed)
    k_x, k_e, k_w, k_al, k_ar, k_b = jax.random.split(key, 6)
    x = jax.random.normal(k_x, (N_NODES, IN_DIM), dtype=jnp.float32)
    edge_index = jax.random.randint(k_e, (2, N_EDGES), 0, N_NODES, dtype=jnp.int64)
    # DGL GATConv params: fc (no bias), attn_l, attn_r, output bias
    W = jax.random.normal(k_w, (IN_DIM, H * D), dtype=jnp.float32) * (1.0 / np.sqrt(IN_DIM))
    attn_l = jax.random.normal(k_al, (H, D), dtype=jnp.float32) * 0.1
    attn_r = jax.random.normal(k_ar, (H, D), dtype=jnp.float32) * 0.1
    bias = jnp.zeros((H * D,), dtype=jnp.float32)
    return {"x": x, "edge_index": edge_index, "W": W, "attn_l": attn_l, "attn_r": attn_r, "bias": bias}


def reference(x, edge_index, W, attn_l, attn_r, bias):
    N = x.shape[0]
    src = edge_index[0]
    dst = edge_index[1]
    # fc projection -> [N, H, D]
    feat = (x @ W).reshape(N, H, D)
    # per-node attention logits
    el = (feat * attn_l[None, :, :]).sum(-1)  # [N, H]
    er = (feat * attn_r[None, :, :]).sum(-1)  # [N, H]
    # per-edge logits, leaky relu
    e = el[src] + er[dst]  # [E, H] (gather)
    e = jax.nn.leaky_relu(e, NEG_SLOPE)
    # edge softmax grouped by destination node
    emax = jax.ops.segment_max(e, dst, num_segments=N)  # [N, H]
    e_exp = jnp.exp(e - emax[dst])
    denom = jax.ops.segment_sum(e_exp, dst, num_segments=N)  # [N, H]
    alpha = e_exp / denom[dst]
    # message passing: gather src features, weight by alpha, scatter-add to dst
    msg = feat[src] * alpha[:, :, None]  # [E, H, D]
    rst = jax.ops.segment_sum(msg, dst, num_segments=N)  # [N, H, D]
    rst = rst + bias.reshape(1, H, D)
    # GAT1.forward: mean over heads
    out = rst.mean(axis=1)  # [N, D]
    return out

if __name__ == "__main__":
    import jax
    _d = setup_inputs()
    print(jax.jit(kernel)(*tuple(_d.values())))

</pallas_src>

<mosaic_0001>
#map = affine_map<(d0, d1) -> (0, 0)>
#map1 = affine_map<(d0, d1) -> (0, 0, 0)>
module attributes {stable_mosaic.version = 14 : i64} {
  func.func @passB(%arg0: i32, %arg1: i32, %arg2: memref<2560x128xi32, #tpu.memory_space<hbm>>, %arg3: memref<2560x128xi32, #tpu.memory_space<hbm>>, %arg4: memref<10000x128xf32, #tpu.memory_space<hbm>>, %arg5: memref<10128x8xf32, #tpu.memory_space<hbm>>, %arg6: memref<2560x128x8xf32, #tpu.memory_space<hbm>>, %arg7: memref<10128x16xf32, #tpu.memory_space<hbm>>, %arg8: memref<2x10128x16xf32, #tpu.memory_space<hbm>>, %arg9: memref<128xi32, #tpu.memory_space<vmem>>, %arg10: memref<128xi32, #tpu.memory_space<vmem>>, %arg11: memref<128x128xf32, #tpu.memory_space<vmem>>, %arg12: memref<128x8xf32, #tpu.memory_space<vmem>>, %arg13: memref<128x8xf32, #tpu.memory_space<vmem>>, %arg14: memref<128x16xf32, #tpu.memory_space<vmem>>, %arg15: memref<!tpu.dma_semaphore, #tpu.memory_space<semaphore_mem>>, %arg16: memref<!tpu.dma_semaphore, #tpu.memory_space<semaphore_mem>>, %arg17: memref<128xi32, #tpu.memory_space<vmem>>, %arg18: memref<128xi32, #tpu.memory_space<vmem>>, %arg19: memref<128x128xf32, #tpu.memory_space<vmem>>, %arg20: memref<128x8xf32, #tpu.memory_space<vmem>>, %arg21: memref<128x8xf32, #tpu.memory_space<vmem>>, %arg22: memref<128x16xf32, #tpu.memory_space<vmem>>, %arg23: memref<!tpu.dma_semaphore, #tpu.memory_space<semaphore_mem>>, %arg24: memref<!tpu.dma_semaphore, #tpu.memory_space<semaphore_mem>>, %arg25: memref<10128x16xf32, #tpu.memory_space<vmem_shared>>) attributes {dimension_semantics = [#tpu.dimension_semantics<core_parallel>, #tpu.dimension_semantics<subcore_parallel>], iteration_bounds = array<i64: 2, 16>, scalar_prefetch = 0 : i64, scratch_operands = 17 : i64, tpu.core_type = #tpu.core_type<sc_vector_subcore>, window_params = [{transform_indices = #map}, {transform_indices = #map}, {transform_indices = #map}, {transform_indices = #map}, {transform_indices = #map1}, {transform_indices = #map}, {transform_indices = #map1}]} {
    %mul3A = arith.constant 2 : i32
    %mul3A_0 = arith.muli %arg1, %mul3A : i32
    %add3A = arith.addi %mul3A_0, %arg0 : i32
    %eq3A = arith.constant 0 : i32
    %eq3A_1 = arith.cmpi eq, %arg1, %eq3A : i32
    %convert_element_type3A = arith.extui %eq3A_1 : i1 to i32
    %cond3A = arith.constant 0 : i32
    %cond3A_2 = arith.cmpi ne, %convert_element_type3A, %cond3A : i32
    scf.if %cond3A_2 {
      "tpu.region"() ({
        %run_scoped3A = tpu.sem_alloc : memref<!tpu.dma_semaphore, #tpu.memory_space<semaphore_mem>>
        tpu.enqueue_dma source(%arg7 : memref<10128x16xf32, #tpu.memory_space<hbm>>) target(%arg25 : memref<10128x16xf32, #tpu.memory_space<vmem_shared>>) target_semaphore(%run_scoped3A : memref<!tpu.dma_semaphore, #tpu.memory_space<semaphore_mem>>)
        tpu.wait_dma2 semaphore(%run_scoped3A : memref<!tpu.dma_semaphore, #tpu.memory_space<semaphore_mem>>) src(%arg7 : memref<10128x16xf32, #tpu.memory_space<hbm>>) dst(%arg25 : memref<10128x16xf32, #tpu.memory_space<vmem_shared>>)
        tpu.yield
      }) : () -> ()
    } else {
    }
    %barrier3A = arith.constant 0 : index
    tpu.barrier barrier_id(%barrier3A)
    %iota3A = tpu.iota {dimensions = array<i32: 0>} : vector<16xi32>
    %jit3A = arith.constant 8 : i32
    %div3A = vector.broadcast %jit3A : i32 to vector<16xi32>
    %div3A_3 = arith.divsi %iota3A, %div3A : vector<16xi32>
    %sign3A = arith.constant 0 : i32
    %sign3A_4 = vector.broadcast %sign3A : i32 to vector<16xi32>
    %sign3A_5 = arith.cmpi sgt, %iota3A, %sign3A_4 : vector<16xi32>
    %sign3A_6 = arith.extui %sign3A_5 : vector<16xi1> to vector<16xi32>
    %sign3A_7 = arith.constant 0 : i32
    %sign3A_8 = vector.broadcast %sign3A_7 : i32 to vector<16xi32>
    %sign3A_9 = arith.cmpi slt, %iota3A, %sign3A_8 : vector<16xi32>
    %sign3A_10 = arith.extui %sign3A_9 : vector<16xi1> to vector<16xi32>
    %sign3A_11 = arith.subi %sign3A_6, %sign3A_10 : vector<16xi32>
    %sign3A_12 = arith.constant 0 : i32
    %sign3A_13 = arith.cmpi sgt, %jit3A, %sign3A_12 : i32
    %sign3A_14 = arith.extui %sign3A_13 : i1 to i32
    %sign3A_15 = arith.constant 0 : i32
    %sign3A_16 = arith.cmpi slt, %jit3A, %sign3A_15 : i32
    %sign3A_17 = arith.extui %sign3A_16 : i1 to i32
    %sign3A_18 = arith.subi %sign3A_14, %sign3A_17 : i32
    %ne3A = vector.broadcast %sign3A_18 : i32 to vector<16xi32>
    %ne3A_19 = arith.cmpi ne, %sign3A_11, %ne3A : vector<16xi32>
    %rem3A = vector.broadcast %jit3A : i32 to vector<16xi32>
    %rem3A_20 = arith.remsi %iota3A, %rem3A : vector<16xi32>
    %ne3A_21 = arith.constant 0 : i32
    %ne3A_22 = vector.broadcast %ne3A_21 : i32 to vector<16xi32>
    %ne3A_23 = arith.cmpi ne, %rem3A_20, %ne3A_22 : vector<16xi32>
    %and3A = arith.andi %ne3A_19, %ne3A_23 : vector<16xi1>
    %sub3A = arith.constant 1 : i32
    %sub3A_24 = vector.broadcast %sub3A : i32 to vector<16xi32>
    %sub3A_25 = arith.subi %div3A_3, %sub3A_24 : vector<16xi32>
    %select_n3A = arith.select %and3A, %sub3A_25, %div3A_3 : vector<16xi1>, vector<16xi32>
    %rem3A_26 = arith.constant 8 : i32
    %rem3A_27 = vector.broadcast %rem3A_26 : i32 to vector<16xi32>
    %rem3A_28 = arith.remsi %iota3A, %rem3A_27 : vector<16xi32>
    %add3A_29 = arith.constant 0 : i32
    %add3A_30 = arith.addi %add3A, %add3A_29 : i32
    "tpu.region"() ({
      %run_scoped3A = tpu.sem_alloc : memref<!tpu.dma_semaphore, #tpu.memory_space<semaphore_mem>>
      %dma_start3A_55 = arith.constant 0 : i32
      %dma_start3A_56 = tpu.memref_slice %arg2[%add3A_30, %dma_start3A_55] : memref<2560x128xi32, #tpu.memory_space<hbm>> -> memref<1x128xi32, #tpu.memory_space<hbm>>
      %dma_start3A_57 = tpu.memref_squeeze %dma_start3A_56 : memref<1x128xi32, #tpu.memory_space<hbm>> -> memref<128xi32, #tpu.memory_space<hbm>>
      %dma_start3A_58 = arith.constant 0 : i32
      %dma_start3A_59 = tpu.memref_slice %arg2[%add3A_30, %dma_start3A_58] : memref<2560x128xi32, #tpu.memory_space<hbm>> -> memref<1x128xi32, #tpu.memory_space<hbm>>
      %dma_start3A_60 = tpu.memref_squeeze %dma_start3A_59 : memref<1x128xi32, #tpu.memory_space<hbm>> -> memref<128xi32, #tpu.memory_space<hbm>>
      tpu.enqueue_dma source(%dma_start3A_60 : memref<128xi32, #tpu.memory_space<hbm>>) target(%arg9 : memref<128xi32, #tpu.memory_space<vmem>>) target_semaphore(%run_scoped3A : memref<!tpu.dma_semaphore, #tpu.memory_space<semaphore_mem>>)
      %dma_wait3A = arith.constant 0 : i32
      %dma_wait3A_61 = tpu.memref_slice %arg2[%add3A_30, %dma_wait3A] : memref<2560x128xi32, #tpu.memory_space<hbm>> -> memref<1x128xi32, #tpu.memory_space<hbm>>
      %dma_wait3A_62 = tpu.memref_squeeze %dma_wait3A_61 : memref<1x128xi32, #tpu.memory_space<hbm>> -> memref<128xi32, #tpu.memory_space<hbm>>
      %dma_wait3A_63 = arith.constant 0 : i32
      %dma_wait3A_64 = tpu.memref_slice %arg2[%add3A_30, %dma_wait3A_63] : memref<2560x128xi32, #tpu.memory_space<hbm>> -> memref<1x128xi32, #tpu.memory_space<hbm>>
      %dma_wait3A_65 = tpu.memref_squeeze %dma_wait3A_64 : memref<1x128xi32, #tpu.memory_space<hbm>> -> memref<128xi32, #tpu.memory_space<hbm>>
      tpu.wait_dma2 semaphore(%run_scoped3A : memref<!tpu.dma_semaphore, #tpu.memory_space<semaphore_mem>>) src(%dma_wait3A_65 : memref<128xi32, #tpu.memory_space<hbm>>) dst(%arg9 : memref<128xi32, #tpu.memory_space<vmem>>)
      tpu.yield
    }) : () -> ()
    "tpu.region"() ({
      %run_scoped3A = tpu.sem_alloc : memref<!tpu.dma_semaphore, #tpu.memory_space<semaphore_mem>>
      %dma_start3A_55 = arith.constant 0 : i32
      %dma_start3A_56 = tpu.memref_slice %arg3[%add3A_30, %dma_start3A_55] : memref<2560x128xi32, #tpu.memory_space<hbm>> -> memref<1x128xi32, #tpu.memory_space<hbm>>
      %dma_start3A_57 = tpu.memref_squeeze %dma_start3A_56 : memref<1x128xi32, #tpu.memory_space<hbm>> -> memref<128xi32, #tpu.memory_space<hbm>>
      %dma_start3A_58 = arith.constant 0 : i32
      %dma_start3A_59 = tpu.memref_slice %arg3[%add3A_30, %dma_start3A_58] : memref<2560x128xi32, #tpu.memory_space<hbm>> -> memref<1x128xi32, #tpu.memory_space<hbm>>
      %dma_start3A_60 = tpu.memref_squeeze %dma_start3A_59 : memref<1x128xi32, #tpu.memory_space<hbm>> -> memref<128xi32, #tpu.memory_space<hbm>>
      tpu.enqueue_dma source(%dma_start3A_60 : memref<128xi32, #tpu.memory_space<hbm>>) target(%arg10 : memref<128xi32, #tpu.memory_space<vmem>>) target_semaphore(%run_scoped3A : memref<!tpu.dma_semaphore, #tpu.memory_space<semaphore_mem>>)
      %dma_wait3A = arith.constant 0 : i32
      %dma_wait3A_61 = tpu.memref_slice %arg3[%add3A_30, %dma_wait3A] : memref<2560x128xi32, #tpu.memory_space<hbm>> -> memref<1x128xi32, #tpu.memory_space<hbm>>
      %dma_wait3A_62 = tpu.memref_squeeze %dma_wait3A_61 : memref<1x128xi32, #tpu.memory_space<hbm>> -> memref<128xi32, #tpu.memory_space<hbm>>
      %dma_wait3A_63 = arith.constant 0 : i32
      %dma_wait3A_64 = tpu.memref_slice %arg3[%add3A_30, %dma_wait3A_63] : memref<2560x128xi32, #tpu.memory_space<hbm>> -> memref<1x128xi32, #tpu.memory_space<hbm>>
      %dma_wait3A_65 = tpu.memref_squeeze %dma_wait3A_64 : memref<1x128xi32, #tpu.memory_space<hbm>> -> memref<128xi32, #tpu.memory_space<hbm>>
      tpu.wait_dma2 semaphore(%run_scoped3A : memref<!tpu.dma_semaphore, #tpu.memory_space<semaphore_mem>>) src(%dma_wait3A_65 : memref<128xi32, #tpu.memory_space<hbm>>) dst(%arg10 : memref<128xi32, #tpu.memory_space<vmem>>)
      tpu.yield
    }) : () -> ()
    %dma_start3A = arith.constant 0 : i32
    %dma_start3A_31 = arith.constant 0 : i32
    %dma_start3A_32 = tpu.memref_slice %arg4[%dma_start3A, %dma_start3A_31] : memref<10000x128xf32, #tpu.memory_space<hbm>> -> memref<10000x128xf32, #tpu.memory_space<hbm>>
    tpu.enqueue_indirect_dma source(%dma_start3A_32 : memref<10000x128xf32, #tpu.memory_space<hbm>>) target(%arg11 : memref<128x128xf32, #tpu.memory_space<vmem>>) offsets(%arg9 : memref<128xi32, #tpu.memory_space<vmem>>) semaphore(%arg15 : memref<!tpu.dma_semaphore, #tpu.memory_space<semaphore_mem>>)
    %dma_start3A_33 = arith.constant 0 : i32
    %dma_start3A_34 = arith.constant 0 : i32
    %dma_start3A_35 = tpu.memref_slice %arg5[%dma_start3A_33, %dma_start3A_34] : memref<10128x8xf32, #tpu.memory_space<hbm>> -> memref<10128x8xf32, #tpu.memory_space<hbm>>
    tpu.enqueue_indirect_dma source(%dma_start3A_35 : memref<10128x8xf32, #tpu.memory_space<hbm>>) target(%arg13 : memref<128x8xf32, #tpu.memory_space<vmem>>) offsets(%arg10 : memref<128xi32, #tpu.memory_space<vmem>>) semaphore(%arg15 : memref<!tpu.dma_semaphore, #tpu.memory_space<semaphore_mem>>)
    %dma_start3A_36 = arith.constant 0 : i32
    %dma_start3A_37 = arith.constant 0 : i32
    %dma_start3A_38 = tpu.memref_slice %arg6[%add3A_30, %dma_start3A_36, %dma_start3A_37] : memref<2560x128x8xf32, #tpu.memory_space<hbm>> -> memref<1x128x8xf32, #tpu.memory_space<hbm>>
    %dma_start3A_39 = tpu.memref_squeeze %dma_start3A_38 : memref<1x128x8xf32, #tpu.memory_space<hbm>> -> memref<128x8xf32, #tpu.memory_space<hbm>>
    %dma_start3A_40 = arith.constant 0 : i32
    %dma_start3A_41 = arith.constant 0 : i32
    %dma_start3A_42 = tpu.memref_slice %arg6[%add3A_30, %dma_start3A_40, %dma_start3A_41] : memref<2560x128x8xf32, #tpu.memory_space<hbm>> -> memref<1x128x8xf32, #tpu.memory_space<hbm>>
    %dma_start3A_43 = tpu.memref_squeeze %dma_start3A_42 : memref<1x128x8xf32, #tpu.memory_space<hbm>> -> memref<128x8xf32, #tpu.memory_space<hbm>>
    tpu.enqueue_dma source(%dma_start3A_43 : memref<128x8xf32, #tpu.memory_space<hbm>>) target(%arg12 : memref<128x8xf32, #tpu.memory_space<vmem>>) target_semaphore(%arg15 : memref<!tpu.dma_semaphore, #tpu.memory_space<semaphore_mem>>)
    %scan3A = arith.constant 0 : i32
    %scan3A_44 = arith.constant 0 : i32
    %scan3A_45 = arith.constant 40 : i32
    %scan3A_46 = arith.addi %scan3A_44, %scan3A_45 : i32
    %scan3A_47 = arith.constant 1 : i32
    scf.for %scan3A_55 = %scan3A_44 to %scan3A_46 step %scan3A_47  : i32 {
      %mul3A_56 = arith.constant 2 : i32
      %mul3A_57 = arith.muli %mul3A_56, %scan3A_55 : i32
      %add3A_58 = arith.constant 1 : i32
      %add3A_59 = arith.addi %mul3A_57, %add3A_58 : i32
      %mul3A_60 = arith.constant 32 : i32
      %mul3A_61 = arith.muli %add3A_59, %mul3A_60 : i32
      %add3A_62 = arith.addi %add3A, %mul3A_61 : i32
      "tpu.region"() ({
        %run_scoped3A = tpu.sem_alloc : memref<!tpu.dma_semaphore, #tpu.memory_space<semaphore_mem>>
        %dma_start3A_130 = arith.constant 0 : i32
        %dma_start3A_131 = tpu.memref_slice %arg2[%add3A_62, %dma_start3A_130] : memref<2560x128xi32, #tpu.memory_space<hbm>> -> memref<1x128xi32, #tpu.memory_space<hbm>>
        %dma_start3A_132 = tpu.memref_squeeze %dma_start3A_131 : memref<1x128xi32, #tpu.memory_space<hbm>> -> memref<128xi32, #tpu.memory_space<hbm>>
        %dma_start3A_133 = arith.constant 0 : i32
        %dma_start3A_134 = tpu.memref_slice %arg2[%add3A_62, %dma_start3A_133] : memref<2560x128xi32, #tpu.memory_space<hbm>> -> memref<1x128xi32, #tpu.memory_space<hbm>>
        %dma_start3A_135 = tpu.memref_squeeze %dma_start3A_134 : memref<1x128xi32, #tpu.memory_space<hbm>> -> memref<128xi32, #tpu.memory_space<hbm>>
        tpu.enqueue_dma source(%dma_start3A_135 : memref<128xi32, #tpu.memory_space<hbm>>) target(%arg17 : memref<128xi32, #tpu.memory_space<vmem>>) target_semaphore(%run_scoped3A : memref<!tpu.dma_semaphore, #tpu.memory_space<semaphore_mem>>)
        %dma_wait3A_136 = arith.constant 0 : i32
        %dma_wait3A_137 = tpu.memref_slice %arg2[%add3A_62, %dma_wait3A_136] : memref<2560x128xi32, #tpu.memory_space<hbm>> -> memref<1x128xi32, #tpu.memory_space<hbm>>
        %dma_wait3A_138 = tpu.memref_squeeze %dma_wait3A_137 : memref<1x128xi32, #tpu.memory_space<hbm>> -> memref<128xi32, #tpu.memory_space<hbm>>
        %dma_wait3A_139 = arith.constant 0 : i32
        %dma_wait3A_140 = tpu.memref_slice %arg2[%add3A_62, %dma_wait3A_139] : memref<2560x128xi32, #tpu.memory_space<hbm>> -> memref<1x128xi32, #tpu.memory_space<hbm>>
        %dma_wait3A_141 = tpu.memref_squeeze %dma_wait3A_140 : memref<1x128xi32, #tpu.memory_space<hbm>> -> memref<128xi32, #tpu.memory_space<hbm>>
        tpu.wait_dma2 semaphore(%run_scoped3A : memref<!tpu.dma_semaphore, #tpu.memory_space<semaphore_mem>>) src(%dma_wait3A_141 : memref<128xi32, #tpu.memory_space<hbm>>) dst(%arg17 : memref<128xi32, #tpu.memory_space<vmem>>)
        tpu.yield
      }) : () -> ()
      "tpu.region"() ({
        %run_scoped3A = tpu.sem_alloc : memref<!tpu.dma_semaphore, #tpu.memory_space<semaphore_mem>>
        %dma_start3A_130 = arith.constant 0 : i32
        %dma_start3A_131 = tpu.memref_slice %arg3[%add3A_62, %dma_start3A_130] : memref<2560x128xi32, #tpu.memory_space<hbm>> -> memref<1x128xi32, #tpu.memory_space<hbm>>
        %dma_start3A_132 = tpu.memref_squeeze %dma_start3A_131 : memref<1x128xi32, #tpu.memory_space<hbm>> -> memref<128xi32, #tpu.memory_space<hbm>>
        %dma_start3A_133 = arith.constant 0 : i32
        %dma_start3A_134 = tpu.memref_slice %arg3[%add3A_62, %dma_start3A_133] : memref<2560x128xi32, #tpu.memory_space<hbm>> -> memref<1x128xi32, #tpu.memory_space<hbm>>
        %dma_start3A_135 = tpu.memref_squeeze %dma_start3A_134 : memref<1x128xi32, #tpu.memory_space<hbm>> -> memref<128xi32, #tpu.memory_space<hbm>>
        tpu.enqueue_dma source(%dma_start3A_135 : memref<128xi32, #tpu.memory_space<hbm>>) target(%arg18 : memref<128xi32, #tpu.memory_space<vmem>>) target_semaphore(%run_scoped3A : memref<!tpu.dma_semaphore, #tpu.memory_space<semaphore_mem>>)
        %dma_wait3A_136 = arith.constant 0 : i32
        %dma_wait3A_137 = tpu.memref_slice %arg3[%add3A_62, %dma_wait3A_136] : memref<2560x128xi32, #tpu.memory_space<hbm>> -> memref<1x128xi32, #tpu.memory_space<hbm>>
        %dma_wait3A_138 = tpu.memref_squeeze %dma_wait3A_137 : memref<1x128xi32, #tpu.memory_space<hbm>> -> memref<128xi32, #tpu.memory_space<hbm>>
        %dma_wait3A_139 = arith.constant 0 : i32
        %dma_wait3A_140 = tpu.memref_slice %arg3[%add3A_62, %dma_wait3A_139] : memref<2560x128xi32, #tpu.memory_space<hbm>> -> memref<1x128xi32, #tpu.memory_space<hbm>>
        %dma_wait3A_141 = tpu.memref_squeeze %dma_wait3A_140 : memref<1x128xi32, #tpu.memory_space<hbm>> -> memref<128xi32, #tpu.memory_space<hbm>>
        tpu.wait_dma2 semaphore(%run_scoped3A : memref<!tpu.dma_semaphore, #tpu.memory_space<semaphore_mem>>) src(%dma_wait3A_141 : memref<128xi32, #tpu.memory_space<hbm>>) dst(%arg18 : memref<128xi32, #tpu.memory_space<vmem>>)
        tpu.yield
      }) : () -> ()
      %dma_start3A_63 = arith.constant 0 : i32
      %dma_start3A_64 = arith.constant 0 : i32
      %dma_start3A_65 = tpu.memref_slice %arg4[%dma_start3A_63, %dma_start3A_64] : memref<10000x128xf32, #tpu.memory_space<hbm>> -> memref<10000x128xf32, #tpu.memory_space<hbm>>
      tpu.enqueue_indirect_dma source(%dma_start3A_65 : memref<10000x128xf32, #tpu.memory_space<hbm>>) target(%arg19 : memref<128x128xf32, #tpu.memory_space<vmem>>) offsets(%arg17 : memref<128xi32, #tpu.memory_space<vmem>>) semaphore(%arg23 : memref<!tpu.dma_semaphore, #tpu.memory_space<semaphore_mem>>)
      %dma_start3A_66 = arith.constant 0 : i32
      %dma_start3A_67 = arith.constant 0 : i32
      %dma_start3A_68 = tpu.memref_slice %arg5[%dma_start3A_66, %dma_start3A_67] : memref<10128x8xf32, #tpu.memory_space<hbm>> -> memref<10128x8xf32, #tpu.memory_space<hbm>>
      tpu.enqueue_indirect_dma source(%dma_start3A_68 : memref<10128x8xf32, #tpu.memory_space<hbm>>) target(%arg21 : memref<128x8xf32, #tpu.memory_space<vmem>>) offsets(%arg18 : memref<128xi32, #tpu.memory_space<vmem>>) semaphore(%arg23 : memref<!tpu.dma_semaphore, #tpu.memory_space<semaphore_mem>>)
      %dma_start3A_69 = arith.constant 0 : i32
      %dma_start3A_70 = arith.constant 0 : i32
      %dma_start3A_71 = tpu.memref_slice %arg6[%add3A_62, %dma_start3A_69, %dma_start3A_70] : memref<2560x128x8xf32, #tpu.memory_space<hbm>> -> memref<1x128x8xf32, #tpu.memory_space<hbm>>
      %dma_start3A_72 = tpu.memref_squeeze %dma_start3A_71 : memref<1x128x8xf32, #tpu.memory_space<hbm>> -> memref<128x8xf32, #tpu.memory_space<hbm>>
      %dma_start3A_73 = arith.constant 0 : i32
      %dma_start3A_74 = arith.constant 0 : i32
      %dma_start3A_75 = tpu.memref_slice %arg6[%add3A_62, %dma_start3A_73, %dma_start3A_74] : memref<2560x128x8xf32, #tpu.memory_space<hbm>> -> memref<1x128x8xf32, #tpu.memory_space<hbm>>
      %dma_start3A_76 = tpu.memref_squeeze %dma_start3A_75 : memref<1x128x8xf32, #tpu.memory_space<hbm>> -> memref<128x8xf32, #tpu.memory_space<hbm>>
      tpu.enqueue_dma source(%dma_start3A_76 : memref<128x8xf32, #tpu.memory_space<hbm>>) target(%arg20 : memref<128x8xf32, #tpu.memory_space<vmem>>) target_semaphore(%arg23 : memref<!tpu.dma_semaphore, #tpu.memory_space<semaphore_mem>>)
      %mul3A_77 = arith.constant 32 : i32
      %mul3A_78 = arith.muli %mul3A_57, %mul3A_77 : i32
      %add3A_79 = arith.addi %add3A, %mul3A_78 : i32
      %dma_wait3A = arith.constant 0 : i32
      %dma_wait3A_80 = arith.constant 0 : i32
      %dma_wait3A_81 = tpu.memref_slice %arg4[%dma_wait3A, %dma_wait3A_80] : memref<10000x128xf32, #tpu.memory_space<hbm>> -> memref<10000x128xf32, #tpu.memory_space<hbm>>
      tpu.wait_indirect_dma semaphore(%arg15 : memref<!tpu.dma_semaphore, #tpu.memory_space<semaphore_mem>>) src(%dma_wait3A_81 : memref<10000x128xf32, #tpu.memory_space<hbm>>) dst(%arg11 : memref<128x128xf32, #tpu.memory_space<vmem>>)
      %dma_wait3A_82 = arith.constant 0 : i32
      %dma_wait3A_83 = arith.constant 0 : i32
      %dma_wait3A_84 = tpu.memref_slice %arg5[%dma_wait3A_82, %dma_wait3A_83] : memref<10128x8xf32, #tpu.memory_space<hbm>> -> memref<10128x8xf32, #tpu.memory_space<hbm>>
      tpu.wait_indirect_dma semaphore(%arg15 : memref<!tpu.dma_semaphore, #tpu.memory_space<semaphore_mem>>) src(%dma_wait3A_84 : memref<10128x8xf32, #tpu.memory_space<hbm>>) dst(%arg13 : memref<128x8xf32, #tpu.memory_space<vmem>>)
      %dma_wait3A_85 = arith.constant 0 : i32
      %dma_wait3A_86 = arith.constant 0 : i32
      %dma_wait3A_87 = tpu.memref_slice %arg6[%add3A_79, %dma_wait3A_85, %dma_wait3A_86] : memref<2560x128x8xf32, #tpu.memory_space<hbm>> -> memref<1x128x8xf32, #tpu.memory_space<hbm>>
      %dma_wait3A_88 = tpu.memref_squeeze %dma_wait3A_87 : memref<1x128x8xf32, #tpu.memory_space<hbm>> -> memref<128x8xf32, #tpu.memory_space<hbm>>
      %dma_wait3A_89 = arith.constant 0 : i32
      %dma_wait3A_90 = arith.constant 0 : i32
      %dma_wait3A_91 = tpu.memref_slice %arg6[%add3A_79, %dma_wait3A_89, %dma_wait3A_90] : memref<2560x128x8xf32, #tpu.memory_space<hbm>> -> memref<1x128x8xf32, #tpu.memory_space<hbm>>
      %dma_wait3A_92 = tpu.memref_squeeze %dma_wait3A_91 : memref<1x128x8xf32, #tpu.memory_space<hbm>> -> memref<128x8xf32, #tpu.memory_space<hbm>>
      tpu.wait_dma2 semaphore(%arg15 : memref<!tpu.dma_semaphore, #tpu.memory_space<semaphore_mem>>) src(%dma_wait3A_92 : memref<128x8xf32, #tpu.memory_space<hbm>>) dst(%arg12 : memref<128x8xf32, #tpu.memory_space<vmem>>)
      %scan3A_93 = arith.constant 0 : i32
      %scan3A_94 = arith.constant 0 : i32
      %scan3A_95 = arith.constant 64 : i32
      %scan3A_96 = arith.addi %scan3A_94, %scan3A_95 : i32
      %scan3A_97 = arith.constant 2 : i32
      scf.for %scan3A_130 = %scan3A_94 to %scan3A_96 step %scan3A_97  : i32 {
        %mul3A_131 = arith.constant 2 : i32
        %mul3A_132 = arith.muli %mul3A_131, %scan3A_130 : i32
        %add3A_133 = vector.broadcast %mul3A_132 : i32 to vector<16xi32>
        %add3A_134 = arith.addi %add3A_133, %select_n3A : vector<16xi32>
        %gather3A = tpu.vector_load_idx %arg12[%add3A_134, %rem3A_28] : memref<128x8xf32, #tpu.memory_space<vmem>>[vector<16xi32>, vector<16xi32>], vector<16xf32>,
        %gather3A_135 = tpu.vector_load_idx %arg13[%add3A_134, %rem3A_28] : memref<128x8xf32, #tpu.memory_space<vmem>>[vector<16xi32>, vector<16xi32>], vector<16xf32>,
        %mul3A_136 = arith.mulf %gather3A, %gather3A_135 : vector<16xf32>
        %mul3A_137 = arith.constant 2 : i32
        %mul3A_138 = arith.muli %mul3A_137, %scan3A_130 : i32
        %add3A_139 = arith.constant 1 : i32
        %add3A_140 = arith.addi %mul3A_138, %add3A_139 : i32
        %broadcast_in_dim3A = arith.constant 0.000000e+00 : f32
        %broadcast_in_dim3A_141 = vector.broadcast %broadcast_in_dim3A : f32 to vector<16xf32>
        %broadcast_in_dim3A_142 = arith.constant 0.000000e+00 : f32
        %broadcast_in_dim3A_143 = vector.broadcast %broadcast_in_dim3A_142 : f32 to vector<16xf32>
        %broadcast_in_dim3A_144 = arith.constant 0 : i32
        %broadcast_in_dim3A_145 = vector.broadcast %broadcast_in_dim3A_144 : i32 to vector<16xi32>
        %lt3A_146 = arith.constant 0 : i32
        %lt3A_147 = vector.broadcast %lt3A_146 : i32 to vector<16xi32>
        %lt3A_148 = arith.cmpi slt, %broadcast_in_dim3A_145, %lt3A_147 : vector<16xi32>
        %add3A_149 = arith.constant 16 : i32
        %add3A_150 = vector.broadcast %add3A_149 : i32 to vector<16xi32>
        %add3A_151 = arith.addi %broadcast_in_dim3A_145, %add3A_150 : vector<16xi32>
        %select_n3A_152 = arith.select %lt3A_148, %add3A_151, %broadcast_in_dim3A_145 : vector<16xi1>, vector<16xi32>
        %reshape3A = vector.shape_cast %select_n3A_152 : vector<16xi32> to vector<16x1xi32>
        %gather3A_153 = vector.shape_cast %reshape3A : vector<16x1xi32> to vector<16xi32>
        %gather3A_154 = tpu.dynamic_gather %mul3A_136[%gather3A_153] in [0] : vector<16xf32>, vector<16xi32> -> vector<16xf32>
        %broadcast_in_dim3A_155 = arith.constant 8 : i32
        %broadcast_in_dim3A_156 = vector.broadcast %broadcast_in_dim3A_155 : i32 to vector<16xi32>
        %lt3A_157 = arith.constant 0 : i32
        %lt3A_158 = vector.broadcast %lt3A_157 : i32 to vector<16xi32>
        %lt3A_159 = arith.cmpi slt, %broadcast_in_dim3A_156, %lt3A_158 : vector<16xi32>
        %add3A_160 = arith.constant 16 : i32
        %add3A_161 = vector.broadcast %add3A_160 : i32 to vector<16xi32>
        %add3A_162 = arith.addi %broadcast_in_dim3A_156, %add3A_161 : vector<16xi32>
        %select_n3A_163 = arith.select %lt3A_159, %add3A_162, %broadcast_in_dim3A_156 : vector<16xi1>, vector<16xi32>
        %reshape3A_164 = vector.shape_cast %select_n3A_163 : vector<16xi32> to vector<16x1xi32>
        %gather3A_165 = vector.shape_cast %reshape3A_164 : vector<16x1xi32> to vector<16xi32>
        %gather3A_166 = tpu.dynamic_gather %mul3A_136[%gather3A_165] in [0] : vector<16xf32>, vector<16xi32> -> vector<16xf32>
        %get3A = arith.index_cast %mul3A_138 : i32 to index
        %get3A_167 = arith.constant 0 : index
        %get3A_168 = tpu.vector_load %arg11[%get3A, %get3A_167] {strides = array<i32>} : memref<128x128xf32, #tpu.memory_space<vmem>>, vector<16xf32>,
        %mul3A_169 = arith.mulf %gather3A_154, %get3A_168 : vector<16xf32>
        %add3A_170 = arith.addf %broadcast_in_dim3A_141, %mul3A_169 : vector<16xf32>
        %get3A_171 = arith.index_cast %add3A_140 : i32 to index
        %get3A_172 = arith.constant 0 : index
        %get3A_173 = tpu.vector_load %arg11[%get3A_171, %get3A_172] {strides = array<i32>} : memref<128x128xf32, #tpu.memory_space<vmem>>, vector<16xf32>,
        %mul3A_174 = arith.mulf %gather3A_166, %get3A_173 : vector<16xf32>
        %add3A_175 = arith.addf %broadcast_in_dim3A_143, %mul3A_174 : vector<16xf32>
        %broadcast_in_dim3A_176 = arith.constant 1 : i32
        %broadcast_in_dim3A_177 = vector.broadcast %broadcast_in_dim3A_176 : i32 to vector<16xi32>
        %lt3A_178 = arith.constant 0 : i32
        %lt3A_179 = vector.broadcast %lt3A_178 : i32 to vector<16xi32>
        %lt3A_180 = arith.cmpi slt, %broadcast_in_dim3A_177, %lt3A_179 : vector<16xi32>
        %add3A_181 = arith.constant 16 : i32
        %add3A_182 = vector.broadcast %add3A_181 : i32 to vector<16xi32>
        %add3A_183 = arith.addi %broadcast_in_dim3A_177, %add3A_182 : vector<16xi32>
        %select_n3A_184 = arith.select %lt3A_180, %add3A_183, %broadcast_in_dim3A_177 : vector<16xi1>, vector<16xi32>
        %reshape3A_185 = vector.shape_cast %select_n3A_184 : vector<16xi32> to vector<16x1xi32>
        %gather3A_186 = vector.shape_cast %reshape3A_185 : vector<16x1xi32> to vector<16xi32>
        %gather3A_187 = tpu.dynamic_gather %mul3A_136[%gather3A_186] in [0] : vector<16xf32>, vector<16xi32> -> vector<16xf32>
        %broadcast_in_dim3A_188 = arith.constant 9 : i32
        %broadcast_in_dim3A_189 = vector.broadcast %broadcast_in_dim3A_188 : i32 to vector<16xi32>
        %lt3A_190 = arith.constant 0 : i32
        %lt3A_191 = vector.broadcast %lt3A_190 : i32 to vector<16xi32>
        %lt3A_192 = arith.cmpi slt, %broadcast_in_dim3A_189, %lt3A_191 : vector<16xi32>
        %add3A_193 = arith.constant 16 : i32
        %add3A_194 = vector.broadcast %add3A_193 : i32 to vector<16xi32>
        %add3A_195 = arith.addi %broadcast_in_dim3A_189, %add3A_194 : vector<16xi32>
        %select_n3A_196 = arith.select %lt3A_192, %add3A_195, %broadcast_in_dim3A_189 : vector<16xi1>, vector<16xi32>
        %reshape3A_197 = vector.shape_cast %select_n3A_196 : vector<16xi32> to vector<16x1xi32>
        %gather3A_198 = vector.shape_cast %reshape3A_197 : vector<16x1xi32> to vector<16xi32>
        %gather3A_199 = tpu.dynamic_gather %mul3A_136[%gather3A_198] in [0] : vector<16xf32>, vector<16xi32> -> vector<16xf32>
        %get3A_200 = arith.index_cast %mul3A_138 : i32 to index
        %get3A_201 = arith.constant 16 : index
        %get3A_202 = tpu.vector_load %arg11[%get3A_200, %get3A_201] {strides = array<i32>} : memref<128x128xf32, #tpu.memory_space<vmem>>, vector<16xf32>,
        %mul3A_203 = arith.mulf %gather3A_187, %get3A_202 : vector<16xf32>
        %add3A_204 = arith.addf %add3A_170, %mul3A_203 : vector<16xf32>
        %get3A_205 = arith.index_cast %add3A_140 : i32 to index
        %get3A_206 = arith.constant 16 : index
        %get3A_207 = tpu.vector_load %arg11[%get3A_205, %get3A_206] {strides = array<i32>} : memref<128x128xf32, #tpu.memory_space<vmem>>, vector<16xf32>,
        %mul3A_208 = arith.mulf %gather3A_199, %get3A_207 : vector<16xf32>
        %add3A_209 = arith.addf %add3A_175, %mul3A_208 : vector<16xf32>
        %broadcast_in_dim3A_210 = arith.constant 2 : i32
        %broadcast_in_dim3A_211 = vector.broadcast %broadcast_in_dim3A_210 : i32 to vector<16xi32>
        %lt3A_212 = arith.constant 0 : i32
        %lt3A_213 = vector.broadcast %lt3A_212 : i32 to vector<16xi32>
        %lt3A_214 = arith.cmpi slt, %broadcast_in_dim3A_211, %lt3A_213 : vector<16xi32>
        %add3A_215 = arith.constant 16 : i32
        %add3A_216 = vector.broadcast %add3A_215 : i32 to vector<16xi32>
        %add3A_217 = arith.addi %broadcast_in_dim3A_211, %add3A_216 : vector<16xi32>
        %select_n3A_218 = arith.select %lt3A_214, %add3A_217, %broadcast_in_dim3A_211 : vector<16xi1>, vector<16xi32>
        %reshape3A_219 = vector.shape_cast %select_n3A_218 : vector<16xi32> to vector<16x1xi32>
        %gather3A_220 = vector.shape_cast %reshape3A_219 : vector<16x1xi32> to vector<16xi32>
        %gather3A_221 = tpu.dynamic_gather %mul3A_136[%gather3A_220] in [0] : vector<16xf32>, vector<16xi32> -> vector<16xf32>
        %broadcast_in_dim3A_222 = arith.constant 10 : i32
        %broadcast_in_dim3A_223 = vector.broadcast %broadcast_in_dim3A_222 : i32 to vector<16xi32>
        %lt3A_224 = arith.constant 0 : i32
        %lt3A_225 = vector.broadcast %lt3A_224 : i32 to vector<16xi32>
        %lt3A_226 = arith.cmpi slt, %broadcast_in_dim3A_223, %lt3A_225 : vector<16xi32>
        %add3A_227 = arith.constant 16 : i32
        %add3A_228 = vector.broadcast %add3A_227 : i32 to vector<16xi32>
        %add3A_229 = arith.addi %broadcast_in_dim3A_223, %add3A_228 : vector<16xi32>
        %select_n3A_230 = arith.select %lt3A_226, %add3A_229, %broadcast_in_dim3A_223 : vector<16xi1>, vector<16xi32>
        %reshape3A_231 = vector.shape_cast %select_n3A_230 : vector<16xi32> to vector<16x1xi32>
        %gather3A_232 = vector.shape_cast %reshape3A_231 : vector<16x1xi32> to vector<16xi32>
        %gather3A_233 = tpu.dynamic_gather %mul3A_136[%gather3A_232] in [0] : vector<16xf32>, vector<16xi32> -> vector<16xf32>
        %get3A_234 = arith.index_cast %mul3A_138 : i32 to index
        %get3A_235 = arith.constant 32 : index
        %get3A_236 = tpu.vector_load %arg11[%get3A_234, %get3A_235] {strides = array<i32>} : memref<128x128xf32, #tpu.memory_space<vmem>>, vector<16xf32>,
        %mul3A_237 = arith.mulf %gather3A_221, %get3A_236 : vector<16xf32>
        %add3A_238 = arith.addf %add3A_204, %mul3A_237 : vector<16xf32>
        %get3A_239 = arith.index_cast %add3A_140 : i32 to index
        %get3A_240 = arith.constant 32 : index
        %get3A_241 = tpu.vector_load %arg11[%get3A_239, %get3A_240] {strides = array<i32>} : memref<128x128xf32, #tpu.memory_space<vmem>>, vector<16xf32>,
        %mul3A_242 = arith.mulf %gather3A_233, %get3A_241 : vector<16xf32>
        %add3A_243 = arith.addf %add3A_209, %mul3A_242 : vector<16xf32>
        %broadcast_in_dim3A_244 = arith.constant 3 : i32
        %broadcast_in_dim3A_245 = vector.broadcast %broadcast_in_dim3A_244 : i32 to vector<16xi32>
        %lt3A_246 = arith.constant 0 : i32
        %lt3A_247 = vector.broadcast %lt3A_246 : i32 to vector<16xi32>
        %lt3A_248 = arith.cmpi slt, %broadcast_in_dim3A_245, %lt3A_247 : vector<16xi32>
        %add3A_249 = arith.constant 16 : i32
        %add3A_250 = vector.broadcast %add3A_249 : i32 to vector<16xi32>
        %add3A_251 = arith.addi %broadcast_in_dim3A_245, %add3A_250 : vector<16xi32>
        %select_n3A_252 = arith.select %lt3A_248, %add3A_251, %broadcast_in_dim3A_245 : vector<16xi1>, vector<16xi32>
        %reshape3A_253 = vector.shape_cast %select_n3A_252 : vector<16xi32> to vector<16x1xi32>
        %gather3A_254 = vector.shape_cast %reshape3A_253 : vector<16x1xi32> to vector<16xi32>
        %gather3A_255 = tpu.dynamic_gather %mul3A_136[%gather3A_254] in [0] : vector<16xf32>, vector<16xi32> -> vector<16xf32>
        %broadcast_in_dim3A_256 = arith.constant 11 : i32
        %broadcast_in_dim3A_257 = vector.broadcast %broadcast_in_dim3A_256 : i32 to vector<16xi32>
        %lt3A_258 = arith.constant 0 : i32
        %lt3A_259 = vector.broadcast %lt3A_258 : i32 to vector<16xi32>
        %lt3A_260 = arith.cmpi slt, %broadcast_in_dim3A_257, %lt3A_259 : vector<16xi32>
        %add3A_261 = arith.constant 16 : i32
        %add3A_262 = vector.broadcast %add3A_261 : i32 to vector<16xi32>
        %add3A_263 = arith.addi %broadcast_in_dim3A_257, %add3A_262 : vector<16xi32>
        %select_n3A_264 = arith.select %lt3A_260, %add3A_263, %broadcast_in_dim3A_257 : vector<16xi1>, vector<16xi32>
        %reshape3A_265 = vector.shape_cast %select_n3A_264 : vector<16xi32> to vector<16x1xi32>
        %gather3A_266 = vector.shape_cast %reshape3A_265 : vector<16x1xi32> to vector<16xi32>
        %gather3A_267 = tpu.dynamic_gather %mul3A_136[%gather3A_266] in [0] : vector<16xf32>, vector<16xi32> -> vector<16xf32>
        %get3A_268 = arith.index_cast %mul3A_138 : i32 to index
        %get3A_269 = arith.constant 48 : index
        %get3A_270 = tpu.vector_load %arg11[%get3A_268, %get3A_269] {strides = array<i32>} : memref<128x128xf32, #tpu.memory_space<vmem>>, vector<16xf32>,
        %mul3A_271 = arith.mulf %gather3A_255, %get3A_270 : vector<16xf32>
        %add3A_272 = arith.addf %add3A_238, %mul3A_271 : vector<16xf32>
        %get3A_273 = arith.index_cast %add3A_140 : i32 to index
        %get3A_274 = arith.constant 48 : index
        %get3A_275 = tpu.vector_load %arg11[%get3A_273, %get3A_274] {strides = array<i32>} : memref<128x128xf32, #tpu.memory_space<vmem>>, vector<16xf32>,
        %mul3A_276 = arith.mulf %gather3A_267, %get3A_275 : vector<16xf32>
        %add3A_277 = arith.addf %add3A_243, %mul3A_276 : vector<16xf32>
        %broadcast_in_dim3A_278 = arith.constant 4 : i32
        %broadcast_in_dim3A_279 = vector.broadcast %broadcast_in_dim3A_278 : i32 to vector<16xi32>
        %lt3A_280 = arith.constant 0 : i32
        %lt3A_281 = vector.broadcast %lt3A_280 : i32 to vector<16xi32>
        %lt3A_282 = arith.cmpi slt, %broadcast_in_dim3A_279, %lt3A_281 : vector<16xi32>
        %add3A_283 = arith.constant 16 : i32
        %add3A_284 = vector.broadcast %add3A_283 : i32 to vector<16xi32>
        %add3A_285 = arith.addi %broadcast_in_dim3A_279, %add3A_284 : vector<16xi32>
        %select_n3A_286 = arith.select %lt3A_282, %add3A_285, %broadcast_in_dim3A_279 : vector<16xi1>, vector<16xi32>
        %reshape3A_287 = vector.shape_cast %select_n3A_286 : vector<16xi32> to vector<16x1xi32>
        %gather3A_288 = vector.shape_cast %reshape3A_287 : vector<16x1xi32> to vector<16xi32>
        %gather3A_289 = tpu.dynamic_gather %mul3A_136[%gather3A_288] in [0] : vector<16xf32>, vector<16xi32> -> vector<16xf32>
        %broadcast_in_dim3A_290 = arith.constant 12 : i32
        %broadcast_in_dim3A_291 = vector.broadcast %broadcast_in_dim3A_290 : i32 to vector<16xi32>
        %lt3A_292 = arith.constant 0 : i32
        %lt3A_293 = vector.broadcast %lt3A_292 : i32 to vector<16xi32>
        %lt3A_294 = arith.cmpi slt, %broadcast_in_dim3A_291, %lt3A_293 : vector<16xi32>
        %add3A_295 = arith.constant 16 : i32
        %add3A_296 = vector.broadcast %add3A_295 : i32 to vector<16xi32>
        %add3A_297 = arith.addi %broadcast_in_dim3A_291, %add3A_296 : vector<16xi32>
        %select_n3A_298 = arith.select %lt3A_294, %add3A_297, %broadcast_in_dim3A_291 : vector<16xi1>, vector<16xi32>
        %reshape3A_299 = vector.shape_cast %select_n3A_298 : vector<16xi32> to vector<16x1xi32>
        %gather3A_300 = vector.shape_cast %reshape3A_299 : vector<16x1xi32> to vector<16xi32>
        %gather3A_301 = tpu.dynamic_gather %mul3A_136[%gather3A_300] in [0] : vector<16xf32>, vector<16xi32> -> vector<16xf32>
        %get3A_302 = arith.index_cast %mul3A_138 : i32 to index
        %get3A_303 = arith.constant 64 : index
        %get3A_304 = tpu.vector_load %arg11[%get3A_302, %get3A_303] {strides = array<i32>} : memref<128x128xf32, #tpu.memory_space<vmem>>, vector<16xf32>,
        %mul3A_305 = arith.mulf %gather3A_289, %get3A_304 : vector<16xf32>
        %add3A_306 = arith.addf %add3A_272, %mul3A_305 : vector<16xf32>
        %get3A_307 = arith.index_cast %add3A_140 : i32 to index
        %get3A_308 = arith.constant 64 : index
        %get3A_309 = tpu.vector_load %arg11[%get3A_307, %get3A_308] {strides = array<i32>} : memref<128x128xf32, #tpu.memory_space<vmem>>, vector<16xf32>,
        %mul3A_310 = arith.mulf %gather3A_301, %get3A_309 : vector<16xf32>
        %add3A_311 = arith.addf %add3A_277, %mul3A_310 : vector<16xf32>
        %broadcast_in_dim3A_312 = arith.constant 5 : i32
        %broadcast_in_dim3A_313 = vector.broadcast %broadcast_in_dim3A_312 : i32 to vector<16xi32>
        %lt3A_314 = arith.constant 0 : i32
        %lt3A_315 = vector.broadcast %lt3A_314 : i32 to vector<16xi32>
        %lt3A_316 = arith.cmpi slt, %broadcast_in_dim3A_313, %lt3A_315 : vector<16xi32>
        %add3A_317 = arith.constant 16 : i32
        %add3A_318 = vector.broadcast %add3A_317 : i32 to vector<16xi32>
        %add3A_319 = arith.addi %broadcast_in_dim3A_313, %add3A_318 : vector<16xi32>
        %select_n3A_320 = arith.select %lt3A_316, %add3A_319, %broadcast_in_dim3A_313 : vector<16xi1>, vector<16xi32>
        %reshape3A_321 = vector.shape_cast %select_n3A_320 : vector<16xi32> to vector<16x1xi32>
        %gather3A_322 = vector.shape_cast %reshape3A_321 : vector<16x1xi32> to vector<16xi32>
        %gather3A_323 = tpu.dynamic_gather %mul3A_136[%gather3A_322] in [0] : vector<16xf32>, vector<16xi32> -> vector<16xf32>
        %broadcast_in_dim3A_324 = arith.constant 13 : i32
        %broadcast_in_dim3A_325 = vector.broadcast %broadcast_in_dim3A_324 : i32 to vector<16xi32>
        %lt3A_326 = arith.constant 0 : i32
        %lt3A_327 = vector.broadcast %lt3A_326 : i32 to vector<16xi32>
        %lt3A_328 = arith.cmpi slt, %broadcast_in_dim3A_325, %lt3A_327 : vector<16xi32>
        %add3A_329 = arith.constant 16 : i32
        %add3A_330 = vector.broadcast %add3A_329 : i32 to vector<16xi32>
        %add3A_331 = arith.addi %broadcast_in_dim3A_325, %add3A_330 : vector<16xi32>
        %select_n3A_332 = arith.select %lt3A_328, %add3A_331, %broadcast_in_dim3A_325 : vector<16xi1>, vector<16xi32>
        %reshape3A_333 = vector.shape_cast %select_n3A_332 : vector<16xi32> to vector<16x1xi32>
        %gather3A_334 = vector.shape_cast %reshape3A_333 : vector<16x1xi32> to vector<16xi32>
        %gather3A_335 = tpu.dynamic_gather %mul3A_136[%gather3A_334] in [0] : vector<16xf32>, vector<16xi32> -> vector<16xf32>
        %get3A_336 = arith.index_cast %mul3A_138 : i32 to index
        %get3A_337 = arith.constant 80 : index
        %get3A_338 = tpu.vector_load %arg11[%get3A_336, %get3A_337] {strides = array<i32>} : memref<128x128xf32, #tpu.memory_space<vmem>>, vector<16xf32>,
        %mul3A_339 = arith.mulf %gather3A_323, %get3A_338 : vector<16xf32>
        %add3A_340 = arith.addf %add3A_306, %mul3A_339 : vector<16xf32>
        %get3A_341 = arith.index_cast %add3A_140 : i32 to index
        %get3A_342 = arith.constant 80 : index
        %get3A_343 = tpu.vector_load %arg11[%get3A_341, %get3A_342] {strides = array<i32>} : memref<128x128xf32, #tpu.memory_space<vmem>>, vector<16xf32>,
        %mul3A_344 = arith.mulf %gather3A_335, %get3A_343 : vector<16xf32>
        %add3A_345 = arith.addf %add3A_311, %mul3A_344 : vector<16xf32>
        %broadcast_in_dim3A_346 = arith.constant 6 : i32
        %broadcast_in_dim3A_347 = vector.broadcast %broadcast_in_dim3A_346 : i32 to vector<16xi32>
        %lt3A_348 = arith.constant 0 : i32
        %lt3A_349 = vector.broadcast %lt3A_348 : i32 to vector<16xi32>
        %lt3A_350 = arith.cmpi slt, %broadcast_in_dim3A_347, %lt3A_349 : vector<16xi32>
        %add3A_351 = arith.constant 16 : i32
        %add3A_352 = vector.broadcast %add3A_351 : i32 to vector<16xi32>
        %add3A_353 = arith.addi %broadcast_in_dim3A_347, %add3A_352 : vector<16xi32>
        %select_n3A_354 = arith.select %lt3A_350, %add3A_353, %broadcast_in_dim3A_347 : vector<16xi1>, vector<16xi32>
        %reshape3A_355 = vector.shape_cast %select_n3A_354 : vector<16xi32> to vector<16x1xi32>
        %gather3A_356 = vector.shape_cast %reshape3A_355 : vector<16x1xi32> to vector<16xi32>
        %gather3A_357 = tpu.dynamic_gather %mul3A_136[%gather3A_356] in [0] : vector<16xf32>, vector<16xi32> -> vector<16xf32>
        %broadcast_in_dim3A_358 = arith.constant 14 : i32
        %broadcast_in_dim3A_359 = vector.broadcast %broadcast_in_dim3A_358 : i32 to vector<16xi32>
        %lt3A_360 = arith.constant 0 : i32
        %lt3A_361 = vector.broadcast %lt3A_360 : i32 to vector<16xi32>
        %lt3A_362 = arith.cmpi slt, %broadcast_in_dim3A_359, %lt3A_361 : vector<16xi32>
        %add3A_363 = arith.constant 16 : i32
        %add3A_364 = vector.broadcast %add3A_363 : i32 to vector<16xi32>
        %add3A_365 = arith.addi %broadcast_in_dim3A_359, %add3A_364 : vector<16xi32>
        %select_n3A_366 = arith.select %lt3A_362, %add3A_365, %broadcast_in_dim3A_359 : vector<16xi1>, vector<16xi32>
        %reshape3A_367 = vector.shape_cast %select_n3A_366 : vector<16xi32> to vector<16x1xi32>
        %gather3A_368 = vector.shape_cast %reshape3A_367 : vector<16x1xi32> to vector<16xi32>
        %gather3A_369 = tpu.dynamic_gather %mul3A_136[%gather3A_368] in [0] : vector<16xf32>, vector<16xi32> -> vector<16xf32>
        %get3A_370 = arith.index_cast %mul3A_138 : i32 to index
        %get3A_371 = arith.constant 96 : index
        %get3A_372 = tpu.vector_load %arg11[%get3A_370, %get3A_371] {strides = array<i32>} : memref<128x128xf32, #tpu.memory_space<vmem>>, vector<16xf32>,
        %mul3A_373 = arith.mulf %gather3A_357, %get3A_372 : vector<16xf32>
        %add3A_374 = arith.addf %add3A_340, %mul3A_373 : vector<16xf32>
        %get3A_375 = arith.index_cast %add3A_140 : i32 to index
        %get3A_376 = arith.constant 96 : index
        %get3A_377 = tpu.vector_load %arg11[%get3A_375, %get3A_376] {strides = array<i32>} : memref<128x128xf32, #tpu.memory_space<vmem>>, vector<16xf32>,
        %mul3A_378 = arith.mulf %gather3A_369, %get3A_377 : vector<16xf32>
        %add3A_379 = arith.addf %add3A_345, %mul3A_378 : vector<16xf32>
        %broadcast_in_dim3A_380 = arith.constant 7 : i32
        %broadcast_in_dim3A_381 = vector.broadcast %broadcast_in_dim3A_380 : i32 to vector<16xi32>
        %lt3A_382 = arith.constant 0 : i32
        %lt3A_383 = vector.broadcast %lt3A_382 : i32 to vector<16xi32>
        %lt3A_384 = arith.cmpi slt, %broadcast_in_dim3A_381, %lt3A_383 : vector<16xi32>
        %add3A_385 = arith.constant 16 : i32
        %add3A_386 = vector.broadcast %add3A_385 : i32 to vector<16xi32>
        %add3A_387 = arith.addi %broadcast_in_dim3A_381, %add3A_386 : vector<16xi32>
        %select_n3A_388 = arith.select %lt3A_384, %add3A_387, %broadcast_in_dim3A_381 : vector<16xi1>, vector<16xi32>
        %reshape3A_389 = vector.shape_cast %select_n3A_388 : vector<16xi32> to vector<16x1xi32>
        %gather3A_390 = vector.shape_cast %reshape3A_389 : vector<16x1xi32> to vector<16xi32>
        %gather3A_391 = tpu.dynamic_gather %mul3A_136[%gather3A_390] in [0] : vector<16xf32>, vector<16xi32> -> vector<16xf32>
        %broadcast_in_dim3A_392 = arith.constant 15 : i32
        %broadcast_in_dim3A_393 = vector.broadcast %broadcast_in_dim3A_392 : i32 to vector<16xi32>
        %lt3A_394 = arith.constant 0 : i32
        %lt3A_395 = vector.broadcast %lt3A_394 : i32 to vector<16xi32>
        %lt3A_396 = arith.cmpi slt, %broadcast_in_dim3A_393, %lt3A_395 : vector<16xi32>
        %add3A_397 = arith.constant 16 : i32
        %add3A_398 = vector.broadcast %add3A_397 : i32 to vector<16xi32>
        %add3A_399 = arith.addi %broadcast_in_dim3A_393, %add3A_398 : vector<16xi32>
        %select_n3A_400 = arith.select %lt3A_396, %add3A_399, %broadcast_in_dim3A_393 : vector<16xi1>, vector<16xi32>
        %reshape3A_401 = vector.shape_cast %select_n3A_400 : vector<16xi32> to vector<16x1xi32>
        %gather3A_402 = vector.shape_cast %reshape3A_401 : vector<16x1xi32> to vector<16xi32>
        %gather3A_403 = tpu.dynamic_gather %mul3A_136[%gather3A_402] in [0] : vector<16xf32>, vector<16xi32> -> vector<16xf32>
        %get3A_404 = arith.index_cast %mul3A_138 : i32 to index
        %get3A_405 = arith.constant 112 : index
        %get3A_406 = tpu.vector_load %arg11[%get3A_404, %get3A_405] {strides = array<i32>} : memref<128x128xf32, #tpu.memory_space<vmem>>, vector<16xf32>,
        %mul3A_407 = arith.mulf %gather3A_391, %get3A_406 : vector<16xf32>
        %add3A_408 = arith.addf %add3A_374, %mul3A_407 : vector<16xf32>
        %get3A_409 = arith.index_cast %add3A_140 : i32 to index
        %get3A_410 = arith.constant 112 : index
        %get3A_411 = tpu.vector_load %arg11[%get3A_409, %get3A_410] {strides = array<i32>} : memref<128x128xf32, #tpu.memory_space<vmem>>, vector<16xf32>,
        %mul3A_412 = arith.mulf %gather3A_403, %get3A_411 : vector<16xf32>
        %add3A_413 = arith.addf %add3A_379, %mul3A_412 : vector<16xf32>
        %swap3A = arith.index_cast %mul3A_138 : i32 to index
        %swap3A_414 = arith.constant 0 : index
        %swap3A_415 = tpu.vector_load %arg14[%swap3A, %swap3A_414] {strides = array<i32>} : memref<128x16xf32, #tpu.memory_space<vmem>>, vector<16xf32>,
        tpu.vector_store %arg14[%swap3A, %swap3A_414], %add3A_408 {strides = array<i32>} : memref<128x16xf32, #tpu.memory_space<vmem>>, vector<16xf32>,
        %swap3A_416 = arith.index_cast %add3A_140 : i32 to index
        %swap3A_417 = arith.constant 0 : index
        %swap3A_418 = tpu.vector_load %arg14[%swap3A_416, %swap3A_417] {strides = array<i32>} : memref<128x16xf32, #tpu.memory_space<vmem>>, vector<16xf32>,
        tpu.vector_store %arg14[%swap3A_416, %swap3A_417], %add3A_413 {strides = array<i32>} : memref<128x16xf32, #tpu.memory_space<vmem>>, vector<16xf32>,
        %scan3A_419 = arith.constant 1 : i32
        %scan3A_420 = arith.addi %scan3A_130, %scan3A_419 : i32
        %mul3A_421 = arith.constant 2 : i32
        %mul3A_422 = arith.muli %mul3A_421, %scan3A_420 : i32
        %add3A_423 = vector.broadcast %mul3A_422 : i32 to vector<16xi32>
        %add3A_424 = arith.addi %add3A_423, %select_n3A : vector<16xi32>
        %gather3A_425 = tpu.vector_load_idx %arg12[%add3A_424, %rem3A_28] : memref<128x8xf32, #tpu.memory_space<vmem>>[vector<16xi32>, vector<16xi32>], vector<16xf32>,
        %gather3A_426 = tpu.vector_load_idx %arg13[%add3A_424, %rem3A_28] : memref<128x8xf32, #tpu.memory_space<vmem>>[vector<16xi32>, vector<16xi32>], vector<16xf32>,
        %mul3A_427 = arith.mulf %gather3A_425, %gather3A_426 : vector<16xf32>
        %mul3A_428 = arith.constant 2 : i32
        %mul3A_429 = arith.muli %mul3A_428, %scan3A_420 : i32
        %add3A_430 = arith.constant 1 : i32
        %add3A_431 = arith.addi %mul3A_429, %add3A_430 : i32
        %broadcast_in_dim3A_432 = arith.constant 0.000000e+00 : f32
        %broadcast_in_dim3A_433 = vector.broadcast %broadcast_in_dim3A_432 : f32 to vector<16xf32>
        %broadcast_in_dim3A_434 = arith.constant 0.000000e+00 : f32
        %broadcast_in_dim3A_435 = vector.broadcast %broadcast_in_dim3A_434 : f32 to vector<16xf32>
        %broadcast_in_dim3A_436 = arith.constant 0 : i32
        %broadcast_in_dim3A_437 = vector.broadcast %broadcast_in_dim3A_436 : i32 to vector<16xi32>
        %lt3A_438 = arith.constant 0 : i32
        %lt3A_439 = vector.broadcast %lt3A_438 : i32 to vector<16xi32>
        %lt3A_440 = arith.cmpi slt, %broadcast_in_dim3A_437, %lt3A_439 : vector<16xi32>
        %add3A_441 = arith.constant 16 : i32
        %add3A_442 = vector.broadcast %add3A_441 : i32 to vector<16xi32>
        %add3A_443 = arith.addi %broadcast_in_dim3A_437, %add3A_442 : vector<16xi32>
        %select_n3A_444 = arith.select %lt3A_440, %add3A_443, %broadcast_in_dim3A_437 : vector<16xi1>, vector<16xi32>
        %reshape3A_445 = vector.shape_cast %select_n3A_444 : vector<16xi32> to vector<16x1xi32>
        %gather3A_446 = vector.shape_cast %reshape3A_445 : vector<16x1xi32> to vector<16xi32>
        %gather3A_447 = tpu.dynamic_gather %mul3A_427[%gather3A_446] in [0] : vector<16xf32>, vector<16xi32> -> vector<16xf32>
        %broadcast_in_dim3A_448 = arith.constant 8 : i32
        %broadcast_in_dim3A_449 = vector.broadcast %broadcast_in_dim3A_448 : i32 to vector<16xi32>
        %lt3A_450 = arith.constant 0 : i32
        %lt3A_451 = vector.broadcast %lt3A_450 : i32 to vector<16xi32>
        %lt3A_452 = arith.cmpi slt, %broadcast_in_dim3A_449, %lt3A_451 : vector<16xi32>
        %add3A_453 = arith.constant 16 : i32
        %add3A_454 = vector.broadcast %add3A_453 : i32 to vector<16xi32>
        %add3A_455 = arith.addi %broadcast_in_dim3A_449, %add3A_454 : vector<16xi32>
        %select_n3A_456 = arith.select %lt3A_452, %add3A_455, %broadcast_in_dim3A_449 : vector<16xi1>, vector<16xi32>
        %reshape3A_457 = vector.shape_cast %select_n3A_456 : vector<16xi32> to vector<16x1xi32>
        %gather3A_458 = vector.shape_cast %reshape3A_457 : vector<16x1xi32> to vector<16xi32>
        %gather3A_459 = tpu.dynamic_gather %mul3A_427[%gather3A_458] in [0] : vector<16xf32>, vector<16xi32> -> vector<16xf32>
        %get3A_460 = arith.index_cast %mul3A_429 : i32 to index
        %get3A_461 = arith.constant 0 : index
        %get3A_462 = tpu.vector_load %arg11[%get3A_460, %get3A_461] {strides = array<i32>} : memref<128x128xf32, #tpu.memory_space<vmem>>, vector<16xf32>,
        %mul3A_463 = arith.mulf %gather3A_447, %get3A_462 : vector<16xf32>
        %add3A_464 = arith.addf %broadcast_in_dim3A_433, %mul3A_463 : vector<16xf32>
        %get3A_465 = arith.index_cast %add3A_431 : i32 to index
        %get3A_466 = arith.constant 0 : index
        %get3A_467 = tpu.vector_load %arg11[%get3A_465, %get3A_466] {strides = array<i32>} : memref<128x128xf32, #tpu.memory_space<vmem>>, vector<16xf32>,
        %mul3A_468 = arith.mulf %gather3A_459, %get3A_467 : vector<16xf32>
        %add3A_469 = arith.addf %broadcast_in_dim3A_435, %mul3A_468 : vector<16xf32>
        %broadcast_in_dim3A_470 = arith.constant 1 : i32
        %broadcast_in_dim3A_471 = vector.broadcast %broadcast_in_dim3A_470 : i32 to vector<16xi32>
        %lt3A_472 = arith.constant 0 : i32
        %lt3A_473 = vector.broadcast %lt3A_472 : i32 to vector<16xi32>
        %lt3A_474 = arith.cmpi slt, %broadcast_in_dim3A_471, %lt3A_473 : vector<16xi32>
        %add3A_475 = arith.constant 16 : i32
        %add3A_476 = vector.broadcast %add3A_475 : i32 to vector<16xi32>
        %add3A_477 = arith.addi %broadcast_in_dim3A_471, %add3A_476 : vector<16xi32>
        %select_n3A_478 = arith.select %lt3A_474, %add3A_477, %broadcast_in_dim3A_471 : vector<16xi1>, vector<16xi32>
        %reshape3A_479 = vector.shape_cast %select_n3A_478 : vector<16xi32> to vector<16x1xi32>
        %gather3A_480 = vector.shape_cast %reshape3A_479 : vector<16x1xi32> to vector<16xi32>
        %gather3A_481 = tpu.dynamic_gather %mul3A_427[%gather3A_480] in [0] : vector<16xf32>, vector<16xi32> -> vector<16xf32>
        %broadcast_in_dim3A_482 = arith.constant 9 : i32
        %broadcast_in_dim3A_483 = vector.broadcast %broadcast_in_dim3A_482 : i32 to vector<16xi32>
        %lt3A_484 = arith.constant 0 : i32
        %lt3A_485 = vector.broadcast %lt3A_484 : i32 to vector<16xi32>
        %lt3A_486 = arith.cmpi slt, %broadcast_in_dim3A_483, %lt3A_485 : vector<16xi32>
        %add3A_487 = arith.constant 16 : i32
        %add3A_488 = vector.broadcast %add3A_487 : i32 to vector<16xi32>
        %add3A_489 = arith.addi %broadcast_in_dim3A_483, %add3A_488 : vector<16xi32>
        %select_n3A_490 = arith.select %lt3A_486, %add3A_489, %broadcast_in_dim3A_483 : vector<16xi1>, vector<16xi32>
        %reshape3A_491 = vector.shape_cast %select_n3A_490 : vector<16xi32> to vector<16x1xi32>
        %gather3A_492 = vector.shape_cast %reshape3A_491 : vector<16x1xi32> to vector<16xi32>
        %gather3A_493 = tpu.dynamic_gather %mul3A_427[%gather3A_492] in [0] : vector<16xf32>, vector<16xi32> -> vector<16xf32>
        %get3A_494 = arith.index_cast %mul3A_429 : i32 to index
        %get3A_495 = arith.constant 16 : index
        %get3A_496 = tpu.vector_load %arg11[%get3A_494, %get3A_495] {strides = array<i32>} : memref<128x128xf32, #tpu.memory_space<vmem>>, vector<16xf32>,
        %mul3A_497 = arith.mulf %gather3A_481, %get3A_496 : vector<16xf32>
        %add3A_498 = arith.addf %add3A_464, %mul3A_497 : vector<16xf32>
        %get3A_499 = arith.index_cast %add3A_431 : i32 to index
        %get3A_500 = arith.constant 16 : index
        %get3A_501 = tpu.vector_load %arg11[%get3A_499, %get3A_500] {strides = array<i32>} : memref<128x128xf32, #tpu.memory_space<vmem>>, vector<16xf32>,
        %mul3A_502 = arith.mulf %gather3A_493, %get3A_501 : vector<16xf32>
        %add3A_503 = arith.addf %add3A_469, %mul3A_502 : vector<16xf32>
        %broadcast_in_dim3A_504 = arith.constant 2 : i32
        %broadcast_in_dim3A_505 = vector.broadcast %broadcast_in_dim3A_504 : i32 to vector<16xi32>
        %lt3A_506 = arith.constant 0 : i32
        %lt3A_507 = vector.broadcast %lt3A_506 : i32 to vector<16xi32>
        %lt3A_508 = arith.cmpi slt, %broadcast_in_dim3A_505, %lt3A_507 : vector<16xi32>
        %add3A_509 = arith.constant 16 : i32
        %add3A_510 = vector.broadcast %add3A_509 : i32 to vector<16xi32>
        %add3A_511 = arith.addi %broadcast_in_dim3A_505, %add3A_510 : vector<16xi32>
        %select_n3A_512 = arith.select %lt3A_508, %add3A_511, %broadcast_in_dim3A_505 : vector<16xi1>, vector<16xi32>
        %reshape3A_513 = vector.shape_cast %select_n3A_512 : vector<16xi32> to vector<16x1xi32>
        %gather3A_514 = vector.shape_cast %reshape3A_513 : vector<16x1xi32> to vector<16xi32>
        %gather3A_515 = tpu.dynamic_gather %mul3A_427[%gather3A_514] in [0] : vector<16xf32>, vector<16xi32> -> vector<16xf32>
        %broadcast_in_dim3A_516 = arith.constant 10 : i32
        %broadcast_in_dim3A_517 = vector.broadcast %broadcast_in_dim3A_516 : i32 to vector<16xi32>
        %lt3A_518 = arith.constant 0 : i32
        %lt3A_519 = vector.broadcast %lt3A_518 : i32 to vector<16xi32>
        %lt3A_520 = arith.cmpi slt, %broadcast_in_dim3A_517, %lt3A_519 : vector<16xi32>
        %add3A_521 = arith.constant 16 : i32
        %add3A_522 = vector.broadcast %add3A_521 : i32 to vector<16xi32>
        %add3A_523 = arith.addi %broadcast_in_dim3A_517, %add3A_522 : vector<16xi32>
        %select_n3A_524 = arith.select %lt3A_520, %add3A_523, %broadcast_in_dim3A_517 : vector<16xi1>, vector<16xi32>
        %reshape3A_525 = vector.shape_cast %select_n3A_524 : vector<16xi32> to vector<16x1xi32>
        %gather3A_526 = vector.shape_cast %reshape3A_525 : vector<16x1xi32> to vector<16xi32>
        %gather3A_527 = tpu.dynamic_gather %mul3A_427[%gather3A_526] in [0] : vector<16xf32>, vector<16xi32> -> vector<16xf32>
        %get3A_528 = arith.index_cast %mul3A_429 : i32 to index
        %get3A_529 = arith.constant 32 : index
        %get3A_530 = tpu.vector_load %arg11[%get3A_528, %get3A_529] {strides = array<i32>} : memref<128x128xf32, #tpu.memory_space<vmem>>, vector<16xf32>,
        %mul3A_531 = arith.mulf %gather3A_515, %get3A_530 : vector<16xf32>
        %add3A_532 = arith.addf %add3A_498, %mul3A_531 : vector<16xf32>
        %get3A_533 = arith.index_cast %add3A_431 : i32 to index
        %get3A_534 = arith.constant 32 : index
        %get3A_535 = tpu.vector_load %arg11[%get3A_533, %get3A_534] {strides = array<i32>} : memref<128x128xf32, #tpu.memory_space<vmem>>, vector<16xf32>,
        %mul3A_536 = arith.mulf %gather3A_527, %get3A_535 : vector<16xf32>
        %add3A_537 = arith.addf %add3A_503, %mul3A_536 : vector<16xf32>
        %broadcast_in_dim3A_538 = arith.constant 3 : i32
        %broadcast_in_dim3A_539 = vector.broadcast %broadcast_in_dim3A_538 : i32 to vector<16xi32>
        %lt3A_540 = arith.constant 0 : i32
        %lt3A_541 = vector.broadcast %lt3A_540 : i32 to vector<16xi32>
        %lt3A_542 = arith.cmpi slt, %broadcast_in_dim3A_539, %lt3A_541 : vector<16xi32>
        %add3A_543 = arith.constant 16 : i32
        %add3A_544 = vector.broadcast %add3A_543 : i32 to vector<16xi32>
        %add3A_545 = arith.addi %broadcast_in_dim3A_539, %add3A_544 : vector<16xi32>
        %select_n3A_546 = arith.select %lt3A_542, %add3A_545, %broadcast_in_dim3A_539 : vector<16xi1>, vector<16xi32>
        %reshape3A_547 = vector.shape_cast %select_n3A_546 : vector<16xi32> to vector<16x1xi32>
        %gather3A_548 = vector.shape_cast %reshape3A_547 : vector<16x1xi32> to vector<16xi32>
        %gather3A_549 = tpu.dynamic_gather %mul3A_427[%gather3A_548] in [0] : vector<16xf32>, vector<16xi32> -> vector<16xf32>
        %broadcast_in_dim3A_550 = arith.constant 11 : i32
        %broadcast_in_dim3A_551 = vector.broadcast %broadcast_in_dim3A_550 : i32 to vector<16xi32>
        %lt3A_552 = arith.constant 0 : i32
        %lt3A_553 = vector.broadcast %lt3A_552 : i32 to vector<16xi32>
        %lt3A_554 = arith.cmpi slt, %broadcast_in_dim3A_551, %lt3A_553 : vector<16xi32>
        %add3A_555 = arith.constant 16 : i32
        %add3A_556 = vector.broadcast %add3A_555 : i32 to vector<16xi32>
        %add3A_557 = arith.addi %broadcast_in_dim3A_551, %add3A_556 : vector<16xi32>
        %select_n3A_558 = arith.select %lt3A_554, %add3A_557, %broadcast_in_dim3A_551 : vector<16xi1>, vector<16xi32>
        %reshape3A_559 = vector.shape_cast %select_n3A_558 : vector<16xi32> to vector<16x1xi32>
        %gather3A_560 = vector.shape_cast %reshape3A_559 : vector<16x1xi32> to vector<16xi32>
        %gather3A_561 = tpu.dynamic_gather %mul3A_427[%gather3A_560] in [0] : vector<16xf32>, vector<16xi32> -> vector<16xf32>
        %get3A_562 = arith.index_cast %mul3A_429 : i32 to index
        %get3A_563 = arith.constant 48 : index
        %get3A_564 = tpu.vector_load %arg11[%get3A_562, %get3A_563] {strides = array<i32>} : memref<128x128xf32, #tpu.memory_space<vmem>>, vector<16xf32>,
        %mul3A_565 = arith.mulf %gather3A_549, %get3A_564 : vector<16xf32>
        %add3A_566 = arith.addf %add3A_532, %mul3A_565 : vector<16xf32>
        %get3A_567 = arith.index_cast %add3A_431 : i32 to index
        %get3A_568 = arith.constant 48 : index
        %get3A_569 = tpu.vector_load %arg11[%get3A_567, %get3A_568] {strides = array<i32>} : memref<128x128xf32, #tpu.memory_space<vmem>>, vector<16xf32>,
        %mul3A_570 = arith.mulf %gather3A_561, %get3A_569 : vector<16xf32>
        %add3A_571 = arith.addf %add3A_537, %mul3A_570 : vector<16xf32>
        %broadcast_in_dim3A_572 = arith.constant 4 : i32
        %broadcast_in_dim3A_573 = vector.broadcast %broadcast_in_dim3A_572 : i32 to vector<16xi32>
        %lt3A_574 = arith.constant 0 : i32
        %lt3A_575 = vector.broadcast %lt3A_574 : i32 to vector<16xi32>
        %lt3A_576 = arith.cmpi slt, %broadcast_in_dim3A_573, %lt3A_575 : vector<16xi32>
        %add3A_577 = arith.constant 16 : i32
        %add3A_578 = vector.broadcast %add3A_577 : i32 to vector<16xi32>
        %add3A_579 = arith.addi %broadcast_in_dim3A_573, %add3A_578 : vector<16xi32>
        %select_n3A_580 = arith.select %lt3A_576, %add3A_579, %broadcast_in_dim3A_573 : vector<16xi1>, vector<16xi32>
        %reshape3A_581 = vector.shape_cast %select_n3A_580 : vector<16xi32> to vector<16x1xi32>
        %gather3A_582 = vector.shape_cast %reshape3A_581 : vector<16x1xi32> to vector<16xi32>
        %gather3A_583 = tpu.dynamic_gather %mul3A_427[%gather3A_582] in [0] : vector<16xf32>, vector<16xi32> -> vector<16xf32>
        %broadcast_in_dim3A_584 = arith.constant 12 : i32
        %broadcast_in_dim3A_585 = vector.broadcast %broadcast_in_dim3A_584 : i32 to vector<16xi32>
        %lt3A_586 = arith.constant 0 : i32
        %lt3A_587 = vector.broadcast %lt3A_586 : i32 to vector<16xi32>
        %lt3A_588 = arith.cmpi slt, %broadcast_in_dim3A_585, %lt3A_587 : vector<16xi32>
        %add3A_589 = arith.constant 16 : i32
        %add3A_590 = vector.broadcast %add3A_589 : i32 to vector<16xi32>
        %add3A_591 = arith.addi %broadcast_in_dim3A_585, %add3A_590 : vector<16xi32>
        %select_n3A_592 = arith.select %lt3A_588, %add3A_591, %broadcast_in_dim3A_585 : vector<16xi1>, vector<16xi32>
        %reshape3A_593 = vector.shape_cast %select_n3A_592 : vector<16xi32> to vector<16x1xi32>
        %gather3A_594 = vector.shape_cast %reshape3A_593 : vector<16x1xi32> to vector<16xi32>
        %gather3A_595 = tpu.dynamic_gather %mul3A_427[%gather3A_594] in [0] : vector<16xf32>, vector<16xi32> -> vector<16xf32>
        %get3A_596 = arith.index_cast %mul3A_429 : i32 to index
        %get3A_597 = arith.constant 64 : index
        %get3A_598 = tpu.vector_load %arg11[%get3A_596, %get3A_597] {strides = array<i32>} : memref<128x128xf32, #tpu.memory_space<vmem>>, vector<16xf32>,
        %mul3A_599 = arith.mulf %gather3A_583, %get3A_598 : vector<16xf32>
        %add3A_600 = arith.addf %add3A_566, %mul3A_599 : vector<16xf32>
        %get3A_601 = arith.index_cast %add3A_431 : i32 to index
        %get3A_602 = arith.constant 64 : index
        %get3A_603 = tpu.vector_load %arg11[%get3A_601, %get3A_602] {strides = array<i32>} : memref<128x128xf32, #tpu.memory_space<vmem>>, vector<16xf32>,
        %mul3A_604 = arith.mulf %gather3A_595, %get3A_603 : vector<16xf32>
        %add3A_605 = arith.addf %add3A_571, %mul3A_604 : vector<16xf32>
        %broadcast_in_dim3A_606 = arith.constant 5 : i32
        %broadcast_in_dim3A_607 = vector.broadcast %broadcast_in_dim3A_606 : i32 to vector<16xi32>
        %lt3A_608 = arith.constant 0 : i32
        %lt3A_609 = vector.broadcast %lt3A_608 : i32 to vector<16xi32>
        %lt3A_610 = arith.cmpi slt, %broadcast_in_dim3A_607, %lt3A_609 : vector<16xi32>
        %add3A_611 = arith.constant 16 : i32
        %add3A_612 = vector.broadcast %add3A_611 : i32 to vector<16xi32>
        %add3A_613 = arith.addi %broadcast_in_dim3A_607, %add3A_612 : vector<16xi32>
        %select_n3A_614 = arith.select %lt3A_610, %add3A_613, %broadcast_in_dim3A_607 : vector<16xi1>, vector<16xi32>
        %reshape3A_615 = vector.shape_cast %select_n3A_614 : vector<16xi32> to vector<16x1xi32>
        %gather3A_616 = vector.shape_cast %reshape3A_615 : vector<16x1xi32> to vector<16xi32>
        %gather3A_617 = tpu.dynamic_gather %mul3A_427[%gather3A_616] in [0] : vector<16xf32>, vector<16xi32> -> vector<16xf32>
        %broadcast_in_dim3A_618 = arith.constant 13 : i32
        %broadcast_in_dim3A_619 = vector.broadcast %broadcast_in_dim3A_618 : i32 to vector<16xi32>
        %lt3A_620 = arith.constant 0 : i32
        %lt3A_621 = vector.broadcast %lt3A_620 : i32 to vector<16xi32>
        %lt3A_622 = arith.cmpi slt, %broadcast_in_dim3A_619, %lt3A_621 : vector<16xi32>
        %add3A_623 = arith.constant 16 : i32
        %add3A_624 = vector.broadcast %add3A_623 : i32 to vector<16xi32>
        %add3A_625 = arith.addi %broadcast_in_dim3A_619, %add3A_624 : vector<16xi32>
        %select_n3A_626 = arith.select %lt3A_622, %add3A_625, %broadcast_in_dim3A_619 : vector<16xi1>, vector<16xi32>
        %reshape3A_627 = vector.shape_cast %select_n3A_626 : vector<16xi32> to vector<16x1xi32>
        %gather3A_628 = vector.shape_cast %reshape3A_627 : vector<16x1xi32> to vector<16xi32>
        %gather3A_629 = tpu.dynamic_gather %mul3A_427[%gather3A_628] in [0] : vector<16xf32>, vector<16xi32> -> vector<16xf32>
        %get3A_630 = arith.index_cast %mul3A_429 : i32 to index
        %get3A_631 = arith.constant 80 : index
        %get3A_632 = tpu.vector_load %arg11[%get3A_630, %get3A_631] {strides = array<i32>} : memref<128x128xf32, #tpu.memory_space<vmem>>, vector<16xf32>,
        %mul3A_633 = arith.mulf %gather3A_617, %get3A_632 : vector<16xf32>
        %add3A_634 = arith.addf %add3A_600, %mul3A_633 : vector<16xf32>
        %get3A_635 = arith.index_cast %add3A_431 : i32 to index
        %get3A_636 = arith.constant 80 : index
        %get3A_637 = tpu.vector_load %arg11[%get3A_635, %get3A_636] {strides = array<i32>} : memref<128x128xf32, #tpu.memory_space<vmem>>, vector<16xf32>,
        %mul3A_638 = arith.mulf %gather3A_629, %get3A_637 : vector<16xf32>
        %add3A_639 = arith.addf %add3A_605, %mul3A_638 : vector<16xf32>
        %broadcast_in_dim3A_640 = arith.constant 6 : i32
        %broadcast_in_dim3A_641 = vector.broadcast %broadcast_in_dim3A_640 : i32 to vector<16xi32>
        %lt3A_642 = arith.constant 0 : i32
        %lt3A_643 = vector.broadcast %lt3A_642 : i32 to vector<16xi32>
        %lt3A_644 = arith.cmpi slt, %broadcast_in_dim3A_641, %lt3A_643 : vector<16xi32>
        %add3A_645 = arith.constant 16 : i32
        %add3A_646 = vector.broadcast %add3A_645 : i32 to vector<16xi32>
        %add3A_647 = arith.addi %broadcast_in_dim3A_641, %add3A_646 : vector<16xi32>
        %select_n3A_648 = arith.select %lt3A_644, %add3A_647, %broadcast_in_dim3A_641 : vector<16xi1>, vector<16xi32>
        %reshape3A_649 = vector.shape_cast %select_n3A_648 : vector<16xi32> to vector<16x1xi32>
        %gather3A_650 = vector.shape_cast %reshape3A_649 : vector<16x1xi32> to vector<16xi32>
        %gather3A_651 = tpu.dynamic_gather %mul3A_427[%gather3A_650] in [0] : vector<16xf32>, vector<16xi32> -> vector<16xf32>
        %broadcast_in_dim3A_652 = arith.constant 14 : i32
        %broadcast_in_dim3A_653 = vector.broadcast %broadcast_in_dim3A_652 : i32 to vector<16xi32>
        %lt3A_654 = arith.constant 0 : i32
        %lt3A_655 = vector.broadcast %lt3A_654 : i32 to vector<16xi32>
        %lt3A_656 = arith.cmpi slt, %broadcast_in_dim3A_653, %lt3A_655 : vector<16xi32>
        %add3A_657 = arith.constant 16 : i32
        %add3A_658 = vector.broadcast %add3A_657 : i32 to vector<16xi32>
        %add3A_659 = arith.addi %broadcast_in_dim3A_653, %add3A_658 : vector<16xi32>
        %select_n3A_660 = arith.select %lt3A_656, %add3A_659, %broadcast_in_dim3A_653 : vector<16xi1>, vector<16xi32>
        %reshape3A_661 = vector.shape_cast %select_n3A_660 : vector<16xi32> to vector<16x1xi32>
        %gather3A_662 = vector.shape_cast %reshape3A_661 : vector<16x1xi32> to vector<16xi32>
        %gather3A_663 = tpu.dynamic_gather %mul3A_427[%gather3A_662] in [0] : vector<16xf32>, vector<16xi32> -> vector<16xf32>
        %get3A_664 = arith.index_cast %mul3A_429 : i32 to index
        %get3A_665 = arith.constant 96 : index
        %get3A_666 = tpu.vector_load %arg11[%get3A_664, %get3A_665] {strides = array<i32>} : memref<128x128xf32, #tpu.memory_space<vmem>>, vector<16xf32>,
        %mul3A_667 = arith.mulf %gather3A_651, %get3A_666 : vector<16xf32>
        %add3A_668 = arith.addf %add3A_634, %mul3A_667 : vector<16xf32>
        %get3A_669 = arith.index_cast %add3A_431 : i32 to index
        %get3A_670 = arith.constant 96 : index
        %get3A_671 = tpu.vector_load %arg11[%get3A_669, %get3A_670] {strides = array<i32>} : memref<128x128xf32, #tpu.memory_space<vmem>>, vector<16xf32>,
        %mul3A_672 = arith.mulf %gather3A_663, %get3A_671 : vector<16xf32>
        %add3A_673 = arith.addf %add3A_639, %mul3A_672 : vector<16xf32>
        %broadcast_in_dim3A_674 = arith.constant 7 : i32
        %broadcast_in_dim3A_675 = vector.broadcast %broadcast_in_dim3A_674 : i32 to vector<16xi32>
        %lt3A_676 = arith.constant 0 : i32
        %lt3A_677 = vector.broadcast %lt3A_676 : i32 to vector<16xi32>
        %lt3A_678 = arith.cmpi slt, %broadcast_in_dim3A_675, %lt3A_677 : vector<16xi32>
        %add3A_679 = arith.constant 16 : i32
        %add3A_680 = vector.broadcast %add3A_679 : i32 to vector<16xi32>
        %add3A_681 = arith.addi %broadcast_in_dim3A_675, %add3A_680 : vector<16xi32>
        %select_n3A_682 = arith.select %lt3A_678, %add3A_681, %broadcast_in_dim3A_675 : vector<16xi1>, vector<16xi32>
        %reshape3A_683 = vector.shape_cast %select_n3A_682 : vector<16xi32> to vector<16x1xi32>
        %gather3A_684 = vector.shape_cast %reshape3A_683 : vector<16x1xi32> to vector<16xi32>
        %gather3A_685 = tpu.dynamic_gather %mul3A_427[%gather3A_684] in [0] : vector<16xf32>, vector<16xi32> -> vector<16xf32>
        %broadcast_in_dim3A_686 = arith.constant 15 : i32
        %broadcast_in_dim3A_687 = vector.broadcast %broadcast_in_dim3A_686 : i32 to vector<16xi32>
        %lt3A_688 = arith.constant 0 : i32
        %lt3A_689 = vector.broadcast %lt3A_688 : i32 to vector<16xi32>
        %lt3A_690 = arith.cmpi slt, %broadcast_in_dim3A_687, %lt3A_689 : vector<16xi32>
        %add3A_691 = arith.constant 16 : i32
        %add3A_692 = vector.broadcast %add3A_691 : i32 to vector<16xi32>
        %add3A_693 = arith.addi %broadcast_in_dim3A_687, %add3A_692 : vector<16xi32>
        %select_n3A_694 = arith.select %lt3A_690, %add3A_693, %broadcast_in_dim3A_687 : vector<16xi1>, vector<16xi32>
        %reshape3A_695 = vector.shape_cast %select_n3A_694 : vector<16xi32> to vector<16x1xi32>
        %gather3A_696 = vector.shape_cast %reshape3A_695 : vector<16x1xi32> to vector<16xi32>
        %gather3A_697 = tpu.dynamic_gather %mul3A_427[%gather3A_696] in [0] : vector<16xf32>, vector<16xi32> -> vector<16xf32>
        %get3A_698 = arith.index_cast %mul3A_429 : i32 to index
        %get3A_699 = arith.constant 112 : index
        %get3A_700 = tpu.vector_load %arg11[%get3A_698, %get3A_699] {strides = array<i32>} : memref<128x128xf32, #tpu.memory_space<vmem>>, vector<16xf32>,
        %mul3A_701 = arith.mulf %gather3A_685, %get3A_700 : vector<16xf32>
        %add3A_702 = arith.addf %add3A_668, %mul3A_701 : vector<16xf32>
        %get3A_703 = arith.index_cast %add3A_431 : i32 to index
        %get3A_704 = arith.constant 112 : index
        %get3A_705 = tpu.vector_load %arg11[%get3A_703, %get3A_704] {strides = array<i32>} : memref<128x128xf32, #tpu.memory_space<vmem>>, vector<16xf32>,
        %mul3A_706 = arith.mulf %gather3A_697, %get3A_705 : vector<16xf32>
        %add3A_707 = arith.addf %add3A_673, %mul3A_706 : vector<16xf32>
        %swap3A_708 = arith.index_cast %mul3A_429 : i32 to index
        %swap3A_709 = arith.constant 0 : index
        %swap3A_710 = tpu.vector_load %arg14[%swap3A_708, %swap3A_709] {strides = array<i32>} : memref<128x16xf32, #tpu.memory_space<vmem>>, vector<16xf32>,
        tpu.vector_store %arg14[%swap3A_708, %swap3A_709], %add3A_702 {strides = array<i32>} : memref<128x16xf32, #tpu.memory_space<vmem>>, vector<16xf32>,
        %swap3A_711 = arith.index_cast %add3A_431 : i32 to index
        %swap3A_712 = arith.constant 0 : index
        %swap3A_713 = tpu.vector_load %arg14[%swap3A_711, %swap3A_712] {strides = array<i32>} : memref<128x16xf32, #tpu.memory_space<vmem>>, vector<16xf32>,
        tpu.vector_store %arg14[%swap3A_711, %swap3A_712], %add3A_707 {strides = array<i32>} : memref<128x16xf32, #tpu.memory_space<vmem>>, vector<16xf32>,
      }
      %scan3A_98 = arith.constant 64 : i32
      "tpu.region"() ({
        %run_scoped3A = tpu.sem_alloc : memref<!tpu.dma_semaphore, #tpu.memory_space<semaphore_mem>>
        %dma_start3A_130 = arith.constant 0 : i32
        %dma_start3A_131 = arith.constant 0 : i32
        %dma_start3A_132 = tpu.memref_slice %arg25[%dma_start3A_130, %dma_start3A_131] : memref<10128x16xf32, #tpu.memory_space<vmem_shared>> -> memref<10128x16xf32, #tpu.memory_space<vmem_shared>>
        tpu.enqueue_indirect_dma source(%arg14 : memref<128x16xf32, #tpu.memory_space<vmem>>) target(%dma_start3A_132 : memref<10128x16xf32, #tpu.memory_space<vmem_shared>>) offsets(%arg10 : memref<128xi32, #tpu.memory_space<vmem>>) semaphore(%run_scoped3A : memref<!tpu.dma_semaphore, #tpu.memory_space<semaphore_mem>>) {add = true}
        %dma_wait3A_133 = arith.constant 0 : i32
        %dma_wait3A_134 = arith.constant 0 : i32
        %dma_wait3A_135 = tpu.memref_slice %arg25[%dma_wait3A_133, %dma_wait3A_134] : memref<10128x16xf32, #tpu.memory_space<vmem_shared>> -> memref<10128x16xf32, #tpu.memory_space<vmem_shared>>
        tpu.wait_indirect_dma semaphore(%run_scoped3A : memref<!tpu.dma_semaphore, #tpu.memory_space<semaphore_mem>>) src(%arg14 : memref<128x16xf32, #tpu.memory_space<vmem>>) dst(%dma_wait3A_135 : memref<10128x16xf32, #tpu.memory_space<vmem_shared>>)
        tpu.yield
      }) : () -> ()
      %add3A_99 = arith.constant 2 : i32
      %add3A_100 = arith.addi %mul3A_57, %add3A_99 : i32
      %lt3A = arith.constant 80 : i32
      %lt3A_101 = arith.cmpi slt, %add3A_100, %lt3A : i32
      %convert_element_type3A_102 = arith.extui %lt3A_101 : i1 to i32
      %cond3A_103 = arith.constant 0 : i32
      %cond3A_104 = arith.cmpi ne, %convert_element_type3A_102, %cond3A_103 : i32
      scf.if %cond3A_104 {
        %add3A_130 = arith.constant 2 : i32
        %add3A_131 = arith.addi %mul3A_57, %add3A_130 : i32
        %mul3A_132 = arith.constant 32 : i32
        %mul3A_133 = arith.muli %add3A_131, %mul3A_132 : i32
        %add3A_134 = arith.addi %add3A, %mul3A_133 : i32
        "tpu.region"() ({
          %run_scoped3A = tpu.sem_alloc : memref<!tpu.dma_semaphore, #tpu.memory_space<semaphore_mem>>
          %dma_start3A_149 = arith.constant 0 : i32
          %dma_start3A_150 = tpu.memref_slice %arg2[%add3A_134, %dma_start3A_149] : memref<2560x128xi32, #tpu.memory_space<hbm>> -> memref<1x128xi32, #tpu.memory_space<hbm>>
          %dma_start3A_151 = tpu.memref_squeeze %dma_start3A_150 : memref<1x128xi32, #tpu.memory_space<hbm>> -> memref<128xi32, #tpu.memory_space<hbm>>
          %dma_start3A_152 = arith.constant 0 : i32
          %dma_start3A_153 = tpu.memref_slice %arg2[%add3A_134, %dma_start3A_152] : memref<2560x128xi32, #tpu.memory_space<hbm>> -> memref<1x128xi32, #tpu.memory_space<hbm>>
          %dma_start3A_154 = tpu.memref_squeeze %dma_start3A_153 : memref<1x128xi32, #tpu.memory_space<hbm>> -> memref<128xi32, #tpu.memory_space<hbm>>
          tpu.enqueue_dma source(%dma_start3A_154 : memref<128xi32, #tpu.memory_space<hbm>>) target(%arg9 : memref<128xi32, #tpu.memory_space<vmem>>) target_semaphore(%run_scoped3A : memref<!tpu.dma_semaphore, #tpu.memory_space<semaphore_mem>>)
          %dma_wait3A_155 = arith.constant 0 : i32
          %dma_wait3A_156 = tpu.memref_slice %arg2[%add3A_134, %dma_wait3A_155] : memref<2560x128xi32, #tpu.memory_space<hbm>> -> memref<1x128xi32, #tpu.memory_space<hbm>>
          %dma_wait3A_157 = tpu.memref_squeeze %dma_wait3A_156 : memref<1x128xi32, #tpu.memory_space<hbm>> -> memref<128xi32, #tpu.memory_space<hbm>>
          %dma_wait3A_158 = arith.constant 0 : i32
          %dma_wait3A_159 = tpu.memref_slice %arg2[%add3A_134, %dma_wait3A_158] : memref<2560x128xi32, #tpu.memory_space<hbm>> -> memref<1x128xi32, #tpu.memory_space<hbm>>
          %dma_wait3A_160 = tpu.memref_squeeze %dma_wait3A_159 : memref<1x128xi32, #tpu.memory_space<hbm>> -> memref<128xi32, #tpu.memory_space<hbm>>
          tpu.wait_dma2 semaphore(%run_scoped3A : memref<!tpu.dma_semaphore, #tpu.memory_space<semaphore_mem>>) src(%dma_wait3A_160 : memref<128xi32, #tpu.memory_space<hbm>>) dst(%arg9 : memref<128xi32, #tpu.memory_space<vmem>>)
          tpu.yield
        }) : () -> ()
        "tpu.region"() ({
          %run_scoped3A = tpu.sem_alloc : memref<!tpu.dma_semaphore, #tpu.memory_space<semaphore_mem>>
          %dma_start3A_149 = arith.constant 0 : i32
          %dma_start3A_150 = tpu.memref_slice %arg3[%add3A_134, %dma_start3A_149] : memref<2560x128xi32, #tpu.memory_space<hbm>> -> memref<1x128xi32, #tpu.memory_space<hbm>>
          %dma_start3A_151 = tpu.memref_squeeze %dma_start3A_150 : memref<1x128xi32, #tpu.memory_space<hbm>> -> memref<128xi32, #tpu.memory_space<hbm>>
          %dma_start3A_152 = arith.constant 0 : i32
          %dma_start3A_153 = tpu.memref_slice %arg3[%add3A_134, %dma_start3A_152] : memref<2560x128xi32, #tpu.memory_space<hbm>> -> memref<1x128xi32, #tpu.memory_space<hbm>>
          %dma_start3A_154 = tpu.memref_squeeze %dma_start3A_153 : memref<1x128xi32, #tpu.memory_space<hbm>> -> memref<128xi32, #tpu.memory_space<hbm>>
          tpu.enqueue_dma source(%dma_start3A_154 : memref<128xi32, #tpu.memory_space<hbm>>) target(%arg10 : memref<128xi32, #tpu.memory_space<vmem>>) target_semaphore(%run_scoped3A : memref<!tpu.dma_semaphore, #tpu.memory_space<semaphore_mem>>)
          %dma_wait3A_155 = arith.constant 0 : i32
          %dma_wait3A_156 = tpu.memref_slice %arg3[%add3A_134, %dma_wait3A_155] : memref<2560x128xi32, #tpu.memory_space<hbm>> -> memref<1x128xi32, #tpu.memory_space<hbm>>
          %dma_wait3A_157 = tpu.memref_squeeze %dma_wait3A_156 : memref<1x128xi32, #tpu.memory_space<hbm>> -> memref<128xi32, #tpu.memory_space<hbm>>
          %dma_wait3A_158 = arith.constant 0 : i32
          %dma_wait3A_159 = tpu.memref_slice %arg3[%add3A_134, %dma_wait3A_158] : memref<2560x128xi32, #tpu.memory_space<hbm>> -> memref<1x128xi32, #tpu.memory_space<hbm>>
          %dma_wait3A_160 = tpu.memref_squeeze %dma_wait3A_159 : memref<1x128xi32, #tpu.memory_space<hbm>> -> memref<128xi32, #tpu.memory_space<hbm>>
          tpu.wait_dma2 semaphore(%run_scoped3A : memref<!tpu.dma_semaphore, #tpu.memory_space<semaphore_mem>>) src(%dma_wait3A_160 : memref<128xi32, #tpu.memory_space<hbm>>) dst(%arg10 : memref<128xi32, #tpu.memory_space<vmem>>)
          tpu.yield
        }) : () -> ()
        %dma_start3A_135 = arith.constant 0 : i32
        %dma_start3A_136 = arith.constant 0 : i32
        %dma_start3A_137 = tpu.memref_slice %arg4[%dma_start3A_135, %dma_start3A_136] : memref<10000x128xf32, #tpu.memory_space<hbm>> -> memref<10000x128xf32, #tpu.memory_space<hbm>>
        tpu.enqueue_indirect_dma source(%dma_start3A_137 : memref<10000x128xf32, #tpu.memory_space<hbm>>) target(%arg11 : memref<128x128xf32, #tpu.memory_space<vmem>>) offsets(%arg9 : memref<128xi32, #tpu.memory_space<vmem>>) semaphore(%arg15 : memref<!tpu.dma_semaphore, #tpu.memory_space<semaphore_mem>>)
        %dma_start3A_138 = arith.constant 0 : i32
        %dma_start3A_139 = arith.constant 0 : i32
        %dma_start3A_140 = tpu.memref_slice %arg5[%dma_start3A_138, %dma_start3A_139] : memref<10128x8xf32, #tpu.memory_space<hbm>> -> memref<10128x8xf32, #tpu.memory_space<hbm>>
        tpu.enqueue_indirect_dma source(%dma_start3A_140 : memref<10128x8xf32, #tpu.memory_space<hbm>>) target(%arg13 : memref<128x8xf32, #tpu.memory_space<vmem>>) offsets(%arg10 : memref<128xi32, #tpu.memory_space<vmem>>) semaphore(%arg15 : memref<!tpu.dma_semaphore, #tpu.memory_space<semaphore_mem>>)
        %dma_start3A_141 = arith.constant 0 : i32
        %dma_start3A_142 = arith.constant 0 : i32
        %dma_start3A_143 = tpu.memref_slice %arg6[%add3A_134, %dma_start3A_141, %dma_start3A_142] : memref<2560x128x8xf32, #tpu.memory_space<hbm>> -> memref<1x128x8xf32, #tpu.memory_space<hbm>>
        %dma_start3A_144 = tpu.memref_squeeze %dma_start3A_143 : memref<1x128x8xf32, #tpu.memory_space<hbm>> -> memref<128x8xf32, #tpu.memory_space<hbm>>
        %dma_start3A_145 = arith.constant 0 : i32
        %dma_start3A_146 = arith.constant 0 : i32
        %dma_start3A_147 = tpu.memref_slice %arg6[%add3A_134, %dma_start3A_145, %dma_start3A_146] : memref<2560x128x8xf32, #tpu.memory_space<hbm>> -> memref<1x128x8xf32, #tpu.memory_space<hbm>>
        %dma_start3A_148 = tpu.memref_squeeze %dma_start3A_147 : memref<1x128x8xf32, #tpu.memory_space<hbm>> -> memref<128x8xf32, #tpu.memory_space<hbm>>
        tpu.enqueue_dma source(%dma_start3A_148 : memref<128x8xf32, #tpu.memory_space<hbm>>) target(%arg12 : memref<128x8xf32, #tpu.memory_space<vmem>>) target_semaphore(%arg15 : memref<!tpu.dma_semaphore, #tpu.memory_space<semaphore_mem>>)
      } else {
      }
      %add3A_105 = arith.constant 1 : i32
      %add3A_106 = arith.addi %mul3A_57, %add3A_105 : i32
      %mul3A_107 = arith.constant 32 : i32
      %mul3A_108 = arith.muli %add3A_106, %mul3A_107 : i32
      %add3A_109 = arith.addi %add3A, %mul3A_108 : i32
      %dma_wait3A_110 = arith.constant 0 : i32
      %dma_wait3A_111 = arith.constant 0 : i32
      %dma_wait3A_112 = tpu.memref_slice %arg4[%dma_wait3A_110, %dma_wait3A_111] : memref<10000x128xf32, #tpu.memory_space<hbm>> -> memref<10000x128xf32, #tpu.memory_space<hbm>>
      tpu.wait_indirect_dma semaphore(%arg23 : memref<!tpu.dma_semaphore, #tpu.memory_space<semaphore_mem>>) src(%dma_wait3A_112 : memref<10000x128xf32, #tpu.memory_space<hbm>>) dst(%arg19 : memref<128x128xf32, #tpu.memory_space<vmem>>)
      %dma_wait3A_113 = arith.constant 0 : i32
      %dma_wait3A_114 = arith.constant 0 : i32
      %dma_wait3A_115 = tpu.memref_slice %arg5[%dma_wait3A_113, %dma_wait3A_114] : memref<10128x8xf32, #tpu.memory_space<hbm>> -> memref<10128x8xf32, #tpu.memory_space<hbm>>
      tpu.wait_indirect_dma semaphore(%arg23 : memref<!tpu.dma_semaphore, #tpu.memory_space<semaphore_mem>>) src(%dma_wait3A_115 : memref<10128x8xf32, #tpu.memory_space<hbm>>) dst(%arg21 : memref<128x8xf32, #tpu.memory_space<vmem>>)
      %dma_wait3A_116 = arith.constant 0 : i32
      %dma_wait3A_117 = arith.constant 0 : i32
      %dma_wait3A_118 = tpu.memref_slice %arg6[%add3A_109, %dma_wait3A_116, %dma_wait3A_117] : memref<2560x128x8xf32, #tpu.memory_space<hbm>> -> memref<1x128x8xf32, #tpu.memory_space<hbm>>
      %dma_wait3A_119 = tpu.memref_squeeze %dma_wait3A_118 : memref<1x128x8xf32, #tpu.memory_space<hbm>> -> memref<128x8xf32, #tpu.memory_space<hbm>>
      %dma_wait3A_120 = arith.constant 0 : i32
      %dma_wait3A_121 = arith.constant 0 : i32
      %dma_wait3A_122 = tpu.memref_slice %arg6[%add3A_109, %dma_wait3A_120, %dma_wait3A_121] : memref<2560x128x8xf32, #tpu.memory_space<hbm>> -> memref<1x128x8xf32, #tpu.memory_space<hbm>>
      %dma_wait3A_123 = tpu.memref_squeeze %dma_wait3A_122 : memref<1x128x8xf32, #tpu.memory_space<hbm>> -> memref<128x8xf32, #tpu.memory_space<hbm>>
      tpu.wait_dma2 semaphore(%arg23 : memref<!tpu.dma_semaphore, #tpu.memory_space<semaphore_mem>>) src(%dma_wait3A_123 : memref<128x8xf32, #tpu.memory_space<hbm>>) dst(%arg20 : memref<128x8xf32, #tpu.memory_space<vmem>>)
      %scan3A_124 = arith.constant 0 : i32
      %scan3A_125 = arith.constant 0 : i32
      %scan3A_126 = arith.constant 64 : i32
      %scan3A_127 = arith.addi %scan3A_125, %scan3A_126 : i32
      %scan3A_128 = arith.constant 2 : i32
      scf.for %scan3A_130 = %scan3A_125 to %scan3A_127 step %scan3A_128  : i32 {
        %mul3A_131 = arith.constant 2 : i32
        %mul3A_132 = arith.muli %mul3A_131, %scan3A_130 : i32
        %add3A_133 = vector.broadcast %mul3A_132 : i32 to vector<16xi32>
        %add3A_134 = arith.addi %add3A_133, %select_n3A : vector<16xi32>
        %gather3A = tpu.vector_load_idx %arg20[%add3A_134, %rem3A_28] : memref<128x8xf32, #tpu.memory_space<vmem>>[vector<16xi32>, vector<16xi32>], vector<16xf32>,
        %gather3A_135 = tpu.vector_load_idx %arg21[%add3A_134, %rem3A_28] : memref<128x8xf32, #tpu.memory_space<vmem>>[vector<16xi32>, vector<16xi32>], vector<16xf32>,
        %mul3A_136 = arith.mulf %gather3A, %gather3A_135 : vector<16xf32>
        %mul3A_137 = arith.constant 2 : i32
        %mul3A_138 = arith.muli %mul3A_137, %scan3A_130 : i32
        %add3A_139 = arith.constant 1 : i32
        %add3A_140 = arith.addi %mul3A_138, %add3A_139 : i32
        %broadcast_in_dim3A = arith.constant 0.000000e+00 : f32
        %broadcast_in_dim3A_141 = vector.broadcast %broadcast_in_dim3A : f32 to vector<16xf32>
        %broadcast_in_dim3A_142 = arith.constant 0.000000e+00 : f32
        %broadcast_in_dim3A_143 = vector.broadcast %broadcast_in_dim3A_142 : f32 to vector<16xf32>
        %broadcast_in_dim3A_144 = arith.constant 0 : i32
        %broadcast_in_dim3A_145 = vector.broadcast %broadcast_in_dim3A_144 : i32 to vector<16xi32>
        %lt3A_146 = arith.constant 0 : i32
        %lt3A_147 = vector.broadcast %lt3A_146 : i32 to vector<16xi32>
        %lt3A_148 = arith.cmpi slt, %broadcast_in_dim3A_145, %lt3A_147 : vector<16xi32>
        %add3A_149 = arith.constant 16 : i32
        %add3A_150 = vector.broadcast %add3A_149 : i32 to vector<16xi32>
        %add3A_151 = arith.addi %broadcast_in_dim3A_145, %add3A_150 : vector<16xi32>
        %select_n3A_152 = arith.select %lt3A_148, %add3A_151, %broadcast_in_dim3A_145 : vector<16xi1>, vector<16xi32>
        %reshape3A = vector.shape_cast %select_n3A_152 : vector<16xi32> to vector<16x1xi32>
        %gather3A_153 = vector.shape_cast %reshape3A : vector<16x1xi32> to vector<16xi32>
        %gather3A_154 = tpu.dynamic_gather %mul3A_136[%gather3A_153] in [0] : vector<16xf32>, vector<16xi32> -> vector<16xf32>
        %broadcast_in_dim3A_155 = arith.constant 8 : i32
        %broadcast_in_dim3A_156 = vector.broadcast %broadcast_in_dim3A_155 : i32 to vector<16xi32>
        %lt3A_157 = arith.constant 0 : i32
        %lt3A_158 = vector.broadcast %lt3A_157 : i32 to vector<16xi32>
        %lt3A_159 = arith.cmpi slt, %broadcast_in_dim3A_156, %lt3A_158 : vector<16xi32>
        %add3A_160 = arith.constant 16 : i32
        %add3A_161 = vector.broadcast %add3A_160 : i32 to vector<16xi32>
        %add3A_162 = arith.addi %broadcast_in_dim3A_156, %add3A_161 : vector<16xi32>
        %select_n3A_163 = arith.select %lt3A_159, %add3A_162, %broadcast_in_dim3A_156 : vector<16xi1>, vector<16xi32>
        %reshape3A_164 = vector.shape_cast %select_n3A_163 : vector<16xi32> to vector<16x1xi32>
        %gather3A_165 = vector.shape_cast %reshape3A_164 : vector<16x1xi32> to vector<16xi32>
        %gather3A_166 = tpu.dynamic_gather %mul3A_136[%gather3A_165] in [0] : vector<16xf32>, vector<16xi32> -> vector<16xf32>
        %get3A = arith.index_cast %mul3A_138 : i32 to index
        %get3A_167 = arith.constant 0 : index
        %get3A_168 = tpu.vector_load %arg19[%get3A, %get3A_167] {strides = array<i32>} : memref<128x128xf32, #tpu.memory_space<vmem>>, vector<16xf32>,
        %mul3A_169 = arith.mulf %gather3A_154, %get3A_168 : vector<16xf32>
        %add3A_170 = arith.addf %broadcast_in_dim3A_141, %mul3A_169 : vector<16xf32>
        %get3A_171 = arith.index_cast %add3A_140 : i32 to index
        %get3A_172 = arith.constant 0 : index
        %get3A_173 = tpu.vector_load %arg19[%get3A_171, %get3A_172] {strides = array<i32>} : memref<128x128xf32, #tpu.memory_space<vmem>>, vector<16xf32>,
        %mul3A_174 = arith.mulf %gather3A_166, %get3A_173 : vector<16xf32>
        %add3A_175 = arith.addf %broadcast_in_dim3A_143, %mul3A_174 : vector<16xf32>
        %broadcast_in_dim3A_176 = arith.constant 1 : i32
        %broadcast_in_dim3A_177 = vector.broadcast %broadcast_in_dim3A_176 : i32 to vector<16xi32>
        %lt3A_178 = arith.constant 0 : i32
        %lt3A_179 = vector.broadcast %lt3A_178 : i32 to vector<16xi32>
        %lt3A_180 = arith.cmpi slt, %broadcast_in_dim3A_177, %lt3A_179 : vector<16xi32>
        %add3A_181 = arith.constant 16 : i32
        %add3A_182 = vector.broadcast %add3A_181 : i32 to vector<16xi32>
        %add3A_183 = arith.addi %broadcast_in_dim3A_177, %add3A_182 : vector<16xi32>
        %select_n3A_184 = arith.select %lt3A_180, %add3A_183, %broadcast_in_dim3A_177 : vector<16xi1>, vector<16xi32>
        %reshape3A_185 = vector.shape_cast %select_n3A_184 : vector<16xi32> to vector<16x1xi32>
        %gather3A_186 = vector.shape_cast %reshape3A_185 : vector<16x1xi32> to vector<16xi32>
        %gather3A_187 = tpu.dynamic_gather %mul3A_136[%gather3A_186] in [0] : vector<16xf32>, vector<16xi32> -> vector<16xf32>
        %broadcast_in_dim3A_188 = arith.constant 9 : i32
        %broadcast_in_dim3A_189 = vector.broadcast %broadcast_in_dim3A_188 : i32 to vector<16xi32>
        %lt3A_190 = arith.constant 0 : i32
        %lt3A_191 = vector.broadcast %lt3A_190 : i32 to vector<16xi32>
        %lt3A_192 = arith.cmpi slt, %broadcast_in_dim3A_189, %lt3A_191 : vector<16xi32>
        %add3A_193 = arith.constant 16 : i32
        %add3A_194 = vector.broadcast %add3A_193 : i32 to vector<16xi32>
        %add3A_195 = arith.addi %broadcast_in_dim3A_189, %add3A_194 : vector<16xi32>
        %select_n3A_196 = arith.select %lt3A_192, %add3A_195, %broadcast_in_dim3A_189 : vector<16xi1>, vector<16xi32>
        %reshape3A_197 = vector.shape_cast %select_n3A_196 : vector<16xi32> to vector<16x1xi32>
        %gather3A_198 = vector.shape_cast %reshape3A_197 : vector<16x1xi32> to vector<16xi32>
        %gather3A_199 = tpu.dynamic_gather %mul3A_136[%gather3A_198] in [0] : vector<16xf32>, vector<16xi32> -> vector<16xf32>
        %get3A_200 = arith.index_cast %mul3A_138 : i32 to index
        %get3A_201 = arith.constant 16 : index
        %get3A_202 = tpu.vector_load %arg19[%get3A_200, %get3A_201] {strides = array<i32>} : memref<128x128xf32, #tpu.memory_space<vmem>>, vector<16xf32>,
        %mul3A_203 = arith.mulf %gather3A_187, %get3A_202 : vector<16xf32>
        %add3A_204 = arith.addf %add3A_170, %mul3A_203 : vector<16xf32>
        %get3A_205 = arith.index_cast %add3A_140 : i32 to index
        %get3A_206 = arith.constant 16 : index
        %get3A_207 = tpu.vector_load %arg19[%get3A_205, %get3A_206] {strides = array<i32>} : memref<128x128xf32, #tpu.memory_space<vmem>>, vector<16xf32>,
        %mul3A_208 = arith.mulf %gather3A_199, %get3A_207 : vector<16xf32>
        %add3A_209 = arith.addf %add3A_175, %mul3A_208 : vector<16xf32>
        %broadcast_in_dim3A_210 = arith.constant 2 : i32
        %broadcast_in_dim3A_211 = vector.broadcast %broadcast_in_dim3A_210 : i32 to vector<16xi32>
        %lt3A_212 = arith.constant 0 : i32
        %lt3A_213 = vector.broadcast %lt3A_212 : i32 to vector<16xi32>
        %lt3A_214 = arith.cmpi slt, %broadcast_in_dim3A_211, %lt3A_213 : vector<16xi32>
        %add3A_215 = arith.constant 16 : i32
        %add3A_216 = vector.broadcast %add3A_215 : i32 to vector<16xi32>
        %add3A_217 = arith.addi %broadcast_in_dim3A_211, %add3A_216 : vector<16xi32>
        %select_n3A_218 = arith.select %lt3A_214, %add3A_217, %broadcast_in_dim3A_211 : vector<16xi1>, vector<16xi32>
        %reshape3A_219 = vector.shape_cast %select_n3A_218 : vector<16xi32> to vector<16x1xi32>
        %gather3A_220 = vector.shape_cast %reshape3A_219 : vector<16x1xi32> to vector<16xi32>
        %gather3A_221 = tpu.dynamic_gather %mul3A_136[%gather3A_220] in [0] : vector<16xf32>, vector<16xi32> -> vector<16xf32>
        %broadcast_in_dim3A_222 = arith.constant 10 : i32
        %broadcast_in_dim3A_223 = vector.broadcast %broadcast_in_dim3A_222 : i32 to vector<16xi32>
        %lt3A_224 = arith.constant 0 : i32
        %lt3A_225 = vector.broadcast %lt3A_224 : i32 to vector<16xi32>
        %lt3A_226 = arith.cmpi slt, %broadcast_in_dim3A_223, %lt3A_225 : vector<16xi32>
        %add3A_227 = arith.constant 16 : i32
        %add3A_228 = vector.broadcast %add3A_227 : i32 to vector<16xi32>
        %add3A_229 = arith.addi %broadcast_in_dim3A_223, %add3A_228 : vector<16xi32>
        %select_n3A_230 = arith.select %lt3A_226, %add3A_229, %broadcast_in_dim3A_223 : vector<16xi1>, vector<16xi32>
        %reshape3A_231 = vector.shape_cast %select_n3A_230 : vector<16xi32> to vector<16x1xi32>
        %gather3A_232 = vector.shape_cast %reshape3A_231 : vector<16x1xi32> to vector<16xi32>
        %gather3A_233 = tpu.dynamic_gather %mul3A_136[%gather3A_232] in [0] : vector<16xf32>, vector<16xi32> -> vector<16xf32>
        %get3A_234 = arith.index_cast %mul3A_138 : i32 to index
        %get3A_235 = arith.constant 32 : index
        %get3A_236 = tpu.vector_load %arg19[%get3A_234, %get3A_235] {strides = array<i32>} : memref<128x128xf32, #tpu.memory_space<vmem>>, vector<16xf32>,
        %mul3A_237 = arith.mulf %gather3A_221, %get3A_236 : vector<16xf32>
        %add3A_238 = arith.addf %add3A_204, %mul3A_237 : vector<16xf32>
        %get3A_239 = arith.index_cast %add3A_140 : i32 to index
        %get3A_240 = arith.constant 32 : index
        %get3A_241 = tpu.vector_load %arg19[%get3A_239, %get3A_240] {strides = array<i32>} : memref<128x128xf32, #tpu.memory_space<vmem>>, vector<16xf32>,
        %mul3A_242 = arith.mulf %gather3A_233, %get3A_241 : vector<16xf32>
        %add3A_243 = arith.addf %add3A_209, %mul3A_242 : vector<16xf32>
        %broadcast_in_dim3A_244 = arith.constant 3 : i32
        %broadcast_in_dim3A_245 = vector.broadcast %broadcast_in_dim3A_244 : i32 to vector<16xi32>
        %lt3A_246 = arith.constant 0 : i32
        %lt3A_247 = vector.broadcast %lt3A_246 : i32 to vector<16xi32>
        %lt3A_248 = arith.cmpi slt, %broadcast_in_dim3A_245, %lt3A_247 : vector<16xi32>
        %add3A_249 = arith.constant 16 : i32
        %add3A_250 = vector.broadcast %add3A_249 : i32 to vector<16xi32>
        %add3A_251 = arith.addi %broadcast_in_dim3A_245, %add3A_250 : vector<16xi32>
        %select_n3A_252 = arith.select %lt3A_248, %add3A_251, %broadcast_in_dim3A_245 : vector<16xi1>, vector<16xi32>
        %reshape3A_253 = vector.shape_cast %select_n3A_252 : vector<16xi32> to vector<16x1xi32>
        %gather3A_254 = vector.shape_cast %reshape3A_253 : vector<16x1xi32> to vector<16xi32>
        %gather3A_255 = tpu.dynamic_gather %mul3A_136[%gather3A_254] in [0] : vector<16xf32>, vector<16xi32> -> vector<16xf32>
        %broadcast_in_dim3A_256 = arith.constant 11 : i32
        %broadcast_in_dim3A_257 = vector.broadcast %broadcast_in_dim3A_256 : i32 to vector<16xi32>
        %lt3A_258 = arith.constant 0 : i32
        %lt3A_259 = vector.broadcast %lt3A_258 : i32 to vector<16xi32>
        %lt3A_260 = arith.cmpi slt, %broadcast_in_dim3A_257, %lt3A_259 : vector<16xi32>
        %add3A_261 = arith.constant 16 : i32
        %add3A_262 = vector.broadcast %add3A_261 : i32 to vector<16xi32>
        %add3A_263 = arith.addi %broadcast_in_dim3A_257, %add3A_262 : vector<16xi32>
        %select_n3A_264 = arith.select %lt3A_260, %add3A_263, %broadcast_in_dim3A_257 : vector<16xi1>, vector<16xi32>
        %reshape3A_265 = vector.shape_cast %select_n3A_264 : vector<16xi32> to vector<16x1xi32>
        %gather3A_266 = vector.shape_cast %reshape3A_265 : vector<16x1xi32> to vector<16xi32>
        %gather3A_267 = tpu.dynamic_gather %mul3A_136[%gather3A_266] in [0] : vector<16xf32>, vector<16xi32> -> vector<16xf32>
        %get3A_268 = arith.index_cast %mul3A_138 : i32 to index
        %get3A_269 = arith.constant 48 : index
        %get3A_270 = tpu.vector_load %arg19[%get3A_268, %get3A_269] {strides = array<i32>} : memref<128x128xf32, #tpu.memory_space<vmem>>, vector<16xf32>,
        %mul3A_271 = arith.mulf %gather3A_255, %get3A_270 : vector<16xf32>
        %add3A_272 = arith.addf %add3A_238, %mul3A_271 : vector<16xf32>
        %get3A_273 = arith.index_cast %add3A_140 : i32 to index
        %get3A_274 = arith.constant 48 : index
        %get3A_275 = tpu.vector_load %arg19[%get3A_273, %get3A_274] {strides = array<i32>} : memref<128x128xf32, #tpu.memory_space<vmem>>, vector<16xf32>,
        %mul3A_276 = arith.mulf %gather3A_267, %get3A_275 : vector<16xf32>
        %add3A_277 = arith.addf %add3A_243, %mul3A_276 : vector<16xf32>
        %broadcast_in_dim3A_278 = arith.constant 4 : i32
        %broadcast_in_dim3A_279 = vector.broadcast %broadcast_in_dim3A_278 : i32 to vector<16xi32>
        %lt3A_280 = arith.constant 0 : i32
        %lt3A_281 = vector.broadcast %lt3A_280 : i32 to vector<16xi32>
        %lt3A_282 = arith.cmpi slt, %broadcast_in_dim3A_279, %lt3A_281 : vector<16xi32>
        %add3A_283 = arith.constant 16 : i32
        %add3A_284 = vector.broadcast %add3A_283 : i32 to vector<16xi32>
        %add3A_285 = arith.addi %broadcast_in_dim3A_279, %add3A_284 : vector<16xi32>
        %select_n3A_286 = arith.select %lt3A_282, %add3A_285, %broadcast_in_dim3A_279 : vector<16xi1>, vector<16xi32>
        %reshape3A_287 = vector.shape_cast %select_n3A_286 : vector<16xi32> to vector<16x1xi32>
        %gather3A_288 = vector.shape_cast %reshape3A_287 : vector<16x1xi32> to vector<16xi32>
        %gather3A_289 = tpu.dynamic_gather %mul3A_136[%gather3A_288] in [0] : vector<16xf32>, vector<16xi32> -> vector<16xf32>
        %broadcast_in_dim3A_290 = arith.constant 12 : i32
        %broadcast_in_dim3A_291 = vector.broadcast %broadcast_in_dim3A_290 : i32 to vector<16xi32>
        %lt3A_292 = arith.constant 0 : i32
        %lt3A_293 = vector.broadcast %lt3A_292 : i32 to vector<16xi32>
        %lt3A_294 = arith.cmpi slt, %broadcast_in_dim3A_291, %lt3A_293 : vector<16xi32>
        %add3A_295 = arith.constant 16 : i32
        %add3A_296 = vector.broadcast %add3A_295 : i32 to vector<16xi32>
        %add3A_297 = arith.addi %broadcast_in_dim3A_291, %add3A_296 : vector<16xi32>
        %select_n3A_298 = arith.select %lt3A_294, %add3A_297, %broadcast_in_dim3A_291 : vector<16xi1>, vector<16xi32>
        %reshape3A_299 = vector.shape_cast %select_n3A_298 : vector<16xi32> to vector<16x1xi32>
        %gather3A_300 = vector.shape_cast %reshape3A_299 : vector<16x1xi32> to vector<16xi32>
        %gather3A_301 = tpu.dynamic_gather %mul3A_136[%gather3A_300] in [0] : vector<16xf32>, vector<16xi32> -> vector<16xf32>
        %get3A_302 = arith.index_cast %mul3A_138 : i32 to index
        %get3A_303 = arith.constant 64 : index
        %get3A_304 = tpu.vector_load %arg19[%get3A_302, %get3A_303] {strides = array<i32>} : memref<128x128xf32, #tpu.memory_space<vmem>>, vector<16xf32>,
        %mul3A_305 = arith.mulf %gather3A_289, %get3A_304 : vector<16xf32>
        %add3A_306 = arith.addf %add3A_272, %mul3A_305 : vector<16xf32>
        %get3A_307 = arith.index_cast %add3A_140 : i32 to index
        %get3A_308 = arith.constant 64 : index
        %get3A_309 = tpu.vector_load %arg19[%get3A_307, %get3A_308] {strides = array<i32>} : memref<128x128xf32, #tpu.memory_space<vmem>>, vector<16xf32>,
        %mul3A_310 = arith.mulf %gather3A_301, %get3A_309 : vector<16xf32>
        %add3A_311 = arith.addf %add3A_277, %mul3A_310 : vector<16xf32>
        %broadcast_in_dim3A_312 = arith.constant 5 : i32
        %broadcast_in_dim3A_313 = vector.broadcast %broadcast_in_dim3A_312 : i32 to vector<16xi32>
        %lt3A_314 = arith.constant 0 : i32
        %lt3A_315 = vector.broadcast %lt3A_314 : i32 to vector<16xi32>
        %lt3A_316 = arith.cmpi slt, %broadcast_in_dim3A_313, %lt3A_315 : vector<16xi32>
        %add3A_317 = arith.constant 16 : i32
        %add3A_318 = vector.broadcast %add3A_317 : i32 to vector<16xi32>
        %add3A_319 = arith.addi %broadcast_in_dim3A_313, %add3A_318 : vector<16xi32>
        %select_n3A_320 = arith.select %lt3A_316, %add3A_319, %broadcast_in_dim3A_313 : vector<16xi1>, vector<16xi32>
        %reshape3A_321 = vector.shape_cast %select_n3A_320 : vector<16xi32> to vector<16x1xi32>
        %gather3A_322 = vector.shape_cast %reshape3A_321 : vector<16x1xi32> to vector<16xi32>
        %gather3A_323 = tpu.dynamic_gather %mul3A_136[%gather3A_322] in [0] : vector<16xf32>, vector<16xi32> -> vector<16xf32>
        %broadcast_in_dim3A_324 = arith.constant 13 : i32
        %broadcast_in_dim3A_325 = vector.broadcast %broadcast_in_dim3A_324 : i32 to vector<16xi32>
        %lt3A_326 = arith.constant 0 : i32
        %lt3A_327 = vector.broadcast %lt3A_326 : i32 to vector<16xi32>
        %lt3A_328 = arith.cmpi slt, %broadcast_in_dim3A_325, %lt3A_327 : vector<16xi32>
        %add3A_329 = arith.constant 16 : i32
        %add3A_330 = vector.broadcast %add3A_329 : i32 to vector<16xi32>
        %add3A_331 = arith.addi %broadcast_in_dim3A_325, %add3A_330 : vector<16xi32>
        %select_n3A_332 = arith.select %lt3A_328, %add3A_331, %broadcast_in_dim3A_325 : vector<16xi1>, vector<16xi32>
        %reshape3A_333 = vector.shape_cast %select_n3A_332 : vector<16xi32> to vector<16x1xi32>
        %gather3A_334 = vector.shape_cast %reshape3A_333 : vector<16x1xi32> to vector<16xi32>
        %gather3A_335 = tpu.dynamic_gather %mul3A_136[%gather3A_334] in [0] : vector<16xf32>, vector<16xi32> -> vector<16xf32>
        %get3A_336 = arith.index_cast %mul3A_138 : i32 to index
        %get3A_337 = arith.constant 80 : index
        %get3A_338 = tpu.vector_load %arg19[%get3A_336, %get3A_337] {strides = array<i32>} : memref<128x128xf32, #tpu.memory_space<vmem>>, vector<16xf32>,
        %mul3A_339 = arith.mulf %gather3A_323, %get3A_338 : vector<16xf32>
        %add3A_340 = arith.addf %add3A_306, %mul3A_339 : vector<16xf32>
        %get3A_341 = arith.index_cast %add3A_140 : i32 to index
        %get3A_342 = arith.constant 80 : index
        %get3A_343 = tpu.vector_load %arg19[%get3A_341, %get3A_342] {strides = array<i32>} : memref<128x128xf32, #tpu.memory_space<vmem>>, vector<16xf32>,
        %mul3A_344 = arith.mulf %gather3A_335, %get3A_343 : vector<16xf32>
        %add3A_345 = arith.addf %add3A_311, %mul3A_344 : vector<16xf32>
        %broadcast_in_dim3A_346 = arith.constant 6 : i32
        %broadcast_in_dim3A_347 = vector.broadcast %broadcast_in_dim3A_346 : i32 to vector<16xi32>
        %lt3A_348 = arith.constant 0 : i32
        %lt3A_349 = vector.broadcast %lt3A_348 : i32 to vector<16xi32>
        %lt3A_350 = arith.cmpi slt, %broadcast_in_dim3A_347, %lt3A_349 : vector<16xi32>
        %add3A_351 = arith.constant 16 : i32
        %add3A_352 = vector.broadcast %add3A_351 : i32 to vector<16xi32>
        %add3A_353 = arith.addi %broadcast_in_dim3A_347, %add3A_352 : vector<16xi32>
        %select_n3A_354 = arith.select %lt3A_350, %add3A_353, %broadcast_in_dim3A_347 : vector<16xi1>, vector<16xi32>
        %reshape3A_355 = vector.shape_cast %select_n3A_354 : vector<16xi32> to vector<16x1xi32>
        %gather3A_356 = vector.shape_cast %reshape3A_355 : vector<16x1xi32> to vector<16xi32>
        %gather3A_357 = tpu.dynamic_gather %mul3A_136[%gather3A_356] in [0] : vector<16xf32>, vector<16xi32> -> vector<16xf32>
        %broadcast_in_dim3A_358 = arith.constant 14 : i32
        %broadcast_in_dim3A_359 = vector.broadcast %broadcast_in_dim3A_358 : i32 to vector<16xi32>
        %lt3A_360 = arith.constant 0 : i32
        %lt3A_361 = vector.broadcast %lt3A_360 : i32 to vector<16xi32>
        %lt3A_362 = arith.cmpi slt, %broadcast_in_dim3A_359, %lt3A_361 : vector<16xi32>
        %add3A_363 = arith.constant 16 : i32
        %add3A_364 = vector.broadcast %add3A_363 : i32 to vector<16xi32>
        %add3A_365 = arith.addi %broadcast_in_dim3A_359, %add3A_364 : vector<16xi32>
        %select_n3A_366 = arith.select %lt3A_362, %add3A_365, %broadcast_in_dim3A_359 : vector<16xi1>, vector<16xi32>
        %reshape3A_367 = vector.shape_cast %select_n3A_366 : vector<16xi32> to vector<16x1xi32>
        %gather3A_368 = vector.shape_cast %reshape3A_367 : vector<16x1xi32> to vector<16xi32>
        %gather3A_369 = tpu.dynamic_gather %mul3A_136[%gather3A_368] in [0] : vector<16xf32>, vector<16xi32> -> vector<16xf32>
        %get3A_370 = arith.index_cast %mul3A_138 : i32 to index
        %get3A_371 = arith.constant 96 : index
        %get3A_372 = tpu.vector_load %arg19[%get3A_370, %get3A_371] {strides = array<i32>} : memref<128x128xf32, #tpu.memory_space<vmem>>, vector<16xf32>,
        %mul3A_373 = arith.mulf %gather3A_357, %get3A_372 : vector<16xf32>
        %add3A_374 = arith.addf %add3A_340, %mul3A_373 : vector<16xf32>
        %get3A_375 = arith.index_cast %add3A_140 : i32 to index
        %get3A_376 = arith.constant 96 : index
        %get3A_377 = tpu.vector_load %arg19[%get3A_375, %get3A_376] {strides = array<i32>} : memref<128x128xf32, #tpu.memory_space<vmem>>, vector<16xf32>,
        %mul3A_378 = arith.mulf %gather3A_369, %get3A_377 : vector<16xf32>
        %add3A_379 = arith.addf %add3A_345, %mul3A_378 : vector<16xf32>
        %broadcast_in_dim3A_380 = arith.constant 7 : i32
        %broadcast_in_dim3A_381 = vector.broadcast %broadcast_in_dim3A_380 : i32 to vector<16xi32>
        %lt3A_382 = arith.constant 0 : i32
        %lt3A_383 = vector.broadcast %lt3A_382 : i32 to vector<16xi32>
        %lt3A_384 = arith.cmpi slt, %broadcast_in_dim3A_381, %lt3A_383 : vector<16xi32>
        %add3A_385 = arith.constant 16 : i32
        %add3A_386 = vector.broadcast %add3A_385 : i32 to vector<16xi32>
        %add3A_387 = arith.addi %broadcast_in_dim3A_381, %add3A_386 : vector<16xi32>
        %select_n3A_388 = arith.select %lt3A_384, %add3A_387, %broadcast_in_dim3A_381 : vector<16xi1>, vector<16xi32>
        %reshape3A_389 = vector.shape_cast %select_n3A_388 : vector<16xi32> to vector<16x1xi32>
        %gather3A_390 = vector.shape_cast %reshape3A_389 : vector<16x1xi32> to vector<16xi32>
        %gather3A_391 = tpu.dynamic_gather %mul3A_136[%gather3A_390] in [0] : vector<16xf32>, vector<16xi32> -> vector<16xf32>
        %broadcast_in_dim3A_392 = arith.constant 15 : i32
        %broadcast_in_dim3A_393 = vector.broadcast %broadcast_in_dim3A_392 : i32 to vector<16xi32>
        %lt3A_394 = arith.constant 0 : i32
        %lt3A_395 = vector.broadcast %lt3A_394 : i32 to vector<16xi32>
        %lt3A_396 = arith.cmpi slt, %broadcast_in_dim3A_393, %lt3A_395 : vector<16xi32>
        %add3A_397 = arith.constant 16 : i32
        %add3A_398 = vector.broadcast %add3A_397 : i32 to vector<16xi32>
        %add3A_399 = arith.addi %broadcast_in_dim3A_393, %add3A_398 : vector<16xi32>
        %select_n3A_400 = arith.select %lt3A_396, %add3A_399, %broadcast_in_dim3A_393 : vector<16xi1>, vector<16xi32>
        %reshape3A_401 = vector.shape_cast %select_n3A_400 : vector<16xi32> to vector<16x1xi32>
        %gather3A_402 = vector.shape_cast %reshape3A_401 : vector<16x1xi32> to vector<16xi32>
        %gather3A_403 = tpu.dynamic_gather %mul3A_136[%gather3A_402] in [0] : vector<16xf32>, vector<16xi32> -> vector<16xf32>
        %get3A_404 = arith.index_cast %mul3A_138 : i32 to index
        %get3A_405 = arith.constant 112 : index
        %get3A_406 = tpu.vector_load %arg19[%get3A_404, %get3A_405] {strides = array<i32>} : memref<128x128xf32, #tpu.memory_space<vmem>>, vector<16xf32>,
        %mul3A_407 = arith.mulf %gather3A_391, %get3A_406 : vector<16xf32>
        %add3A_408 = arith.addf %add3A_374, %mul3A_407 : vector<16xf32>
        %get3A_409 = arith.index_cast %add3A_140 : i32 to index
        %get3A_410 = arith.constant 112 : index
        %get3A_411 = tpu.vector_load %arg19[%get3A_409, %get3A_410] {strides = array<i32>} : memref<128x128xf32, #tpu.memory_space<vmem>>, vector<16xf32>,
        %mul3A_412 = arith.mulf %gather3A_403, %get3A_411 : vector<16xf32>
        %add3A_413 = arith.addf %add3A_379, %mul3A_412 : vector<16xf32>
        %swap3A = arith.index_cast %mul3A_138 : i32 to index
        %swap3A_414 = arith.constant 0 : index
        %swap3A_415 = tpu.vector_load %arg22[%swap3A, %swap3A_414] {strides = array<i32>} : memref<128x16xf32, #tpu.memory_space<vmem>>, vector<16xf32>,
        tpu.vector_store %arg22[%swap3A, %swap3A_414], %add3A_408 {strides = array<i32>} : memref<128x16xf32, #tpu.memory_space<vmem>>, vector<16xf32>,
        %swap3A_416 = arith.index_cast %add3A_140 : i32 to index
        %swap3A_417 = arith.constant 0 : index
        %swap3A_418 = tpu.vector_load %arg22[%swap3A_416, %swap3A_417] {strides = array<i32>} : memref<128x16xf32, #tpu.memory_space<vmem>>, vector<16xf32>,
        tpu.vector_store %arg22[%swap3A_416, %swap3A_417], %add3A_413 {strides = array<i32>} : memref<128x16xf32, #tpu.memory_space<vmem>>, vector<16xf32>,
        %scan3A_419 = arith.constant 1 : i32
        %scan3A_420 = arith.addi %scan3A_130, %scan3A_419 : i32
        %mul3A_421 = arith.constant 2 : i32
        %mul3A_422 = arith.muli %mul3A_421, %scan3A_420 : i32
        %add3A_423 = vector.broadcast %mul3A_422 : i32 to vector<16xi32>
        %add3A_424 = arith.addi %add3A_423, %select_n3A : vector<16xi32>
        %gather3A_425 = tpu.vector_load_idx %arg20[%add3A_424, %rem3A_28] : memref<128x8xf32, #tpu.memory_space<vmem>>[vector<16xi32>, vector<16xi32>], vector<16xf32>,
        %gather3A_426 = tpu.vector_load_idx %arg21[%add3A_424, %rem3A_28] : memref<128x8xf32, #tpu.memory_space<vmem>>[vector<16xi32>, vector<16xi32>], vector<16xf32>,
        %mul3A_427 = arith.mulf %gather3A_425, %gather3A_426 : vector<16xf32>
        %mul3A_428 = arith.constant 2 : i32
        %mul3A_429 = arith.muli %mul3A_428, %scan3A_420 : i32
        %add3A_430 = arith.constant 1 : i32
        %add3A_431 = arith.addi %mul3A_429, %add3A_430 : i32
        %broadcast_in_dim3A_432 = arith.constant 0.000000e+00 : f32
        %broadcast_in_dim3A_433 = vector.broadcast %broadcast_in_dim3A_432 : f32 to vector<16xf32>
        %broadcast_in_dim3A_434 = arith.constant 0.000000e+00 : f32
        %broadcast_in_dim3A_435 = vector.broadcast %broadcast_in_dim3A_434 : f32 to vector<16xf32>
        %broadcast_in_dim3A_436 = arith.constant 0 : i32
        %broadcast_in_dim3A_437 = vector.broadcast %broadcast_in_dim3A_436 : i32 to vector<16xi32>
        %lt3A_438 = arith.constant 0 : i32
        %lt3A_439 = vector.broadcast %lt3A_438 : i32 to vector<16xi32>
        %lt3A_440 = arith.cmpi slt, %broadcast_in_dim3A_437, %lt3A_439 : vector<16xi32>
        %add3A_441 = arith.constant 16 : i32
        %add3A_442 = vector.broadcast %add3A_441 : i32 to vector<16xi32>
        %add3A_443 = arith.addi %broadcast_in_dim3A_437, %add3A_442 : vector<16xi32>
        %select_n3A_444 = arith.select %lt3A_440, %add3A_443, %broadcast_in_dim3A_437 : vector<16xi1>, vector<16xi32>
        %reshape3A_445 = vector.shape_cast %select_n3A_444 : vector<16xi32> to vector<16x1xi32>
        %gather3A_446 = vector.shape_cast %reshape3A_445 : vector<16x1xi32> to vector<16xi32>
        %gather3A_447 = tpu.dynamic_gather %mul3A_427[%gather3A_446] in [0] : vector<16xf32>, vector<16xi32> -> vector<16xf32>
        %broadcast_in_dim3A_448 = arith.constant 8 : i32
        %broadcast_in_dim3A_449 = vector.broadcast %broadcast_in_dim3A_448 : i32 to vector<16xi32>
        %lt3A_450 = arith.constant 0 : i32
        %lt3A_451 = vector.broadcast %lt3A_450 : i32 to vector<16xi32>
        %lt3A_452 = arith.cmpi slt, %broadcast_in_dim3A_449, %lt3A_451 : vector<16xi32>
        %add3A_453 = arith.constant 16 : i32
        %add3A_454 = vector.broadcast %add3A_453 : i32 to vector<16xi32>
        %add3A_455 = arith.addi %broadcast_in_dim3A_449, %add3A_454 : vector<16xi32>
        %select_n3A_456 = arith.select %lt3A_452, %add3A_455, %broadcast_in_dim3A_449 : vector<16xi1>, vector<16xi32>
        %reshape3A_457 = vector.shape_cast %select_n3A_456 : vector<16xi32> to vector<16x1xi32>
        %gather3A_458 = vector.shape_cast %reshape3A_457 : vector<16x1xi32> to vector<16xi32>
        %gather3A_459 = tpu.dynamic_gather %mul3A_427[%gather3A_458] in [0] : vector<16xf32>, vector<16xi32> -> vector<16xf32>
        %get3A_460 = arith.index_cast %mul3A_429 : i32 to index
        %get3A_461 = arith.constant 0 : index
        %get3A_462 = tpu.vector_load %arg19[%get3A_460, %get3A_461] {strides = array<i32>} : memref<128x128xf32, #tpu.memory_space<vmem>>, vector<16xf32>,
        %mul3A_463 = arith.mulf %gather3A_447, %get3A_462 : vector<16xf32>
        %add3A_464 = arith.addf %broadcast_in_dim3A_433, %mul3A_463 : vector<16xf32>
        %get3A_465 = arith.index_cast %add3A_431 : i32 to index
        %get3A_466 = arith.constant 0 : index
        %get3A_467 = tpu.vector_load %arg19[%get3A_465, %get3A_466] {strides = array<i32>} : memref<128x128xf32, #tpu.memory_space<vmem>>, vector<16xf32>,
        %mul3A_468 = arith.mulf %gather3A_459, %get3A_467 : vector<16xf32>
        %add3A_469 = arith.addf %broadcast_in_dim3A_435, %mul3A_468 : vector<16xf32>
        %broadcast_in_dim3A_470 = arith.constant 1 : i32
        %broadcast_in_dim3A_471 = vector.broadcast %broadcast_in_dim3A_470 : i32 to vector<16xi32>
        %lt3A_472 = arith.constant 0 : i32
        %lt3A_473 = vector.broadcast %lt3A_472 : i32 to vector<16xi32>
        %lt3A_474 = arith.cmpi slt, %broadcast_in_dim3A_471, %lt3A_473 : vector<16xi32>
        %add3A_475 = arith.constant 16 : i32
        %add3A_476 = vector.broadcast %add3A_475 : i32 to vector<16xi32>
        %add3A_477 = arith.addi %broadcast_in_dim3A_471, %add3A_476 : vector<16xi32>
        %select_n3A_478 = arith.select %lt3A_474, %add3A_477, %broadcast_in_dim3A_471 : vector<16xi1>, vector<16xi32>
        %reshape3A_479 = vector.shape_cast %select_n3A_478 : vector<16xi32> to vector<16x1xi32>
        %gather3A_480 = vector.shape_cast %reshape3A_479 : vector<16x1xi32> to vector<16xi32>
        %gather3A_481 = tpu.dynamic_gather %mul3A_427[%gather3A_480] in [0] : vector<16xf32>, vector<16xi32> -> vector<16xf32>
        %broadcast_in_dim3A_482 = arith.constant 9 : i32
        %broadcast_in_dim3A_483 = vector.broadcast %broadcast_in_dim3A_482 : i32 to vector<16xi32>
        %lt3A_484 = arith.constant 0 : i32
        %lt3A_485 = vector.broadcast %lt3A_484 : i32 to vector<16xi32>
        %lt3A_486 = arith.cmpi slt, %broadcast_in_dim3A_483, %lt3A_485 : vector<16xi32>
        %add3A_487 = arith.constant 16 : i32
        %add3A_488 = vector.broadcast %add3A_487 : i32 to vector<16xi32>
        %add3A_489 = arith.addi %broadcast_in_dim3A_483, %add3A_488 : vector<16xi32>
        %select_n3A_490 = arith.select %lt3A_486, %add3A_489, %broadcast_in_dim3A_483 : vector<16xi1>, vector<16xi32>
        %reshape3A_491 = vector.shape_cast %select_n3A_490 : vector<16xi32> to vector<16x1xi32>
        %gather3A_492 = vector.shape_cast %reshape3A_491 : vector<16x1xi32> to vector<16xi32>
        %gather3A_493 = tpu.dynamic_gather %mul3A_427[%gather3A_492] in [0] : vector<16xf32>, vector<16xi32> -> vector<16xf32>
        %get3A_494 = arith.index_cast %mul3A_429 : i32 to index
        %get3A_495 = arith.constant 16 : index
        %get3A_496 = tpu.vector_load %arg19[%get3A_494, %get3A_495] {strides = array<i32>} : memref<128x128xf32, #tpu.memory_space<vmem>>, vector<16xf32>,
        %mul3A_497 = arith.mulf %gather3A_481, %get3A_496 : vector<16xf32>
        %add3A_498 = arith.addf %add3A_464, %mul3A_497 : vector<16xf32>
        %get3A_499 = arith.index_cast %add3A_431 : i32 to index
        %get3A_500 = arith.constant 16 : index
        %get3A_501 = tpu.vector_load %arg19[%get3A_499, %get3A_500] {strides = array<i32>} : memref<128x128xf32, #tpu.memory_space<vmem>>, vector<16xf32>,
        %mul3A_502 = arith.mulf %gather3A_493, %get3A_501 : vector<16xf32>
        %add3A_503 = arith.addf %add3A_469, %mul3A_502 : vector<16xf32>
        %broadcast_in_dim3A_504 = arith.constant 2 : i32
        %broadcast_in_dim3A_505 = vector.broadcast %broadcast_in_dim3A_504 : i32 to vector<16xi32>
        %lt3A_506 = arith.constant 0 : i32
        %lt3A_507 = vector.broadcast %lt3A_506 : i32 to vector<16xi32>
        %lt3A_508 = arith.cmpi slt, %broadcast_in_dim3A_505, %lt3A_507 : vector<16xi32>
        %add3A_509 = arith.constant 16 : i32
        %add3A_510 = vector.broadcast %add3A_509 : i32 to vector<16xi32>
        %add3A_511 = arith.addi %broadcast_in_dim3A_505, %add3A_510 : vector<16xi32>
        %select_n3A_512 = arith.select %lt3A_508, %add3A_511, %broadcast_in_dim3A_505 : vector<16xi1>, vector<16xi32>
        %reshape3A_513 = vector.shape_cast %select_n3A_512 : vector<16xi32> to vector<16x1xi32>
        %gather3A_514 = vector.shape_cast %reshape3A_513 : vector<16x1xi32> to vector<16xi32>
        %gather3A_515 = tpu.dynamic_gather %mul3A_427[%gather3A_514] in [0] : vector<16xf32>, vector<16xi32> -> vector<16xf32>
        %broadcast_in_dim3A_516 = arith.constant 10 : i32
        %broadcast_in_dim3A_517 = vector.broadcast %broadcast_in_dim3A_516 : i32 to vector<16xi32>
        %lt3A_518 = arith.constant 0 : i32
        %lt3A_519 = vector.broadcast %lt3A_518 : i32 to vector<16xi32>
        %lt3A_520 = arith.cmpi slt, %broadcast_in_dim3A_517, %lt3A_519 : vector<16xi32>
        %add3A_521 = arith.constant 16 : i32
        %add3A_522 = vector.broadcast %add3A_521 : i32 to vector<16xi32>
        %add3A_523 = arith.addi %broadcast_in_dim3A_517, %add3A_522 : vector<16xi32>
        %select_n3A_524 = arith.select %lt3A_520, %add3A_523, %broadcast_in_dim3A_517 : vector<16xi1>, vector<16xi32>
        %reshape3A_525 = vector.shape_cast %select_n3A_524 : vector<16xi32> to vector<16x1xi32>
        %gather3A_526 = vector.shape_cast %reshape3A_525 : vector<16x1xi32> to vector<16xi32>
        %gather3A_527 = tpu.dynamic_gather %mul3A_427[%gather3A_526] in [0] : vector<16xf32>, vector<16xi32> -> vector<16xf32>
        %get3A_528 = arith.index_cast %mul3A_429 : i32 to index
        %get3A_529 = arith.constant 32 : index
        %get3A_530 = tpu.vector_load %arg19[%get3A_528, %get3A_529] {strides = array<i32>} : memref<128x128xf32, #tpu.memory_space<vmem>>, vector<16xf32>,
        %mul3A_531 = arith.mulf %gather3A_515, %get3A_530 : vector<16xf32>
        %add3A_532 = arith.addf %add3A_498, %mul3A_531 : vector<16xf32>
        %get3A_533 = arith.index_cast %add3A_431 : i32 to index
        %get3A_534 = arith.constant 32 : index
        %get3A_535 = tpu.vector_load %arg19[%get3A_533, %get3A_534] {strides = array<i32>} : memref<128x128xf32, #tpu.memory_space<vmem>>, vector<16xf32>,
        %mul3A_536 = arith.mulf %gather3A_527, %get3A_535 : vector<16xf32>
        %add3A_537 = arith.addf %add3A_503, %mul3A_536 : vector<16xf32>
        %broadcast_in_dim3A_538 = arith.constant 3 : i32
        %broadcast_in_dim3A_539 = vector.broadcast %broadcast_in_dim3A_538 : i32 to vector<16xi32>
        %lt3A_540 = arith.constant 0 : i32
        %lt3A_541 = vector.broadcast %lt3A_540 : i32 to vector<16xi32>
        %lt3A_542 = arith.cmpi slt, %broadcast_in_dim3A_539, %lt3A_541 : vector<16xi32>
        %add3A_543 = arith.constant 16 : i32
        %add3A_544 = vector.broadcast %add3A_543 : i32 to vector<16xi32>
        %add3A_545 = arith.addi %broadcast_in_dim3A_539, %add3A_544 : vector<16xi32>
        %select_n3A_546 = arith.select %lt3A_542, %add3A_545, %broadcast_in_dim3A_539 : vector<16xi1>, vector<16xi32>
        %reshape3A_547 = vector.shape_cast %select_n3A_546 : vector<16xi32> to vector<16x1xi32>
        %gather3A_548 = vector.shape_cast %reshape3A_547 : vector<16x1xi32> to vector<16xi32>
        %gather3A_549 = tpu.dynamic_gather %mul3A_427[%gather3A_548] in [0] : vector<16xf32>, vector<16xi32> -> vector<16xf32>
        %broadcast_in_dim3A_550 = arith.constant 11 : i32
        %broadcast_in_dim3A_551 = vector.broadcast %broadcast_in_dim3A_550 : i32 to vector<16xi32>
        %lt3A_552 = arith.constant 0 : i32
        %lt3A_553 = vector.broadcast %lt3A_552 : i32 to vector<16xi32>
        %lt3A_554 = arith.cmpi slt, %broadcast_in_dim3A_551, %lt3A_553 : vector<16xi32>
        %add3A_555 = arith.constant 16 : i32
        %add3A_556 = vector.broadcast %add3A_555 : i32 to vector<16xi32>
        %add3A_557 = arith.addi %broadcast_in_dim3A_551, %add3A_556 : vector<16xi32>
        %select_n3A_558 = arith.select %lt3A_554, %add3A_557, %broadcast_in_dim3A_551 : vector<16xi1>, vector<16xi32>
        %reshape3A_559 = vector.shape_cast %select_n3A_558 : vector<16xi32> to vector<16x1xi32>
        %gather3A_560 = vector.shape_cast %reshape3A_559 : vector<16x1xi32> to vector<16xi32>
        %gather3A_561 = tpu.dynamic_gather %mul3A_427[%gather3A_560] in [0] : vector<16xf32>, vector<16xi32> -> vector<16xf32>
        %get3A_562 = arith.index_cast %mul3A_429 : i32 to index
        %get3A_563 = arith.constant 48 : index
        %get3A_564 = tpu.vector_load %arg19[%get3A_562, %get3A_563] {strides = array<i32>} : memref<128x128xf32, #tpu.memory_space<vmem>>, vector<16xf32>,
        %mul3A_565 = arith.mulf %gather3A_549, %get3A_564 : vector<16xf32>
        %add3A_566 = arith.addf %add3A_532, %mul3A_565 : vector<16xf32>
        %get3A_567 = arith.index_cast %add3A_431 : i32 to index
        %get3A_568 = arith.constant 48 : index
        %get3A_569 = tpu.vector_load %arg19[%get3A_567, %get3A_568] {strides = array<i32>} : memref<128x128xf32, #tpu.memory_space<vmem>>, vector<16xf32>,
        %mul3A_570 = arith.mulf %gather3A_561, %get3A_569 : vector<16xf32>
        %add3A_571 = arith.addf %add3A_537, %mul3A_570 : vector<16xf32>
        %broadcast_in_dim3A_572 = arith.constant 4 : i32
        %broadcast_in_dim3A_573 = vector.broadcast %broadcast_in_dim3A_572 : i32 to vector<16xi32>
        %lt3A_574 = arith.constant 0 : i32
        %lt3A_575 = vector.broadcast %lt3A_574 : i32 to vector<16xi32>
        %lt3A_576 = arith.cmpi slt, %broadcast_in_dim3A_573, %lt3A_575 : vector<16xi32>
        %add3A_577 = arith.constant 16 : i32
        %add3A_578 = vector.broadcast %add3A_577 : i32 to vector<16xi32>
        %add3A_579 = arith.addi %broadcast_in_dim3A_573, %add3A_578 : vector<16xi32>
        %select_n3A_580 = arith.select %lt3A_576, %add3A_579, %broadcast_in_dim3A_573 : vector<16xi1>, vector<16xi32>
        %reshape3A_581 = vector.shape_cast %select_n3A_580 : vector<16xi32> to vector<16x1xi32>
        %gather3A_582 = vector.shape_cast %reshape3A_581 : vector<16x1xi32> to vector<16xi32>
        %gather3A_583 = tpu.dynamic_gather %mul3A_427[%gather3A_582] in [0] : vector<16xf32>, vector<16xi32> -> vector<16xf32>
        %broadcast_in_dim3A_584 = arith.constant 12 : i32
        %broadcast_in_dim3A_585 = vector.broadcast %broadcast_in_dim3A_584 : i32 to vector<16xi32>
        %lt3A_586 = arith.constant 0 : i32
        %lt3A_587 = vector.broadcast %lt3A_586 : i32 to vector<16xi32>
        %lt3A_588 = arith.cmpi slt, %broadcast_in_dim3A_585, %lt3A_587 : vector<16xi32>
        %add3A_589 = arith.constant 16 : i32
        %add3A_590 = vector.broadcast %add3A_589 : i32 to vector<16xi32>
        %add3A_591 = arith.addi %broadcast_in_dim3A_585, %add3A_590 : vector<16xi32>
        %select_n3A_592 = arith.select %lt3A_588, %add3A_591, %broadcast_in_dim3A_585 : vector<16xi1>, vector<16xi32>
        %reshape3A_593 = vector.shape_cast %select_n3A_592 : vector<16xi32> to vector<16x1xi32>
        %gather3A_594 = vector.shape_cast %reshape3A_593 : vector<16x1xi32> to vector<16xi32>
        %gather3A_595 = tpu.dynamic_gather %mul3A_427[%gather3A_594] in [0] : vector<16xf32>, vector<16xi32> -> vector<16xf32>
        %get3A_596 = arith.index_cast %mul3A_429 : i32 to index
        %get3A_597 = arith.constant 64 : index
        %get3A_598 = tpu.vector_load %arg19[%get3A_596, %get3A_597] {strides = array<i32>} : memref<128x128xf32, #tpu.memory_space<vmem>>, vector<16xf32>,
        %mul3A_599 = arith.mulf %gather3A_583, %get3A_598 : vector<16xf32>
        %add3A_600 = arith.addf %add3A_566, %mul3A_599 : vector<16xf32>
        %get3A_601 = arith.index_cast %add3A_431 : i32 to index
        %get3A_602 = arith.constant 64 : index
        %get3A_603 = tpu.vector_load %arg19[%get3A_601, %get3A_602] {strides = array<i32>} : memref<128x128xf32, #tpu.memory_space<vmem>>, vector<16xf32>,
        %mul3A_604 = arith.mulf %gather3A_595, %get3A_603 : vector<16xf32>
        %add3A_605 = arith.addf %add3A_571, %mul3A_604 : vector<16xf32>
        %broadcast_in_dim3A_606 = arith.constant 5 : i32
        %broadcast_in_dim3A_607 = vector.broadcast %broadcast_in_dim3A_606 : i32 to vector<16xi32>
        %lt3A_608 = arith.constant 0 : i32
        %lt3A_609 = vector.broadcast %lt3A_608 : i32 to vector<16xi32>
        %lt3A_610 = arith.cmpi slt, %broadcast_in_dim3A_607, %lt3A_609 : vector<16xi32>
        %add3A_611 = arith.constant 16 : i32
        %add3A_612 = vector.broadcast %add3A_611 : i32 to vector<16xi32>
        %add3A_613 = arith.addi %broadcast_in_dim3A_607, %add3A_612 : vector<16xi32>
        %select_n3A_614 = arith.select %lt3A_610, %add3A_613, %broadcast_in_dim3A_607 : vector<16xi1>, vector<16xi32>
        %reshape3A_615 = vector.shape_cast %select_n3A_614 : vector<16xi32> to vector<16x1xi32>
        %gather3A_616 = vector.shape_cast %reshape3A_615 : vector<16x1xi32> to vector<16xi32>
        %gather3A_617 = tpu.dynamic_gather %mul3A_427[%gather3A_616] in [0] : vector<16xf32>, vector<16xi32> -> vector<16xf32>
        %broadcast_in_dim3A_618 = arith.constant 13 : i32
        %broadcast_in_dim3A_619 = vector.broadcast %broadcast_in_dim3A_618 : i32 to vector<16xi32>
        %lt3A_620 = arith.constant 0 : i32
        %lt3A_621 = vector.broadcast %lt3A_620 : i32 to vector<16xi32>
        %lt3A_622 = arith.cmpi slt, %broadcast_in_dim3A_619, %lt3A_621 : vector<16xi32>
        %add3A_623 = arith.constant 16 : i32
        %add3A_624 = vector.broadcast %add3A_623 : i32 to vector<16xi32>
        %add3A_625 = arith.addi %broadcast_in_dim3A_619, %add3A_624 : vector<16xi32>
        %select_n3A_626 = arith.select %lt3A_622, %add3A_625, %broadcast_in_dim3A_619 : vector<16xi1>, vector<16xi32>
        %reshape3A_627 = vector.shape_cast %select_n3A_626 : vector<16xi32> to vector<16x1xi32>
        %gather3A_628 = vector.shape_cast %reshape3A_627 : vector<16x1xi32> to vector<16xi32>
        %gather3A_629 = tpu.dynamic_gather %mul3A_427[%gather3A_628] in [0] : vector<16xf32>, vector<16xi32> -> vector<16xf32>
        %get3A_630 = arith.index_cast %mul3A_429 : i32 to index
        %get3A_631 = arith.constant 80 : index
        %get3A_632 = tpu.vector_load %arg19[%get3A_630, %get3A_631] {strides = array<i32>} : memref<128x128xf32, #tpu.memory_space<vmem>>, vector<16xf32>,
        %mul3A_633 = arith.mulf %gather3A_617, %get3A_632 : vector<16xf32>
        %add3A_634 = arith.addf %add3A_600, %mul3A_633 : vector<16xf32>
        %get3A_635 = arith.index_cast %add3A_431 : i32 to index
        %get3A_636 = arith.constant 80 : index
        %get3A_637 = tpu.vector_load %arg19[%get3A_635, %get3A_636] {strides = array<i32>} : memref<128x128xf32, #tpu.memory_space<vmem>>, vector<16xf32>,
        %mul3A_638 = arith.mulf %gather3A_629, %get3A_637 : vector<16xf32>
        %add3A_639 = arith.addf %add3A_605, %mul3A_638 : vector<16xf32>
        %broadcast_in_dim3A_640 = arith.constant 6 : i32
        %broadcast_in_dim3A_641 = vector.broadcast %broadcast_in_dim3A_640 : i32 to vector<16xi32>
        %lt3A_642 = arith.constant 0 : i32
        %lt3A_643 = vector.broadcast %lt3A_642 : i32 to vector<16xi32>
        %lt3A_644 = arith.cmpi slt, %broadcast_in_dim3A_641, %lt3A_643 : vector<16xi32>
        %add3A_645 = arith.constant 16 : i32
        %add3A_646 = vector.broadcast %add3A_645 : i32 to vector<16xi32>
        %add3A_647 = arith.addi %broadcast_in_dim3A_641, %add3A_646 : vector<16xi32>
        %select_n3A_648 = arith.select %lt3A_644, %add3A_647, %broadcast_in_dim3A_641 : vector<16xi1>, vector<16xi32>
        %reshape3A_649 = vector.shape_cast %select_n3A_648 : vector<16xi32> to vector<16x1xi32>
        %gather3A_650 = vector.shape_cast %reshape3A_649 : vector<16x1xi32> to vector<16xi32>
        %gather3A_651 = tpu.dynamic_gather %mul3A_427[%gather3A_650] in [0] : vector<16xf32>, vector<16xi32> -> vector<16xf32>
        %broadcast_in_dim3A_652 = arith.constant 14 : i32
        %broadcast_in_dim3A_653 = vector.broadcast %broadcast_in_dim3A_652 : i32 to vector<16xi32>
        %lt3A_654 = arith.constant 0 : i32
        %lt3A_655 = vector.broadcast %lt3A_654 : i32 to vector<16xi32>
        %lt3A_656 = arith.cmpi slt, %broadcast_in_dim3A_653, %lt3A_655 : vector<16xi32>
        %add3A_657 = arith.constant 16 : i32
        %add3A_658 = vector.broadcast %add3A_657 : i32 to vector<16xi32>
        %add3A_659 = arith.addi %broadcast_in_dim3A_653, %add3A_658 : vector<16xi32>
        %select_n3A_660 = arith.select %lt3A_656, %add3A_659, %broadcast_in_dim3A_653 : vector<16xi1>, vector<16xi32>
        %reshape3A_661 = vector.shape_cast %select_n3A_660 : vector<16xi32> to vector<16x1xi32>
        %gather3A_662 = vector.shape_cast %reshape3A_661 : vector<16x1xi32> to vector<16xi32>
        %gather3A_663 = tpu.dynamic_gather %mul3A_427[%gather3A_662] in [0] : vector<16xf32>, vector<16xi32> -> vector<16xf32>
        %get3A_664 = arith.index_cast %mul3A_429 : i32 to index
        %get3A_665 = arith.constant 96 : index
        %get3A_666 = tpu.vector_load %arg19[%get3A_664, %get3A_665] {strides = array<i32>} : memref<128x128xf32, #tpu.memory_space<vmem>>, vector<16xf32>,
        %mul3A_667 = arith.mulf %gather3A_651, %get3A_666 : vector<16xf32>
        %add3A_668 = arith.addf %add3A_634, %mul3A_667 : vector<16xf32>
        %get3A_669 = arith.index_cast %add3A_431 : i32 to index
        %get3A_670 = arith.constant 96 : index
        %get3A_671 = tpu.vector_load %arg19[%get3A_669, %get3A_670] {strides = array<i32>} : memref<128x128xf32, #tpu.memory_space<vmem>>, vector<16xf32>,
        %mul3A_672 = arith.mulf %gather3A_663, %get3A_671 : vector<16xf32>
        %add3A_673 = arith.addf %add3A_639, %mul3A_672 : vector<16xf32>
        %broadcast_in_dim3A_674 = arith.constant 7 : i32
        %broadcast_in_dim3A_675 = vector.broadcast %broadcast_in_dim3A_674 : i32 to vector<16xi32>
        %lt3A_676 = arith.constant 0 : i32
        %lt3A_677 = vector.broadcast %lt3A_676 : i32 to vector<16xi32>
        %lt3A_678 = arith.cmpi slt, %broadcast_in_dim3A_675, %lt3A_677 : vector<16xi32>
        %add3A_679 = arith.constant 16 : i32
        %add3A_680 = vector.broadcast %add3A_679 : i32 to vector<16xi32>
        %add3A_681 = arith.addi %broadcast_in_dim3A_675, %add3A_680 : vector<16xi32>
        %select_n3A_682 = arith.select %lt3A_678, %add3A_681, %broadcast_in_dim3A_675 : vector<16xi1>, vector<16xi32>
        %reshape3A_683 = vector.shape_cast %select_n3A_682 : vector<16xi32> to vector<16x1xi32>
        %gather3A_684 = vector.shape_cast %reshape3A_683 : vector<16x1xi32> to vector<16xi32>
        %gather3A_685 = tpu.dynamic_gather %mul3A_427[%gather3A_684] in [0] : vector<16xf32>, vector<16xi32> -> vector<16xf32>
        %broadcast_in_dim3A_686 = arith.constant 15 : i32
        %broadcast_in_dim3A_687 = vector.broadcast %broadcast_in_dim3A_686 : i32 to vector<16xi32>
        %lt3A_688 = arith.constant 0 : i32
        %lt3A_689 = vector.broadcast %lt3A_688 : i32 to vector<16xi32>
        %lt3A_690 = arith.cmpi slt, %broadcast_in_dim3A_687, %lt3A_689 : vector<16xi32>
        %add3A_691 = arith.constant 16 : i32
        %add3A_692 = vector.broadcast %add3A_691 : i32 to vector<16xi32>
        %add3A_693 = arith.addi %broadcast_in_dim3A_687, %add3A_692 : vector<16xi32>
        %select_n3A_694 = arith.select %lt3A_690, %add3A_693, %broadcast_in_dim3A_687 : vector<16xi1>, vector<16xi32>
        %reshape3A_695 = vector.shape_cast %select_n3A_694 : vector<16xi32> to vector<16x1xi32>
        %gather3A_696 = vector.shape_cast %reshape3A_695 : vector<16x1xi32> to vector<16xi32>
        %gather3A_697 = tpu.dynamic_gather %mul3A_427[%gather3A_696] in [0] : vector<16xf32>, vector<16xi32> -> vector<16xf32>
        %get3A_698 = arith.index_cast %mul3A_429 : i32 to index
        %get3A_699 = arith.constant 112 : index
        %get3A_700 = tpu.vector_load %arg19[%get3A_698, %get3A_699] {strides = array<i32>} : memref<128x128xf32, #tpu.memory_space<vmem>>, vector<16xf32>,
        %mul3A_701 = arith.mulf %gather3A_685, %get3A_700 : vector<16xf32>
        %add3A_702 = arith.addf %add3A_668, %mul3A_701 : vector<16xf32>
        %get3A_703 = arith.index_cast %add3A_431 : i32 to index
        %get3A_704 = arith.constant 112 : index
        %get3A_705 = tpu.vector_load %arg19[%get3A_703, %get3A_704] {strides = array<i32>} : memref<128x128xf32, #tpu.memory_space<vmem>>, vector<16xf32>,
        %mul3A_706 = arith.mulf %gather3A_697, %get3A_705 : vector<16xf32>
        %add3A_707 = arith.addf %add3A_673, %mul3A_706 : vector<16xf32>
        %swap3A_708 = arith.index_cast %mul3A_429 : i32 to index
        %swap3A_709 = arith.constant 0 : index
        %swap3A_710 = tpu.vector_load %arg22[%swap3A_708, %swap3A_709] {strides = array<i32>} : memref<128x16xf32, #tpu.memory_space<vmem>>, vector<16xf32>,
        tpu.vector_store %arg22[%swap3A_708, %swap3A_709], %add3A_702 {strides = array<i32>} : memref<128x16xf32, #tpu.memory_space<vmem>>, vector<16xf32>,
        %swap3A_711 = arith.index_cast %add3A_431 : i32 to index
        %swap3A_712 = arith.constant 0 : index
        %swap3A_713 = tpu.vector_load %arg22[%swap3A_711, %swap3A_712] {strides = array<i32>} : memref<128x16xf32, #tpu.memory_space<vmem>>, vector<16xf32>,
        tpu.vector_store %arg22[%swap3A_711, %swap3A_712], %add3A_707 {strides = array<i32>} : memref<128x16xf32, #tpu.memory_space<vmem>>, vector<16xf32>,
      }
      %scan3A_129 = arith.constant 64 : i32
      "tpu.region"() ({
        %run_scoped3A = tpu.sem_alloc : memref<!tpu.dma_semaphore, #tpu.memory_space<semaphore_mem>>
        %dma_start3A_130 = arith.constant 0 : i32
        %dma_start3A_131 = arith.constant 0 : i32
        %dma_start3A_132 = tpu.memref_slice %arg25[%dma_start3A_130, %dma_start3A_131] : memref<10128x16xf32, #tpu.memory_space<vmem_shared>> -> memref<10128x16xf32, #tpu.memory_space<vmem_shared>>
        tpu.enqueue_indirect_dma source(%arg22 : memref<128x16xf32, #tpu.memory_space<vmem>>) target(%dma_start3A_132 : memref<10128x16xf32, #tpu.memory_space<vmem_shared>>) offsets(%arg18 : memref<128xi32, #tpu.memory_space<vmem>>) semaphore(%run_scoped3A : memref<!tpu.dma_semaphore, #tpu.memory_space<semaphore_mem>>) {add = true}
        %dma_wait3A_133 = arith.constant 0 : i32
        %dma_wait3A_134 = arith.constant 0 : i32
        %dma_wait3A_135 = tpu.memref_slice %arg25[%dma_wait3A_133, %dma_wait3A_134] : memref<10128x16xf32, #tpu.memory_space<vmem_shared>> -> memref<10128x16xf32, #tpu.memory_space<vmem_shared>>
        tpu.wait_indirect_dma semaphore(%run_scoped3A : memref<!tpu.dma_semaphore, #tpu.memory_space<semaphore_mem>>) src(%arg22 : memref<128x16xf32, #tpu.memory_space<vmem>>) dst(%dma_wait3A_135 : memref<10128x16xf32, #tpu.memory_space<vmem_shared>>)
        tpu.yield
      }) : () -> ()
    }
    %scan3A_48 = arith.constant 40 : i32
    %barrier3A_49 = arith.constant 0 : index
    tpu.barrier barrier_id(%barrier3A_49)
    %eq3A_50 = arith.constant 0 : i32
    %eq3A_51 = arith.cmpi eq, %arg1, %eq3A_50 : i32
    %convert_element_type3A_52 = arith.extui %eq3A_51 : i1 to i32
    %cond3A_53 = arith.constant 0 : i32
    %cond3A_54 = arith.cmpi ne, %convert_element_type3A_52, %cond3A_53 : i32
    scf.if %cond3A_54 {
      "tpu.region"() ({
        %run_scoped3A = tpu.sem_alloc : memref<!tpu.dma_semaphore, #tpu.memory_space<semaphore_mem>>
        %dma_start3A_55 = arith.constant 0 : i32
        %dma_start3A_56 = arith.constant 0 : i32
        %dma_start3A_57 = tpu.memref_slice %arg8[%arg0, %dma_start3A_55, %dma_start3A_56] : memref<2x10128x16xf32, #tpu.memory_space<hbm>> -> memref<1x10128x16xf32, #tpu.memory_space<hbm>>
        %dma_start3A_58 = tpu.memref_squeeze %dma_start3A_57 : memref<1x10128x16xf32, #tpu.memory_space<hbm>> -> memref<10128x16xf32, #tpu.memory_space<hbm>>
        tpu.enqueue_dma source(%arg25 : memref<10128x16xf32, #tpu.memory_space<vmem_shared>>) target(%dma_start3A_58 : memref<10128x16xf32, #tpu.memory_space<hbm>>) target_semaphore(%run_scoped3A : memref<!tpu.dma_semaphore, #tpu.memory_space<semaphore_mem>>)
        %dma_wait3A = arith.constant 0 : i32
        %dma_wait3A_59 = arith.constant 0 : i32
        %dma_wait3A_60 = tpu.memref_slice %arg8[%arg0, %dma_wait3A, %dma_wait3A_59] : memref<2x10128x16xf32, #tpu.memory_space<hbm>> -> memref<1x10128x16xf32, #tpu.memory_space<hbm>>
        %dma_wait3A_61 = tpu.memref_squeeze %dma_wait3A_60 : memref<1x10128x16xf32, #tpu.memory_space<hbm>> -> memref<10128x16xf32, #tpu.memory_space<hbm>>
        tpu.wait_dma2 semaphore(%run_scoped3A : memref<!tpu.dma_semaphore, #tpu.memory_space<semaphore_mem>>) src(%arg25 : memref<10128x16xf32, #tpu.memory_space<vmem_shared>>) dst(%dma_wait3A_61 : memref<10128x16xf32, #tpu.memory_space<hbm>>)
        tpu.yield
      }) : () -> ()
    } else {
    }
    return
  }
}

#map = affine_map<(d0, d1) -> (0, 0)>
#map1 = affine_map<(d0, d1) -> (0, 0, 0)>
module attributes {stable_mosaic.version = 14 : i64} {
  func.func @passA(%arg0: i32, %arg1: i32, %arg2: memref<2560x128xi32, #tpu.memory_space<hbm>>, %arg3: memref<2560x128xi32, #tpu.memory_space<hbm>>, %arg4: memref<10128x8xf32, #tpu.memory_space<hbm>>, %arg5: memref<10128x8xf32, #tpu.memory_space<hbm>>, %arg6: memref<10128x8xf32, #tpu.memory_space<hbm>>, %arg7: memref<2x10128x8xf32, #tpu.memory_space<hbm>>, %arg8: memref<2560x128x8xf32, #tpu.memory_space<hbm>>, %arg9: memref<128xi32, #tpu.memory_space<vmem>>, %arg10: memref<128xi32, #tpu.memory_space<vmem>>, %arg11: memref<128x8xf32, #tpu.memory_space<vmem>>, %arg12: memref<128x8xf32, #tpu.memory_space<vmem>>, %arg13: memref<128x8xf32, #tpu.memory_space<vmem>>, %arg14: memref<!tpu.dma_semaphore, #tpu.memory_space<semaphore_mem>>, %arg15: memref<!tpu.dma_semaphore, #tpu.memory_space<semaphore_mem>>, %arg16: memref<128xi32, #tpu.memory_space<vmem>>, %arg17: memref<128xi32, #tpu.memory_space<vmem>>, %arg18: memref<128x8xf32, #tpu.memory_space<vmem>>, %arg19: memref<128x8xf32, #tpu.memory_space<vmem>>, %arg20: memref<128x8xf32, #tpu.memory_space<vmem>>, %arg21: memref<!tpu.dma_semaphore, #tpu.memory_space<semaphore_mem>>, %arg22: memref<!tpu.dma_semaphore, #tpu.memory_space<semaphore_mem>>, %arg23: memref<10128x8xf32, #tpu.memory_space<vmem_shared>>) attributes {dimension_semantics = [#tpu.dimension_semantics<core_parallel>, #tpu.dimension_semantics<subcore_parallel>], iteration_bounds = array<i64: 2, 16>, scalar_prefetch = 0 : i64, scratch_operands = 15 : i64, tpu.core_type = #tpu.core_type<sc_vector_subcore>, window_params = [{transform_indices = #map}, {transform_indices = #map}, {transform_indices = #map}, {transform_indices = #map}, {transform_indices = #map}, {transform_indices = #map1}, {transform_indices = #map1}]} {
    %mul3A = arith.constant 2 : i32
    %mul3A_0 = arith.muli %arg1, %mul3A : i32
    %add3A = arith.addi %mul3A_0, %arg0 : i32
    %eq3A = arith.constant 0 : i32
    %eq3A_1 = arith.cmpi eq, %arg1, %eq3A : i32
    %convert_element_type3A = arith.extui %eq3A_1 : i1 to i32
    %cond3A = arith.constant 0 : i32
    %cond3A_2 = arith.cmpi ne, %convert_element_type3A, %cond3A : i32
    scf.if %cond3A_2 {
      "tpu.region"() ({
        %run_scoped3A = tpu.sem_alloc : memref<!tpu.dma_semaphore, #tpu.memory_space<semaphore_mem>>
        tpu.enqueue_dma source(%arg6 : memref<10128x8xf32, #tpu.memory_space<hbm>>) target(%arg23 : memref<10128x8xf32, #tpu.memory_space<vmem_shared>>) target_semaphore(%run_scoped3A : memref<!tpu.dma_semaphore, #tpu.memory_space<semaphore_mem>>)
        tpu.wait_dma2 semaphore(%run_scoped3A : memref<!tpu.dma_semaphore, #tpu.memory_space<semaphore_mem>>) src(%arg6 : memref<10128x8xf32, #tpu.memory_space<hbm>>) dst(%arg23 : memref<10128x8xf32, #tpu.memory_space<vmem_shared>>)
        tpu.yield
      }) : () -> ()
    } else {
    }
    %barrier3A = arith.constant 0 : index
    tpu.barrier barrier_id(%barrier3A)
    %iota3A = tpu.iota {dimensions = array<i32: 0>} : vector<16xi32>
    %jit3A = arith.constant 8 : i32
    %div3A = vector.broadcast %jit3A : i32 to vector<16xi32>
    %div3A_3 = arith.divsi %iota3A, %div3A : vector<16xi32>
    %sign3A = arith.constant 0 : i32
    %sign3A_4 = vector.broadcast %sign3A : i32 to vector<16xi32>
    %sign3A_5 = arith.cmpi sgt, %iota3A, %sign3A_4 : vector<16xi32>
    %sign3A_6 = arith.extui %sign3A_5 : vector<16xi1> to vector<16xi32>
    %sign3A_7 = arith.constant 0 : i32
    %sign3A_8 = vector.broadcast %sign3A_7 : i32 to vector<16xi32>
    %sign3A_9 = arith.cmpi slt, %iota3A, %sign3A_8 : vector<16xi32>
    %sign3A_10 = arith.extui %sign3A_9 : vector<16xi1> to vector<16xi32>
    %sign3A_11 = arith.subi %sign3A_6, %sign3A_10 : vector<16xi32>
    %sign3A_12 = arith.constant 0 : i32
    %sign3A_13 = arith.cmpi sgt, %jit3A, %sign3A_12 : i32
    %sign3A_14 = arith.extui %sign3A_13 : i1 to i32
    %sign3A_15 = arith.constant 0 : i32
    %sign3A_16 = arith.cmpi slt, %jit3A, %sign3A_15 : i32
    %sign3A_17 = arith.extui %sign3A_16 : i1 to i32
    %sign3A_18 = arith.subi %sign3A_14, %sign3A_17 : i32
    %ne3A = vector.broadcast %sign3A_18 : i32 to vector<16xi32>
    %ne3A_19 = arith.cmpi ne, %sign3A_11, %ne3A : vector<16xi32>
    %rem3A = vector.broadcast %jit3A : i32 to vector<16xi32>
    %rem3A_20 = arith.remsi %iota3A, %rem3A : vector<16xi32>
    %ne3A_21 = arith.constant 0 : i32
    %ne3A_22 = vector.broadcast %ne3A_21 : i32 to vector<16xi32>
    %ne3A_23 = arith.cmpi ne, %rem3A_20, %ne3A_22 : vector<16xi32>
    %and3A = arith.andi %ne3A_19, %ne3A_23 : vector<16xi1>
    %sub3A = arith.constant 1 : i32
    %sub3A_24 = vector.broadcast %sub3A : i32 to vector<16xi32>
    %sub3A_25 = arith.subi %div3A_3, %sub3A_24 : vector<16xi32>
    %select_n3A = arith.select %and3A, %sub3A_25, %div3A_3 : vector<16xi1>, vector<16xi32>
    %rem3A_26 = arith.constant 8 : i32
    %rem3A_27 = vector.broadcast %rem3A_26 : i32 to vector<16xi32>
    %rem3A_28 = arith.remsi %iota3A, %rem3A_27 : vector<16xi32>
    %add3A_29 = arith.constant 0 : i32
    %add3A_30 = arith.addi %add3A, %add3A_29 : i32
    "tpu.region"() ({
      %run_scoped3A = tpu.sem_alloc : memref<!tpu.dma_semaphore, #tpu.memory_space<semaphore_mem>>
      %dma_start3A_47 = arith.constant 0 : i32
      %dma_start3A_48 = tpu.memref_slice %arg2[%add3A_30, %dma_start3A_47] : memref<2560x128xi32, #tpu.memory_space<hbm>> -> memref<1x128xi32, #tpu.memory_space<hbm>>
      %dma_start3A_49 = tpu.memref_squeeze %dma_start3A_48 : memref<1x128xi32, #tpu.memory_space<hbm>> -> memref<128xi32, #tpu.memory_space<hbm>>
      %dma_start3A_50 = arith.constant 0 : i32
      %dma_start3A_51 = tpu.memref_slice %arg2[%add3A_30, %dma_start3A_50] : memref<2560x128xi32, #tpu.memory_space<hbm>> -> memref<1x128xi32, #tpu.memory_space<hbm>>
      %dma_start3A_52 = tpu.memref_squeeze %dma_start3A_51 : memref<1x128xi32, #tpu.memory_space<hbm>> -> memref<128xi32, #tpu.memory_space<hbm>>
      tpu.enqueue_dma source(%dma_start3A_52 : memref<128xi32, #tpu.memory_space<hbm>>) target(%arg9 : memref<128xi32, #tpu.memory_space<vmem>>) target_semaphore(%run_scoped3A : memref<!tpu.dma_semaphore, #tpu.memory_space<semaphore_mem>>)
      %dma_wait3A = arith.constant 0 : i32
      %dma_wait3A_53 = tpu.memref_slice %arg2[%add3A_30, %dma_wait3A] : memref<2560x128xi32, #tpu.memory_space<hbm>> -> memref<1x128xi32, #tpu.memory_space<hbm>>
      %dma_wait3A_54 = tpu.memref_squeeze %dma_wait3A_53 : memref<1x128xi32, #tpu.memory_space<hbm>> -> memref<128xi32, #tpu.memory_space<hbm>>
      %dma_wait3A_55 = arith.constant 0 : i32
      %dma_wait3A_56 = tpu.memref_slice %arg2[%add3A_30, %dma_wait3A_55] : memref<2560x128xi32, #tpu.memory_space<hbm>> -> memref<1x128xi32, #tpu.memory_space<hbm>>
      %dma_wait3A_57 = tpu.memref_squeeze %dma_wait3A_56 : memref<1x128xi32, #tpu.memory_space<hbm>> -> memref<128xi32, #tpu.memory_space<hbm>>
      tpu.wait_dma2 semaphore(%run_scoped3A : memref<!tpu.dma_semaphore, #tpu.memory_space<semaphore_mem>>) src(%dma_wait3A_57 : memref<128xi32, #tpu.memory_space<hbm>>) dst(%arg9 : memref<128xi32, #tpu.memory_space<vmem>>)
      tpu.yield
    }) : () -> ()
    "tpu.region"() ({
      %run_scoped3A = tpu.sem_alloc : memref<!tpu.dma_semaphore, #tpu.memory_space<semaphore_mem>>
      %dma_start3A_47 = arith.constant 0 : i32
      %dma_start3A_48 = tpu.memref_slice %arg3[%add3A_30, %dma_start3A_47] : memref<2560x128xi32, #tpu.memory_space<hbm>> -> memref<1x128xi32, #tpu.memory_space<hbm>>
      %dma_start3A_49 = tpu.memref_squeeze %dma_start3A_48 : memref<1x128xi32, #tpu.memory_space<hbm>> -> memref<128xi32, #tpu.memory_space<hbm>>
      %dma_start3A_50 = arith.constant 0 : i32
      %dma_start3A_51 = tpu.memref_slice %arg3[%add3A_30, %dma_start3A_50] : memref<2560x128xi32, #tpu.memory_space<hbm>> -> memref<1x128xi32, #tpu.memory_space<hbm>>
      %dma_start3A_52 = tpu.memref_squeeze %dma_start3A_51 : memref<1x128xi32, #tpu.memory_space<hbm>> -> memref<128xi32, #tpu.memory_space<hbm>>
      tpu.enqueue_dma source(%dma_start3A_52 : memref<128xi32, #tpu.memory_space<hbm>>) target(%arg10 : memref<128xi32, #tpu.memory_space<vmem>>) target_semaphore(%run_scoped3A : memref<!tpu.dma_semaphore, #tpu.memory_space<semaphore_mem>>)
      %dma_wait3A = arith.constant 0 : i32
      %dma_wait3A_53 = tpu.memref_slice %arg3[%add3A_30, %dma_wait3A] : memref<2560x128xi32, #tpu.memory_space<hbm>> -> memref<1x128xi32, #tpu.memory_space<hbm>>
      %dma_wait3A_54 = tpu.memref_squeeze %dma_wait3A_53 : memref<1x128xi32, #tpu.memory_space<hbm>> -> memref<128xi32, #tpu.memory_space<hbm>>
      %dma_wait3A_55 = arith.constant 0 : i32
      %dma_wait3A_56 = tpu.memref_slice %arg3[%add3A_30, %dma_wait3A_55] : memref<2560x128xi32, #tpu.memory_space<hbm>> -> memref<1x128xi32, #tpu.memory_space<hbm>>
      %dma_wait3A_57 = tpu.memref_squeeze %dma_wait3A_56 : memref<1x128xi32, #tpu.memory_space<hbm>> -> memref<128xi32, #tpu.memory_space<hbm>>
      tpu.wait_dma2 semaphore(%run_scoped3A : memref<!tpu.dma_semaphore, #tpu.memory_space<semaphore_mem>>) src(%dma_wait3A_57 : memref<128xi32, #tpu.memory_space<hbm>>) dst(%arg10 : memref<128xi32, #tpu.memory_space<vmem>>)
      tpu.yield
    }) : () -> ()
    %dma_start3A = arith.constant 0 : i32
    %dma_start3A_31 = arith.constant 0 : i32
    %dma_start3A_32 = tpu.memref_slice %arg4[%dma_start3A, %dma_start3A_31] : memref<10128x8xf32, #tpu.memory_space<hbm>> -> memref<10128x8xf32, #tpu.memory_space<hbm>>
    tpu.enqueue_indirect_dma source(%dma_start3A_32 : memref<10128x8xf32, #tpu.memory_space<hbm>>) target(%arg11 : memref<128x8xf32, #tpu.memory_space<vmem>>) offsets(%arg9 : memref<128xi32, #tpu.memory_space<vmem>>) semaphore(%arg14 : memref<!tpu.dma_semaphore, #tpu.memory_space<semaphore_mem>>)
    %dma_start3A_33 = arith.constant 0 : i32
    %dma_start3A_34 = arith.constant 0 : i32
    %dma_start3A_35 = tpu.memref_slice %arg5[%dma_start3A_33, %dma_start3A_34] : memref<10128x8xf32, #tpu.memory_space<hbm>> -> memref<10128x8xf32, #tpu.memory_space<hbm>>
    tpu.enqueue_indirect_dma source(%dma_start3A_35 : memref<10128x8xf32, #tpu.memory_space<hbm>>) target(%arg12 : memref<128x8xf32, #tpu.memory_space<vmem>>) offsets(%arg10 : memref<128xi32, #tpu.memory_space<vmem>>) semaphore(%arg14 : memref<!tpu.dma_semaphore, #tpu.memory_space<semaphore_mem>>)
    %scan3A = arith.constant 0 : i32
    %scan3A_36 = arith.constant 0 : i32
    %scan3A_37 = arith.constant 40 : i32
    %scan3A_38 = arith.addi %scan3A_36, %scan3A_37 : i32
    %scan3A_39 = arith.constant 1 : i32
    scf.for %scan3A_47 = %scan3A_36 to %scan3A_38 step %scan3A_39  : i32 {
      %mul3A_48 = arith.constant 2 : i32
      %mul3A_49 = arith.muli %mul3A_48, %scan3A_47 : i32
      %add3A_50 = arith.constant 1 : i32
      %add3A_51 = arith.addi %mul3A_49, %add3A_50 : i32
      %mul3A_52 = arith.constant 32 : i32
      %mul3A_53 = arith.muli %add3A_51, %mul3A_52 : i32
      %add3A_54 = arith.addi %add3A, %mul3A_53 : i32
      "tpu.region"() ({
        %run_scoped3A = tpu.sem_alloc : memref<!tpu.dma_semaphore, #tpu.memory_space<semaphore_mem>>
        %dma_start3A_98 = arith.constant 0 : i32
        %dma_start3A_99 = tpu.memref_slice %arg2[%add3A_54, %dma_start3A_98] : memref<2560x128xi32, #tpu.memory_space<hbm>> -> memref<1x128xi32, #tpu.memory_space<hbm>>
        %dma_start3A_100 = tpu.memref_squeeze %dma_start3A_99 : memref<1x128xi32, #tpu.memory_space<hbm>> -> memref<128xi32, #tpu.memory_space<hbm>>
        %dma_start3A_101 = arith.constant 0 : i32
        %dma_start3A_102 = tpu.memref_slice %arg2[%add3A_54, %dma_start3A_101] : memref<2560x128xi32, #tpu.memory_space<hbm>> -> memref<1x128xi32, #tpu.memory_space<hbm>>
        %dma_start3A_103 = tpu.memref_squeeze %dma_start3A_102 : memref<1x128xi32, #tpu.memory_space<hbm>> -> memref<128xi32, #tpu.memory_space<hbm>>
        tpu.enqueue_dma source(%dma_start3A_103 : memref<128xi32, #tpu.memory_space<hbm>>) target(%arg16 : memref<128xi32, #tpu.memory_space<vmem>>) target_semaphore(%run_scoped3A : memref<!tpu.dma_semaphore, #tpu.memory_space<semaphore_mem>>)
        %dma_wait3A_104 = arith.constant 0 : i32
        %dma_wait3A_105 = tpu.memref_slice %arg2[%add3A_54, %dma_wait3A_104] : memref<2560x128xi32, #tpu.memory_space<hbm>> -> memref<1x128xi32, #tpu.memory_space<hbm>>
        %dma_wait3A_106 = tpu.memref_squeeze %dma_wait3A_105 : memref<1x128xi32, #tpu.memory_space<hbm>> -> memref<128xi32, #tpu.memory_space<hbm>>
        %dma_wait3A_107 = arith.constant 0 : i32
        %dma_wait3A_108 = tpu.memref_slice %arg2[%add3A_54, %dma_wait3A_107] : memref<2560x128xi32, #tpu.memory_space<hbm>> -> memref<1x128xi32, #tpu.memory_space<hbm>>
        %dma_wait3A_109 = tpu.memref_squeeze %dma_wait3A_108 : memref<1x128xi32, #tpu.memory_space<hbm>> -> memref<128xi32, #tpu.memory_space<hbm>>
        tpu.wait_dma2 semaphore(%run_scoped3A : memref<!tpu.dma_semaphore, #tpu.memory_space<semaphore_mem>>) src(%dma_wait3A_109 : memref<128xi32, #tpu.memory_space<hbm>>) dst(%arg16 : memref<128xi32, #tpu.memory_space<vmem>>)
        tpu.yield
      }) : () -> ()
      "tpu.region"() ({
        %run_scoped3A = tpu.sem_alloc : memref<!tpu.dma_semaphore, #tpu.memory_space<semaphore_mem>>
        %dma_start3A_98 = arith.constant 0 : i32
        %dma_start3A_99 = tpu.memref_slice %arg3[%add3A_54, %dma_start3A_98] : memref<2560x128xi32, #tpu.memory_space<hbm>> -> memref<1x128xi32, #tpu.memory_space<hbm>>
        %dma_start3A_100 = tpu.memref_squeeze %dma_start3A_99 : memref<1x128xi32, #tpu.memory_space<hbm>> -> memref<128xi32, #tpu.memory_space<hbm>>
        %dma_start3A_101 = arith.constant 0 : i32
        %dma_start3A_102 = tpu.memref_slice %arg3[%add3A_54, %dma_start3A_101] : memref<2560x128xi32, #tpu.memory_space<hbm>> -> memref<1x128xi32, #tpu.memory_space<hbm>>
        %dma_start3A_103 = tpu.memref_squeeze %dma_start3A_102 : memref<1x128xi32, #tpu.memory_space<hbm>> -> memref<128xi32, #tpu.memory_space<hbm>>
        tpu.enqueue_dma source(%dma_start3A_103 : memref<128xi32, #tpu.memory_space<hbm>>) target(%arg17 : memref<128xi32, #tpu.memory_space<vmem>>) target_semaphore(%run_scoped3A : memref<!tpu.dma_semaphore, #tpu.memory_space<semaphore_mem>>)
        %dma_wait3A_104 = arith.constant 0 : i32
        %dma_wait3A_105 = tpu.memref_slice %arg3[%add3A_54, %dma_wait3A_104] : memref<2560x128xi32, #tpu.memory_space<hbm>> -> memref<1x128xi32, #tpu.memory_space<hbm>>
        %dma_wait3A_106 = tpu.memref_squeeze %dma_wait3A_105 : memref<1x128xi32, #tpu.memory_space<hbm>> -> memref<128xi32, #tpu.memory_space<hbm>>
        %dma_wait3A_107 = arith.constant 0 : i32
        %dma_wait3A_108 = tpu.memref_slice %arg3[%add3A_54, %dma_wait3A_107] : memref<2560x128xi32, #tpu.memory_space<hbm>> -> memref<1x128xi32, #tpu.memory_space<hbm>>
        %dma_wait3A_109 = tpu.memref_squeeze %dma_wait3A_108 : memref<1x128xi32, #tpu.memory_space<hbm>> -> memref<128xi32, #tpu.memory_space<hbm>>
        tpu.wait_dma2 semaphore(%run_scoped3A : memref<!tpu.dma_semaphore, #tpu.memory_space<semaphore_mem>>) src(%dma_wait3A_109 : memref<128xi32, #tpu.memory_space<hbm>>) dst(%arg17 : memref<128xi32, #tpu.memory_space<vmem>>)
        tpu.yield
      }) : () -> ()
      %dma_start3A_55 = arith.constant 0 : i32
      %dma_start3A_56 = arith.constant 0 : i32
      %dma_start3A_57 = tpu.memref_slice %arg4[%dma_start3A_55, %dma_start3A_56] : memref<10128x8xf32, #tpu.memory_space<hbm>> -> memref<10128x8xf32, #tpu.memory_space<hbm>>
      tpu.enqueue_indirect_dma source(%dma_start3A_57 : memref<10128x8xf32, #tpu.memory_space<hbm>>) target(%arg18 : memref<128x8xf32, #tpu.memory_space<vmem>>) offsets(%arg16 : memref<128xi32, #tpu.memory_space<vmem>>) semaphore(%arg21 : memref<!tpu.dma_semaphore, #tpu.memory_space<semaphore_mem>>)
      %dma_start3A_58 = arith.constant 0 : i32
      %dma_start3A_59 = arith.constant 0 : i32
      %dma_start3A_60 = tpu.memref_slice %arg5[%dma_start3A_58, %dma_start3A_59] : memref<10128x8xf32, #tpu.memory_space<hbm>> -> memref<10128x8xf32, #tpu.memory_space<hbm>>
      tpu.enqueue_indirect_dma source(%dma_start3A_60 : memref<10128x8xf32, #tpu.memory_space<hbm>>) target(%arg19 : memref<128x8xf32, #tpu.memory_space<vmem>>) offsets(%arg17 : memref<128xi32, #tpu.memory_space<vmem>>) semaphore(%arg21 : memref<!tpu.dma_semaphore, #tpu.memory_space<semaphore_mem>>)
      %mul3A_61 = arith.constant 32 : i32
      %mul3A_62 = arith.muli %mul3A_49, %mul3A_61 : i32
      %add3A_63 = arith.addi %add3A, %mul3A_62 : i32
      %dma_wait3A = arith.constant 0 : i32
      %dma_wait3A_64 = arith.constant 0 : i32
      %dma_wait3A_65 = tpu.memref_slice %arg4[%dma_wait3A, %dma_wait3A_64] : memref<10128x8xf32, #tpu.memory_space<hbm>> -> memref<10128x8xf32, #tpu.memory_space<hbm>>
      tpu.wait_indirect_dma semaphore(%arg14 : memref<!tpu.dma_semaphore, #tpu.memory_space<semaphore_mem>>) src(%dma_wait3A_65 : memref<10128x8xf32, #tpu.memory_space<hbm>>) dst(%arg11 : memref<128x8xf32, #tpu.memory_space<vmem>>)
      %dma_wait3A_66 = arith.constant 0 : i32
      %dma_wait3A_67 = arith.constant 0 : i32
      %dma_wait3A_68 = tpu.memref_slice %arg5[%dma_wait3A_66, %dma_wait3A_67] : memref<10128x8xf32, #tpu.memory_space<hbm>> -> memref<10128x8xf32, #tpu.memory_space<hbm>>
      tpu.wait_indirect_dma semaphore(%arg14 : memref<!tpu.dma_semaphore, #tpu.memory_space<semaphore_mem>>) src(%dma_wait3A_68 : memref<10128x8xf32, #tpu.memory_space<hbm>>) dst(%arg12 : memref<128x8xf32, #tpu.memory_space<vmem>>)
      %scan3A_69 = arith.constant 0 : i32
      %scan3A_70 = arith.constant 0 : i32
      %scan3A_71 = arith.constant 64 : i32
      %scan3A_72 = arith.addi %scan3A_70, %scan3A_71 : i32
      %scan3A_73 = arith.constant 8 : i32
      scf.for %scan3A_98 = %scan3A_70 to %scan3A_72 step %scan3A_73  : i32 {
        %mul3A_99 = arith.constant 2 : i32
        %mul3A_100 = arith.muli %mul3A_99, %scan3A_98 : i32
        %add3A_101 = vector.broadcast %mul3A_100 : i32 to vector<16xi32>
        %add3A_102 = arith.addi %add3A_101, %select_n3A : vector<16xi32>
        %gather3A = tpu.vector_load_idx %arg11[%add3A_102, %rem3A_28] : memref<128x8xf32, #tpu.memory_space<vmem>>[vector<16xi32>, vector<16xi32>], vector<16xf32>,
        %gather3A_103 = tpu.vector_load_idx %arg12[%add3A_102, %rem3A_28] : memref<128x8xf32, #tpu.memory_space<vmem>>[vector<16xi32>, vector<16xi32>], vector<16xf32>,
        %add3A_104 = arith.addf %gather3A, %gather3A_103 : vector<16xf32>
        %mul3A_105 = arith.constant 2.000000e-01 : f32
        %mul3A_106 = vector.broadcast %mul3A_105 : f32 to vector<16xf32>
        %mul3A_107 = arith.mulf %add3A_104, %mul3A_106 : vector<16xf32>
        %max3A = arith.maximumf %add3A_104, %mul3A_107 : vector<16xf32>
        %exp3A = math.exp %max3A : vector<16xf32>
        tpu.vector_store_idx %arg13[%add3A_102, %rem3A_28], %exp3A : memref<128x8xf32, #tpu.memory_space<vmem>>[vector<16xi32>, vector<16xi32>], vector<16xf32>,
        %scan3A_108 = arith.constant 1 : i32
        %scan3A_109 = arith.addi %scan3A_98, %scan3A_108 : i32
        %mul3A_110 = arith.constant 2 : i32
        %mul3A_111 = arith.muli %mul3A_110, %scan3A_109 : i32
        %add3A_112 = vector.broadcast %mul3A_111 : i32 to vector<16xi32>
        %add3A_113 = arith.addi %add3A_112, %select_n3A : vector<16xi32>
        %gather3A_114 = tpu.vector_load_idx %arg11[%add3A_113, %rem3A_28] : memref<128x8xf32, #tpu.memory_space<vmem>>[vector<16xi32>, vector<16xi32>], vector<16xf32>,
        %gather3A_115 = tpu.vector_load_idx %arg12[%add3A_113, %rem3A_28] : memref<128x8xf32, #tpu.memory_space<vmem>>[vector<16xi32>, vector<16xi32>], vector<16xf32>,
        %add3A_116 = arith.addf %gather3A_114, %gather3A_115 : vector<16xf32>
        %mul3A_117 = arith.constant 2.000000e-01 : f32
        %mul3A_118 = vector.broadcast %mul3A_117 : f32 to vector<16xf32>
        %mul3A_119 = arith.mulf %add3A_116, %mul3A_118 : vector<16xf32>
        %max3A_120 = arith.maximumf %add3A_116, %mul3A_119 : vector<16xf32>
        %exp3A_121 = math.exp %max3A_120 : vector<16xf32>
        tpu.vector_store_idx %arg13[%add3A_113, %rem3A_28], %exp3A_121 : memref<128x8xf32, #tpu.memory_space<vmem>>[vector<16xi32>, vector<16xi32>], vector<16xf32>,
        %scan3A_122 = arith.constant 2 : i32
        %scan3A_123 = arith.addi %scan3A_98, %scan3A_122 : i32
        %mul3A_124 = arith.constant 2 : i32
        %mul3A_125 = arith.muli %mul3A_124, %scan3A_123 : i32
        %add3A_126 = vector.broadcast %mul3A_125 : i32 to vector<16xi32>
        %add3A_127 = arith.addi %add3A_126, %select_n3A : vector<16xi32>
        %gather3A_128 = tpu.vector_load_idx %arg11[%add3A_127, %rem3A_28] : memref<128x8xf32, #tpu.memory_space<vmem>>[vector<16xi32>, vector<16xi32>], vector<16xf32>,
        %gather3A_129 = tpu.vector_load_idx %arg12[%add3A_127, %rem3A_28] : memref<128x8xf32, #tpu.memory_space<vmem>>[vector<16xi32>, vector<16xi32>], vector<16xf32>,
        %add3A_130 = arith.addf %gather3A_128, %gather3A_129 : vector<16xf32>
        %mul3A_131 = arith.constant 2.000000e-01 : f32
        %mul3A_132 = vector.broadcast %mul3A_131 : f32 to vector<16xf32>
        %mul3A_133 = arith.mulf %add3A_130, %mul3A_132 : vector<16xf32>
        %max3A_134 = arith.maximumf %add3A_130, %mul3A_133 : vector<16xf32>
        %exp3A_135 = math.exp %max3A_134 : vector<16xf32>
        tpu.vector_store_idx %arg13[%add3A_127, %rem3A_28], %exp3A_135 : memref<128x8xf32, #tpu.memory_space<vmem>>[vector<16xi32>, vector<16xi32>], vector<16xf32>,
        %scan3A_136 = arith.constant 3 : i32
        %scan3A_137 = arith.addi %scan3A_98, %scan3A_136 : i32
        %mul3A_138 = arith.constant 2 : i32
        %mul3A_139 = arith.muli %mul3A_138, %scan3A_137 : i32
        %add3A_140 = vector.broadcast %mul3A_139 : i32 to vector<16xi32>
        %add3A_141 = arith.addi %add3A_140, %select_n3A : vector<16xi32>
        %gather3A_142 = tpu.vector_load_idx %arg11[%add3A_141, %rem3A_28] : memref<128x8xf32, #tpu.memory_space<vmem>>[vector<16xi32>, vector<16xi32>], vector<16xf32>,
        %gather3A_143 = tpu.vector_load_idx %arg12[%add3A_141, %rem3A_28] : memref<128x8xf32, #tpu.memory_space<vmem>>[vector<16xi32>, vector<16xi32>], vector<16xf32>,
        %add3A_144 = arith.addf %gather3A_142, %gather3A_143 : vector<16xf32>
        %mul3A_145 = arith.constant 2.000000e-01 : f32
        %mul3A_146 = vector.broadcast %mul3A_145 : f32 to vector<16xf32>
        %mul3A_147 = arith.mulf %add3A_144, %mul3A_146 : vector<16xf32>
        %max3A_148 = arith.maximumf %add3A_144, %mul3A_147 : vector<16xf32>
        %exp3A_149 = math.exp %max3A_148 : vector<16xf32>
        tpu.vector_store_idx %arg13[%add3A_141, %rem3A_28], %exp3A_149 : memref<128x8xf32, #tpu.memory_space<vmem>>[vector<16xi32>, vector<16xi32>], vector<16xf32>,
        %scan3A_150 = arith.constant 4 : i32
        %scan3A_151 = arith.addi %scan3A_98, %scan3A_150 : i32
        %mul3A_152 = arith.constant 2 : i32
        %mul3A_153 = arith.muli %mul3A_152, %scan3A_151 : i32
        %add3A_154 = vector.broadcast %mul3A_153 : i32 to vector<16xi32>
        %add3A_155 = arith.addi %add3A_154, %select_n3A : vector<16xi32>
        %gather3A_156 = tpu.vector_load_idx %arg11[%add3A_155, %rem3A_28] : memref<128x8xf32, #tpu.memory_space<vmem>>[vector<16xi32>, vector<16xi32>], vector<16xf32>,
        %gather3A_157 = tpu.vector_load_idx %arg12[%add3A_155, %rem3A_28] : memref<128x8xf32, #tpu.memory_space<vmem>>[vector<16xi32>, vector<16xi32>], vector<16xf32>,
        %add3A_158 = arith.addf %gather3A_156, %gather3A_157 : vector<16xf32>
        %mul3A_159 = arith.constant 2.000000e-01 : f32
        %mul3A_160 = vector.broadcast %mul3A_159 : f32 to vector<16xf32>
        %mul3A_161 = arith.mulf %add3A_158, %mul3A_160 : vector<16xf32>
        %max3A_162 = arith.maximumf %add3A_158, %mul3A_161 : vector<16xf32>
        %exp3A_163 = math.exp %max3A_162 : vector<16xf32>
        tpu.vector_store_idx %arg13[%add3A_155, %rem3A_28], %exp3A_163 : memref<128x8xf32, #tpu.memory_space<vmem>>[vector<16xi32>, vector<16xi32>], vector<16xf32>,
        %scan3A_164 = arith.constant 5 : i32
        %scan3A_165 = arith.addi %scan3A_98, %scan3A_164 : i32
        %mul3A_166 = arith.constant 2 : i32
        %mul3A_167 = arith.muli %mul3A_166, %scan3A_165 : i32
        %add3A_168 = vector.broadcast %mul3A_167 : i32 to vector<16xi32>
        %add3A_169 = arith.addi %add3A_168, %select_n3A : vector<16xi32>
        %gather3A_170 = tpu.vector_load_idx %arg11[%add3A_169, %rem3A_28] : memref<128x8xf32, #tpu.memory_space<vmem>>[vector<16xi32>, vector<16xi32>], vector<16xf32>,
        %gather3A_171 = tpu.vector_load_idx %arg12[%add3A_169, %rem3A_28] : memref<128x8xf32, #tpu.memory_space<vmem>>[vector<16xi32>, vector<16xi32>], vector<16xf32>,
        %add3A_172 = arith.addf %gather3A_170, %gather3A_171 : vector<16xf32>
        %mul3A_173 = arith.constant 2.000000e-01 : f32
        %mul3A_174 = vector.broadcast %mul3A_173 : f32 to vector<16xf32>
        %mul3A_175 = arith.mulf %add3A_172, %mul3A_174 : vector<16xf32>
        %max3A_176 = arith.maximumf %add3A_172, %mul3A_175 : vector<16xf32>
        %exp3A_177 = math.exp %max3A_176 : vector<16xf32>
        tpu.vector_store_idx %arg13[%add3A_169, %rem3A_28], %exp3A_177 : memref<128x8xf32, #tpu.memory_space<vmem>>[vector<16xi32>, vector<16xi32>], vector<16xf32>,
        %scan3A_178 = arith.constant 6 : i32
        %scan3A_179 = arith.addi %scan3A_98, %scan3A_178 : i32
        %mul3A_180 = arith.constant 2 : i32
        %mul3A_181 = arith.muli %mul3A_180, %scan3A_179 : i32
        %add3A_182 = vector.broadcast %mul3A_181 : i32 to vector<16xi32>
        %add3A_183 = arith.addi %add3A_182, %select_n3A : vector<16xi32>
        %gather3A_184 = tpu.vector_load_idx %arg11[%add3A_183, %rem3A_28] : memref<128x8xf32, #tpu.memory_space<vmem>>[vector<16xi32>, vector<16xi32>], vector<16xf32>,
        %gather3A_185 = tpu.vector_load_idx %arg12[%add3A_183, %rem3A_28] : memref<128x8xf32, #tpu.memory_space<vmem>>[vector<16xi32>, vector<16xi32>], vector<16xf32>,
        %add3A_186 = arith.addf %gather3A_184, %gather3A_185 : vector<16xf32>
        %mul3A_187 = arith.constant 2.000000e-01 : f32
        %mul3A_188 = vector.broadcast %mul3A_187 : f32 to vector<16xf32>
        %mul3A_189 = arith.mulf %add3A_186, %mul3A_188 : vector<16xf32>
        %max3A_190 = arith.maximumf %add3A_186, %mul3A_189 : vector<16xf32>
        %exp3A_191 = math.exp %max3A_190 : vector<16xf32>
        tpu.vector_store_idx %arg13[%add3A_183, %rem3A_28], %exp3A_191 : memref<128x8xf32, #tpu.memory_space<vmem>>[vector<16xi32>, vector<16xi32>], vector<16xf32>,
        %scan3A_192 = arith.constant 7 : i32
        %scan3A_193 = arith.addi %scan3A_98, %scan3A_192 : i32
        %mul3A_194 = arith.constant 2 : i32
        %mul3A_195 = arith.muli %mul3A_194, %scan3A_193 : i32
        %add3A_196 = vector.broadcast %mul3A_195 : i32 to vector<16xi32>
        %add3A_197 = arith.addi %add3A_196, %select_n3A : vector<16xi32>
        %gather3A_198 = tpu.vector_load_idx %arg11[%add3A_197, %rem3A_28] : memref<128x8xf32, #tpu.memory_space<vmem>>[vector<16xi32>, vector<16xi32>], vector<16xf32>,
        %gather3A_199 = tpu.vector_load_idx %arg12[%add3A_197, %rem3A_28] : memref<128x8xf32, #tpu.memory_space<vmem>>[vector<16xi32>, vector<16xi32>], vector<16xf32>,
        %add3A_200 = arith.addf %gather3A_198, %gather3A_199 : vector<16xf32>
        %mul3A_201 = arith.constant 2.000000e-01 : f32
        %mul3A_202 = vector.broadcast %mul3A_201 : f32 to vector<16xf32>
        %mul3A_203 = arith.mulf %add3A_200, %mul3A_202 : vector<16xf32>
        %max3A_204 = arith.maximumf %add3A_200, %mul3A_203 : vector<16xf32>
        %exp3A_205 = math.exp %max3A_204 : vector<16xf32>
        tpu.vector_store_idx %arg13[%add3A_197, %rem3A_28], %exp3A_205 : memref<128x8xf32, #tpu.memory_space<vmem>>[vector<16xi32>, vector<16xi32>], vector<16xf32>,
      }
      %scan3A_74 = arith.constant 64 : i32
      "tpu.region"() ({
        %run_scoped3A = tpu.sem_alloc : memref<!tpu.dma_semaphore, #tpu.memory_space<semaphore_mem>>
        %dma_start3A_98 = arith.constant 0 : i32
        %dma_start3A_99 = arith.constant 0 : i32
        %dma_start3A_100 = tpu.memref_slice %arg23[%dma_start3A_98, %dma_start3A_99] : memref<10128x8xf32, #tpu.memory_space<vmem_shared>> -> memref<10128x8xf32, #tpu.memory_space<vmem_shared>>
        tpu.enqueue_indirect_dma source(%arg13 : memref<128x8xf32, #tpu.memory_space<vmem>>) target(%dma_start3A_100 : memref<10128x8xf32, #tpu.memory_space<vmem_shared>>) offsets(%arg10 : memref<128xi32, #tpu.memory_space<vmem>>) semaphore(%run_scoped3A : memref<!tpu.dma_semaphore, #tpu.memory_space<semaphore_mem>>) {add = true}
        %dma_wait3A_101 = arith.constant 0 : i32
        %dma_wait3A_102 = arith.constant 0 : i32
        %dma_wait3A_103 = tpu.memref_slice %arg23[%dma_wait3A_101, %dma_wait3A_102] : memref<10128x8xf32, #tpu.memory_space<vmem_shared>> -> memref<10128x8xf32, #tpu.memory_space<vmem_shared>>
        tpu.wait_indirect_dma semaphore(%run_scoped3A : memref<!tpu.dma_semaphore, #tpu.memory_space<semaphore_mem>>) src(%arg13 : memref<128x8xf32, #tpu.memory_space<vmem>>) dst(%dma_wait3A_103 : memref<10128x8xf32, #tpu.memory_space<vmem_shared>>)
        tpu.yield
      }) : () -> ()
      "tpu.region"() ({
        %run_scoped3A = tpu.sem_alloc : memref<!tpu.dma_semaphore, #tpu.memory_space<semaphore_mem>>
        %dma_start3A_98 = arith.constant 0 : i32
        %dma_start3A_99 = arith.constant 0 : i32
        %dma_start3A_100 = tpu.memref_slice %arg8[%add3A_63, %dma_start3A_98, %dma_start3A_99] : memref<2560x128x8xf32, #tpu.memory_space<hbm>> -> memref<1x128x8xf32, #tpu.memory_space<hbm>>
        %dma_start3A_101 = tpu.memref_squeeze %dma_start3A_100 : memref<1x128x8xf32, #tpu.memory_space<hbm>> -> memref<128x8xf32, #tpu.memory_space<hbm>>
        %dma_start3A_102 = arith.constant 0 : i32
        %dma_start3A_103 = arith.constant 0 : i32
        %dma_start3A_104 = tpu.memref_slice %arg8[%add3A_63, %dma_start3A_102, %dma_start3A_103] : memref<2560x128x8xf32, #tpu.memory_space<hbm>> -> memref<1x128x8xf32, #tpu.memory_space<hbm>>
        %dma_start3A_105 = tpu.memref_squeeze %dma_start3A_104 : memref<1x128x8xf32, #tpu.memory_space<hbm>> -> memref<128x8xf32, #tpu.memory_space<hbm>>
        tpu.enqueue_dma source(%arg13 : memref<128x8xf32, #tpu.memory_space<vmem>>) target(%dma_start3A_105 : memref<128x8xf32, #tpu.memory_space<hbm>>) target_semaphore(%run_scoped3A : memref<!tpu.dma_semaphore, #tpu.memory_space<semaphore_mem>>)
        %dma_wait3A_106 = arith.constant 0 : i32
        %dma_wait3A_107 = arith.constant 0 : i32
        %dma_wait3A_108 = tpu.memref_slice %arg8[%add3A_63, %dma_wait3A_106, %dma_wait3A_107] : memref<2560x128x8xf32, #tpu.memory_space<hbm>> -> memref<1x128x8xf32, #tpu.memory_space<hbm>>
        %dma_wait3A_109 = tpu.memref_squeeze %dma_wait3A_108 : memref<1x128x8xf32, #tpu.memory_space<hbm>> -> memref<128x8xf32, #tpu.memory_space<hbm>>
        %dma_wait3A_110 = arith.constant 0 : i32
        %dma_wait3A_111 = arith.constant 0 : i32
        %dma_wait3A_112 = tpu.memref_slice %arg8[%add3A_63, %dma_wait3A_110, %dma_wait3A_111] : memref<2560x128x8xf32, #tpu.memory_space<hbm>> -> memref<1x128x8xf32, #tpu.memory_space<hbm>>
        %dma_wait3A_113 = tpu.memref_squeeze %dma_wait3A_112 : memref<1x128x8xf32, #tpu.memory_space<hbm>> -> memref<128x8xf32, #tpu.memory_space<hbm>>
        tpu.wait_dma2 semaphore(%run_scoped3A : memref<!tpu.dma_semaphore, #tpu.memory_space<semaphore_mem>>) src(%arg13 : memref<128x8xf32, #tpu.memory_space<vmem>>) dst(%dma_wait3A_113 : memref<128x8xf32, #tpu.memory_space<hbm>>)
        tpu.yield
      }) : () -> ()
      %add3A_75 = arith.constant 2 : i32
      %add3A_76 = arith.addi %mul3A_49, %add3A_75 : i32
      %lt3A = arith.constant 80 : i32
      %lt3A_77 = arith.cmpi slt, %add3A_76, %lt3A : i32
      %convert_element_type3A_78 = arith.extui %lt3A_77 : i1 to i32
      %cond3A_79 = arith.constant 0 : i32
      %cond3A_80 = arith.cmpi ne, %convert_element_type3A_78, %cond3A_79 : i32
      scf.if %cond3A_80 {
        %add3A_98 = arith.constant 2 : i32
        %add3A_99 = arith.addi %mul3A_49, %add3A_98 : i32
        %mul3A_100 = arith.constant 32 : i32
        %mul3A_101 = arith.muli %add3A_99, %mul3A_100 : i32
        %add3A_102 = arith.addi %add3A, %mul3A_101 : i32
        "tpu.region"() ({
          %run_scoped3A = tpu.sem_alloc : memref<!tpu.dma_semaphore, #tpu.memory_space<semaphore_mem>>
          %dma_start3A_109 = arith.constant 0 : i32
          %dma_start3A_110 = tpu.memref_slice %arg2[%add3A_102, %dma_start3A_109] : memref<2560x128xi32, #tpu.memory_space<hbm>> -> memref<1x128xi32, #tpu.memory_space<hbm>>
          %dma_start3A_111 = tpu.memref_squeeze %dma_start3A_110 : memref<1x128xi32, #tpu.memory_space<hbm>> -> memref<128xi32, #tpu.memory_space<hbm>>
          %dma_start3A_112 = arith.constant 0 : i32
          %dma_start3A_113 = tpu.memref_slice %arg2[%add3A_102, %dma_start3A_112] : memref<2560x128xi32, #tpu.memory_space<hbm>> -> memref<1x128xi32, #tpu.memory_space<hbm>>
          %dma_start3A_114 = tpu.memref_squeeze %dma_start3A_113 : memref<1x128xi32, #tpu.memory_space<hbm>> -> memref<128xi32, #tpu.memory_space<hbm>>
          tpu.enqueue_dma source(%dma_start3A_114 : memref<128xi32, #tpu.memory_space<hbm>>) target(%arg9 : memref<128xi32, #tpu.memory_space<vmem>>) target_semaphore(%run_scoped3A : memref<!tpu.dma_semaphore, #tpu.memory_space<semaphore_mem>>)
          %dma_wait3A_115 = arith.constant 0 : i32
          %dma_wait3A_116 = tpu.memref_slice %arg2[%add3A_102, %dma_wait3A_115] : memref<2560x128xi32, #tpu.memory_space<hbm>> -> memref<1x128xi32, #tpu.memory_space<hbm>>
          %dma_wait3A_117 = tpu.memref_squeeze %dma_wait3A_116 : memref<1x128xi32, #tpu.memory_space<hbm>> -> memref<128xi32, #tpu.memory_space<hbm>>
          %dma_wait3A_118 = arith.constant 0 : i32
          %dma_wait3A_119 = tpu.memref_slice %arg2[%add3A_102, %dma_wait3A_118] : memref<2560x128xi32, #tpu.memory_space<hbm>> -> memref<1x128xi32, #tpu.memory_space<hbm>>
          %dma_wait3A_120 = tpu.memref_squeeze %dma_wait3A_119 : memref<1x128xi32, #tpu.memory_space<hbm>> -> memref<128xi32, #tpu.memory_space<hbm>>
          tpu.wait_dma2 semaphore(%run_scoped3A : memref<!tpu.dma_semaphore, #tpu.memory_space<semaphore_mem>>) src(%dma_wait3A_120 : memref<128xi32, #tpu.memory_space<hbm>>) dst(%arg9 : memref<128xi32, #tpu.memory_space<vmem>>)
          tpu.yield
        }) : () -> ()
        "tpu.region"() ({
          %run_scoped3A = tpu.sem_alloc : memref<!tpu.dma_semaphore, #tpu.memory_space<semaphore_mem>>
          %dma_start3A_109 = arith.constant 0 : i32
          %dma_start3A_110 = tpu.memref_slice %arg3[%add3A_102, %dma_start3A_109] : memref<2560x128xi32, #tpu.memory_space<hbm>> -> memref<1x128xi32, #tpu.memory_space<hbm>>
          %dma_start3A_111 = tpu.memref_squeeze %dma_start3A_110 : memref<1x128xi32, #tpu.memory_space<hbm>> -> memref<128xi32, #tpu.memory_space<hbm>>
          %dma_start3A_112 = arith.constant 0 : i32
          %dma_start3A_113 = tpu.memref_slice %arg3[%add3A_102, %dma_start3A_112] : memref<2560x128xi32, #tpu.memory_space<hbm>> -> memref<1x128xi32, #tpu.memory_space<hbm>>
          %dma_start3A_114 = tpu.memref_squeeze %dma_start3A_113 : memref<1x128xi32, #tpu.memory_space<hbm>> -> memref<128xi32, #tpu.memory_space<hbm>>
          tpu.enqueue_dma source(%dma_start3A_114 : memref<128xi32, #tpu.memory_space<hbm>>) target(%arg10 : memref<128xi32, #tpu.memory_space<vmem>>) target_semaphore(%run_scoped3A : memref<!tpu.dma_semaphore, #tpu.memory_space<semaphore_mem>>)
          %dma_wait3A_115 = arith.constant 0 : i32
          %dma_wait3A_116 = tpu.memref_slice %arg3[%add3A_102, %dma_wait3A_115] : memref<2560x128xi32, #tpu.memory_space<hbm>> -> memref<1x128xi32, #tpu.memory_space<hbm>>
          %dma_wait3A_117 = tpu.memref_squeeze %dma_wait3A_116 : memref<1x128xi32, #tpu.memory_space<hbm>> -> memref<128xi32, #tpu.memory_space<hbm>>
          %dma_wait3A_118 = arith.constant 0 : i32
          %dma_wait3A_119 = tpu.memref_slice %arg3[%add3A_102, %dma_wait3A_118] : memref<2560x128xi32, #tpu.memory_space<hbm>> -> memref<1x128xi32, #tpu.memory_space<hbm>>
          %dma_wait3A_120 = tpu.memref_squeeze %dma_wait3A_119 : memref<1x128xi32, #tpu.memory_space<hbm>> -> memref<128xi32, #tpu.memory_space<hbm>>
          tpu.wait_dma2 semaphore(%run_scoped3A : memref<!tpu.dma_semaphore, #tpu.memory_space<semaphore_mem>>) src(%dma_wait3A_120 : memref<128xi32, #tpu.memory_space<hbm>>) dst(%arg10 : memref<128xi32, #tpu.memory_space<vmem>>)
          tpu.yield
        }) : () -> ()
        %dma_start3A_103 = arith.constant 0 : i32
        %dma_start3A_104 = arith.constant 0 : i32
        %dma_start3A_105 = tpu.memref_slice %arg4[%dma_start3A_103, %dma_start3A_104] : memref<10128x8xf32, #tpu.memory_space<hbm>> -> memref<10128x8xf32, #tpu.memory_space<hbm>>
        tpu.enqueue_indirect_dma source(%dma_start3A_105 : memref<10128x8xf32, #tpu.memory_space<hbm>>) target(%arg11 : memref<128x8xf32, #tpu.memory_space<vmem>>) offsets(%arg9 : memref<128xi32, #tpu.memory_space<vmem>>) semaphore(%arg14 : memref<!tpu.dma_semaphore, #tpu.memory_space<semaphore_mem>>)
        %dma_start3A_106 = arith.constant 0 : i32
        %dma_start3A_107 = arith.constant 0 : i32
        %dma_start3A_108 = tpu.memref_slice %arg5[%dma_start3A_106, %dma_start3A_107] : memref<10128x8xf32, #tpu.memory_space<hbm>> -> memref<10128x8xf32, #tpu.memory_space<hbm>>
        tpu.enqueue_indirect_dma source(%dma_start3A_108 : memref<10128x8xf32, #tpu.memory_space<hbm>>) target(%arg12 : memref<128x8xf32, #tpu.memory_space<vmem>>) offsets(%arg10 : memref<128xi32, #tpu.memory_space<vmem>>) semaphore(%arg14 : memref<!tpu.dma_semaphore, #tpu.memory_space<semaphore_mem>>)
      } else {
      }
      %add3A_81 = arith.constant 1 : i32
      %add3A_82 = arith.addi %mul3A_49, %add3A_81 : i32
      %mul3A_83 = arith.constant 32 : i32
      %mul3A_84 = arith.muli %add3A_82, %mul3A_83 : i32
      %add3A_85 = arith.addi %add3A, %mul3A_84 : i32
      %dma_wait3A_86 = arith.constant 0 : i32
      %dma_wait3A_87 = arith.constant 0 : i32
      %dma_wait3A_88 = tpu.memref_slice %arg4[%dma_wait3A_86, %dma_wait3A_87] : memref<10128x8xf32, #tpu.memory_space<hbm>> -> memref<10128x8xf32, #tpu.memory_space<hbm>>
      tpu.wait_indirect_dma semaphore(%arg21 : memref<!tpu.dma_semaphore, #tpu.memory_space<semaphore_mem>>) src(%dma_wait3A_88 : memref<10128x8xf32, #tpu.memory_space<hbm>>) dst(%arg18 : memref<128x8xf32, #tpu.memory_space<vmem>>)
      %dma_wait3A_89 = arith.constant 0 : i32
      %dma_wait3A_90 = arith.constant 0 : i32
      %dma_wait3A_91 = tpu.memref_slice %arg5[%dma_wait3A_89, %dma_wait3A_90] : memref<10128x8xf32, #tpu.memory_space<hbm>> -> memref<10128x8xf32, #tpu.memory_space<hbm>>
      tpu.wait_indirect_dma semaphore(%arg21 : memref<!tpu.dma_semaphore, #tpu.memory_space<semaphore_mem>>) src(%dma_wait3A_91 : memref<10128x8xf32, #tpu.memory_space<hbm>>) dst(%arg19 : memref<128x8xf32, #tpu.memory_space<vmem>>)
      %scan3A_92 = arith.constant 0 : i32
      %scan3A_93 = arith.constant 0 : i32
      %scan3A_94 = arith.constant 64 : i32
      %scan3A_95 = arith.addi %scan3A_93, %scan3A_94 : i32
      %scan3A_96 = arith.constant 8 : i32
      scf.for %scan3A_98 = %scan3A_93 to %scan3A_95 step %scan3A_96  : i32 {
        %mul3A_99 = arith.constant 2 : i32
        %mul3A_100 = arith.muli %mul3A_99, %scan3A_98 : i32
        %add3A_101 = vector.broadcast %mul3A_100 : i32 to vector<16xi32>
        %add3A_102 = arith.addi %add3A_101, %select_n3A : vector<16xi32>
        %gather3A = tpu.vector_load_idx %arg18[%add3A_102, %rem3A_28] : memref<128x8xf32, #tpu.memory_space<vmem>>[vector<16xi32>, vector<16xi32>], vector<16xf32>,
        %gather3A_103 = tpu.vector_load_idx %arg19[%add3A_102, %rem3A_28] : memref<128x8xf32, #tpu.memory_space<vmem>>[vector<16xi32>, vector<16xi32>], vector<16xf32>,
        %add3A_104 = arith.addf %gather3A, %gather3A_103 : vector<16xf32>
        %mul3A_105 = arith.constant 2.000000e-01 : f32
        %mul3A_106 = vector.broadcast %mul3A_105 : f32 to vector<16xf32>
        %mul3A_107 = arith.mulf %add3A_104, %mul3A_106 : vector<16xf32>
        %max3A = arith.maximumf %add3A_104, %mul3A_107 : vector<16xf32>
        %exp3A = math.exp %max3A : vector<16xf32>
        tpu.vector_store_idx %arg20[%add3A_102, %rem3A_28], %exp3A : memref<128x8xf32, #tpu.memory_space<vmem>>[vector<16xi32>, vector<16xi32>], vector<16xf32>,
        %scan3A_108 = arith.constant 1 : i32
        %scan3A_109 = arith.addi %scan3A_98, %scan3A_108 : i32
        %mul3A_110 = arith.constant 2 : i32
        %mul3A_111 = arith.muli %mul3A_110, %scan3A_109 : i32
        %add3A_112 = vector.broadcast %mul3A_111 : i32 to vector<16xi32>
        %add3A_113 = arith.addi %add3A_112, %select_n3A : vector<16xi32>
        %gather3A_114 = tpu.vector_load_idx %arg18[%add3A_113, %rem3A_28] : memref<128x8xf32, #tpu.memory_space<vmem>>[vector<16xi32>, vector<16xi32>], vector<16xf32>,
        %gather3A_115 = tpu.vector_load_idx %arg19[%add3A_113, %rem3A_28] : memref<128x8xf32, #tpu.memory_space<vmem>>[vector<16xi32>, vector<16xi32>], vector<16xf32>,
        %add3A_116 = arith.addf %gather3A_114, %gather3A_115 : vector<16xf32>
        %mul3A_117 = arith.constant 2.000000e-01 : f32
        %mul3A_118 = vector.broadcast %mul3A_117 : f32 to vector<16xf32>
        %mul3A_119 = arith.mulf %add3A_116, %mul3A_118 : vector<16xf32>
        %max3A_120 = arith.maximumf %add3A_116, %mul3A_119 : vector<16xf32>
        %exp3A_121 = math.exp %max3A_120 : vector<16xf32>
        tpu.vector_store_idx %arg20[%add3A_113, %rem3A_28], %exp3A_121 : memref<128x8xf32, #tpu.memory_space<vmem>>[vector<16xi32>, vector<16xi32>], vector<16xf32>,
        %scan3A_122 = arith.constant 2 : i32
        %scan3A_123 = arith.addi %scan3A_98, %scan3A_122 : i32
        %mul3A_124 = arith.constant 2 : i32
        %mul3A_125 = arith.muli %mul3A_124, %scan3A_123 : i32
        %add3A_126 = vector.broadcast %mul3A_125 : i32 to vector<16xi32>
        %add3A_127 = arith.addi %add3A_126, %select_n3A : vector<16xi32>
        %gather3A_128 = tpu.vector_load_idx %arg18[%add3A_127, %rem3A_28] : memref<128x8xf32, #tpu.memory_space<vmem>>[vector<16xi32>, vector<16xi32>], vector<16xf32>,
        %gather3A_129 = tpu.vector_load_idx %arg19[%add3A_127, %rem3A_28] : memref<128x8xf32, #tpu.memory_space<vmem>>[vector<16xi32>, vector<16xi32>], vector<16xf32>,
        %add3A_130 = arith.addf %gather3A_128, %gather3A_129 : vector<16xf32>
        %mul3A_131 = arith.constant 2.000000e-01 : f32
        %mul3A_132 = vector.broadcast %mul3A_131 : f32 to vector<16xf32>
        %mul3A_133 = arith.mulf %add3A_130, %mul3A_132 : vector<16xf32>
        %max3A_134 = arith.maximumf %add3A_130, %mul3A_133 : vector<16xf32>
        %exp3A_135 = math.exp %max3A_134 : vector<16xf32>
        tpu.vector_store_idx %arg20[%add3A_127, %rem3A_28], %exp3A_135 : memref<128x8xf32, #tpu.memory_space<vmem>>[vector<16xi32>, vector<16xi32>], vector<16xf32>,
        %scan3A_136 = arith.constant 3 : i32
        %scan3A_137 = arith.addi %scan3A_98, %scan3A_136 : i32
        %mul3A_138 = arith.constant 2 : i32
        %mul3A_139 = arith.muli %mul3A_138, %scan3A_137 : i32
        %add3A_140 = vector.broadcast %mul3A_139 : i32 to vector<16xi32>
        %add3A_141 = arith.addi %add3A_140, %select_n3A : vector<16xi32>
        %gather3A_142 = tpu.vector_load_idx %arg18[%add3A_141, %rem3A_28] : memref<128x8xf32, #tpu.memory_space<vmem>>[vector<16xi32>, vector<16xi32>], vector<16xf32>,
        %gather3A_143 = tpu.vector_load_idx %arg19[%add3A_141, %rem3A_28] : memref<128x8xf32, #tpu.memory_space<vmem>>[vector<16xi32>, vector<16xi32>], vector<16xf32>,
        %add3A_144 = arith.addf %gather3A_142, %gather3A_143 : vector<16xf32>
        %mul3A_145 = arith.constant 2.000000e-01 : f32
        %mul3A_146 = vector.broadcast %mul3A_145 : f32 to vector<16xf32>
        %mul3A_147 = arith.mulf %add3A_144, %mul3A_146 : vector<16xf32>
        %max3A_148 = arith.maximumf %add3A_144, %mul3A_147 : vector<16xf32>
        %exp3A_149 = math.exp %max3A_148 : vector<16xf32>
        tpu.vector_store_idx %arg20[%add3A_141, %rem3A_28], %exp3A_149 : memref<128x8xf32, #tpu.memory_space<vmem>>[vector<16xi32>, vector<16xi32>], vector<16xf32>,
        %scan3A_150 = arith.constant 4 : i32
        %scan3A_151 = arith.addi %scan3A_98, %scan3A_150 : i32
        %mul3A_152 = arith.constant 2 : i32
        %mul3A_153 = arith.muli %mul3A_152, %scan3A_151 : i32
        %add3A_154 = vector.broadcast %mul3A_153 : i32 to vector<16xi32>
        %add3A_155 = arith.addi %add3A_154, %select_n3A : vector<16xi32>
        %gather3A_156 = tpu.vector_load_idx %arg18[%add3A_155, %rem3A_28] : memref<128x8xf32, #tpu.memory_space<vmem>>[vector<16xi32>, vector<16xi32>], vector<16xf32>,
        %gather3A_157 = tpu.vector_load_idx %arg19[%add3A_155, %rem3A_28] : memref<128x8xf32, #tpu.memory_space<vmem>>[vector<16xi32>, vector<16xi32>], vector<16xf32>,
        %add3A_158 = arith.addf %gather3A_156, %gather3A_157 : vector<16xf32>
        %mul3A_159 = arith.constant 2.000000e-01 : f32
        %mul3A_160 = vector.broadcast %mul3A_159 : f32 to vector<16xf32>
        %mul3A_161 = arith.mulf %add3A_158, %mul3A_160 : vector<16xf32>
        %max3A_162 = arith.maximumf %add3A_158, %mul3A_161 : vector<16xf32>
        %exp3A_163 = math.exp %max3A_162 : vector<16xf32>
        tpu.vector_store_idx %arg20[%add3A_155, %rem3A_28], %exp3A_163 : memref<128x8xf32, #tpu.memory_space<vmem>>[vector<16xi32>, vector<16xi32>], vector<16xf32>,
        %scan3A_164 = arith.constant 5 : i32
        %scan3A_165 = arith.addi %scan3A_98, %scan3A_164 : i32
        %mul3A_166 = arith.constant 2 : i32
        %mul3A_167 = arith.muli %mul3A_166, %scan3A_165 : i32
        %add3A_168 = vector.broadcast %mul3A_167 : i32 to vector<16xi32>
        %add3A_169 = arith.addi %add3A_168, %select_n3A : vector<16xi32>
        %gather3A_170 = tpu.vector_load_idx %arg18[%add3A_169, %rem3A_28] : memref<128x8xf32, #tpu.memory_space<vmem>>[vector<16xi32>, vector<16xi32>], vector<16xf32>,
        %gather3A_171 = tpu.vector_load_idx %arg19[%add3A_169, %rem3A_28] : memref<128x8xf32, #tpu.memory_space<vmem>>[vector<16xi32>, vector<16xi32>], vector<16xf32>,
        %add3A_172 = arith.addf %gather3A_170, %gather3A_171 : vector<16xf32>
        %mul3A_173 = arith.constant 2.000000e-01 : f32
        %mul3A_174 = vector.broadcast %mul3A_173 : f32 to vector<16xf32>
        %mul3A_175 = arith.mulf %add3A_172, %mul3A_174 : vector<16xf32>
        %max3A_176 = arith.maximumf %add3A_172, %mul3A_175 : vector<16xf32>
        %exp3A_177 = math.exp %max3A_176 : vector<16xf32>
        tpu.vector_store_idx %arg20[%add3A_169, %rem3A_28], %exp3A_177 : memref<128x8xf32, #tpu.memory_space<vmem>>[vector<16xi32>, vector<16xi32>], vector<16xf32>,
        %scan3A_178 = arith.constant 6 : i32
        %scan3A_179 = arith.addi %scan3A_98, %scan3A_178 : i32
        %mul3A_180 = arith.constant 2 : i32
        %mul3A_181 = arith.muli %mul3A_180, %scan3A_179 : i32
        %add3A_182 = vector.broadcast %mul3A_181 : i32 to vector<16xi32>
        %add3A_183 = arith.addi %add3A_182, %select_n3A : vector<16xi32>
        %gather3A_184 = tpu.vector_load_idx %arg18[%add3A_183, %rem3A_28] : memref<128x8xf32, #tpu.memory_space<vmem>>[vector<16xi32>, vector<16xi32>], vector<16xf32>,
        %gather3A_185 = tpu.vector_load_idx %arg19[%add3A_183, %rem3A_28] : memref<128x8xf32, #tpu.memory_space<vmem>>[vector<16xi32>, vector<16xi32>], vector<16xf32>,
        %add3A_186 = arith.addf %gather3A_184, %gather3A_185 : vector<16xf32>
        %mul3A_187 = arith.constant 2.000000e-01 : f32
        %mul3A_188 = vector.broadcast %mul3A_187 : f32 to vector<16xf32>
        %mul3A_189 = arith.mulf %add3A_186, %mul3A_188 : vector<16xf32>
        %max3A_190 = arith.maximumf %add3A_186, %mul3A_189 : vector<16xf32>
        %exp3A_191 = math.exp %max3A_190 : vector<16xf32>
        tpu.vector_store_idx %arg20[%add3A_183, %rem3A_28], %exp3A_191 : memref<128x8xf32, #tpu.memory_space<vmem>>[vector<16xi32>, vector<16xi32>], vector<16xf32>,
        %scan3A_192 = arith.constant 7 : i32
        %scan3A_193 = arith.addi %scan3A_98, %scan3A_192 : i32
        %mul3A_194 = arith.constant 2 : i32
        %mul3A_195 = arith.muli %mul3A_194, %scan3A_193 : i32
        %add3A_196 = vector.broadcast %mul3A_195 : i32 to vector<16xi32>
        %add3A_197 = arith.addi %add3A_196, %select_n3A : vector<16xi32>
        %gather3A_198 = tpu.vector_load_idx %arg18[%add3A_197, %rem3A_28] : memref<128x8xf32, #tpu.memory_space<vmem>>[vector<16xi32>, vector<16xi32>], vector<16xf32>,
        %gather3A_199 = tpu.vector_load_idx %arg19[%add3A_197, %rem3A_28] : memref<128x8xf32, #tpu.memory_space<vmem>>[vector<16xi32>, vector<16xi32>], vector<16xf32>,
        %add3A_200 = arith.addf %gather3A_198, %gather3A_199 : vector<16xf32>
        %mul3A_201 = arith.constant 2.000000e-01 : f32
        %mul3A_202 = vector.broadcast %mul3A_201 : f32 to vector<16xf32>
        %mul3A_203 = arith.mulf %add3A_200, %mul3A_202 : vector<16xf32>
        %max3A_204 = arith.maximumf %add3A_200, %mul3A_203 : vector<16xf32>
        %exp3A_205 = math.exp %max3A_204 : vector<16xf32>
        tpu.vector_store_idx %arg20[%add3A_197, %rem3A_28], %exp3A_205 : memref<128x8xf32, #tpu.memory_space<vmem>>[vector<16xi32>, vector<16xi32>], vector<16xf32>,
      }
      %scan3A_97 = arith.constant 64 : i32
      "tpu.region"() ({
        %run_scoped3A = tpu.sem_alloc : memref<!tpu.dma_semaphore, #tpu.memory_space<semaphore_mem>>
        %dma_start3A_98 = arith.constant 0 : i32
        %dma_start3A_99 = arith.constant 0 : i32
        %dma_start3A_100 = tpu.memref_slice %arg23[%dma_start3A_98, %dma_start3A_99] : memref<10128x8xf32, #tpu.memory_space<vmem_shared>> -> memref<10128x8xf32, #tpu.memory_space<vmem_shared>>
        tpu.enqueue_indirect_dma source(%arg20 : memref<128x8xf32, #tpu.memory_space<vmem>>) target(%dma_start3A_100 : memref<10128x8xf32, #tpu.memory_space<vmem_shared>>) offsets(%arg17 : memref<128xi32, #tpu.memory_space<vmem>>) semaphore(%run_scoped3A : memref<!tpu.dma_semaphore, #tpu.memory_space<semaphore_mem>>) {add = true}
        %dma_wait3A_101 = arith.constant 0 : i32
        %dma_wait3A_102 = arith.constant 0 : i32
        %dma_wait3A_103 = tpu.memref_slice %arg23[%dma_wait3A_101, %dma_wait3A_102] : memref<10128x8xf32, #tpu.memory_space<vmem_shared>> -> memref<10128x8xf32, #tpu.memory_space<vmem_shared>>
        tpu.wait_indirect_dma semaphore(%run_scoped3A : memref<!tpu.dma_semaphore, #tpu.memory_space<semaphore_mem>>) src(%arg20 : memref<128x8xf32, #tpu.memory_space<vmem>>) dst(%dma_wait3A_103 : memref<10128x8xf32, #tpu.memory_space<vmem_shared>>)
        tpu.yield
      }) : () -> ()
      "tpu.region"() ({
        %run_scoped3A = tpu.sem_alloc : memref<!tpu.dma_semaphore, #tpu.memory_space<semaphore_mem>>
        %dma_start3A_98 = arith.constant 0 : i32
        %dma_start3A_99 = arith.constant 0 : i32
        %dma_start3A_100 = tpu.memref_slice %arg8[%add3A_85, %dma_start3A_98, %dma_start3A_99] : memref<2560x128x8xf32, #tpu.memory_space<hbm>> -> memref<1x128x8xf32, #tpu.memory_space<hbm>>
        %dma_start3A_101 = tpu.memref_squeeze %dma_start3A_100 : memref<1x128x8xf32, #tpu.memory_space<hbm>> -> memref<128x8xf32, #tpu.memory_space<hbm>>
        %dma_start3A_102 = arith.constant 0 : i32
        %dma_start3A_103 = arith.constant 0 : i32
        %dma_start3A_104 = tpu.memref_slice %arg8[%add3A_85, %dma_start3A_102, %dma_start3A_103] : memref<2560x128x8xf32, #tpu.memory_space<hbm>> -> memref<1x128x8xf32, #tpu.memory_space<hbm>>
        %dma_start3A_105 = tpu.memref_squeeze %dma_start3A_104 : memref<1x128x8xf32, #tpu.memory_space<hbm>> -> memref<128x8xf32, #tpu.memory_space<hbm>>
        tpu.enqueue_dma source(%arg20 : memref<128x8xf32, #tpu.memory_space<vmem>>) target(%dma_start3A_105 : memref<128x8xf32, #tpu.memory_space<hbm>>) target_semaphore(%run_scoped3A : memref<!tpu.dma_semaphore, #tpu.memory_space<semaphore_mem>>)
        %dma_wait3A_106 = arith.constant 0 : i32
        %dma_wait3A_107 = arith.constant 0 : i32
        %dma_wait3A_108 = tpu.memref_slice %arg8[%add3A_85, %dma_wait3A_106, %dma_wait3A_107] : memref<2560x128x8xf32, #tpu.memory_space<hbm>> -> memref<1x128x8xf32, #tpu.memory_space<hbm>>
        %dma_wait3A_109 = tpu.memref_squeeze %dma_wait3A_108 : memref<1x128x8xf32, #tpu.memory_space<hbm>> -> memref<128x8xf32, #tpu.memory_space<hbm>>
        %dma_wait3A_110 = arith.constant 0 : i32
        %dma_wait3A_111 = arith.constant 0 : i32
        %dma_wait3A_112 = tpu.memref_slice %arg8[%add3A_85, %dma_wait3A_110, %dma_wait3A_111] : memref<2560x128x8xf32, #tpu.memory_space<hbm>> -> memref<1x128x8xf32, #tpu.memory_space<hbm>>
        %dma_wait3A_113 = tpu.memref_squeeze %dma_wait3A_112 : memref<1x128x8xf32, #tpu.memory_space<hbm>> -> memref<128x8xf32, #tpu.memory_space<hbm>>
        tpu.wait_dma2 semaphore(%run_scoped3A : memref<!tpu.dma_semaphore, #tpu.memory_space<semaphore_mem>>) src(%arg20 : memref<128x8xf32, #tpu.memory_space<vmem>>) dst(%dma_wait3A_113 : memref<128x8xf32, #tpu.memory_space<hbm>>)
        tpu.yield
      }) : () -> ()
    }
    %scan3A_40 = arith.constant 40 : i32
    %barrier3A_41 = arith.constant 0 : index
    tpu.barrier barrier_id(%barrier3A_41)
    %eq3A_42 = arith.constant 0 : i32
    %eq3A_43 = arith.cmpi eq, %arg1, %eq3A_42 : i32
    %convert_element_type3A_44 = arith.extui %eq3A_43 : i1 to i32
    %cond3A_45 = arith.constant 0 : i32
    %cond3A_46 = arith.cmpi ne, %convert_element_type3A_44, %cond3A_45 : i32
    scf.if %cond3A_46 {
      "tpu.region"() ({
        %run_scoped3A = tpu.sem_alloc : memref<!tpu.dma_semaphore, #tpu.memory_space<semaphore_mem>>
        %dma_start3A_47 = arith.constant 0 : i32
        %dma_start3A_48 = arith.constant 0 : i32
        %dma_start3A_49 = tpu.memref_slice %arg7[%arg0, %dma_start3A_47, %dma_start3A_48] : memref<2x10128x8xf32, #tpu.memory_space<hbm>> -> memref<1x10128x8xf32, #tpu.memory_space<hbm>>
        %dma_start3A_50 = tpu.memref_squeeze %dma_start3A_49 : memref<1x10128x8xf32, #tpu.memory_space<hbm>> -> memref<10128x8xf32, #tpu.memory_space<hbm>>
        tpu.enqueue_dma source(%arg23 : memref<10128x8xf32, #tpu.memory_space<vmem_shared>>) target(%dma_start3A_50 : memref<10128x8xf32, #tpu.memory_space<hbm>>) target_semaphore(%run_scoped3A : memref<!tpu.dma_semaphore, #tpu.memory_space<semaphore_mem>>)
        %dma_wait3A = arith.constant 0 : i32
        %dma_wait3A_51 = arith.constant 0 : i32
        %dma_wait3A_52 = tpu.memref_slice %arg7[%arg0, %dma_wait3A, %dma_wait3A_51] : memref<2x10128x8xf32, #tpu.memory_space<hbm>> -> memref<1x10128x8xf32, #tpu.memory_space<hbm>>
        %dma_wait3A_53 = tpu.memref_squeeze %dma_wait3A_52 : memref<1x10128x8xf32, #tpu.memory_space<hbm>> -> memref<10128x8xf32, #tpu.memory_space<hbm>>
        tpu.wait_dma2 semaphore(%run_scoped3A : memref<!tpu.dma_semaphore, #tpu.memory_space<semaphore_mem>>) src(%arg23 : memref<10128x8xf32, #tpu.memory_space<vmem_shared>>) dst(%dma_wait3A_53 : memref<10128x8xf32, #tpu.memory_space<hbm>>)
        tpu.yield
      }) : () -> ()
    } else {
    }
    return
  }
}

module attributes {stable_mosaic.version = 14 : i64} {
  func.func @_proj_body(%arg0: i32, %arg1: memref<2000x128xf32, #tpu.memory_space<vmem>>, %arg2: memref<128x128xf32, #tpu.memory_space<vmem>>, %arg3: memref<128x8xf32, #tpu.memory_space<vmem>>, %arg4: memref<128x8xf32, #tpu.memory_space<vmem>>, %arg5: memref<2000x128xf32, #tpu.memory_space<vmem>>, %arg6: memref<2000x8xf32, #tpu.memory_space<vmem>>, %arg7: memref<2000x8xf32, #tpu.memory_space<vmem>>) attributes {dimension_semantics = [#tpu.dimension_semantics<arbitrary>], iteration_bounds = array<i64: 5>, scalar_prefetch = 0 : i64, scratch_operands = 0 : i64, tpu.core_type = #tpu.core_type<tc>, window_params = [{transform_indices = @transform_0, window_bounds = array<i64: 2000, 128>}, {pipeline_mode = #tpu.pipeline_mode<synchronous>, transform_indices = @transform_1, window_bounds = array<i64: 128, 128>}, {pipeline_mode = #tpu.pipeline_mode<synchronous>, transform_indices = @transform_2, window_bounds = array<i64: 128, 8>}, {pipeline_mode = #tpu.pipeline_mode<synchronous>, transform_indices = @transform_3, window_bounds = array<i64: 128, 8>}, {transform_indices = @transform_4, window_bounds = array<i64: 2000, 128>}, {transform_indices = @transform_5, window_bounds = array<i64: 2000, 8>}, {transform_indices = @transform_6, window_bounds = array<i64: 2000, 8>}]} {
    %get3A = arith.constant 0 : index
    %get3A_0 = arith.constant 0 : index
    %get3A_1 = vector.load %arg1[%get3A, %get3A_0] : memref<2000x128xf32, #tpu.memory_space<vmem>>, vector<2000x128xf32>
    %get3A_2 = arith.constant 0 : index
    %get3A_3 = arith.constant 0 : index
    %get3A_4 = vector.load %arg2[%get3A_2, %get3A_3] : memref<128x128xf32, #tpu.memory_space<vmem>>, vector<128x128xf32>
    %dot_general3A = arith.constant dense<0.000000e+00> : vector<2000x128xf32>
    %dot_general3A_5 = tpu.matmul %get3A_1, %get3A_4, %dot_general3A {dimension_numbers = #tpu.dot_dimension_numbers<[1], [0], [0], [1], [0, 0, 1, 1], [], []>, transpose_lhs_hint = false} : vector<2000x128xf32>, vector<128x128xf32>, vector<2000x128xf32> -> vector<2000x128xf32>
    %swap3A = arith.constant 0 : index
    %swap3A_6 = arith.constant 0 : index
    %swap3A_7 = vector.load %arg5[%swap3A, %swap3A_6] : memref<2000x128xf32, #tpu.memory_space<vmem>>, vector<2000x128xf32>
    tpu.vector_store %arg5[%swap3A, %swap3A_6], %dot_general3A_5 {strides = array<i32>} : memref<2000x128xf32, #tpu.memory_space<vmem>>, vector<2000x128xf32>,
    %get3A_8 = arith.constant 0 : index
    %get3A_9 = arith.constant 0 : index
    %get3A_10 = vector.load %arg3[%get3A_8, %get3A_9] : memref<128x8xf32, #tpu.memory_space<vmem>>, vector<128x8xf32>
    %dot_general3A_11 = arith.constant dense<0.000000e+00> : vector<2000x8xf32>
    %dot_general3A_12 = tpu.matmul %dot_general3A_5, %get3A_10, %dot_general3A_11 {dimension_numbers = #tpu.dot_dimension_numbers<[1], [0], [0], [1], [0, 0, 1, 1], [], []>, transpose_lhs_hint = false} : vector<2000x128xf32>, vector<128x8xf32>, vector<2000x8xf32> -> vector<2000x8xf32>
    %swap3A_13 = arith.constant 0 : index
    %swap3A_14 = arith.constant 0 : index
    %swap3A_15 = vector.load %arg6[%swap3A_13, %swap3A_14] : memref<2000x8xf32, #tpu.memory_space<vmem>>, vector<2000x8xf32>
    tpu.vector_store %arg6[%swap3A_13, %swap3A_14], %dot_general3A_12 {strides = array<i32>} : memref<2000x8xf32, #tpu.memory_space<vmem>>, vector<2000x8xf32>,
    %get3A_16 = arith.constant 0 : index
    %get3A_17 = arith.constant 0 : index
    %get3A_18 = vector.load %arg4[%get3A_16, %get3A_17] : memref<128x8xf32, #tpu.memory_space<vmem>>, vector<128x8xf32>
    %dot_general3A_19 = arith.constant dense<0.000000e+00> : vector<2000x8xf32>
    %dot_general3A_20 = tpu.matmul %dot_general3A_5, %get3A_18, %dot_general3A_19 {dimension_numbers = #tpu.dot_dimension_numbers<[1], [0], [0], [1], [0, 0, 1, 1], [], []>, transpose_lhs_hint = false} : vector<2000x128xf32>, vector<128x8xf32>, vector<2000x8xf32> -> vector<2000x8xf32>
    %swap3A_21 = arith.constant 0 : index
    %swap3A_22 = arith.constant 0 : index
    %swap3A_23 = vector.load %arg7[%swap3A_21, %swap3A_22] : memref<2000x8xf32, #tpu.memory_space<vmem>>, vector<2000x8xf32>
    tpu.vector_store %arg7[%swap3A_21, %swap3A_22], %dot_general3A_20 {strides = array<i32>} : memref<2000x8xf32, #tpu.memory_space<vmem>>, vector<2000x8xf32>,
    return
  }
  func.func @transform_0(%arg0: i32) -> (i32, i32) {
    %c0_i32 = arith.constant 0 : i32
    %c0_i32_0 = arith.constant 0 : i32
    return %arg0, %c0_i32 : i32, i32
  }
  func.func @transform_1(%arg0: i32) -> (i32, i32) {
    %c0_i32 = arith.constant 0 : i32
    %c0_i32_0 = arith.constant 0 : i32
    %c0_i32_1 = arith.constant 0 : i32
    return %c0_i32, %c0_i32_0 : i32, i32
  }
  func.func @transform_2(%arg0: i32) -> (i32, i32) {
    %c0_i32 = arith.constant 0 : i32
    %c0_i32_0 = arith.constant 0 : i32
    %c0_i32_1 = arith.constant 0 : i32
    return %c0_i32, %c0_i32_0 : i32, i32
  }
  func.func @transform_3(%arg0: i32) -> (i32, i32) {
    %c0_i32 = arith.constant 0 : i32
    %c0_i32_0 = arith.constant 0 : i32
    %c0_i32_1 = arith.constant 0 : i32
    return %c0_i32, %c0_i32_0 : i32, i32
  }
  func.func @transform_4(%arg0: i32) -> (i32, i32) {
    %c0_i32 = arith.constant 0 : i32
    %c0_i32_0 = arith.constant 0 : i32
    return %arg0, %c0_i32 : i32, i32
  }
  func.func @transform_5(%arg0: i32) -> (i32, i32) {
    %c0_i32 = arith.constant 0 : i32
    %c0_i32_0 = arith.constant 0 : i32
    return %arg0, %c0_i32 : i32, i32
  }
  func.func @transform_6(%arg0: i32) -> (i32, i32) {
    %c0_i32 = arith.constant 0 : i32
    %c0_i32_0 = arith.constant 0 : i32
    return %arg0, %c0_i32 : i32, i32
  }
}

module attributes {stable_mosaic.version = 14 : i64} {
  func.func @_comb_body(%arg0: memref<2x633x128xf32, #tpu.memory_space<vmem>>, %arg1: memref<633x128xf32, #tpu.memory_space<vmem>>) attributes {dimension_semantics = [], scalar_prefetch = 0 : i64, scratch_operands = 0 : i64, tpu.core_type = #tpu.core_type<tc>} {
    %get3A = arith.constant 0 : index
    %get3A_0 = arith.constant 0 : index
    %get3A_1 = arith.constant 0 : index
    %get3A_2 = vector.load %arg0[%get3A, %get3A_0, %get3A_1] : memref<2x633x128xf32, #tpu.memory_space<vmem>>, vector<1x633x128xf32>
    %get3A_3 = vector.shape_cast %get3A_2 : vector<1x633x128xf32> to vector<633x128xf32>
    %get3A_4 = arith.constant 1 : index
    %get3A_5 = arith.constant 0 : index
    %get3A_6 = arith.constant 0 : index
    %get3A_7 = vector.load %arg0[%get3A_4, %get3A_5, %get3A_6] : memref<2x633x128xf32, #tpu.memory_space<vmem>>, vector<1x633x128xf32>
    %get3A_8 = vector.shape_cast %get3A_7 : vector<1x633x128xf32> to vector<633x128xf32>
    %add3A = arith.addf %get3A_3, %get3A_8 : vector<633x128xf32>
    %div3A = arith.constant 1.000000e+00 : f32
    %div3A_9 = vector.broadcast %div3A : f32 to vector<633x128xf32>
    %div3A_10 = arith.divf %div3A_9, %add3A : vector<633x128xf32>
    %swap3A = arith.constant 0 : index
    %swap3A_11 = arith.constant 0 : index
    %swap3A_12 = vector.load %arg1[%swap3A, %swap3A_11] : memref<633x128xf32, #tpu.memory_space<vmem>>, vector<633x128xf32>
    tpu.vector_store %arg1[%swap3A, %swap3A_11], %div3A_10 {strides = array<i32>} : memref<633x128xf32, #tpu.memory_space<vmem>>, vector<633x128xf32>,
    return
  }
}

module attributes {stable_mosaic.version = 14 : i64} {
  func.func @_fin_body(%arg0: memref<2x1266x128xf32, #tpu.memory_space<vmem>>, %arg1: memref<1x128xf32, #tpu.memory_space<vmem>>, %arg2: memref<1266x128xf32, #tpu.memory_space<vmem>>) attributes {dimension_semantics = [], scalar_prefetch = 0 : i64, scratch_operands = 0 : i64, tpu.core_type = #tpu.core_type<tc>} {
    %get3A = arith.constant 0 : index
    %get3A_0 = arith.constant 0 : index
    %get3A_1 = arith.constant 0 : index
    %get3A_2 = vector.load %arg0[%get3A, %get3A_0, %get3A_1] : memref<2x1266x128xf32, #tpu.memory_space<vmem>>, vector<1x1266x128xf32>
    %get3A_3 = vector.shape_cast %get3A_2 : vector<1x1266x128xf32> to vector<1266x128xf32>
    %get3A_4 = arith.constant 1 : index
    %get3A_5 = arith.constant 0 : index
    %get3A_6 = arith.constant 0 : index
    %get3A_7 = vector.load %arg0[%get3A_4, %get3A_5, %get3A_6] : memref<2x1266x128xf32, #tpu.memory_space<vmem>>, vector<1x1266x128xf32>
    %get3A_8 = vector.shape_cast %get3A_7 : vector<1x1266x128xf32> to vector<1266x128xf32>
    %add3A = arith.addf %get3A_3, %get3A_8 : vector<1266x128xf32>
    %mul3A = arith.constant 1.250000e-01 : f32
    %mul3A_9 = vector.broadcast %mul3A : f32 to vector<1266x128xf32>
    %mul3A_10 = arith.mulf %add3A, %mul3A_9 : vector<1266x128xf32>
    %get3A_11 = arith.constant 0 : index
    %get3A_12 = arith.constant 0 : index
    %get3A_13 = vector.load %arg1[%get3A_11, %get3A_12] : memref<1x128xf32, #tpu.memory_space<vmem>>, vector<1x128xf32>
    %add3A_14 = vector.broadcast %get3A_13 : vector<1x128xf32> to vector<1266x128xf32>
    %add3A_15 = arith.addf %mul3A_10, %add3A_14 : vector<1266x128xf32>
    %swap3A = arith.constant 0 : index
    %swap3A_16 = arith.constant 0 : index
    %swap3A_17 = vector.load %arg2[%swap3A, %swap3A_16] : memref<1266x128xf32, #tpu.memory_space<vmem>>, vector<1266x128xf32>
    tpu.vector_store %arg2[%swap3A, %swap3A_16], %add3A_15 {strides = array<i32>} : memref<1266x128xf32, #tpu.memory_space<vmem>>, vector<1266x128xf32>,
    return
  }
}

</mosaic_0001>

<sc_bundles>
// kernel: kernel.10.cloned.1.call-start
scs
__scs_entry_jumppad:
0x0: {  	(pc) =	sbr.rel $0x88, $3  }
0x1: {  	(tag) =	ssettag $0x0;
	lr =	simm.s32 $0x1  }
0x2: {  	[smem:$0x3F9B] =	sst lr;
	_ =	strace $0xD0000000  }
0x3: {  	_ = 	snop  }
0x4: {  	_ = 	snop  }
0x5: {  	_ = 	snop  }
0x6: {  	_ = 	snop  }
0x7: {  	_ = 	snop  }
__scs_overlays_trampoline_lowered:
0x8: {  	[smem:$0x3FAA] =	sst s0  }
0x9: {  	[smem:$0x3FAB] =	sst s1  }
0xa: {  	[smem:$0x3FAC] =	sst s2  }
0xb: {  	[smem:$0x3FAD] =	sst s3  }
0xc: {  	[smem:$0x3FAE] =	sst s4  }
0xd: {  	[smem:$0x3FAF] =	sst s5  }
0xe: {  	[smem:$0x3FB0] =	sst s6  }
0xf: {  	[smem:$0x3FB1] =	sst s7  }
0x10: {  	[smem:$0x3FB2] =	sst s8  }
0x11: {  	[smem:$0x3FB3] =	sst s9;
	s0 =	simm.s32 @!p0 $0x0  }
0x12: {  	s1 =	sld [smem:$0x3F99];
	s0 =	simm.s32 @p0 $0x1  }
0x13: {  	[smem:$0x3FB4] =	sst s0;
	s0 =	simm.s32 @!p1 $0x0  }
0x14: {  	s2 =	sld [smem:$0x3F98];
	s0 =	simm.s32 @p1 $0x1  }
0x15: {  	[smem:$0x3FB5] =	sst s0;
	s0 =	simm.s32 @!p2 $0x0  }
0x16: {  	s3 =	sld [smem:$0x3FDB];
	s0 =	simm.s32 @p2 $0x1  }
0x17: {  	s4 =	simm.s32 $0x1BF5;
	[smem:$0x3FB7] =	sst s0  }
0x18: {  	s0 =	sld [smem:$0x3F9A];
	_ =	swait.ge [sflag:s4], $0x0  }
0x19: {  	s7 =	sld [smem:$0x3F9B]  }
0x1a: {  	s8 =	sadd.s32 $0xFFFFE003, lr  }
0x1b: {  	s9 =	sadd.s32 $0xFFFFFEF7, lr;
	s5 =	simm.s32 $0xFFFFFFFF;
	p2 =	slt.u32 s8, $0xFFFFF086  }
0x1c: {  	p1 =	slt.u32 s9, $0xF7A;
	s5 =	simm.s32 @!p2 $0x0  }
0x1d: {  	s5 =	simm.s32 @p1 $0x1;
	p0 =	seq.s32 s7, s2  }
0x1e: {  	s7 =	smul.u32 @!p0 $0xF7A, s2;
	p2 =	seq.s32 @!p0 s5, $0x0  }
0x1f: {  	s9 =	smul.u32 $0xF7A, s1;
	s8 =	simm.s32 @!p0 $0x1BF5;
	p2 =	por !p2, p0  }
0x20: {  	[sflag:s8] =	ssyncset.s32 @!p0 $0xFFFFF086;
	s6 =	sadd.s32 @!p0 s3, s7;
	s7 =	simm.s32 @!p0 $0x108  }
0x21: {  	s3 =	sadd.s32 s3, s9;
	s6 =	sadd.s32 @!p0 $0x88, s6;
	s7 =	simm.s32 @p2 $0x1082  }
0x22: {  	[simem:s7], [sflag:s8] =	dma.local @!p0 [hbm:s6], $0xF7A  }
0x23: {  	s9 =	sor.u32 $0xD0000000, s2;
	s6 =	simm.s32 $0x108;
	_ =	swait.ge @!p0 [sflag:s8], $0x0  }
0x24: {  	s3 =	sadd.s32 $0x88, s3;
	s6 =	simm.s32 @!p1 $0x1082;
	[sflag:s4] =	ssyncset.s32 $0xFFFFF086  }
0x25: {  	[simem:s6], [sflag:s4] =	dma.local [hbm:s3], $0xF7A  }
0x26: {  	[smem:$0x3F9B] =	sst s1;
	(tag) =	ssettag s2;
	_ =	strace s9  }
0x27: {  	s1 =	sld [smem:$0x3FAB]  }
0x28: {  	s2 =	sld [smem:$0x3FAC]  }
0x29: {  	s4 =	sld [smem:$0x3FAE]  }
0x2a: {  	p0 =	seq.s32 s5, $0x0;
	s5 =	sld [smem:$0x3FAF]  }
0x2b: {  	s6 =	sld [smem:$0x3FB0]  }
0x2c: {  	s7 =	sld [smem:$0x3FB1]  }
0x2d: {  	s3 =	simm.s32 $0x108;
	s8 =	sld [smem:$0x3FB2]  }
0x2e: {  	s3 =	simm.s32 @!p0 $0x1082;
	s9 =	sld [smem:$0x3FB3]  }
0x2f: {  	lr =	sadd.s32 s0, s3;
	s0 =	sld [smem:$0x3FAA]  }
0x30: {  	s3 =	sld [smem:$0x3FAD]  }
0x31: {  	[smem:$0x3FB6] =	sst s10  }
0x32: {  	s10 =	sld [smem:$0x3FB4];
	_ =	sdelay $0x3  }
0x33: {  	p0 =	seq.s32 s10, $0x1;
	s10 =	sld [smem:$0x3FB6];
	_ =	sdelay $0x3  }
0x34: {  	[smem:$0x3FB6] =	sst s10  }
0x35: {  	s10 =	sld [smem:$0x3FB5];
	_ =	sdelay $0x3  }
0x36: {  	p1 =	seq.s32 s10, $0x1;
	s10 =	sld [smem:$0x3FB6];
	_ =	sdelay $0x3  }
0x37: {  	[smem:$0x3FB6] =	sst s10  }
0x38: {  	s10 =	sld [smem:$0x3FB7]  }
0x39: {  	_ = 	snop;
	(pc) =	sbr.ind lr, $3  }
0x3a: {  	_ = 	snop  }
0x3b: {  	_ = 	snop  }
0x3c: {  	p2 =	seq.s32 s10, $0x1;
	s10 =	sld [smem:$0x3FB6]  }
0x3d: {  	_ =	shalt  }
0x3e: {  	_ =	shalt  }
0x3f: {  	_ =	shalt  }
0x40: {  	_ =	shalt  }
0x41: {  	_ =	shalt  }
0x42: {  	_ =	shalt  }
0x43: {  	_ =	shalt  }
0x44: {  	_ =	shalt  }
0x45: {  	_ =	shalt  }
0x46: {  	_ =	shalt  }
0x47: {  	_ =	shalt  }
0x48: {  	_ =	shalt  }
0x49: {  	_ =	shalt  }
0x4a: {  	_ =	shalt  }
0x4b: {  	_ =	shalt  }
0x4c: {  	_ =	shalt  }
0x4d: {  	_ =	shalt  }
0x4e: {  	_ =	shalt  }
0x4f: {  	_ =	shalt  }
0x50: {  	_ =	shalt  }
0x51: {  	_ =	shalt  }
0x52: {  	_ =	shalt  }
0x53: {  	_ =	shalt  }
0x54: {  	_ =	shalt  }
0x55: {  	_ =	shalt  }
0x56: {  	_ =	shalt  }
0x57: {  	_ =	shalt  }
0x58: {  	_ =	shalt  }
0x59: {  	_ =	shalt  }
0x5a: {  	_ =	shalt  }
0x5b: {  	_ =	shalt  }
0x5c: {  	_ =	shalt  }
0x5d: {  	_ =	shalt  }
0x5e: {  	_ =	shalt  }
0x5f: {  	_ =	shalt  }
0x60: {  	_ =	shalt  }
0x61: {  	_ =	shalt  }
0x62: {  	_ =	shalt  }
0x63: {  	_ =	shalt  }
0x64: {  	_ =	shalt  }
0x65: {  	_ =	shalt  }
0x66: {  	_ =	shalt  }
0x67: {  	_ =	shalt  }
0x68: {  	_ =	shalt  }
0x69: {  	_ =	shalt  }
0x6a: {  	_ =	shalt  }
0x6b: {  	_ =	shalt  }
0x6c: {  	_ =	shalt  }
0x6d: {  	_ =	shalt  }
0x6e: {  	_ =	shalt  }
0x6f: {  	_ =	shalt  }
0x70: {  	_ =	shalt  }
0x71: {  	_ =	shalt  }
0x72: {  	_ =	shalt  }
0x73: {  	_ =	shalt  }
0x74: {  	_ =	shalt  }
0x75: {  	_ =	shalt  }
0x76: {  	_ =	shalt  }
0x77: {  	_ =	shalt  }
0x78: {  	_ =	shalt  }
0x79: {  	_ =	shalt  }
0x7a: {  	_ =	shalt  }
0x7b: {  	_ =	shalt  }
0x7c: {  	_ =	shalt  }
0x7d: {  	_ =	shalt  }
0x7e: {  	_ =	shalt  }
0x7f: {  	_ =	shalt  }
0x80: {  	_ =	shalt  }
0x81: {  	_ =	shalt  }
0x82: {  	_ =	shalt  }
0x83: {  	_ =	shalt  }
0x84: {  	_ =	shalt  }
0x85: {  	_ =	shalt  }
0x86: {  	_ =	shalt  }
0x87: {  	_ =	shalt  }
.Lfunc_end0:
.L_simem_size_0:
called_computation.1_lowered:
.L_overlay_start_0:
0x88: {  	s2 =	sld [smem:$0x3FD9]  }
0x89: {  	s3 =	sld [smem:$0x3FFE];
	_ =	sdelay $0x1  }
0x8a: {  	s1 =	srdreg.scid  }
0x8b: {  	s0 =	sand.u32 $0x1, s1  }
0x8c: {  	s17 =	sshll.u32 s0, $0xA;
	s2 =	sadd.s32 s3, s2  }
0x8d: {  	s2 =	sadd.s32 s2, s17  }
0x8e: {  	[smem:$0x3FC2] =	sst s2  }
0x8f: {  	_ = 	snop  }
0x90: {  	s2 =	sld [smem:$0x3FD0];
	(tm) =	ssettm $0x1  }
0x91: {  	s18 =	sld [smem:$0x3FFB];
	_ =	sdelay $0x3  }
0x92: {  	_ =	strace s18  }
0x93: {  	s3 =	sld [smem:$0x3FFC];
	_ =	sdelay $0x3  }
0x94: {  	_ =	strace s3  }
0x95: {  	s3 =	sld [smem:$0x3FFD];
	_ =	sdelay $0x3  }
0x96: {  	_ =	strace s3  }
0x97: {  	_ =	strace $0x8FFFFFFF  }
0x98: {  	s19 =	sld [smem:$0x3FDB];
	_ =	sdelay $0x1  }
0x99: {  	s4 =	simm.s32 $_scs_section_size  }
0x9a: {  	s5 =	simm.s32 $_size__tile_overlayer_lowered;
	s6 =	simm.s32 $_tile_overlayer_lowered  }
0x9b: {  	s22 =	simm.s32 $0x1BFF;
	s21 =	sshll.u32 s6, $0x1;
	s3 =	sadd.s32 s4, s19  }
0x9c: {  	s7 =	simm.s32 $0x0;
	s20 =	sshll.u32 s5, $0x1;
	s5 =	sadd.s32 s21, s3  }
0x9d: {  	[timem:s7], [sflag:s22] =	dma.local [hbm:s5], s20  }
0x9e: {  	_ =	swait.ge [sflag:s22], s20  }
0x9f: {  	s4 =	ssub.s32 $0x0, s20;
	[sflag:s22] =	ssyncset.done $0x0  }
0xa0: {  	[sflag:s22] =	ssyncadd.s32 s4;
	_ =	sdelay $0x1  }
0xa1: {  	s23 =	simm.s32 $0x1B8B  }
0xa2: {  	_ =	swait.ge [sflag:s23], $0x1  }
0xa3: {  	[sflag:s23] =	ssyncset.done $0x0  }
0xa4: {  	s25 =	simm.s32 $0x1B8E;
	s24 =	sld [smem:$0x3FFE];
	[sflag:s23] =	ssyncadd.s32 $0xFFFFFFFF  }
0xa5: {  	s26 =	simm.s32 $execute0_lowered;
	[smem:$0x3FD2] =	sst s25  }
0xa6: {  	s5 =	sshll.u32 s26, $0x1;
	_ =	strace $0x80000049;
	[dreg:$0x1] =	wrdreg $0xFFFFFFFF  }
0xa7: {  	s28 =	simm.s32 $_size_execute0_lowered;
	s3 =	sadd.s32 s3, s5;
	[dreg:$0x0] =	wrdreg $0x0  }
0xa8: {  	s5 =	sshll.u32 s28, $0x1;
	[dreg:$0x2] =	wrdreg s3  }
0xa9: {  	[dreg:$0x3] =	wrdreg s5  }
0xaa: {  	[dreg:$0x4] =	wrdreg $0xC0  }
0xab: {  	_ =	task [dreg:s7], $0x5FFFF  }
0xac: {  	[dreg:$0x1] =	wrdreg $0xFFFFFFFF  }
0xad: {  	[dreg:$0x0] =	wrdreg $0x60  }
0xae: {  	[dreg:$0x2] =	wrdreg s24  }
0xaf: {  	[dreg:$0x3] =	wrdreg s2  }
0xb0: {  	[dreg:$0x4] =	wrdreg $0xA2000  }
0xb1: {  	[dreg:$0x5] =	wrdreg $0x9  }
0xb2: {  	_ =	task.clear_ibuf [dreg:s7], $0x6FFFF;
	_ =	strace $0x90000049  }
0xb3: {  	s29 =	simm.s32 $0x9;
	_ =	strace $0x8000004B  }
0xb4: {  	_ =	swait.ge [sflag:s29], $0x1  }
0xb5: {  	[sflag:s29] =	ssyncadd.s32 $0xFFFFFFFF  }
0xb6: {  	_ =	strace $0x9000004B  }
0xb7: {  	_ =	sfence  }
0xb8: {  	s30 =	sld [smem:$0x0];
	_ =	sdelay $0x2  }
0xb9: {  	s31 =	sshll.u32 s1, $0xD;
	s1 =	sshrl.u32 s1, $0x2  }
0xba: {  	s3 =	sand.u32 $0x4000, s31;
	s1 =	sadd.s32 s1, s30  }
0xbb: {  	s0 =	sor.u32 s3, s0;
	s1 =	sshll.u32 s1, $0x11  }
0xbc: {  	s0 =	sor.u32 s1, s0  }
0xbd: {  	s0 =	sadd.s32 $0x8F2B, s0  }
0xbe: {  	[sflag:s0] =	ssyncadd.remote.s32 $0x1  }
0xbf: {  	_ =	sfence.sel $0xFFFF  }
0xc0: {  	[dreg:$0x0] =	wrdreg $0xFFFFFFFF;
	(pc) =	sbr.abs _section_cstart, $3  }
0xc1: {  	[dreg:$0x1] =	wrdreg $0xFFFFFFFF  }
0xc2: {  	_ =	task.clear_ibuf [dreg:s7], $0x2FFFF;
	_ =	strace $0x9FFFFFFF  }
0xc3: {  	(tm) =	ssettm $0x7FFFFFFF  }
tec
execute0_lowered:
.L_overlay_start_1:
0x0: {  	(tag) =	ssettag $0x1  }
0x1: {  	s0 =	rddreg [dreg:$0x0]  }
0x2: {  	s1 =	rddreg [dreg:$0x1]  }
0x3: {  	s2 =	rddreg [dreg:$0x2];
	s3 =	simm.s32 $0x0  }
0x4: {  	s21 =	srdreg.scid;
	s9 =	stileid.u32;
	s17 =	simm.s32 $0x3  }
0x5: {  	s18 =	simm.s32 $0x80;
	s20 =	simm.s32 $0x4500;
	s28 =	simm.s32 $0x1  }
0x6: {  	s29 =	simm.s32 $0x4900;
	s30 =	simm.s32 $0x2;
	s31 =	simm.s32 $0x9A00  }
0x7: {  	[smem:$0x7FF] =	sst s3;
	s4 =	sadd.s32 $0x2AA00, s0;
	s5 =	sadd.s32 $0x34A00, s0  }
0x8: {  	s6 =	sadd.s32 $0x1000, s0;
	s3 =	sand.u32 $0x1, s21;
	s7 =	sadd.s32 $0x46200, s0  }
0x9: {  	s10 =	sadd.s32 $0x3EA00, s0;
	s11 =	sshll.u32 s9, $0x1;
	p0 =	sne.s32 s9, $0x0  }
0xa: {  	s21 =	simm.s32 $0x4100;
	s9 =	simm.s32 $0x0;
	_ =	strace $0x8000004A  }
0xb: {  	s8 =	smul.u32 $0x4F20, s3;
	s22 =	ssub.s32 $0x2, s3;
	s3 =	sor.u32 s3, s11  }
0xc: {  	[dreg:$0x4] =	wrdreg s10;
	s23 =	sshrl.u32 s22, $0x1;
	s24 =	sshll.u32 s3, $0x4  }
0xd: {  	v3 =	vlaneseq.u32;
	v1 =	vimm.s32 $0x3;
	s11 =	sshll.u32 s3, $0x7;
	s15 =	sor.u32 $0x20, s3;
	s12 =	sadd.s32 s4, s24  }
0xe: {  	v2 =	vimm.s32 $0x8;
	v4 =	vimm.s32 $0x0;
	v5 =	vimm.s32 $0x1;
	s0 =	sadd.s32 s8, s0;
	s10 =	sadd.s32 s5, s24;
	[dreg:$0x5] =	wrdreg s12  }
0xf: {  	v6 =	vimm.s32 $0x9;
	v7 =	vimm.s32 $0x2;
	v8 =	vimm.s32 $0xA;
	s8 =	ssub.s32 s22, s23;
	s25 =	sadd.s32 s7, s11;
	[dreg:$0x6] =	wrdreg s10  }
0x10: {  	v9 =	vimm.s32 $0xB;
	v10 =	vimm.s32 $0x4;
	v11 =	vimm.s32 $0xC;
	s22 =	simm.s32 $0x5100;
	[dreg:$0x7] =	wrdreg s25;
	s0 =	sadd.s32 $0x96200, s0  }
0x11: {  	v12 =	vimm.s32 $0x5;
	v13 =	vimm.s32 $0xD;
	v0 =	vshrl.u32 v3, $0x3;
	s23 =	simm.s32 $0x5180;
	s26 =	smax.u32 s8, $0x1;
	[dreg:$0x8] =	wrdreg s0  }
0x12: {  	v14 =	vimm.s32 $0x6;
	v15 =	vimm.s32 $0xE;
	v0 =	vmul.u32 $0x8, v0;
	s12 =	sor.u32 $0x40, s3;
	s8 =	sshrl.u32 @!p0 s2, $0x3;
	[dreg:$0x9] =	wrdreg s26  }
0x13: {  	v16 =	vimm.s32 $0x7;
	v17 =	vimm.s32 $0xF;
	v3 =	vand.u32 $0x7, v3;
	s25 =	simm.s32 $0x9600;
	s26 =	simm.s32 $0x9200;
	[dreg:$0xa] =	wrdreg s8  }
.LBB2_1:
0x14: {  	[dreg:$0xb] =	wrdreg s9  }
0x15: {  	s0 =	simm.s32 @!p0 $0x1C03;
	s3 =	rddreg [dreg:$0x4]  }
0x16: {  	[spmem:s8], [sflag:s0] =	dma.local @!p0 [hbm:s3], $0x4F20  }
0x17: {  	s0 =	simm.s32 @!p0 $0x3  }
0x18: {  	_ =	swait.ge @!p0 [sflag:s0], $0x4F20  }
0x19: {  	[sflag:s0] =	ssyncset.done @!p0 $0x0  }
0x1a: {  	[sflag:s0] =	ssyncadd.s32 @!p0 $0xFFFFB0E0  }
0x1b: {  	[bflag:$0x0] =	sbarrier.arrive $0xFFFF  }
0x1c: {  	s13 =	simm.s32 $0x0;
	s14 =	rddreg [dreg:$0x5]  }
0x1d: {  	[tilespmem:s13], [sflag:$0x3] =	stream.linear.gather [hbm4b:s14+s13], $0x80, $0x38;
	[tilespmem:$0xC990] =	vst v63  }
0x1e: {  	_ =	swait.ge [sflag:s17], $0x80  }
0x1f: {  	[sflag:s17] =	ssyncset.done $0x0  }
0x20: {  	s16 =	rddreg [dreg:$0x6];
	[sflag:s17] =	ssyncadd.s32 $0xFFFFFF80  }
0x21: {  	[tilespmem:s18], [sflag:$0x3] =	stream.linear.gather [hbm4b:s16+s13], $0x80, $0x38;
	[tilespmem:$0xC990] =	vst v63  }
0x22: {  	_ =	swait.ge [sflag:s17], $0x80  }
0x23: {  	[sflag:s17] =	ssyncset.done $0x0  }
0x24: {  	s19 =	simm.s32 $0x100;
	[sflag:s17] =	ssyncadd.s32 $0xFFFFFF80  }
0x25: {  	[tilespmem:s19], [sflag:$0x1] =	stream.indirect.gather [hbm4b:s6+s18], $0x80, s13, s18, $0xb8;
	[tilespmem:$0xC990] =	vst v63  }
0x26: {  	_ = 	snop  }
0x27: {  	[tilespmem:s20], [sflag:$0x1] =	stream.indirect.gather [hbm4b:s1+s18], $0x8, s18, s18, $0xb8;
	[tilespmem:$0xC990] =	vst v63  }
0x28: {  	s24 =	rddreg [dreg:$0x7];
	s19 =	simm.s32 $0x0  }
0x29: {  	[tilespmem:s21], [sflag:$0x1] =	stream.linear.gather [hbm4b:s24+s13], $0x400, $0x38;
	[tilespmem:$0xC990] =	vst v63  }
.LBB2_2:
0x2a: {  	s8 =	sshll.u32 s19, $0x6  }
0x2b: {  	s0 =	sor.u32 s15, s8  }
0x2c: {  	s3 =	sshll.u32 s0, $0x4  }
0x2d: {  	s10 =	simm.s32 $0x0;
	s9 =	sadd.s32 s4, s3  }
0x2e: {  	[tilespmem:s22], [sflag:$0x3] =	stream.linear.gather [hbm4b:s9+s10], $0x80, $0x38;
	[tilespmem:$0xC990] =	vst v63  }
0x2f: {  	_ =	swait.ge [sflag:s17], $0x80  }
0x30: {  	[sflag:s17] =	ssyncset.done $0x0  }
0x31: {  	s3 =	sadd.s32 s5, s3;
	[sflag:s17] =	ssyncadd.s32 $0xFFFFFF80  }
0x32: {  	[tilespmem:s23], [sflag:$0x3] =	stream.linear.gather [hbm4b:s3+s10], $0x80, $0x38;
	[tilespmem:$0xC990] =	vst v63  }
0x33: {  	_ =	swait.ge [sflag:s17], $0x80  }
0x34: {  	[sflag:s17] =	ssyncset.done $0x0  }
0x35: {  	s11 =	simm.s32 $0x5200;
	[sflag:s17] =	ssyncadd.s32 $0xFFFFFF80  }
0x36: {  	[tilespmem:s11], [sflag:$0x2] =	stream.indirect.gather [hbm4b:s6+s18], $0x80, s22, s18, $0xb8;
	[tilespmem:$0xC990] =	vst v63  }
0x37: {  	s0 =	sshll.u32 s0, $0x7  }
0x38: {  	[tilespmem:s25], [sflag:$0x2] =	stream.indirect.gather [hbm4b:s1+s18], $0x8, s23, s18, $0xb8;
	[tilespmem:$0xC990] =	vst v63  }
0x39: {  	s0 =	sadd.s32 s7, s0  }
0x3a: {  	[tilespmem:s26], [sflag:$0x2] =	stream.linear.gather [hbm4b:s0+s10], $0x400, $0x38;
	[tilespmem:$0xC990] =	vst v63  }
0x3b: {  	_ =	swait.ge [sflag:s28], $0x4000  }
0x3c: {  	v18 =	vmov s10;
	[sflag:s28] =	ssyncset.done $0x0  }
0x3d: {  	v18 =	vshll.u32 v18, $0x3;
	[sflag:s28] =	ssyncadd.s32 $0xFFFFC000  }
0x3e: {  	v18 =	vor.u32 v0, v18;
	_ =	swait.ge [sflag:s28], $0x400  }
0x3f: {  	v18 =	vor.u32 v3, v18;
	[sflag:s28] =	ssyncset.done $0x0  }
0x40: {  	[sflag:s28] =	ssyncadd.s32 $0xFFFFFC00  }
0x41: {  	_ =	swait.ge [sflag:s28], $0x400  }
0x42: {  	[sflag:s28] =	ssyncset.done $0x0  }
0x43: {  	[sflag:s28] =	ssyncadd.s32 $0xFFFFFC00  }
0x44: {  	v19 =	vld.idx.msk [tilespmem:v18+s21+$0x0], $0xffff  }
0x45: {  	v18 =	vld.idx.msk [tilespmem:v18+s20+$0x0], $0xffff;
	_ =	sdelay $0x1  }
0x46: {  	s14 =	simm.s32 $0x200  }
0x47: {  	v20 =	vld [tilespmem:s14+$0xFFFFFF90]  }
0x48: {  	v21 =	vld [tilespmem:s14+$0xFFFFFF00]  }
0x49: {  	v22 =	vld [tilespmem:s14+$0xFFFFFF80];
	v18 =	vmul.f32 v18, v19  }
0x4a: {  	v19 =	vld [tilespmem:s14+$0xFFFFFF10]  }
0x4b: {  	v23 =	vperm.xlane v18, v4;
	v24 =	vperm.xlane v18, v6  }
0x4c: {  	v25 =	vld [tilespmem:s14+$0xFFFFFF20];
	v26 =	vperm.xlane v18, v2;
	v27 =	vperm.xlane v18, v5  }
0x4d: {  	v28 =	vld [tilespmem:s14+$0xFFFFFFA0];
	v29 =	vperm.xlane v18, v9;
	v21 =	vmul.f32 v21, v23  }
0x4e: {  	v20 =	vmul.f32 v20, v24;
	v24 =	vld [tilespmem:s14+$0xFFFFFF30];
	v22 =	vmul.f32 v22, v26  }
0x4f: {  	v26 =	vperm.xlane v18, v7;
	v19 =	vmul.f32 v19, v27;
	v27 =	vld [tilespmem:s14+$0xFFFFFFB0];
	v21 =	vadd.f32 $0.0e+00, v21  }
0x50: {  	v31 =	vld [tilespmem:s14+$0xFFFFFF40];
	v30 =	vperm.xlane v18, v8;
	v32 =	vperm.xlane v18, v10;
	v22 =	vadd.f32 $0.0e+00, v22  }
0x51: {  	v19 =	vadd.f32 v19, v21;
	v21 =	vmul.f32 v25, v26;
	v25 =	vperm.xlane v18, v1;
	v26 =	vld [tilespmem:s14+$0xFFFFFFC0]  }
0x52: {  	v57 =	vld [tilespmem:s14+$0xFFFFFF50];
	v58 =	vperm.xlane v18, v11;
	v20 =	vadd.f32 v20, v22;
	v22 =	vmul.f32 v28, v30  }
0x53: {  	v59 =	vperm.xlane v18, v13;
	v19 =	vadd.f32 v21, v19;
	v21 =	vmul.f32 v24, v25;
	v24 =	vld [tilespmem:s14+$0xFFFFFFD0]  }
0x54: {  	v61 =	vperm.xlane v18, v14;
	v20 =	vadd.f32 v22, v20;
	v22 =	vmul.f32 v27, v29;
	v27 =	vld [tilespmem:s14+$0xFFFFFF60]  }
0x55: {  	v60 =	vld [tilespmem:s14+$0xFFFFFFE0];
	v25 =	vperm.xlane v18, v12;
	v19 =	vadd.f32 v21, v19;
	v21 =	vmul.f32 v31, v32  }
0x56: {  	v62 =	vperm.xlane v18, v15;
	v20 =	vadd.f32 v22, v20;
	v22 =	vmul.f32 v26, v58;
	v26 =	vld [tilespmem:s14+$0xFFFFFF70]  }
0x57: {  	s13 =	simm.s32 $0x2;
	v63 =	vperm.xlane v18, v16;
	v19 =	vadd.f32 v21, v19;
	v21 =	vmul.f32 v57, v25;
	v25 =	vld [tilespmem:s14+$0xFFFFFFF0]  }
0x58: {  	v23 =	vmov s13;
	v20 =	vadd.f32 v22, v20;
	v22 =	vmul.f32 v24, v59  }
0x59: {  	v23 =	vshll.u32 v23, $0x3;
	v19 =	vadd.f32 v21, v19;
	v21 =	vmul.f32 v27, v61  }
0x5a: {  	v18 =	vperm.xlane v18, v17;
	v20 =	vadd.f32 v22, v20;
	v22 =	vmul.f32 v60, v62  }
0x5b: {  	v23 =	vor.u32 v0, v23;
	v19 =	vadd.f32 v21, v19;
	v21 =	vmul.f32 v26, v63  }
0x5c: {  	v20 =	vadd.f32 v22, v20;
	v18 =	vmul.f32 v25, v18;
	v22 =	vor.u32 v3, v23  }
0x5d: {  	v19 =	vadd.f32 v21, v19  }
0x5e: {  	s3 =	simm.s32 $0x4920;
	v18 =	vadd.f32 v18, v20  }
0x5f: {  	[tilespmem:s3+$0xFFFFFFE0] =	vst v19  }
0x60: {  	[tilespmem:s3+$0xFFFFFFF0] =	vst v18  }
0x61: {  	v23 =	vld.idx.msk [tilespmem:v22+s21+$0x0], $0xffff  }
0x62: {  	s16 =	simm.s32 $0x4;
	v25 =	vld.idx.msk [tilespmem:v22+s20+$0x0], $0xffff  }
0x63: {  	v18 =	vmov s16  }
0x64: {  	s24 =	simm.s32 $0x6;
	s16 =	simm.s32 $0x8;
	v18 =	vshll.u32 v18, $0x3;
	v22 =	vld [tilespmem:s14+$0x10]  }
0x65: {  	s9 =	simm.s32 $0x4960;
	s11 =	simm.s32 $0xA;
	s0 =	simm.s32 $0x4;
	v19 =	vmov s24;
	v21 =	vmov s16;
	v24 =	vld [tilespmem:s14+$0x80];
	v18 =	vor.u32 v0, v18  }
0x66: {  	s10 =	simm.s32 $0x400;
	s13 =	simm.s32 $0x400;
	v26 =	vld [tilespmem:s14+$0x0];
	v21 =	vshll.u32 v21, $0x3;
	v20 =	vor.u32 v3, v18;
	v18 =	vmov s11;
	s11 =	simm.s32 $0x4960  }
.LBB2_3:
0x67: {  	s0 =	sadd.s32 $0x2, s0;
	v21 =	vor.u32 v0, v21;
	s10 =	sadd.s32 $0x200, s10;
	s9 =	sadd.s32 $0x40, s9;
	v23 =	vmul.f32 v25, v23  }
0x68: {  	p1 =	slt.u32 s0, $0x3E;
	v21 =	vor.u32 v3, v21;
	v25 =	vld [tilespmem:s14+$0x90]  }
0x69: {  	v27 =	vperm.xlane v23, v4;
	v28 =	vperm.xlane v23, v2  }
0x6a: {  	v29 =	vperm.xlane v23, v5;
	v30 =	vperm.xlane v23, v6;
	v31 =	vld [tilespmem:s14+$0x20]  }
0x6b: {  	v26 =	vmul.f32 v26, v27;
	v24 =	vmul.f32 v24, v28;
	v27 =	vld [tilespmem:s14+$0xA0]  }
0x6c: {  	v22 =	vmul.f32 v22, v29;
	v28 =	vperm.xlane v23, v7;
	v29 =	vld [tilespmem:s14+$0x30]  }
0x6d: {  	v26 =	vadd.f32 $0.0e+00, v26;
	v24 =	vadd.f32 $0.0e+00, v24;
	v25 =	vmul.f32 v25, v30;
	v30 =	vld [tilespmem:s14+$0xB0]  }
0x6e: {  	v32 =	vperm.xlane v23, v8;
	v33 =	vperm.xlane v23, v1;
	v34 =	vld [tilespmem:s14+$0x40]  }
0x6f: {  	v22 =	vadd.f32 v22, v26;
	v24 =	vadd.f32 v25, v24;
	v25 =	vmul.f32 v31, v28;
	v26 =	vld [tilespmem:s14+$0xC0]  }
0x70: {  	v28 =	vperm.xlane v23, v9;
	v27 =	vmul.f32 v27, v32;
	v31 =	vld [tilespmem:s14+$0x50]  }
0x71: {  	v22 =	vadd.f32 v25, v22;
	v25 =	vmul.f32 v29, v33;
	v29 =	vperm.xlane v23, v10;
	v32 =	vld [tilespmem:s14+$0xD0]  }
0x72: {  	v24 =	vadd.f32 v27, v24;
	v27 =	vmul.f32 v30, v28;
	v28 =	vperm.xlane v23, v11;
	v30 =	vld [tilespmem:s14+$0x60]  }
0x73: {  	v22 =	vadd.f32 v25, v22;
	v25 =	vmul.f32 v34, v29;
	v29 =	vperm.xlane v23, v12;
	v33 =	vld [tilespmem:s14+$0xE0]  }
0x74: {  	v24 =	vadd.f32 v27, v24;
	v26 =	vmul.f32 v26, v28;
	v27 =	vperm.xlane v23, v13;
	v28 =	vld [tilespmem:s14+$0x70]  }
0x75: {  	v22 =	vadd.f32 v25, v22;
	v25 =	vmul.f32 v31, v29;
	v29 =	vperm.xlane v23, v14;
	v31 =	vld [tilespmem:s14+$0xF0];
	s14 =	smov.u32 s13;
	s13 =	smov.u32 s10  }
0x76: {  	v24 =	vadd.f32 v26, v24;
	v26 =	vmul.f32 v32, v27;
	v27 =	vperm.xlane v23, v15  }
0x77: {  	v22 =	vadd.f32 v25, v22;
	v25 =	vmul.f32 v30, v29;
	v29 =	vperm.xlane v23, v16  }
0x78: {  	v23 =	vperm.xlane v23, v17;
	v24 =	vadd.f32 v26, v24;
	v26 =	vmul.f32 v33, v27  }
0x79: {  	v22 =	vadd.f32 v25, v22;
	v25 =	vmul.f32 v28, v29  }
0x7a: {  	v24 =	vadd.f32 v26, v24;
	v23 =	vmul.f32 v31, v23  }
0x7b: {  	v22 =	vadd.f32 v25, v22  }
0x7c: {  	v23 =	vadd.f32 v23, v24  }
0x7d: {  	[tilespmem:s3+$0x0] =	vst v22  }
0x7e: {  	[tilespmem:s3+$0x10] =	vst v23;
	s3 =	smov.u32 s11;
	s11 =	smov.u32 s9;
	_ =	sdelay $0x1  }
0x7f: {  	v22 =	vld.idx.msk [tilespmem:v20+s21+$0x0], $0xffff  }
0x80: {  	v23 =	vld.idx.msk [tilespmem:v20+s20+$0x0], $0xffff;
	v20 =	vmov v21;
	_ =	sdelay $0x1  }
0x81: {  	v21 =	vld [tilespmem:s14+$0xFFFFFF90];
	_ =	sdelay $0x1  }
0x82: {  	v24 =	vld [tilespmem:s14+$0xFFFFFF00]  }
0x83: {  	v25 =	vld [tilespmem:s14+$0xFFFFFF80]  }
0x84: {  	v22 =	vmul.f32 v23, v22;
	v23 =	vld [tilespmem:s14+$0xFFFFFF10];
	_ =	sdelay $0x1  }
0x85: {  	v26 =	vperm.xlane v22, v4;
	v27 =	vperm.xlane v22, v6;
	v28 =	vld [tilespmem:s14+$0xFFFFFF20]  }
0x86: {  	v29 =	vperm.xlane v22, v2;
	v30 =	vperm.xlane v22, v5;
	v31 =	vld [tilespmem:s14+$0xFFFFFFA0]  }
0x87: {  	v24 =	vmul.f32 v24, v26;
	v21 =	vmul.f32 v21, v27;
	v26 =	vld [tilespmem:s14+$0xFFFFFF30]  }
0x88: {  	v25 =	vmul.f32 v25, v29;
	v23 =	vmul.f32 v23, v30  }
0x89: {  	v27 =	vperm.xlane v22, v7;
	v29 =	vperm.xlane v22, v9;
	v24 =	vadd.f32 $0.0e+00, v24;
	v30 =	vld [tilespmem:s14+$0xFFFFFFB0]  }
0x8a: {  	v32 =	vperm.xlane v22, v8;
	v33 =	vperm.xlane v22, v10;
	v25 =	vadd.f32 $0.0e+00, v25;
	v34 =	vld [tilespmem:s14+$0xFFFFFF40]  }
0x8b: {  	v23 =	vadd.f32 v23, v24;
	v24 =	vmul.f32 v28, v27;
	v27 =	vperm.xlane v22, v1;
	v28 =	vld [tilespmem:s14+$0xFFFFFFC0]  }
0x8c: {  	v21 =	vadd.f32 v21, v25;
	v25 =	vmul.f32 v31, v32;
	v31 =	vperm.xlane v22, v11;
	v32 =	vld [tilespmem:s14+$0xFFFFFF50]  }
0x8d: {  	v23 =	vadd.f32 v24, v23;
	v24 =	vmul.f32 v26, v27;
	v26 =	vperm.xlane v22, v12;
	v27 =	vld [tilespmem:s14+$0xFFFFFFD0]  }
0x8e: {  	v21 =	vadd.f32 v25, v21;
	v25 =	vmul.f32 v30, v29;
	v29 =	vperm.xlane v22, v13;
	v30 =	vld [tilespmem:s14+$0xFFFFFF60]  }
0x8f: {  	v23 =	vadd.f32 v24, v23;
	v24 =	vmul.f32 v34, v33;
	v33 =	vperm.xlane v22, v14;
	v34 =	vld [tilespmem:s14+$0xFFFFFFE0]  }
0x90: {  	v21 =	vadd.f32 v25, v21;
	v25 =	vmul.f32 v28, v31;
	v28 =	vperm.xlane v22, v15;
	v31 =	vld [tilespmem:s14+$0xFFFFFF70]  }
0x91: {  	v23 =	vadd.f32 v24, v23;
	v24 =	vmul.f32 v32, v26;
	v26 =	vperm.xlane v22, v16;
	v32 =	vld [tilespmem:s14+$0xFFFFFFF0]  }
0x92: {  	v22 =	vperm.xlane v22, v17;
	v21 =	vadd.f32 v25, v21;
	v25 =	vmul.f32 v27, v29  }
0x93: {  	v23 =	vadd.f32 v24, v23;
	v24 =	vmul.f32 v30, v33  }
0x94: {  	v27 =	vshll.u32 v19, $0x3;
	v19 =	vmovc v18;
	v21 =	vadd.f32 v25, v21;
	v25 =	vmul.f32 v34, v28  }
0x95: {  	v18 =	vadd.f32 v24, v23;
	v23 =	vmul.f32 v31, v26;
	v24 =	vor.u32 v0, v27  }
0x96: {  	v21 =	vadd.f32 v25, v21;
	v22 =	vmul.f32 v32, v22;
	v24 =	vor.u32 v3, v24  }
0x97: {  	v18 =	vadd.f32 v23, v18  }
0x98: {  	v21 =	vadd.f32 v22, v21  }
0x99: {  	[tilespmem:s3+$0xFFFFFFE0] =	vst v18  }
0x9a: {  	[tilespmem:s3+$0xFFFFFFF0] =	vst v21  }
0x9b: {  	v23 =	vld.idx.msk [tilespmem:v24+s21+$0x0], $0xffff  }
0x9c: {  	v25 =	vld.idx.msk [tilespmem:v24+s20+$0x0], $0xffff  }
.Ltmp0:
0x9d: {  	v22 =	vld [tilespmem:s14+$0x10];
	(pc) =	sbr.rel @p1 .LBB2_3-.Ltmp0, $4  }
0x9e: {  	_ = 	snop  }
0x9f: {  	s16 =	sadd.s32 $0x4, s16  }
0xa0: {  	s24 =	sadd.s32 $0x2, s16;
	v18 =	vmov s16;
	v24 =	vld [tilespmem:s14+$0x80]  }
0xa1: {  	v21 =	vshll.u32 v18, $0x3;
	v18 =	vmov s24;
	v26 =	vld [tilespmem:s14+$0x0]  }
0xa2: {  	v23 =	vmul.f32 v25, v23;
	_ =	sdelay $0x1  }
0xa3: {  	v25 =	vld [tilespmem:s14+$0x90];
	v27 =	vperm.xlane v23, v4  }
0xa4: {  	v29 =	vld [tilespmem:s14+$0x20];
	v28 =	vperm.xlane v23, v2  }
0xa5: {  	v30 =	vperm.xlane v23, v5;
	v26 =	vmul.f32 v26, v27;
	v27 =	vld [tilespmem:s14+$0xA0]  }
0xa6: {  	v45 =	vld [tilespmem:s14+$0x30];
	v31 =	vperm.xlane v23, v6;
	v24 =	vmul.f32 v24, v28  }
0xa7: {  	v32 =	vld [tilespmem:s14+$0xB0];
	v46 =	vperm.xlane v23, v7;
	v22 =	vmul.f32 v22, v30;
	v26 =	vadd.f32 $0.0e+00, v26  }
0xa8: {  	v33 =	vld [tilespmem:s14+$0x40];
	v47 =	vperm.xlane v23, v8;
	v25 =	vmul.f32 v25, v31;
	v24 =	vadd.f32 $0.0e+00, v24  }
0xa9: {  	v48 =	vld [tilespmem:s14+$0xC0];
	v34 =	vperm.xlane v23, v1;
	v22 =	vadd.f32 v22, v26;
	v26 =	vmul.f32 v29, v46  }
0xaa: {  	v49 =	vld [tilespmem:s14+$0x50];
	v24 =	vadd.f32 v25, v24;
	v25 =	vmul.f32 v27, v47;
	v27 =	vperm.xlane v23, v9  }
0xab: {  	v51 =	vld [tilespmem:s14+$0xD0];
	v50 =	vperm.xlane v23, v10;
	v22 =	vadd.f32 v26, v22;
	v26 =	vmul.f32 v45, v34  }
0xac: {  	v52 =	vld [tilespmem:s14+$0x60];
	v24 =	vadd.f32 v25, v24;
	v25 =	vmul.f32 v32, v27;
	v27 =	vperm.xlane v23, v11  }
0xad: {  	v54 =	vld [tilespmem:s14+$0xE0];
	v53 =	vperm.xlane v23, v12;
	v22 =	vadd.f32 v26, v22;
	v26 =	vmul.f32 v33, v50  }
0xae: {  	v55 =	vld [tilespmem:s14+$0x70];
	v24 =	vadd.f32 v25, v24;
	v25 =	vmul.f32 v48, v27;
	v27 =	vperm.xlane v23, v13  }
0xaf: {  	v57 =	vld [tilespmem:s14+$0xF0];
	v56 =	vperm.xlane v23, v14;
	v22 =	vadd.f32 v26, v22;
	v26 =	vmul.f32 v49, v53  }
0xb0: {  	v24 =	vadd.f32 v25, v24;
	v25 =	vmul.f32 v51, v27;
	v27 =	vperm.xlane v23, v15  }
0xb1: {  	v58 =	vperm.xlane v23, v16;
	v22 =	vadd.f32 v26, v22;
	v26 =	vmul.f32 v52, v56  }
0xb2: {  	v23 =	vperm.xlane v23, v17;
	v24 =	vadd.f32 v25, v24;
	v25 =	vmul.f32 v54, v27  }
0xb3: {  	v22 =	vadd.f32 v26, v22;
	v26 =	vmul.f32 v55, v58  }
0xb4: {  	v23 =	vmul.f32 v57, v23;
	v24 =	vadd.f32 v25, v24  }
0xb5: {  	v22 =	vadd.f32 v26, v22  }
0xb6: {  	v23 =	vadd.f32 v23, v24  }
0xb7: {  	[tilespmem:s3+$0x0] =	vst v22  }
0xb8: {  	[tilespmem:s3+$0x10] =	vst v23  }
0xb9: {  	v22 =	vld.idx.msk [tilespmem:v20+s21+$0x0], $0xffff  }
0xba: {  	v20 =	vld.idx.msk [tilespmem:v20+s20+$0x0], $0xffff;
	_ =	sdelay $0x2  }
0xbb: {  	v23 =	vld [tilespmem:s13+$0xFFFFFF90]  }
0xbc: {  	v24 =	vld [tilespmem:s13+$0xFFFFFF00]  }
0xbd: {  	v25 =	vld [tilespmem:s13+$0xFFFFFF80];
	v20 =	vmul.f32 v20, v22  }
0xbe: {  	v22 =	vld [tilespmem:s13+$0xFFFFFF10]  }
0xbf: {  	v26 =	vperm.xlane v20, v4  }
0xc0: {  	v59 =	vld [tilespmem:s13+$0xFFFFFF20];
	v27 =	vperm.xlane v20, v6;
	v60 =	vperm.xlane v20, v2  }
0xc1: {  	v62 =	vld [tilespmem:s13+$0xFFFFFFA0];
	v61 =	vperm.xlane v20, v5;
	v24 =	vmul.f32 v24, v26  }
0xc2: {  	v23 =	vmul.f32 v23, v27;
	v26 =	vld [tilespmem:s13+$0xFFFFFF30];
	v25 =	vmul.f32 v25, v60  }
0xc3: {  	v63 =	vld [tilespmem:s13+$0xFFFFFFB0];
	v27 =	vperm.xlane v20, v7;
	v22 =	vmul.f32 v22, v61;
	v24 =	vadd.f32 $0.0e+00, v24  }
0xc4: {  	v19 =	vshll.u32 v19, $0x3;
	v38 =	vld [tilespmem:s13+$0xFFFFFF40];
	v37 =	vperm.xlane v20, v8;
	v25 =	vadd.f32 $0.0e+00, v25  }
0xc5: {  	v39 =	vld [tilespmem:s13+$0xFFFFFFC0];
	v22 =	vadd.f32 v22, v24;
	v24 =	vmul.f32 v59, v27;
	v27 =	vperm.xlane v20, v1  }
0xc6: {  	v41 =	vld [tilespmem:s13+$0xFFFFFF50];
	v36 =	vperm.xlane v20, v9;
	v23 =	vadd.f32 v23, v25;
	v25 =	vmul.f32 v62, v37  }
0xc7: {  	v40 =	vperm.xlane v20, v10;
	v22 =	vadd.f32 v24, v22;
	v24 =	vmul.f32 v26, v27;
	v26 =	vld [tilespmem:s13+$0xFFFFFFD0]  }
0xc8: {  	v43 =	vld [tilespmem:s13+$0xFFFFFF60];
	v42 =	vperm.xlane v20, v11;
	v23 =	vadd.f32 v25, v23;
	v25 =	vmul.f32 v63, v36  }
0xc9: {  	v45 =	vld [tilespmem:s13+$0xFFFFFFE0];
	v27 =	vperm.xlane v20, v12;
	v22 =	vadd.f32 v24, v22;
	v24 =	vmul.f32 v38, v40  }
0xca: {  	v47 =	vld [tilespmem:s13+$0xFFFFFF70];
	v44 =	vperm.xlane v20, v13;
	v23 =	vadd.f32 v25, v23;
	v25 =	vmul.f32 v39, v42  }
0xcb: {  	v46 =	vperm.xlane v20, v14;
	v22 =	vadd.f32 v24, v22;
	v24 =	vmul.f32 v41, v27;
	v27 =	vld [tilespmem:s13+$0xFFFFFFF0]  }
0xcc: {  	v48 =	vperm.xlane v20, v15;
	v23 =	vadd.f32 v25, v23;
	v25 =	vmul.f32 v26, v44  }
0xcd: {  	v49 =	vperm.xlane v20, v16;
	v22 =	vadd.f32 v24, v22;
	v24 =	vmul.f32 v43, v46  }
0xce: {  	v20 =	vperm.xlane v20, v17;
	v23 =	vadd.f32 v25, v23;
	v25 =	vmul.f32 v45, v48  }
0xcf: {  	v19 =	vor.u32 v0, v19;
	v22 =	vadd.f32 v24, v22;
	v24 =	vmul.f32 v47, v49  }
0xd0: {  	v19 =	vor.u32 v3, v19;
	v23 =	vadd.f32 v25, v23;
	v20 =	vmul.f32 v27, v20  }
0xd1: {  	v22 =	vadd.f32 v24, v22  }
0xd2: {  	v20 =	vadd.f32 v20, v23  }
0xd3: {  	[tilespmem:s11+$0xFFFFFFE0] =	vst v22  }
0xd4: {  	[tilespmem:s11+$0xFFFFFFF0] =	vst v20  }
0xd5: {  	v20 =	vld.idx.msk [tilespmem:v19+s21+$0x0], $0xffff  }
0xd6: {  	v19 =	vld.idx.msk [tilespmem:v19+s20+$0x0], $0xffff;
	_ =	sdelay $0x3  }
0xd7: {  	v22 =	vld [tilespmem:s13+$0x0]  }
0xd8: {  	v23 =	vld [tilespmem:s13+$0x80];
	v19 =	vmul.f32 v19, v20  }
0xd9: {  	v20 =	vld [tilespmem:s13+$0x10]  }
0xda: {  	v24 =	vld [tilespmem:s13+$0x90];
	v25 =	vperm.xlane v19, v4  }
0xdb: {  	v27 =	vld [tilespmem:s13+$0x20];
	v26 =	vperm.xlane v19, v2  }
0xdc: {  	v50 =	vperm.xlane v19, v5;
	v22 =	vmul.f32 v22, v25;
	v25 =	vld [tilespmem:s13+$0xA0]  }
0xdd: {  	v51 =	vperm.xlane v19, v6;
	v23 =	vmul.f32 v23, v26;
	v26 =	vld [tilespmem:s13+$0x30]  }
0xde: {  	v53 =	vld [tilespmem:s13+$0xB0];
	v52 =	vperm.xlane v19, v7;
	v20 =	vmul.f32 v20, v50;
	v22 =	vadd.f32 $0.0e+00, v22  }
0xdf: {  	v55 =	vld [tilespmem:s13+$0x40];
	v54 =	vperm.xlane v19, v8;
	v24 =	vmul.f32 v24, v51;
	v23 =	vadd.f32 $0.0e+00, v23  }
0xe0: {  	v56 =	vperm.xlane v19, v1;
	v20 =	vadd.f32 v20, v22;
	v22 =	vmul.f32 v27, v52;
	v27 =	vld [tilespmem:s13+$0xC0]  }
0xe1: {  	v57 =	vld [tilespmem:s13+$0x50];
	v23 =	vadd.f32 v24, v23;
	v24 =	vmul.f32 v25, v54;
	v25 =	vperm.xlane v19, v9  }
0xe2: {  	v58 =	vld [tilespmem:s13+$0xD0];
	v20 =	vadd.f32 v22, v20;
	v22 =	vmul.f32 v26, v56;
	v26 =	vperm.xlane v19, v10  }
0xe3: {  	v59 =	vld [tilespmem:s13+$0x60];
	v23 =	vadd.f32 v24, v23;
	v24 =	vmul.f32 v53, v25;
	v25 =	vperm.xlane v19, v11  }
0xe4: {  	v60 =	vld [tilespmem:s13+$0xE0];
	v20 =	vadd.f32 v22, v20;
	v22 =	vmul.f32 v55, v26;
	v26 =	vperm.xlane v19, v12  }
0xe5: {  	v23 =	vadd.f32 v24, v23;
	v24 =	vmul.f32 v27, v25;
	v25 =	vperm.xlane v19, v13;
	v27 =	vld [tilespmem:s13+$0x70]  }
0xe6: {  	v61 =	vld [tilespmem:s13+$0xF0];
	v20 =	vadd.f32 v22, v20;
	v22 =	vmul.f32 v57, v26;
	v26 =	vperm.xlane v19, v14  }
0xe7: {  	v23 =	vadd.f32 v24, v23;
	v24 =	vmul.f32 v58, v25;
	v25 =	vperm.xlane v19, v15  }
0xe8: {  	v20 =	vadd.f32 v22, v20;
	v22 =	vmul.f32 v59, v26;
	v26 =	vperm.xlane v19, v16  }
0xe9: {  	v19 =	vperm.xlane v19, v17;
	v23 =	vadd.f32 v24, v23;
	v24 =	vmul.f32 v60, v25  }
0xea: {  	v21 =	vor.u32 v0, v21;
	v20 =	vadd.f32 v22, v20;
	v22 =	vmul.f32 v27, v26  }
0xeb: {  	v21 =	vor.u32 v3, v21;
	v19 =	vmul.f32 v61, v19;
	v23 =	vadd.f32 v24, v23  }
0xec: {  	v20 =	vadd.f32 v22, v20  }
0xed: {  	v19 =	vadd.f32 v19, v23  }
0xee: {  	[tilespmem:s11+$0x0] =	vst v20  }
0xef: {  	[tilespmem:s11+$0x10] =	vst v19  }
0xf0: {  	v19 =	vld.idx.msk [tilespmem:v21+s21+$0x0], $0xffff  }
0xf1: {  	v20 =	vld.idx.msk [tilespmem:v21+s20+$0x0], $0xffff;
	_ =	sdelay $0x1  }
0xf2: {  	s0 =	sadd.s32 $0x200, s10  }
0xf3: {  	v21 =	vld [tilespmem:s0+$0xFFFFFF90]  }
0xf4: {  	v22 =	vld [tilespmem:s0+$0xFFFFFF00]  }
0xf5: {  	v23 =	vld [tilespmem:s0+$0xFFFFFF80];
	v19 =	vmul.f32 v20, v19  }
0xf6: {  	v20 =	vld [tilespmem:s0+$0xFFFFFF10]  }
0xf7: {  	v24 =	vperm.xlane v19, v4  }
0xf8: {  	v26 =	vld [tilespmem:s0+$0xFFFFFF20];
	v25 =	vperm.xlane v19, v6;
	v27 =	vperm.xlane v19, v2  }
0xf9: {  	v63 =	vld [tilespmem:s0+$0xFFFFFFA0];
	v62 =	vperm.xlane v19, v5;
	v22 =	vmul.f32 v22, v24  }
0xfa: {  	v21 =	vmul.f32 v21, v25;
	v24 =	vld [tilespmem:s0+$0xFFFFFF30];
	v23 =	vmul.f32 v23, v27  }
0xfb: {  	v25 =	vperm.xlane v19, v7;
	v27 =	vld [tilespmem:s0+$0xFFFFFFB0];
	v20 =	vmul.f32 v20, v62;
	v22 =	vadd.f32 $0.0e+00, v22  }
0xfc: {  	v18 =	vshll.u32 v18, $0x3;
	v38 =	vld [tilespmem:s0+$0xFFFFFF40];
	v37 =	vperm.xlane v19, v8;
	v23 =	vadd.f32 $0.0e+00, v23  }
0xfd: {  	v20 =	vadd.f32 v20, v22;
	v22 =	vmul.f32 v26, v25;
	v25 =	vperm.xlane v19, v1;
	v26 =	vld [tilespmem:s0+$0xFFFFFFC0]  }
0xfe: {  	v40 =	vld [tilespmem:s0+$0xFFFFFF50];
	v36 =	vperm.xlane v19, v9;
	v21 =	vadd.f32 v21, v23;
	v23 =	vmul.f32 v63, v37  }
0xff: {  	v39 =	vperm.xlane v19, v10;
	v20 =	vadd.f32 v22, v20;
	v22 =	vmul.f32 v24, v25;
	v24 =	vld [tilespmem:s0+$0xFFFFFFD0]  }
0x100: {  	v41 =	vperm.xlane v19, v11;
	v21 =	vadd.f32 v23, v21;
	v23 =	vmul.f32 v27, v36;
	v27 =	vld [tilespmem:s0+$0xFFFFFF60]  }
0x101: {  	v43 =	vld [tilespmem:s0+$0xFFFFFFE0];
	v25 =	vperm.xlane v19, v12;
	v20 =	vadd.f32 v22, v20;
	v22 =	vmul.f32 v38, v39  }
0x102: {  	v42 =	vperm.xlane v19, v13;
	v21 =	vadd.f32 v23, v21;
	v23 =	vmul.f32 v26, v41;
	v26 =	vld [tilespmem:s0+$0xFFFFFF70]  }
0x103: {  	v44 =	vperm.xlane v19, v14;
	v20 =	vadd.f32 v22, v20;
	v22 =	vmul.f32 v40, v25;
	v25 =	vld [tilespmem:s0+$0xFFFFFFF0]  }
0x104: {  	v45 =	vperm.xlane v19, v15;
	v21 =	vadd.f32 v23, v21;
	v23 =	vmul.f32 v24, v42  }
0x105: {  	v46 =	vperm.xlane v19, v16;
	v20 =	vadd.f32 v22, v20;
	v22 =	vmul.f32 v27, v44  }
0x106: {  	v19 =	vperm.xlane v19, v17;
	v21 =	vadd.f32 v23, v21;
	v23 =	vmul.f32 v43, v45  }
0x107: {  	v18 =	vor.u32 v0, v18;
	v20 =	vadd.f32 v22, v20;
	v22 =	vmul.f32 v26, v46  }
0x108: {  	v18 =	vor.u32 v3, v18;
	v21 =	vadd.f32 v23, v21;
	v19 =	vmul.f32 v25, v19  }
0x109: {  	v20 =	vadd.f32 v22, v20  }
0x10a: {  	s9 =	sadd.s32 $0x40, s9;
	v19 =	vadd.f32 v19, v21  }
0x10b: {  	[tilespmem:s9+$0xFFFFFFE0] =	vst v20  }
0x10c: {  	[tilespmem:s9+$0xFFFFFFF0] =	vst v19  }
0x10d: {  	v19 =	vld.idx.msk [tilespmem:v18+s21+$0x0], $0xffff  }
0x10e: {  	v18 =	vld.idx.msk [tilespmem:v18+s20+$0x0], $0xffff;
	_ =	sdelay $0x3  }
0x10f: {  	v20 =	vld [tilespmem:s0+$0x0]  }
0x110: {  	v21 =	vld [tilespmem:s0+$0x80];
	v18 =	vmul.f32 v18, v19  }
0x111: {  	v19 =	vld [tilespmem:s0+$0x10]  }
0x112: {  	v22 =	vld [tilespmem:s0+$0x90];
	v23 =	vperm.xlane v18, v4  }
0x113: {  	v25 =	vld [tilespmem:s0+$0x20];
	v24 =	vperm.xlane v18, v2  }
0x114: {  	v26 =	vperm.xlane v18, v5;
	v20 =	vmul.f32 v20, v23;
	v23 =	vld [tilespmem:s0+$0xA0]  }
0x115: {  	v27 =	vperm.xlane v18, v6;
	v21 =	vmul.f32 v21, v24;
	v24 =	vld [tilespmem:s0+$0x30]  }
0x116: {  	v47 =	vld [tilespmem:s0+$0xB0];
	v19 =	vmul.f32 v19, v26;
	v26 =	vperm.xlane v18, v7;
	v20 =	vadd.f32 $0.0e+00, v20  }
0x117: {  	v48 =	vld [tilespmem:s0+$0x40];
	v22 =	vmul.f32 v22, v27;
	v27 =	vperm.xlane v18, v8;
	v21 =	vadd.f32 $0.0e+00, v21  }
0x118: {  	v49 =	vperm.xlane v18, v1;
	v19 =	vadd.f32 v19, v20;
	v20 =	vmul.f32 v25, v26;
	v25 =	vld [tilespmem:s0+$0xC0]  }
0x119: {  	v21 =	vadd.f32 v22, v21;
	v26 =	vld [tilespmem:s0+$0x50];
	v22 =	vmul.f32 v23, v27;
	v23 =	vperm.xlane v18, v9  }
0x11a: {  	v27 =	vld [tilespmem:s0+$0xD0];
	v19 =	vadd.f32 v20, v19;
	v20 =	vmul.f32 v24, v49;
	v24 =	vperm.xlane v18, v10  }
0x11b: {  	v50 =	vld [tilespmem:s0+$0x60];
	v21 =	vadd.f32 v22, v21;
	v22 =	vmul.f32 v47, v23;
	v23 =	vperm.xlane v18, v11  }
0x11c: {  	v51 =	vld [tilespmem:s0+$0xE0];
	v19 =	vadd.f32 v20, v19;
	v20 =	vmul.f32 v48, v24;
	v24 =	vperm.xlane v18, v12  }
0x11d: {  	v21 =	vadd.f32 v22, v21;
	v22 =	vmul.f32 v25, v23;
	v23 =	vperm.xlane v18, v13;
	v25 =	vld [tilespmem:s0+$0x70]  }
0x11e: {  	v19 =	vadd.f32 v20, v19;
	v20 =	vmul.f32 v26, v24;
	v24 =	vperm.xlane v18, v14;
	v26 =	vld [tilespmem:s0+$0xF0]  }
0x11f: {  	v21 =	vadd.f32 v22, v21;
	v22 =	vmul.f32 v27, v23;
	v23 =	vperm.xlane v18, v15  }
0x120: {  	v19 =	vadd.f32 v20, v19;
	v20 =	vmul.f32 v50, v24;
	v24 =	vperm.xlane v18, v16  }
0x121: {  	v18 =	vperm.xlane v18, v17;
	v21 =	vadd.f32 v22, v21;
	v22 =	vmul.f32 v51, v23  }
0x122: {  	v19 =	vadd.f32 v20, v19;
	v20 =	vmul.f32 v25, v24  }
0x123: {  	v21 =	vadd.f32 v22, v21;
	v18 =	vmul.f32 v26, v18  }
0x124: {  	v19 =	vadd.f32 v20, v19  }
0x125: {  	v18 =	vadd.f32 v18, v21  }
0x126: {  	[tilespmem:s9+$0x0] =	vst v19  }
0x127: {  	p1 =	seq.s32 s19, $0x27;
	[tilespmem:s9+$0x10] =	vst v18  }
0x128: {  	[spmem:s2] =	stream.indirect.scatter.add.f32 [tilespmem:s29], [sflag:$0x3], $0x10, s18, s18, $0xb8;
	[tilespmem:$0xC990] =	vst v63  }
0x129: {  	s0 =	sadd.s32 @!p1 s12, s8;
	_ =	swait.ge [sflag:s17], $0x800  }
0x12a: {  	s3 =	sshll.u32 @!p1 s0, $0x4;
	[sflag:s17] =	ssyncset.done $0x0  }
0x12b: {  	s8 =	sadd.s32 @!p1 s4, s3;
	s9 =	simm.s32 @!p1 $0x0;
	[sflag:s17] =	ssyncadd.s32 $0xFFFFF800  }
0x12c: {  	[tilespmem:s9], [sflag:$0x3] =	stream.linear.gather @!p1 [hbm4b:s8+s9], $0x80, $0x38;
	[tilespmem:$0xC990] =	vst v63  }
0x12d: {  	s8 =	simm.s32 @!p1 $0x3  }
0x12e: {  	_ =	swait.ge @!p1 [sflag:s8], $0x80  }
0x12f: {  	[sflag:s8] =	ssyncset.done @!p1 $0x0  }
0x130: {  	s10 =	simm.s32 @!p1 $0x80;
	s3 =	sadd.s32 @!p1 s5, s3;
	[sflag:s8] =	ssyncadd.s32 @!p1 $0xFFFFFF80  }
0x131: {  	[tilespmem:s10], [sflag:$0x3] =	stream.linear.gather @!p1 [hbm4b:s3+s9], $0x80, $0x38;
	[tilespmem:$0xC990] =	vst v63  }
0x132: {  	_ =	swait.ge @!p1 [sflag:s8], $0x80  }
0x133: {  	[sflag:s8] =	ssyncset.done @!p1 $0x0  }
0x134: {  	s3 =	simm.s32 @!p1 $0x100;
	[sflag:s8] =	ssyncadd.s32 @!p1 $0xFFFFFF80  }
0x135: {  	[tilespmem:s3], [sflag:$0x1] =	stream.indirect.gather @!p1 [hbm4b:s6+s10], $0x80, s9, s10, $0xb8;
	[tilespmem:$0xC990] =	vst v63  }
0x136: {  	s0 =	sshll.u32 @!p1 s0, $0x7;
	s3 =	simm.s32 @!p1 $0x4500  }
0x137: {  	[tilespmem:s3], [sflag:$0x1] =	stream.indirect.gather @!p1 [hbm4b:s1+s10], $0x8, s10, s10, $0xb8;
	[tilespmem:$0xC990] =	vst v63  }
0x138: {  	s0 =	sadd.s32 @!p1 s7, s0;
	s3 =	simm.s32 @!p1 $0x4100  }
0x139: {  	[tilespmem:s3], [sflag:$0x1] =	stream.linear.gather @!p1 [hbm4b:s0+s9], $0x400, $0x38;
	[tilespmem:$0xC990] =	vst v63  }
0x13a: {  	s10 =	simm.s32 $0x0;
	_ =	swait.ge [sflag:s30], $0x4000  }
0x13b: {  	v18 =	vmov s10;
	[sflag:s30] =	ssyncset.done $0x0  }
0x13c: {  	v18 =	vshll.u32 v18, $0x3;
	[sflag:s30] =	ssyncadd.s32 $0xFFFFC000  }
0x13d: {  	v18 =	vor.u32 v0, v18;
	_ =	swait.ge [sflag:s30], $0x400  }
0x13e: {  	v18 =	vor.u32 v3, v18;
	[sflag:s30] =	ssyncset.done $0x0  }
0x13f: {  	[sflag:s30] =	ssyncadd.s32 $0xFFFFFC00  }
0x140: {  	_ =	swait.ge [sflag:s30], $0x400  }
0x141: {  	[sflag:s30] =	ssyncset.done $0x0  }
0x142: {  	[sflag:s30] =	ssyncadd.s32 $0xFFFFFC00  }
0x143: {  	v19 =	vld.idx.msk [tilespmem:v18+s26+$0x0], $0xffff  }
0x144: {  	v18 =	vld.idx.msk [tilespmem:v18+s25+$0x0], $0xffff;
	_ =	sdelay $0x1  }
0x145: {  	s13 =	simm.s32 $0x5300  }
0x146: {  	v20 =	vld [tilespmem:s13+$0xFFFFFF90]  }
0x147: {  	v21 =	vld [tilespmem:s13+$0xFFFFFF00]  }
0x148: {  	v22 =	vld [tilespmem:s13+$0xFFFFFF80];
	v18 =	vmul.f32 v18, v19  }
0x149: {  	v19 =	vld [tilespmem:s13+$0xFFFFFF10]  }
0x14a: {  	v23 =	vperm.xlane v18, v4;
	v24 =	vperm.xlane v18, v6  }
0x14b: {  	v25 =	vld [tilespmem:s13+$0xFFFFFF20];
	v26 =	vperm.xlane v18, v2;
	v27 =	vperm.xlane v18, v5  }
0x14c: {  	v52 =	vld [tilespmem:s13+$0xFFFFFFA0];
	v53 =	vperm.xlane v18, v9;
	v21 =	vmul.f32 v21, v23  }
0x14d: {  	v20 =	vmul.f32 v20, v24;
	v24 =	vld [tilespmem:s13+$0xFFFFFF30];
	v22 =	vmul.f32 v22, v26  }
0x14e: {  	v26 =	vperm.xlane v18, v7;
	v19 =	vmul.f32 v19, v27;
	v27 =	vld [tilespmem:s13+$0xFFFFFFB0];
	v21 =	vadd.f32 $0.0e+00, v21  }
0x14f: {  	v55 =	vld [tilespmem:s13+$0xFFFFFF40];
	v54 =	vperm.xlane v18, v8;
	v56 =	vperm.xlane v18, v10;
	v22 =	vadd.f32 $0.0e+00, v22  }
0x150: {  	v19 =	vadd.f32 v19, v21;
	v21 =	vmul.f32 v25, v26;
	v25 =	vperm.xlane v18, v1;
	v26 =	vld [tilespmem:s13+$0xFFFFFFC0]  }
0x151: {  	v57 =	vld [tilespmem:s13+$0xFFFFFF50];
	v58 =	vperm.xlane v18, v11;
	v20 =	vadd.f32 v20, v22;
	v22 =	vmul.f32 v52, v54  }
0x152: {  	v59 =	vperm.xlane v18, v13;
	v19 =	vadd.f32 v21, v19;
	v21 =	vmul.f32 v24, v25;
	v24 =	vld [tilespmem:s13+$0xFFFFFFD0]  }
0x153: {  	v61 =	vperm.xlane v18, v14;
	v20 =	vadd.f32 v22, v20;
	v22 =	vmul.f32 v27, v53;
	v27 =	vld [tilespmem:s13+$0xFFFFFF60]  }
0x154: {  	v60 =	vld [tilespmem:s13+$0xFFFFFFE0];
	v25 =	vperm.xlane v18, v12;
	v19 =	vadd.f32 v21, v19;
	v21 =	vmul.f32 v55, v56  }
0x155: {  	v62 =	vperm.xlane v18, v15;
	v20 =	vadd.f32 v22, v20;
	v22 =	vmul.f32 v26, v58;
	v26 =	vld [tilespmem:s13+$0xFFFFFF70]  }
0x156: {  	s11 =	simm.s32 $0x2;
	v63 =	vperm.xlane v18, v16;
	v19 =	vadd.f32 v21, v19;
	v21 =	vmul.f32 v57, v25;
	v25 =	vld [tilespmem:s13+$0xFFFFFFF0]  }
0x157: {  	v23 =	vmov s11;
	v20 =	vadd.f32 v22, v20;
	v22 =	vmul.f32 v24, v59  }
0x158: {  	v23 =	vshll.u32 v23, $0x3;
	v19 =	vadd.f32 v21, v19;
	v21 =	vmul.f32 v27, v61  }
0x159: {  	v18 =	vperm.xlane v18, v17;
	v20 =	vadd.f32 v22, v20;
	v22 =	vmul.f32 v60, v62  }
0x15a: {  	v23 =	vor.u32 v0, v23;
	v19 =	vadd.f32 v21, v19;
	v21 =	vmul.f32 v26, v63  }
0x15b: {  	v20 =	vadd.f32 v22, v20;
	v18 =	vmul.f32 v25, v18;
	v22 =	vor.u32 v3, v23  }
0x15c: {  	v19 =	vadd.f32 v21, v19  }
0x15d: {  	s3 =	simm.s32 $0x9A20;
	v18 =	vadd.f32 v18, v20  }
0x15e: {  	[tilespmem:s3+$0xFFFFFFE0] =	vst v19  }
0x15f: {  	[tilespmem:s3+$0xFFFFFFF0] =	vst v18  }
0x160: {  	v23 =	vld.idx.msk [tilespmem:v22+s26+$0x0], $0xffff  }
0x161: {  	s14 =	simm.s32 $0x4;
	v25 =	vld.idx.msk [tilespmem:v22+s25+$0x0], $0xffff  }
0x162: {  	v18 =	vmov s14  }
0x163: {  	s16 =	simm.s32 $0x6;
	s14 =	simm.s32 $0x8;
	v18 =	vshll.u32 v18, $0x3;
	v22 =	vld [tilespmem:s13+$0x10]  }
0x164: {  	s24 =	simm.s32 $0xA;
	s8 =	simm.s32 $0x9A60;
	s10 =	simm.s32 $0x9A60;
	v19 =	vmov s16;
	v21 =	vmov s14;
	v24 =	vld [tilespmem:s13+$0x80];
	v18 =	vor.u32 v0, v18  }
0x165: {  	s0 =	simm.s32 $0x4;
	s9 =	simm.s32 $0x5500;
	s11 =	simm.s32 $0x5500;
	v26 =	vld [tilespmem:s13+$0x0];
	v21 =	vshll.u32 v21, $0x3;
	v20 =	vor.u32 v3, v18;
	v18 =	vmov s24  }
.LBB2_5:
0x166: {  	s0 =	sadd.s32 $0x2, s0;
	v21 =	vor.u32 v0, v21;
	s9 =	sadd.s32 $0x200, s9;
	s8 =	sadd.s32 $0x40, s8;
	v23 =	vmul.f32 v25, v23  }
0x167: {  	p1 =	slt.u32 s0, $0x3E;
	v21 =	vor.u32 v3, v21;
	v25 =	vld [tilespmem:s13+$0x90]  }
0x168: {  	v27 =	vperm.xlane v23, v4;
	v28 =	vperm.xlane v23, v2  }
0x169: {  	v29 =	vperm.xlane v23, v5;
	v30 =	vperm.xlane v23, v6;
	v31 =	vld [tilespmem:s13+$0x20]  }
0x16a: {  	v26 =	vmul.f32 v26, v27;
	v24 =	vmul.f32 v24, v28;
	v27 =	vld [tilespmem:s13+$0xA0]  }
0x16b: {  	v22 =	vmul.f32 v22, v29;
	v28 =	vperm.xlane v23, v7;
	v29 =	vld [tilespmem:s13+$0x30]  }
0x16c: {  	v26 =	vadd.f32 $0.0e+00, v26;
	v24 =	vadd.f32 $0.0e+00, v24;
	v25 =	vmul.f32 v25, v30;
	v30 =	vld [tilespmem:s13+$0xB0]  }
0x16d: {  	v32 =	vperm.xlane v23, v8;
	v33 =	vperm.xlane v23, v1;
	v34 =	vld [tilespmem:s13+$0x40]  }
0x16e: {  	v22 =	vadd.f32 v22, v26;
	v24 =	vadd.f32 v25, v24;
	v25 =	vmul.f32 v31, v28;
	v26 =	vld [tilespmem:s13+$0xC0]  }
0x16f: {  	v28 =	vperm.xlane v23, v9;
	v27 =	vmul.f32 v27, v32;
	v31 =	vld [tilespmem:s13+$0x50]  }
0x170: {  	v22 =	vadd.f32 v25, v22;
	v25 =	vmul.f32 v29, v33;
	v29 =	vperm.xlane v23, v10;
	v32 =	vld [tilespmem:s13+$0xD0]  }
0x171: {  	v24 =	vadd.f32 v27, v24;
	v27 =	vmul.f32 v30, v28;
	v28 =	vperm.xlane v23, v11;
	v30 =	vld [tilespmem:s13+$0x60]  }
0x172: {  	v22 =	vadd.f32 v25, v22;
	v25 =	vmul.f32 v34, v29;
	v29 =	vperm.xlane v23, v12;
	v33 =	vld [tilespmem:s13+$0xE0]  }
0x173: {  	v24 =	vadd.f32 v27, v24;
	v26 =	vmul.f32 v26, v28;
	v27 =	vperm.xlane v23, v13;
	v28 =	vld [tilespmem:s13+$0x70]  }
0x174: {  	v22 =	vadd.f32 v25, v22;
	v25 =	vmul.f32 v31, v29;
	v29 =	vperm.xlane v23, v14;
	v31 =	vld [tilespmem:s13+$0xF0];
	s13 =	smov.u32 s11;
	s11 =	smov.u32 s9  }
0x175: {  	v24 =	vadd.f32 v26, v24;
	v26 =	vmul.f32 v32, v27;
	v27 =	vperm.xlane v23, v15  }
0x176: {  	v22 =	vadd.f32 v25, v22;
	v25 =	vmul.f32 v30, v29;
	v29 =	vperm.xlane v23, v16  }
0x177: {  	v23 =	vperm.xlane v23, v17;
	v24 =	vadd.f32 v26, v24;
	v26 =	vmul.f32 v33, v27  }
0x178: {  	v22 =	vadd.f32 v25, v22;
	v25 =	vmul.f32 v28, v29  }
0x179: {  	v24 =	vadd.f32 v26, v24;
	v23 =	vmul.f32 v31, v23  }
0x17a: {  	v22 =	vadd.f32 v25, v22  }
0x17b: {  	v23 =	vadd.f32 v23, v24  }
0x17c: {  	[tilespmem:s3+$0x0] =	vst v22  }
0x17d: {  	[tilespmem:s3+$0x10] =	vst v23;
	s3 =	smov.u32 s10;
	s10 =	smov.u32 s8;
	_ =	sdelay $0x1  }
0x17e: {  	v22 =	vld.idx.msk [tilespmem:v20+s26+$0x0], $0xffff  }
0x17f: {  	v23 =	vld.idx.msk [tilespmem:v20+s25+$0x0], $0xffff;
	v20 =	vmov v21;
	_ =	sdelay $0x1  }
0x180: {  	v21 =	vld [tilespmem:s13+$0xFFFFFF90];
	_ =	sdelay $0x1  }
0x181: {  	v24 =	vld [tilespmem:s13+$0xFFFFFF00]  }
0x182: {  	v25 =	vld [tilespmem:s13+$0xFFFFFF80]  }
0x183: {  	v22 =	vmul.f32 v23, v22;
	v23 =	vld [tilespmem:s13+$0xFFFFFF10];
	_ =	sdelay $0x1  }
0x184: {  	v26 =	vperm.xlane v22, v4;
	v27 =	vperm.xlane v22, v6;
	v28 =	vld [tilespmem:s13+$0xFFFFFF20]  }
0x185: {  	v29 =	vperm.xlane v22, v2;
	v30 =	vperm.xlane v22, v5;
	v31 =	vld [tilespmem:s13+$0xFFFFFFA0]  }
0x186: {  	v24 =	vmul.f32 v24, v26;
	v21 =	vmul.f32 v21, v27;
	v26 =	vld [tilespmem:s13+$0xFFFFFF30]  }
0x187: {  	v25 =	vmul.f32 v25, v29;
	v23 =	vmul.f32 v23, v30  }
0x188: {  	v27 =	vperm.xlane v22, v7;
	v29 =	vperm.xlane v22, v9;
	v24 =	vadd.f32 $0.0e+00, v24;
	v30 =	vld [tilespmem:s13+$0xFFFFFFB0]  }
0x189: {  	v32 =	vperm.xlane v22, v8;
	v33 =	vperm.xlane v22, v10;
	v25 =	vadd.f32 $0.0e+00, v25;
	v34 =	vld [tilespmem:s13+$0xFFFFFF40]  }
0x18a: {  	v23 =	vadd.f32 v23, v24;
	v24 =	vmul.f32 v28, v27;
	v27 =	vperm.xlane v22, v1;
	v28 =	vld [tilespmem:s13+$0xFFFFFFC0]  }
0x18b: {  	v21 =	vadd.f32 v21, v25;
	v25 =	vmul.f32 v31, v32;
	v31 =	vperm.xlane v22, v11;
	v32 =	vld [tilespmem:s13+$0xFFFFFF50]  }
0x18c: {  	v23 =	vadd.f32 v24, v23;
	v24 =	vmul.f32 v26, v27;
	v26 =	vperm.xlane v22, v12;
	v27 =	vld [tilespmem:s13+$0xFFFFFFD0]  }
0x18d: {  	v21 =	vadd.f32 v25, v21;
	v25 =	vmul.f32 v30, v29;
	v29 =	vperm.xlane v22, v13;
	v30 =	vld [tilespmem:s13+$0xFFFFFF60]  }
0x18e: {  	v23 =	vadd.f32 v24, v23;
	v24 =	vmul.f32 v34, v33;
	v33 =	vperm.xlane v22, v14;
	v34 =	vld [tilespmem:s13+$0xFFFFFFE0]  }
0x18f: {  	v21 =	vadd.f32 v25, v21;
	v25 =	vmul.f32 v28, v31;
	v28 =	vperm.xlane v22, v15;
	v31 =	vld [tilespmem:s13+$0xFFFFFF70]  }
0x190: {  	v23 =	vadd.f32 v24, v23;
	v24 =	vmul.f32 v32, v26;
	v26 =	vperm.xlane v22, v16;
	v32 =	vld [tilespmem:s13+$0xFFFFFFF0]  }
0x191: {  	v22 =	vperm.xlane v22, v17;
	v21 =	vadd.f32 v25, v21;
	v25 =	vmul.f32 v27, v29  }
0x192: {  	v23 =	vadd.f32 v24, v23;
	v24 =	vmul.f32 v30, v33  }
0x193: {  	v27 =	vshll.u32 v19, $0x3;
	v19 =	vmovc v18;
	v21 =	vadd.f32 v25, v21;
	v25 =	vmul.f32 v34, v28  }
0x194: {  	v18 =	vadd.f32 v24, v23;
	v23 =	vmul.f32 v31, v26;
	v24 =	vor.u32 v0, v27  }
0x195: {  	v21 =	vadd.f32 v25, v21;
	v22 =	vmul.f32 v32, v22;
	v24 =	vor.u32 v3, v24  }
0x196: {  	v18 =	vadd.f32 v23, v18  }
0x197: {  	v21 =	vadd.f32 v22, v21  }
0x198: {  	[tilespmem:s3+$0xFFFFFFE0] =	vst v18  }
0x199: {  	[tilespmem:s3+$0xFFFFFFF0] =	vst v21  }
0x19a: {  	v23 =	vld.idx.msk [tilespmem:v24+s26+$0x0], $0xffff  }
0x19b: {  	v25 =	vld.idx.msk [tilespmem:v24+s25+$0x0], $0xffff  }
.Ltmp1:
0x19c: {  	v22 =	vld [tilespmem:s13+$0x10];
	(pc) =	sbr.rel @p1 .LBB2_5-.Ltmp1, $4  }
0x19d: {  	_ = 	snop  }
0x19e: {  	s14 =	sadd.s32 $0x4, s14  }
0x19f: {  	s16 =	sadd.s32 $0x2, s14;
	v18 =	vmov s14;
	v24 =	vld [tilespmem:s13+$0x80]  }
0x1a0: {  	v21 =	vshll.u32 v18, $0x3;
	v18 =	vmov s16;
	v26 =	vld [tilespmem:s13+$0x0]  }
0x1a1: {  	v23 =	vmul.f32 v25, v23;
	_ =	sdelay $0x1  }
0x1a2: {  	v50 =	vld [tilespmem:s13+$0x90];
	v27 =	vperm.xlane v23, v4  }
0x1a3: {  	v29 =	vld [tilespmem:s13+$0x20];
	v28 =	vperm.xlane v23, v2  }
0x1a4: {  	v51 =	vld [tilespmem:s13+$0xA0];
	v30 =	vperm.xlane v23, v5;
	v26 =	vmul.f32 v26, v27  }
0x1a5: {  	v52 =	vld [tilespmem:s13+$0x30];
	v31 =	vperm.xlane v23, v6;
	v24 =	vmul.f32 v24, v28  }
0x1a6: {  	v32 =	vld [tilespmem:s13+$0xB0];
	v53 =	vperm.xlane v23, v7;
	v22 =	vmul.f32 v22, v30;
	v26 =	vadd.f32 $0.0e+00, v26  }
0x1a7: {  	v33 =	vld [tilespmem:s13+$0x40];
	v54 =	vperm.xlane v23, v8;
	v25 =	vmul.f32 v50, v31;
	v24 =	vadd.f32 $0.0e+00, v24  }
0x1a8: {  	v56 =	vld [tilespmem:s13+$0xC0];
	v34 =	vperm.xlane v23, v1;
	v55 =	vmul.f32 v29, v53;
	v22 =	vadd.f32 v22, v26  }
0x1a9: {  	v59 =	vld [tilespmem:s13+$0x50];
	v58 =	vperm.xlane v23, v9;
	v57 =	vmul.f32 v51, v54;
	v24 =	vadd.f32 v25, v24  }
0x1aa: {  	v62 =	vld [tilespmem:s13+$0xD0];
	v61 =	vperm.xlane v23, v10;
	v60 =	vmul.f32 v52, v34;
	v22 =	vadd.f32 v55, v22  }
0x1ab: {  	v37 =	vld [tilespmem:s13+$0x60];
	v36 =	vperm.xlane v23, v11;
	v63 =	vmul.f32 v32, v58;
	v24 =	vadd.f32 v57, v24  }
0x1ac: {  	v40 =	vld [tilespmem:s13+$0xE0];
	v39 =	vperm.xlane v23, v12;
	v38 =	vmul.f32 v33, v61;
	v22 =	vadd.f32 v60, v22  }
0x1ad: {  	v43 =	vld [tilespmem:s13+$0x70];
	v42 =	vperm.xlane v23, v13;
	v41 =	vmul.f32 v56, v36;
	v24 =	vadd.f32 v63, v24  }
0x1ae: {  	v46 =	vld [tilespmem:s13+$0xF0];
	v45 =	vperm.xlane v23, v14;
	v44 =	vmul.f32 v59, v39;
	v22 =	vadd.f32 v38, v22  }
0x1af: {  	v48 =	vperm.xlane v23, v15;
	v47 =	vmul.f32 v62, v42;
	v24 =	vadd.f32 v41, v24  }
0x1b0: {  	v49 =	vmul.f32 v37, v45;
	v50 =	vperm.xlane v23, v16;
	v22 =	vadd.f32 v44, v22  }
0x1b1: {  	v51 =	vmul.f32 v40, v48;
	v23 =	vperm.xlane v23, v17;
	v24 =	vadd.f32 v47, v24  }
0x1b2: {  	v52 =	vmul.f32 v43, v50;
	v22 =	vadd.f32 v49, v22  }
0x1b3: {  	v23 =	vmul.f32 v46, v23;
	v24 =	vadd.f32 v51, v24  }
0x1b4: {  	v22 =	vadd.f32 v52, v22  }
0x1b5: {  	v23 =	vadd.f32 v23, v24  }
0x1b6: {  	[tilespmem:s3+$0x0] =	vst v22  }
0x1b7: {  	[tilespmem:s3+$0x10] =	vst v23  }
0x1b8: {  	v22 =	vld.idx.msk [tilespmem:v20+s26+$0x0], $0xffff  }
0x1b9: {  	v53 =	vld.idx.msk [tilespmem:v20+s25+$0x0], $0xffff;
	_ =	sdelay $0x3  }
0x1ba: {  	v54 =	vld [tilespmem:s11+$0xFFFFFF00]  }
0x1bb: {  	v55 =	vld [tilespmem:s11+$0xFFFFFF80];
	v20 =	vmul.f32 v53, v22  }
0x1bc: {  	v56 =	vld [tilespmem:s11+$0xFFFFFF10]  }
0x1bd: {  	v23 =	vld [tilespmem:s11+$0xFFFFFF90];
	v57 =	vperm.xlane v20, v4  }
0x1be: {  	v59 =	vld [tilespmem:s11+$0xFFFFFF20];
	v60 =	vperm.xlane v20, v2  }
0x1bf: {  	v62 =	vld [tilespmem:s11+$0xFFFFFFA0];
	v61 =	vperm.xlane v20, v5;
	v24 =	vmul.f32 v54, v57  }
0x1c0: {  	v19 =	vshll.u32 v19, $0x3;
	v63 =	vld [tilespmem:s11+$0xFFFFFF30];
	v58 =	vperm.xlane v20, v6;
	v25 =	vmul.f32 v55, v60  }
0x1c1: {  	v37 =	vld [tilespmem:s11+$0xFFFFFFB0];
	v36 =	vperm.xlane v20, v7;
	v22 =	vmul.f32 v56, v61;
	v24 =	vadd.f32 $0.0e+00, v24  }
0x1c2: {  	v40 =	vld [tilespmem:s11+$0xFFFFFF40];
	v39 =	vperm.xlane v20, v8;
	v23 =	vmul.f32 v23, v58;
	v25 =	vadd.f32 $0.0e+00, v25  }
0x1c3: {  	v43 =	vld [tilespmem:s11+$0xFFFFFFC0];
	v42 =	vperm.xlane v20, v1;
	v41 =	vmul.f32 v59, v36;
	v22 =	vadd.f32 v22, v24  }
0x1c4: {  	v46 =	vld [tilespmem:s11+$0xFFFFFF50];
	v38 =	vperm.xlane v20, v9;
	v45 =	vmul.f32 v62, v39;
	v23 =	vadd.f32 v23, v25  }
0x1c5: {  	v49 =	vld [tilespmem:s11+$0xFFFFFFD0];
	v44 =	vperm.xlane v20, v10;
	v48 =	vmul.f32 v63, v42;
	v22 =	vadd.f32 v41, v22  }
0x1c6: {  	v52 =	vld [tilespmem:s11+$0xFFFFFF60];
	v47 =	vperm.xlane v20, v11;
	v51 =	vmul.f32 v37, v38;
	v23 =	vadd.f32 v45, v23  }
0x1c7: {  	v50 =	vperm.xlane v20, v12;
	v54 =	vmul.f32 v40, v44;
	v55 =	vld [tilespmem:s11+$0xFFFFFFE0];
	v22 =	vadd.f32 v48, v22  }
0x1c8: {  	v53 =	vperm.xlane v20, v13;
	v57 =	vmul.f32 v43, v47;
	v58 =	vld [tilespmem:s11+$0xFFFFFF70];
	v23 =	vadd.f32 v51, v23  }
0x1c9: {  	v56 =	vperm.xlane v20, v14;
	v60 =	vmul.f32 v46, v50;
	v61 =	vld [tilespmem:s11+$0xFFFFFFF0];
	v22 =	vadd.f32 v54, v22  }
0x1ca: {  	v59 =	vperm.xlane v20, v15;
	v63 =	vmul.f32 v49, v53;
	v23 =	vadd.f32 v57, v23  }
0x1cb: {  	v62 =	vperm.xlane v20, v16;
	v29 =	vmul.f32 v52, v56;
	v22 =	vadd.f32 v60, v22  }
0x1cc: {  	v20 =	vperm.xlane v20, v17;
	v30 =	vmul.f32 v55, v59;
	v23 =	vadd.f32 v63, v23  }
0x1cd: {  	v19 =	vor.u32 v0, v19;
	v31 =	vmul.f32 v58, v62;
	v22 =	vadd.f32 v29, v22  }
0x1ce: {  	v19 =	vor.u32 v3, v19;
	v20 =	vmul.f32 v61, v20;
	v23 =	vadd.f32 v30, v23  }
0x1cf: {  	v22 =	vadd.f32 v31, v22  }
0x1d0: {  	v20 =	vadd.f32 v20, v23  }
0x1d1: {  	[tilespmem:s10+$0xFFFFFFE0] =	vst v22  }
0x1d2: {  	[tilespmem:s10+$0xFFFFFFF0] =	vst v20  }
0x1d3: {  	v20 =	vld.idx.msk [tilespmem:v19+s26+$0x0], $0xffff  }
0x1d4: {  	v19 =	vld.idx.msk [tilespmem:v19+s25+$0x0], $0xffff;
	_ =	sdelay $0x3  }
0x1d5: {  	v22 =	vld [tilespmem:s11+$0x0]  }
0x1d6: {  	v32 =	vld [tilespmem:s11+$0x80];
	v19 =	vmul.f32 v19, v20  }
0x1d7: {  	v33 =	vld [tilespmem:s11+$0x10]  }
0x1d8: {  	v34 =	vld [tilespmem:s11+$0x90];
	v35 =	vperm.xlane v19, v4  }
0x1d9: {  	v37 =	vld [tilespmem:s11+$0x20];
	v36 =	vperm.xlane v19, v2  }
0x1da: {  	v39 =	vld [tilespmem:s11+$0xA0];
	v38 =	vperm.xlane v19, v5;
	v22 =	vmul.f32 v22, v35  }
0x1db: {  	v41 =	vld [tilespmem:s11+$0x30];
	v40 =	vperm.xlane v19, v6;
	v23 =	vmul.f32 v32, v36  }
0x1dc: {  	v43 =	vld [tilespmem:s11+$0xB0];
	v42 =	vperm.xlane v19, v7;
	v20 =	vmul.f32 v33, v38;
	v22 =	vadd.f32 $0.0e+00, v22  }
0x1dd: {  	v45 =	vld [tilespmem:s11+$0x40];
	v44 =	vperm.xlane v19, v8;
	v24 =	vmul.f32 v34, v40;
	v23 =	vadd.f32 $0.0e+00, v23  }
0x1de: {  	v48 =	vld [tilespmem:s11+$0xC0];
	v46 =	vperm.xlane v19, v1;
	v47 =	vmul.f32 v37, v42;
	v20 =	vadd.f32 v20, v22  }
0x1df: {  	v51 =	vld [tilespmem:s11+$0x50];
	v50 =	vperm.xlane v19, v9;
	v49 =	vmul.f32 v39, v44;
	v23 =	vadd.f32 v24, v23  }
0x1e0: {  	v54 =	vld [tilespmem:s11+$0xD0];
	v53 =	vperm.xlane v19, v10;
	v52 =	vmul.f32 v41, v46;
	v20 =	vadd.f32 v47, v20  }
0x1e1: {  	v57 =	vld [tilespmem:s11+$0x60];
	v56 =	vperm.xlane v19, v11;
	v55 =	vmul.f32 v43, v50;
	v23 =	vadd.f32 v49, v23  }
0x1e2: {  	v60 =	vld [tilespmem:s11+$0xE0];
	v59 =	vperm.xlane v19, v12;
	v58 =	vmul.f32 v45, v53;
	v20 =	vadd.f32 v52, v20  }
0x1e3: {  	v63 =	vld [tilespmem:s11+$0x70];
	v62 =	vperm.xlane v19, v13;
	v61 =	vmul.f32 v48, v56;
	v23 =	vadd.f32 v55, v23  }
0x1e4: {  	v32 =	vmul.f32 v51, v59;
	v33 =	vperm.xlane v19, v14;
	v34 =	vld [tilespmem:s11+$0xF0];
	v20 =	vadd.f32 v58, v20  }
0x1e5: {  	v35 =	vmul.f32 v54, v62;
	v36 =	vperm.xlane v19, v15;
	v23 =	vadd.f32 v61, v23  }
0x1e6: {  	v38 =	vperm.xlane v19, v16;
	v37 =	vmul.f32 v57, v33;
	v20 =	vadd.f32 v32, v20  }
0x1e7: {  	v19 =	vperm.xlane v19, v17;
	v39 =	vmul.f32 v60, v36;
	v23 =	vadd.f32 v35, v23  }
0x1e8: {  	v21 =	vor.u32 v0, v21;
	v40 =	vmul.f32 v63, v38;
	v20 =	vadd.f32 v37, v20  }
0x1e9: {  	v21 =	vor.u32 v3, v21;
	v19 =	vmul.f32 v34, v19;
	v23 =	vadd.f32 v39, v23  }
0x1ea: {  	v20 =	vadd.f32 v40, v20  }
0x1eb: {  	v19 =	vadd.f32 v19, v23  }
0x1ec: {  	[tilespmem:s10+$0x0] =	vst v20  }
0x1ed: {  	[tilespmem:s10+$0x10] =	vst v19  }
0x1ee: {  	v19 =	vld.idx.msk [tilespmem:v21+s26+$0x0], $0xffff  }
0x1ef: {  	v20 =	vld.idx.msk [tilespmem:v21+s25+$0x0], $0xffff;
	_ =	sdelay $0x2  }
0x1f0: {  	s0 =	sadd.s32 $0x200, s9  }
0x1f1: {  	v42 =	vld [tilespmem:s0+$0xFFFFFF00]  }
0x1f2: {  	v43 =	vld [tilespmem:s0+$0xFFFFFF80];
	v19 =	vmul.f32 v20, v19  }
0x1f3: {  	v44 =	vld [tilespmem:s0+$0xFFFFFF10]  }
0x1f4: {  	v41 =	vld [tilespmem:s0+$0xFFFFFF90];
	v45 =	vperm.xlane v19, v4  }
0x1f5: {  	v47 =	vld [tilespmem:s0+$0xFFFFFF20];
	v48 =	vperm.xlane v19, v2  }
0x1f6: {  	v50 =	vld [tilespmem:s0+$0xFFFFFFA0];
	v49 =	vperm.xlane v19, v5;
	v22 =	vmul.f32 v42, v45  }
0x1f7: {  	v18 =	vshll.u32 v18, $0x3;
	v51 =	vld [tilespmem:s0+$0xFFFFFF30];
	v46 =	vperm.xlane v19, v6;
	v23 =	vmul.f32 v43, v48  }
0x1f8: {  	v53 =	vld [tilespmem:s0+$0xFFFFFFB0];
	v52 =	vperm.xlane v19, v7;
	v20 =	vmul.f32 v44, v49;
	v22 =	vadd.f32 $0.0e+00, v22  }
0x1f9: {  	v56 =	vld [tilespmem:s0+$0xFFFFFF40];
	v55 =	vperm.xlane v19, v8;
	v21 =	vmul.f32 v41, v46;
	v23 =	vadd.f32 $0.0e+00, v23  }
0x1fa: {  	v59 =	vld [tilespmem:s0+$0xFFFFFFC0];
	v58 =	vperm.xlane v19, v1;
	v57 =	vmul.f32 v47, v52;
	v20 =	vadd.f32 v20, v22  }
0x1fb: {  	v62 =	vld [tilespmem:s0+$0xFFFFFF50];
	v54 =	vperm.xlane v19, v9;
	v61 =	vmul.f32 v50, v55;
	v21 =	vadd.f32 v21, v23  }
0x1fc: {  	v37 =	vld [tilespmem:s0+$0xFFFFFFD0];
	v60 =	vperm.xlane v19, v10;
	v36 =	vmul.f32 v51, v58;
	v20 =	vadd.f32 v57, v20  }
0x1fd: {  	v40 =	vld [tilespmem:s0+$0xFFFFFF60];
	v63 =	vperm.xlane v19, v11;
	v39 =	vmul.f32 v53, v54;
	v21 =	vadd.f32 v61, v21  }
0x1fe: {  	v38 =	vperm.xlane v19, v12;
	v42 =	vmul.f32 v56, v60;
	v43 =	vld [tilespmem:s0+$0xFFFFFFE0];
	v20 =	vadd.f32 v36, v20  }
0x1ff: {  	v41 =	vperm.xlane v19, v13;
	v45 =	vmul.f32 v59, v63;
	v46 =	vld [tilespmem:s0+$0xFFFFFF70];
	v21 =	vadd.f32 v39, v21  }
0x200: {  	v44 =	vperm.xlane v19, v14;
	v48 =	vmul.f32 v62, v38;
	v49 =	vld [tilespmem:s0+$0xFFFFFFF0];
	v20 =	vadd.f32 v42, v20  }
0x201: {  	v47 =	vperm.xlane v19, v15;
	v51 =	vmul.f32 v37, v41;
	v21 =	vadd.f32 v45, v21  }
0x202: {  	v50 =	vperm.xlane v19, v16;
	v52 =	vmul.f32 v40, v44;
	v20 =	vadd.f32 v48, v20  }
0x203: {  	v19 =	vperm.xlane v19, v17;
	v53 =	vmul.f32 v43, v47;
	v21 =	vadd.f32 v51, v21  }
0x204: {  	v18 =	vor.u32 v0, v18;
	v54 =	vmul.f32 v46, v50;
	v20 =	vadd.f32 v52, v20  }
0x205: {  	v18 =	vor.u32 v3, v18;
	v19 =	vmul.f32 v49, v19;
	v21 =	vadd.f32 v53, v21  }
0x206: {  	v20 =	vadd.f32 v54, v20  }
0x207: {  	s24 =	sadd.s32 $0x40, s8;
	v19 =	vadd.f32 v19, v21  }
0x208: {  	[tilespmem:s24+$0xFFFFFFE0] =	vst v20  }
0x209: {  	[tilespmem:s24+$0xFFFFFFF0] =	vst v19  }
0x20a: {  	v19 =	vld.idx.msk [tilespmem:v18+s26+$0x0], $0xffff  }
0x20b: {  	v18 =	vld.idx.msk [tilespmem:v18+s25+$0x0], $0xffff;
	_ =	sdelay $0x3  }
0x20c: {  	v20 =	vld [tilespmem:s0+$0x0]  }
0x20d: {  	v55 =	vld [tilespmem:s0+$0x80];
	v18 =	vmul.f32 v18, v19  }
0x20e: {  	v19 =	vld [tilespmem:s0+$0x10]  }
0x20f: {  	v56 =	vld [tilespmem:s0+$0x90];
	v57 =	vperm.xlane v18, v4  }
0x210: {  	v59 =	vld [tilespmem:s0+$0x20];
	v58 =	vperm.xlane v18, v2  }
0x211: {  	v61 =	vld [tilespmem:s0+$0xA0];
	v60 =	vperm.xlane v18, v5;
	v20 =	vmul.f32 v20, v57  }
0x212: {  	v63 =	vld [tilespmem:s0+$0x30];
	v62 =	vperm.xlane v18, v6;
	v21 =	vmul.f32 v55, v58  }
0x213: {  	v34 =	vld [tilespmem:s0+$0xB0];
	v33 =	vperm.xlane v18, v7;
	v19 =	vmul.f32 v19, v60;
	v20 =	vadd.f32 $0.0e+00, v20  }
0x214: {  	v36 =	vld [tilespmem:s0+$0x40];
	v35 =	vperm.xlane v18, v8;
	v22 =	vmul.f32 v56, v62;
	v21 =	vadd.f32 $0.0e+00, v21  }
0x215: {  	v39 =	vld [tilespmem:s0+$0xC0];
	v37 =	vperm.xlane v18, v1;
	v38 =	vmul.f32 v59, v33;
	v19 =	vadd.f32 v19, v20  }
0x216: {  	v42 =	vld [tilespmem:s0+$0x50];
	v41 =	vperm.xlane v18, v9;
	v40 =	vmul.f32 v61, v35;
	v21 =	vadd.f32 v22, v21  }
0x217: {  	v45 =	vld [tilespmem:s0+$0xD0];
	v44 =	vperm.xlane v18, v10;
	v43 =	vmul.f32 v63, v37;
	v19 =	vadd.f32 v38, v19  }
0x218: {  	v48 =	vld [tilespmem:s0+$0x60];
	v47 =	vperm.xlane v18, v11;
	v46 =	vmul.f32 v34, v41;
	v21 =	vadd.f32 v40, v21  }
0x219: {  	v51 =	vld [tilespmem:s0+$0xE0];
	v50 =	vperm.xlane v18, v12;
	v49 =	vmul.f32 v36, v44;
	v19 =	vadd.f32 v43, v19  }
0x21a: {  	v54 =	vld [tilespmem:s0+$0x70];
	v53 =	vperm.xlane v18, v13;
	v52 =	vmul.f32 v39, v47;
	v21 =	vadd.f32 v46, v21  }
0x21b: {  	v55 =	vmul.f32 v42, v50;
	v56 =	vperm.xlane v18, v14;
	v57 =	vld [tilespmem:s0+$0xF0];
	v19 =	vadd.f32 v49, v19  }
0x21c: {  	v58 =	vmul.f32 v45, v53;
	v59 =	vperm.xlane v18, v15;
	v21 =	vadd.f32 v52, v21  }
0x21d: {  	v61 =	vperm.xlane v18, v16;
	v60 =	vmul.f32 v48, v56;
	v19 =	vadd.f32 v55, v19  }
0x21e: {  	v18 =	vperm.xlane v18, v17;
	v62 =	vmul.f32 v51, v59;
	v21 =	vadd.f32 v58, v21  }
0x21f: {  	v63 =	vmul.f32 v54, v61;
	v19 =	vadd.f32 v60, v19  }
0x220: {  	v18 =	vmul.f32 v57, v18;
	v21 =	vadd.f32 v62, v21  }
0x221: {  	v19 =	vadd.f32 v63, v19  }
0x222: {  	s19 =	sadd.s32 $0x1, s19;
	v18 =	vadd.f32 v18, v21  }
0x223: {  	p1 =	sne.s32 s19, $0x28;
	[tilespmem:s24+$0x0] =	vst v19  }
.Ltmp2:
0x224: {  	[tilespmem:s24+$0x10] =	vst v18;
	(pc) =	sbr.rel @p1 .LBB2_2-.Ltmp2, $4  }
0x225: {  	[spmem:s2] =	stream.indirect.scatter.add.f32 [tilespmem:s31], [sflag:$0x3], $0x10, s23, s18, $0xb8;
	[tilespmem:$0xC990] =	vst v63  }
0x226: {  	_ =	swait.ge [sflag:s17], $0x800  }
0x227: {  	[sflag:s17] =	ssyncset.done $0x0  }
0x228: {  	[sflag:s17] =	ssyncadd.s32 $0xFFFFF800  }
0x229: {  	[bflag:$0x0] =	sbarrier.arrive $0xFFFF  }
0x22a: {  	s3 =	rddreg [dreg:$0x8]  }
0x22b: {  	s0 =	simm.s32 @!p0 $0x1C03;
	s8 =	rddreg [dreg:$0xa]  }
0x22c: {  	[hbm:s3], [sflag:s0] =	dma.local @!p0 [spmem:s8], $0x4F20  }
0x22d: {  	s0 =	simm.s32 @!p0 $0x3  }
0x22e: {  	_ =	swait.ge @!p0 [sflag:s0], $0x4F20  }
0x22f: {  	s9 =	rddreg [dreg:$0xb]  }
0x230: {  	s24 =	rddreg [dreg:$0x9];
	s9 =	sadd.s32 $0x1, s9  }
0x231: {  	p1 =	sne.s32 s9, s24  }
.Ltmp3:
0x232: {  	_ = 	snop;
	(pc) =	sbr.rel @p1 .LBB2_1-.Ltmp3, $3  }
0x233: {  	_ =	sdelay $0x1  }
0x234: {  	[sflag:s0] =	ssyncset.done @!p0 $0x0  }
0x235: {  	[sflag:s0] =	ssyncadd.s32 @!p0 $0xFFFFB0E0  }
0x236: {  	_ =	sfence.sel $0x180000  }
0x237: {  	[bflag:$0x0] =	sbarrier.arrive $0xFFFF  }
0x238: {  	_ =	strace $0x9000004A  }
0x239: {  	[bflag:$0x2] =	sbarrier.arrive $0xFFFF  }
0x23a: {  	s0 =	rddreg [dreg:$0x3]  }
0x23b: {  	s0 =	sadd.s32 @!p0 $0x100000, s0  }
0x23c: {  	[sflag:s0] =	ssyncadd.tile.s32 @!p0 $0x1;
	_ =	shalt  }
.Lfunc_end2:
_tile_overlayer_lowered:
.L_overlay_start_2:
0x23d: {  	(tag) =	ssettag $0x2  }
0x23e: {  	s0 =	rddreg [dreg:$0x0];
	s2 =	stileid.u32  }
0x23f: {  	s1 =	rddreg [dreg:$0x1];
	p0 =	sne.s32 s2, $0x0  }
0x240: {  	s3 =	rddreg [dreg:$0x2];
	[bflag:$0x3] =	sbarrier.arrive $0xFFFF;
	s2 =	simm.s32 @!p0 $0x1C03  }
0x241: {  	[timem:s3], [sflag:s2] =	dma.local @!p0 [hbm:s0], s1  }
0x242: {  	s0 =	simm.s32 @!p0 $0x3  }
0x243: {  	_ =	swait.ge @!p0 [sflag:s0], s1  }
0x244: {  	s1 =	ssub.s32 @!p0 $0x0, s1;
	[sflag:s0] =	ssyncset.done @!p0 $0x0  }
0x245: {  	[sflag:s0] =	ssyncadd.s32 @!p0 s1  }
0x246: {  	[bflag:$0x3] =	sbarrier.arrive $0xFFFF  }
0x247: {  	_ =	shalt  }

// kernel: kernel.7.cloned.1.call-start
scs
__scs_entry_jumppad:
0x0: {  	(pc) =	sbr.rel $0x88, $3  }
0x1: {  	(tag) =	ssettag $0x0;
	lr =	simm.s32 $0x1  }
0x2: {  	[smem:$0x3F9B] =	sst lr;
	_ =	strace $0xD0000000  }
0x3: {  	_ = 	snop  }
0x4: {  	_ = 	snop  }
0x5: {  	_ = 	snop  }
0x6: {  	_ = 	snop  }
0x7: {  	_ = 	snop  }
__scs_overlays_trampoline_lowered:
0x8: {  	[smem:$0x3FAA] =	sst s0  }
0x9: {  	[smem:$0x3FAB] =	sst s1  }
0xa: {  	[smem:$0x3FAC] =	sst s2  }
0xb: {  	[smem:$0x3FAD] =	sst s3  }
0xc: {  	[smem:$0x3FAE] =	sst s4  }
0xd: {  	[smem:$0x3FAF] =	sst s5  }
0xe: {  	[smem:$0x3FB0] =	sst s6  }
0xf: {  	[smem:$0x3FB1] =	sst s7  }
0x10: {  	[smem:$0x3FB2] =	sst s8  }
0x11: {  	[smem:$0x3FB3] =	sst s9;
	s0 =	simm.s32 @!p0 $0x0  }
0x12: {  	s1 =	sld [smem:$0x3F99];
	s0 =	simm.s32 @p0 $0x1  }
0x13: {  	[smem:$0x3FB4] =	sst s0;
	s0 =	simm.s32 @!p1 $0x0  }
0x14: {  	s2 =	sld [smem:$0x3F98];
	s0 =	simm.s32 @p1 $0x1  }
0x15: {  	[smem:$0x3FB5] =	sst s0;
	s0 =	simm.s32 @!p2 $0x0  }
0x16: {  	s3 =	sld [smem:$0x3FDB];
	s0 =	simm.s32 @p2 $0x1  }
0x17: {  	s4 =	simm.s32 $0x1BF5;
	[smem:$0x3FB7] =	sst s0  }
0x18: {  	s0 =	sld [smem:$0x3F9A];
	_ =	swait.ge [sflag:s4], $0x0  }
0x19: {  	s7 =	sld [smem:$0x3F9B]  }
0x1a: {  	s8 =	sadd.s32 $0xFFFFE003, lr  }
0x1b: {  	s9 =	sadd.s32 $0xFFFFFEF7, lr;
	s5 =	simm.s32 $0xFFFFFFFF;
	p2 =	slt.u32 s8, $0xFFFFF086  }
0x1c: {  	p1 =	slt.u32 s9, $0xF7A;
	s5 =	simm.s32 @!p2 $0x0  }
0x1d: {  	s5 =	simm.s32 @p1 $0x1;
	p0 =	seq.s32 s7, s2  }
0x1e: {  	s7 =	smul.u32 @!p0 $0xF7A, s2;
	p2 =	seq.s32 @!p0 s5, $0x0  }
0x1f: {  	s9 =	smul.u32 $0xF7A, s1;
	s8 =	simm.s32 @!p0 $0x1BF5;
	p2 =	por !p2, p0  }
0x20: {  	[sflag:s8] =	ssyncset.s32 @!p0 $0xFFFFF086;
	s6 =	sadd.s32 @!p0 s3, s7;
	s7 =	simm.s32 @!p0 $0x108  }
0x21: {  	s3 =	sadd.s32 s3, s9;
	s6 =	sadd.s32 @!p0 $0x88, s6;
	s7 =	simm.s32 @p2 $0x1082  }
0x22: {  	[simem:s7], [sflag:s8] =	dma.local @!p0 [hbm:s6], $0xF7A  }
0x23: {  	s9 =	sor.u32 $0xD0000000, s2;
	s6 =	simm.s32 $0x108;
	_ =	swait.ge @!p0 [sflag:s8], $0x0  }
0x24: {  	s3 =	sadd.s32 $0x88, s3;
	s6 =	simm.s32 @!p1 $0x1082;
	[sflag:s4] =	ssyncset.s32 $0xFFFFF086  }
0x25: {  	[simem:s6], [sflag:s4] =	dma.local [hbm:s3], $0xF7A  }
0x26: {  	[smem:$0x3F9B] =	sst s1;
	(tag) =	ssettag s2;
	_ =	strace s9  }
0x27: {  	s1 =	sld [smem:$0x3FAB]  }
0x28: {  	s2 =	sld [smem:$0x3FAC]  }
0x29: {  	s4 =	sld [smem:$0x3FAE]  }
0x2a: {  	p0 =	seq.s32 s5, $0x0;
	s5 =	sld [smem:$0x3FAF]  }
0x2b: {  	s6 =	sld [smem:$0x3FB0]  }
0x2c: {  	s7 =	sld [smem:$0x3FB1]  }
0x2d: {  	s3 =	simm.s32 $0x108;
	s8 =	sld [smem:$0x3FB2]  }
0x2e: {  	s3 =	simm.s32 @!p0 $0x1082;
	s9 =	sld [smem:$0x3FB3]  }
0x2f: {  	lr =	sadd.s32 s0, s3;
	s0 =	sld [smem:$0x3FAA]  }
0x30: {  	s3 =	sld [smem:$0x3FAD]  }
0x31: {  	[smem:$0x3FB6] =	sst s10  }
0x32: {  	s10 =	sld [smem:$0x3FB4];
	_ =	sdelay $0x3  }
0x33: {  	p0 =	seq.s32 s10, $0x1;
	s10 =	sld [smem:$0x3FB6];
	_ =	sdelay $0x3  }
0x34: {  	[smem:$0x3FB6] =	sst s10  }
0x35: {  	s10 =	sld [smem:$0x3FB5];
	_ =	sdelay $0x3  }
0x36: {  	p1 =	seq.s32 s10, $0x1;
	s10 =	sld [smem:$0x3FB6];
	_ =	sdelay $0x3  }
0x37: {  	[smem:$0x3FB6] =	sst s10  }
0x38: {  	s10 =	sld [smem:$0x3FB7]  }
0x39: {  	_ = 	snop;
	(pc) =	sbr.ind lr, $3  }
0x3a: {  	_ = 	snop  }
0x3b: {  	_ = 	snop  }
0x3c: {  	p2 =	seq.s32 s10, $0x1;
	s10 =	sld [smem:$0x3FB6]  }
0x3d: {  	_ =	shalt  }
0x3e: {  	_ =	shalt  }
0x3f: {  	_ =	shalt  }
0x40: {  	_ =	shalt  }
0x41: {  	_ =	shalt  }
0x42: {  	_ =	shalt  }
0x43: {  	_ =	shalt  }
0x44: {  	_ =	shalt  }
0x45: {  	_ =	shalt  }
0x46: {  	_ =	shalt  }
0x47: {  	_ =	shalt  }
0x48: {  	_ =	shalt  }
0x49: {  	_ =	shalt  }
0x4a: {  	_ =	shalt  }
0x4b: {  	_ =	shalt  }
0x4c: {  	_ =	shalt  }
0x4d: {  	_ =	shalt  }
0x4e: {  	_ =	shalt  }
0x4f: {  	_ =	shalt  }
0x50: {  	_ =	shalt  }
0x51: {  	_ =	shalt  }
0x52: {  	_ =	shalt  }
0x53: {  	_ =	shalt  }
0x54: {  	_ =	shalt  }
0x55: {  	_ =	shalt  }
0x56: {  	_ =	shalt  }
0x57: {  	_ =	shalt  }
0x58: {  	_ =	shalt  }
0x59: {  	_ =	shalt  }
0x5a: {  	_ =	shalt  }
0x5b: {  	_ =	shalt  }
0x5c: {  	_ =	shalt  }
0x5d: {  	_ =	shalt  }
0x5e: {  	_ =	shalt  }
0x5f: {  	_ =	shalt  }
0x60: {  	_ =	shalt  }
0x61: {  	_ =	shalt  }
0x62: {  	_ =	shalt  }
0x63: {  	_ =	shalt  }
0x64: {  	_ =	shalt  }
0x65: {  	_ =	shalt  }
0x66: {  	_ =	shalt  }
0x67: {  	_ =	shalt  }
0x68: {  	_ =	shalt  }
0x69: {  	_ =	shalt  }
0x6a: {  	_ =	shalt  }
0x6b: {  	_ =	shalt  }
0x6c: {  	_ =	shalt  }
0x6d: {  	_ =	shalt  }
0x6e: {  	_ =	shalt  }
0x6f: {  	_ =	shalt  }
0x70: {  	_ =	shalt  }
0x71: {  	_ =	shalt  }
0x72: {  	_ =	shalt  }
0x73: {  	_ =	shalt  }
0x74: {  	_ =	shalt  }
0x75: {  	_ =	shalt  }
0x76: {  	_ =	shalt  }
0x77: {  	_ =	shalt  }
0x78: {  	_ =	shalt  }
0x79: {  	_ =	shalt  }
0x7a: {  	_ =	shalt  }
0x7b: {  	_ =	shalt  }
0x7c: {  	_ =	shalt  }
0x7d: {  	_ =	shalt  }
0x7e: {  	_ =	shalt  }
0x7f: {  	_ =	shalt  }
0x80: {  	_ =	shalt  }
0x81: {  	_ =	shalt  }
0x82: {  	_ =	shalt  }
0x83: {  	_ =	shalt  }
0x84: {  	_ =	shalt  }
0x85: {  	_ =	shalt  }
0x86: {  	_ =	shalt  }
0x87: {  	_ =	shalt  }
.Lfunc_end0:
.L_simem_size_0:
called_computation_lowered:
.L_overlay_start_0:
0x88: {  	s2 =	sld [smem:$0x3FD9]  }
0x89: {  	s3 =	sld [smem:$0x3FFE];
	_ =	sdelay $0x1  }
0x8a: {  	s1 =	srdreg.scid  }
0x8b: {  	s0 =	sand.u32 $0x1, s1  }
0x8c: {  	s17 =	sshll.u32 s0, $0xA;
	s2 =	sadd.s32 s3, s2  }
0x8d: {  	s2 =	sadd.s32 s2, s17  }
0x8e: {  	[smem:$0x3FC2] =	sst s2  }
0x8f: {  	_ = 	snop  }
0x90: {  	s2 =	sld [smem:$0x3FD0];
	(tm) =	ssettm $0x1  }
0x91: {  	s18 =	sld [smem:$0x3FFB];
	_ =	sdelay $0x3  }
0x92: {  	_ =	strace s18  }
0x93: {  	s3 =	sld [smem:$0x3FFC];
	_ =	sdelay $0x3  }
0x94: {  	_ =	strace s3  }
0x95: {  	s3 =	sld [smem:$0x3FFD];
	_ =	sdelay $0x3  }
0x96: {  	_ =	strace s3  }
0x97: {  	_ =	strace $0x8FFFFFFF  }
0x98: {  	s19 =	sld [smem:$0x3FDB];
	_ =	sdelay $0x1  }
0x99: {  	s4 =	simm.s32 $_scs_section_size  }
0x9a: {  	s5 =	simm.s32 $_size__tile_overlayer_lowered;
	s6 =	simm.s32 $_tile_overlayer_lowered  }
0x9b: {  	s22 =	simm.s32 $0x1BFF;
	s21 =	sshll.u32 s6, $0x1;
	s3 =	sadd.s32 s4, s19  }
0x9c: {  	s7 =	simm.s32 $0x0;
	s20 =	sshll.u32 s5, $0x1;
	s5 =	sadd.s32 s21, s3  }
0x9d: {  	[timem:s7], [sflag:s22] =	dma.local [hbm:s5], s20  }
0x9e: {  	_ =	swait.ge [sflag:s22], s20  }
0x9f: {  	s4 =	ssub.s32 $0x0, s20;
	[sflag:s22] =	ssyncset.done $0x0  }
0xa0: {  	[sflag:s22] =	ssyncadd.s32 s4;
	_ =	sdelay $0x1  }
0xa1: {  	s23 =	simm.s32 $0x1B8B  }
0xa2: {  	_ =	swait.ge [sflag:s23], $0x1  }
0xa3: {  	[sflag:s23] =	ssyncset.done $0x0  }
0xa4: {  	s25 =	simm.s32 $0x1B8E;
	s24 =	sld [smem:$0x3FFE];
	[sflag:s23] =	ssyncadd.s32 $0xFFFFFFFF  }
0xa5: {  	s26 =	simm.s32 $execute0_lowered;
	[smem:$0x3FD2] =	sst s25  }
0xa6: {  	s5 =	sshll.u32 s26, $0x1;
	_ =	strace $0x80000046;
	[dreg:$0x1] =	wrdreg $0xFFFFFFFF  }
0xa7: {  	s28 =	simm.s32 $_size_execute0_lowered;
	s3 =	sadd.s32 s3, s5;
	[dreg:$0x0] =	wrdreg $0x0  }
0xa8: {  	s5 =	sshll.u32 s28, $0x1;
	[dreg:$0x2] =	wrdreg s3  }
0xa9: {  	[dreg:$0x3] =	wrdreg s5  }
0xaa: {  	[dreg:$0x4] =	wrdreg $0xC0  }
0xab: {  	_ =	task [dreg:s7], $0x5FFFF  }
0xac: {  	[dreg:$0x1] =	wrdreg $0xFFFFFFFF  }
0xad: {  	[dreg:$0x0] =	wrdreg $0x60  }
0xae: {  	[dreg:$0x2] =	wrdreg s24  }
0xaf: {  	[dreg:$0x3] =	wrdreg s2  }
0xb0: {  	[dreg:$0x4] =	wrdreg $0x1A000  }
0xb1: {  	[dreg:$0x5] =	wrdreg $0x9  }
0xb2: {  	_ =	task.clear_ibuf [dreg:s7], $0x6FFFF;
	_ =	strace $0x90000046  }
0xb3: {  	s29 =	simm.s32 $0x9;
	_ =	strace $0x80000048  }
0xb4: {  	_ =	swait.ge [sflag:s29], $0x1  }
0xb5: {  	[sflag:s29] =	ssyncadd.s32 $0xFFFFFFFF  }
0xb6: {  	_ =	strace $0x90000048  }
0xb7: {  	_ =	sfence  }
0xb8: {  	s30 =	sld [smem:$0x0];
	_ =	sdelay $0x2  }
0xb9: {  	s31 =	sshll.u32 s1, $0xD;
	s1 =	sshrl.u32 s1, $0x2  }
0xba: {  	s3 =	sand.u32 $0x4000, s31;
	s1 =	sadd.s32 s1, s30  }
0xbb: {  	s0 =	sor.u32 s3, s0;
	s1 =	sshll.u32 s1, $0x11  }
0xbc: {  	s0 =	sor.u32 s1, s0  }
0xbd: {  	s0 =	sadd.s32 $0x8F2B, s0  }
0xbe: {  	[sflag:s0] =	ssyncadd.remote.s32 $0x1  }
0xbf: {  	_ =	sfence.sel $0xFFFF  }
0xc0: {  	[dreg:$0x0] =	wrdreg $0xFFFFFFFF;
	(pc) =	sbr.abs _section_cstart, $3  }
0xc1: {  	[dreg:$0x1] =	wrdreg $0xFFFFFFFF  }
0xc2: {  	_ =	task.clear_ibuf [dreg:s7], $0x2FFFF;
	_ =	strace $0x9FFFFFFF  }
0xc3: {  	(tm) =	ssettm $0x7FFFFFFF  }
tec
execute0_lowered:
.L_overlay_start_1:
0x0: {  	(tag) =	ssettag $0x1  }
0x1: {  	s0 =	rddreg [dreg:$0x0]  }
0x2: {  	s1 =	rddreg [dreg:$0x1]  }
0x3: {  	s2 =	rddreg [dreg:$0x2];
	s3 =	simm.s32 $0x0  }
0x4: {  	s5 =	srdreg.scid;
	s9 =	stileid.u32;
	s17 =	simm.s32 $0x3  }
0x5: {  	s18 =	simm.s32 $0x80;
	s19 =	simm.s32 $0x100;
	s20 =	simm.s32 $0x500  }
0x6: {  	s21 =	simm.s32 $0xD00;
	s22 =	simm.s32 $0xD80;
	s28 =	simm.s32 $0x2  }
0x7: {  	s29 =	simm.s32 $0x1600;
	s30 =	simm.s32 $0x0;
	[smem:$0x7FF] =	sst s3  }
0x8: {  	s4 =	sadd.s32 $0x2AA00, s0;
	s7 =	sand.u32 $0x1, s5;
	s5 =	sadd.s32 $0x34A00, s0  }
0x9: {  	s6 =	sadd.s32 $0x28200, s0;
	s10 =	sadd.s32 $0x3EA00, s0;
	s23 =	sshll.u32 s9, $0x1  }
0xa: {  	p0 =	sne.s32 s9, $0x0;
	_ =	strace $0x80000047;
	s8 =	smul.u32 $0x2790, s7  }
0xb: {  	[dreg:$0x4] =	wrdreg s10;
	s11 =	ssub.s32 $0x2, s7;
	s7 =	sor.u32 s7, s23  }
0xc: {  	s16 =	sshrl.u32 @!p0 s2, $0x3;
	s23 =	simm.s32 $0xE00;
	s24 =	sshrl.u32 s11, $0x1  }
0xd: {  	s12 =	sshll.u32 s7, $0x4;
	s14 =	sadd.s32 s8, s0;
	s8 =	sadd.s32 $0x46200, s0  }
0xe: {  	s0 =	ssub.s32 s11, s24;
	s25 =	sadd.s32 s4, s12;
	s26 =	sadd.s32 s5, s12  }
0xf: {  	s11 =	sor.u32 $0x20, s7;
	s12 =	sor.u32 $0x400, s12;
	[dreg:$0x5] =	wrdreg s25  }
0x10: {  	v1 =	vlaneseq.u32;
	s7 =	sshll.u32 s7, $0x7;
	s24 =	simm.s32 $0x1200;
	[dreg:$0x6] =	wrdreg s26  }
0x11: {  	v0 =	vshrl.u32 v1, $0x3;
	s13 =	sadd.s32 s8, s7;
	s31 =	sadd.s32 $0x41200, s14;
	s15 =	smax.u32 s0, $0x1  }
0x12: {  	v1 =	vand.u32 $0x7, v1;
	v0 =	vmul.u32 $0x8, v0;
	s25 =	simm.s32 $0x1;
	s26 =	simm.s32 $0x900;
	[dreg:$0x7] =	wrdreg s31  }
.LBB2_1:
0x13: {  	s0 =	simm.s32 @!p0 $0x1C03;
	s7 =	rddreg [dreg:$0x4]  }
0x14: {  	[spmem:s16], [sflag:s0] =	dma.local @!p0 [hbm:s7], $0x2790  }
0x15: {  	s0 =	simm.s32 @!p0 $0x3  }
0x16: {  	_ =	swait.ge @!p0 [sflag:s0], $0x2790  }
0x17: {  	[sflag:s0] =	ssyncset.done @!p0 $0x0  }
0x18: {  	[sflag:s0] =	ssyncadd.s32 @!p0 $0xFFFFD870  }
0x19: {  	[bflag:$0x0] =	sbarrier.arrive $0xFFFF  }
0x1a: {  	s10 =	rddreg [dreg:$0x5]  }
0x1b: {  	[tilespmem:s3], [sflag:$0x3] =	stream.linear.gather [hbm4b:s10+s3], $0x80, $0x38;
	[tilespmem:$0x2DC8] =	vst v63  }
0x1c: {  	_ =	swait.ge [sflag:s17], $0x80  }
0x1d: {  	[sflag:s17] =	ssyncset.done $0x0  }
0x1e: {  	s14 =	rddreg [dreg:$0x6];
	[sflag:s17] =	ssyncadd.s32 $0xFFFFFF80  }
0x1f: {  	[tilespmem:s18], [sflag:$0x3] =	stream.linear.gather [hbm4b:s14+s3], $0x80, $0x38;
	[tilespmem:$0x2DC8] =	vst v63  }
0x20: {  	_ =	swait.ge [sflag:s17], $0x80  }
0x21: {  	[sflag:s17] =	ssyncset.done $0x0  }
0x22: {  	[sflag:s17] =	ssyncadd.s32 $0xFFFFFF80  }
0x23: {  	[tilespmem:s19], [sflag:$0x1] =	stream.indirect.gather [hbm4b:s1+s18], $0x8, s3, s18, $0xb8;
	[tilespmem:$0x2DC8] =	vst v63  }
0x24: {  	s31 =	simm.s32 $0x0  }
0x25: {  	[tilespmem:s20], [sflag:$0x1] =	stream.indirect.gather [hbm4b:s6+s18], $0x8, s18, s18, $0xb8;
	[tilespmem:$0x2DC8] =	vst v63  }
.LBB2_2:
0x26: {  	s0 =	sshll.u32 s31, $0x6  }
0x27: {  	s0 =	sor.u32 s11, s0  }
0x28: {  	s7 =	sshll.u32 s0, $0x4  }
0x29: {  	s9 =	sadd.s32 s4, s7  }
0x2a: {  	[tilespmem:s21], [sflag:$0x3] =	stream.linear.gather [hbm4b:s9+s3], $0x80, $0x38;
	[tilespmem:$0x2DC8] =	vst v63  }
0x2b: {  	_ =	swait.ge [sflag:s17], $0x80  }
0x2c: {  	[sflag:s17] =	ssyncset.done $0x0  }
0x2d: {  	s7 =	sadd.s32 s5, s7;
	[sflag:s17] =	ssyncadd.s32 $0xFFFFFF80  }
0x2e: {  	[tilespmem:s22], [sflag:$0x3] =	stream.linear.gather [hbm4b:s7+s3], $0x80, $0x38;
	[tilespmem:$0x2DC8] =	vst v63  }
0x2f: {  	_ =	swait.ge [sflag:s17], $0x80  }
0x30: {  	[sflag:s17] =	ssyncset.done $0x0  }
0x31: {  	s10 =	simm.s32 $0x0;
	[sflag:s17] =	ssyncadd.s32 $0xFFFFFF80  }
0x32: {  	[tilespmem:s23], [sflag:$0x2] =	stream.indirect.gather [hbm4b:s1+s18], $0x8, s21, s18, $0xb8;
	[tilespmem:$0x2DC8] =	vst v63  }
0x33: {  	v2 =	vmov s10  }
0x34: {  	v2 =	vshll.u32 v2, $0x3;
	[tilespmem:s24], [sflag:$0x2] =	stream.indirect.gather [hbm4b:s6+s18], $0x8, s22, s18, $0xb8;
	[tilespmem:$0x2DC8] =	vst v63  }
0x35: {  	v2 =	vor.u32 v0, v2;
	_ =	swait.ge [sflag:s25], $0x400  }
0x36: {  	v2 =	vor.u32 v1, v2;
	[sflag:s25] =	ssyncset.done $0x0  }
0x37: {  	[sflag:s25] =	ssyncadd.s32 $0xFFFFFC00  }
0x38: {  	_ =	swait.ge [sflag:s25], $0x400  }
0x39: {  	[sflag:s25] =	ssyncset.done $0x0  }
0x3a: {  	[sflag:s25] =	ssyncadd.s32 $0xFFFFFC00  }
0x3b: {  	v3 =	vld.idx.msk [tilespmem:v2+s19+$0x0], $0xffff  }
0x3c: {  	v4 =	vld.idx.msk [tilespmem:v2+s20+$0x0], $0xffff;
	_ =	sdelay $0x4  }
0x3d: {  	v3 =	vadd.f32 v4, v3;
	_ =	sdelay $0x1  }
0x3e: {  	v4 =	vmul.f32 $2.000000030e-01, v3;
	_ =	sdelay $0x1  }
0x3f: {  	v3 =	vmax.f32 v3, v4  }
0x40: {  	v3 =	vmul.f32 $1.442695020e+00, v3;
	_ =	sdelay $0x1  }
0x41: {  	(erf) = vpow2.f32 v3;
	_ =	sdelay $0x1  }
0x42: {  	s14 =	simm.s32 $0x2  }
0x43: {  	v3 =	vmov s14  }
0x44: {  	v3 =	vshll.u32 v3, $0x3  }
0x45: {  	v3 =	vor.u32 v0, v3  }
0x46: {  	v3 =	vor.u32 v1, v3;
	_ =	sdelay $0x2  }
0x47: {  	v58 =	vpop (erf)  }
0x48: {  	[tilespmem:v2+s26+$0x0] =	vst.idx.msk $0xffff, v58  }
0x49: {  	v2 =	vld.idx.msk [tilespmem:v3+s19+$0x0], $0xffff  }
0x4a: {  	v4 =	vld.idx.msk [tilespmem:v3+s20+$0x0], $0xffff;
	_ =	sdelay $0x4  }
0x4b: {  	v2 =	vadd.f32 v4, v2;
	_ =	sdelay $0x1  }
0x4c: {  	v4 =	vmul.f32 $2.000000030e-01, v2;
	_ =	sdelay $0x1  }
0x4d: {  	v2 =	vmax.f32 v2, v4  }
0x4e: {  	v2 =	vmul.f32 $1.442695020e+00, v2;
	_ =	sdelay $0x1  }
0x4f: {  	(erf) = vpow2.f32 v2;
	_ =	sdelay $0x1  }
0x50: {  	s9 =	simm.s32 $0x4  }
0x51: {  	v2 =	vmov s9  }
0x52: {  	v2 =	vshll.u32 v2, $0x3  }
0x53: {  	v2 =	vor.u32 v0, v2  }
0x54: {  	v2 =	vor.u32 v1, v2;
	_ =	sdelay $0x2  }
0x55: {  	v59 =	vpop (erf)  }
0x56: {  	[tilespmem:v3+s26+$0x0] =	vst.idx.msk $0xffff, v59  }
0x57: {  	v3 =	vld.idx.msk [tilespmem:v2+s19+$0x0], $0xffff  }
0x58: {  	v4 =	vld.idx.msk [tilespmem:v2+s20+$0x0], $0xffff;
	_ =	sdelay $0x4  }
0x59: {  	v3 =	vadd.f32 v4, v3;
	_ =	sdelay $0x1  }
0x5a: {  	v4 =	vmul.f32 $2.000000030e-01, v3;
	_ =	sdelay $0x1  }
0x5b: {  	v3 =	vmax.f32 v3, v4  }
0x5c: {  	v3 =	vmul.f32 $1.442695020e+00, v3;
	_ =	sdelay $0x1  }
0x5d: {  	(erf) = vpow2.f32 v3;
	_ =	sdelay $0x1  }
0x5e: {  	s10 =	simm.s32 $0x6  }
0x5f: {  	v3 =	vmov s10  }
0x60: {  	v3 =	vshll.u32 v3, $0x3  }
0x61: {  	v3 =	vor.u32 v0, v3  }
0x62: {  	v3 =	vor.u32 v1, v3;
	_ =	sdelay $0x2  }
0x63: {  	v60 =	vpop (erf)  }
0x64: {  	[tilespmem:v2+s26+$0x0] =	vst.idx.msk $0xffff, v60  }
0x65: {  	v2 =	vld.idx.msk [tilespmem:v3+s19+$0x0], $0xffff  }
0x66: {  	v4 =	vld.idx.msk [tilespmem:v3+s20+$0x0], $0xffff;
	_ =	sdelay $0x4  }
0x67: {  	v2 =	vadd.f32 v4, v2;
	_ =	sdelay $0x1  }
0x68: {  	v4 =	vmul.f32 $2.000000030e-01, v2;
	_ =	sdelay $0x1  }
0x69: {  	v2 =	vmax.f32 v2, v4  }
0x6a: {  	v2 =	vmul.f32 $1.442695020e+00, v2;
	_ =	sdelay $0x1  }
0x6b: {  	(erf) = vpow2.f32 v2;
	_ =	sdelay $0x1  }
0x6c: {  	s14 =	simm.s32 $0x8  }
0x6d: {  	v2 =	vmov s14  }
0x6e: {  	v2 =	vshll.u32 v2, $0x3  }
0x6f: {  	v2 =	vor.u32 v0, v2  }
0x70: {  	v2 =	vor.u32 v1, v2;
	_ =	sdelay $0x2  }
0x71: {  	v61 =	vpop (erf)  }
0x72: {  	[tilespmem:v3+s26+$0x0] =	vst.idx.msk $0xffff, v61  }
0x73: {  	v3 =	vld.idx.msk [tilespmem:v2+s19+$0x0], $0xffff  }
0x74: {  	v4 =	vld.idx.msk [tilespmem:v2+s20+$0x0], $0xffff;
	_ =	sdelay $0x4  }
0x75: {  	v3 =	vadd.f32 v4, v3;
	_ =	sdelay $0x1  }
0x76: {  	v4 =	vmul.f32 $2.000000030e-01, v3;
	_ =	sdelay $0x1  }
0x77: {  	v3 =	vmax.f32 v3, v4  }
0x78: {  	v3 =	vmul.f32 $1.442695020e+00, v3;
	_ =	sdelay $0x1  }
0x79: {  	(erf) = vpow2.f32 v3;
	_ =	sdelay $0x1  }
0x7a: {  	s9 =	simm.s32 $0xA  }
0x7b: {  	v3 =	vmov s9  }
0x7c: {  	v3 =	vshll.u32 v3, $0x3  }
0x7d: {  	v3 =	vor.u32 v0, v3  }
0x7e: {  	v3 =	vor.u32 v1, v3;
	_ =	sdelay $0x2  }
0x7f: {  	v62 =	vpop (erf)  }
0x80: {  	[tilespmem:v2+s26+$0x0] =	vst.idx.msk $0xffff, v62  }
0x81: {  	v2 =	vld.idx.msk [tilespmem:v3+s19+$0x0], $0xffff  }
0x82: {  	v4 =	vld.idx.msk [tilespmem:v3+s20+$0x0], $0xffff;
	_ =	sdelay $0x4  }
0x83: {  	v2 =	vadd.f32 v4, v2;
	_ =	sdelay $0x1  }
0x84: {  	v4 =	vmul.f32 $2.000000030e-01, v2;
	_ =	sdelay $0x1  }
0x85: {  	v2 =	vmax.f32 v2, v4  }
0x86: {  	v2 =	vmul.f32 $1.442695020e+00, v2;
	_ =	sdelay $0x1  }
0x87: {  	(erf) = vpow2.f32 v2;
	_ =	sdelay $0x1  }
0x88: {  	s10 =	simm.s32 $0xC  }
0x89: {  	v2 =	vmov s10  }
0x8a: {  	v2 =	vshll.u32 v2, $0x3  }
0x8b: {  	v2 =	vor.u32 v0, v2  }
0x8c: {  	v63 =	vor.u32 v1, v2;
	_ =	sdelay $0x2  }
0x8d: {  	v2 =	vpop (erf)  }
0x8e: {  	[tilespmem:v3+s26+$0x0] =	vst.idx.msk $0xffff, v2  }
0x8f: {  	v2 =	vld.idx.msk [tilespmem:v63+s19+$0x0], $0xffff  }
0x90: {  	v3 =	vld.idx.msk [tilespmem:v63+s20+$0x0], $0xffff;
	_ =	sdelay $0x4  }
0x91: {  	v2 =	vadd.f32 v3, v2;
	_ =	sdelay $0x1  }
0x92: {  	v3 =	vmul.f32 $2.000000030e-01, v2;
	_ =	sdelay $0x1  }
0x93: {  	v2 =	vmax.f32 v2, v3  }
0x94: {  	v2 =	vmul.f32 $1.442695020e+00, v2;
	_ =	sdelay $0x1  }
0x95: {  	(erf) = vpow2.f32 v2;
	_ =	sdelay $0x1  }
0x96: {  	s14 =	simm.s32 $0xE  }
0x97: {  	v2 =	vmov s14  }
0x98: {  	v2 =	vshll.u32 v2, $0x3  }
0x99: {  	v2 =	vor.u32 v0, v2  }
0x9a: {  	v2 =	vor.u32 v1, v2;
	_ =	sdelay $0x2  }
0x9b: {  	v3 =	vpop (erf)  }
0x9c: {  	[tilespmem:v63+s26+$0x0] =	vst.idx.msk $0xffff, v3  }
0x9d: {  	v3 =	vld.idx.msk [tilespmem:v2+s19+$0x0], $0xffff  }
0x9e: {  	v4 =	vld.idx.msk [tilespmem:v2+s20+$0x0], $0xffff;
	_ =	sdelay $0x4  }
0x9f: {  	v3 =	vadd.f32 v4, v3;
	_ =	sdelay $0x1  }
0xa0: {  	v4 =	vmul.f32 $2.000000030e-01, v3;
	_ =	sdelay $0x1  }
0xa1: {  	v3 =	vmax.f32 v3, v4  }
0xa2: {  	v3 =	vmul.f32 $1.442695020e+00, v3;
	_ =	sdelay $0x1  }
0xa3: {  	(erf) = vpow2.f32 v3  }
0xa4: {  	s7 =	simm.s32 $0x1E;
	s9 =	simm.s32 $0x8  }
.LBB2_3:
0xa5: {  	s9 =	sadd.s32 $0x8, s9;
	s10 =	sadd.s32 $0xFFFFFFF2, s7  }
0xa6: {  	p1 =	slt.u32 s9, $0x38;
	v3 =	vmov s10  }
0xa7: {  	v3 =	vshll.u32 v3, $0x3  }
0xa8: {  	v3 =	vor.u32 v0, v3  }
0xa9: {  	v3 =	vor.u32 v1, v3;
	_ =	sdelay $0x2  }
0xaa: {  	v4 =	vpop (erf)  }
0xab: {  	[tilespmem:v2+s26+$0x0] =	vst.idx.msk $0xffff, v4  }
0xac: {  	v2 =	vld.idx.msk [tilespmem:v3+s19+$0x0], $0xffff  }
0xad: {  	v4 =	vld.idx.msk [tilespmem:v3+s20+$0x0], $0xffff;
	_ =	sdelay $0x5  }
0xae: {  	v2 =	vadd.f32 v4, v2;
	_ =	sdelay $0x1  }
0xaf: {  	v4 =	vmul.f32 $2.000000030e-01, v2;
	_ =	sdelay $0x1  }
0xb0: {  	v2 =	vmax.f32 v2, v4  }
0xb1: {  	v2 =	vmul.f32 $1.442695020e+00, v2;
	_ =	sdelay $0x1  }
0xb2: {  	(erf) = vpow2.f32 v2;
	_ =	sdelay $0x1  }
0xb3: {  	s10 =	sadd.s32 $0xFFFFFFF4, s7  }
0xb4: {  	v2 =	vmov s10  }
0xb5: {  	v2 =	vshll.u32 v2, $0x3  }
0xb6: {  	v2 =	vor.u32 v0, v2  }
0xb7: {  	v2 =	vor.u32 v1, v2;
	_ =	sdelay $0x2  }
0xb8: {  	v4 =	vpop (erf)  }
0xb9: {  	[tilespmem:v3+s26+$0x0] =	vst.idx.msk $0xffff, v4  }
0xba: {  	v3 =	vld.idx.msk [tilespmem:v2+s19+$0x0], $0xffff  }
0xbb: {  	v4 =	vld.idx.msk [tilespmem:v2+s20+$0x0], $0xffff;
	_ =	sdelay $0x5  }
0xbc: {  	v3 =	vadd.f32 v4, v3;
	_ =	sdelay $0x1  }
0xbd: {  	v4 =	vmul.f32 $2.000000030e-01, v3;
	_ =	sdelay $0x1  }
0xbe: {  	v3 =	vmax.f32 v3, v4  }
0xbf: {  	v3 =	vmul.f32 $1.442695020e+00, v3;
	_ =	sdelay $0x1  }
0xc0: {  	(erf) = vpow2.f32 v3;
	_ =	sdelay $0x1  }
0xc1: {  	s10 =	sadd.s32 $0xFFFFFFF6, s7  }
0xc2: {  	v3 =	vmov s10  }
0xc3: {  	v3 =	vshll.u32 v3, $0x3  }
0xc4: {  	v3 =	vor.u32 v0, v3  }
0xc5: {  	v3 =	vor.u32 v1, v3;
	_ =	sdelay $0x2  }
0xc6: {  	v4 =	vpop (erf)  }
0xc7: {  	[tilespmem:v2+s26+$0x0] =	vst.idx.msk $0xffff, v4  }
0xc8: {  	v2 =	vld.idx.msk [tilespmem:v3+s19+$0x0], $0xffff  }
0xc9: {  	v4 =	vld.idx.msk [tilespmem:v3+s20+$0x0], $0xffff;
	_ =	sdelay $0x5  }
0xca: {  	v2 =	vadd.f32 v4, v2;
	_ =	sdelay $0x1  }
0xcb: {  	v4 =	vmul.f32 $2.000000030e-01, v2;
	_ =	sdelay $0x1  }
0xcc: {  	v2 =	vmax.f32 v2, v4  }
0xcd: {  	v2 =	vmul.f32 $1.442695020e+00, v2;
	_ =	sdelay $0x1  }
0xce: {  	(erf) = vpow2.f32 v2;
	_ =	sdelay $0x1  }
0xcf: {  	s10 =	sadd.s32 $0xFFFFFFF8, s7  }
0xd0: {  	v2 =	vmov s10  }
0xd1: {  	v2 =	vshll.u32 v2, $0x3  }
0xd2: {  	v2 =	vor.u32 v0, v2  }
0xd3: {  	v2 =	vor.u32 v1, v2;
	_ =	sdelay $0x2  }
0xd4: {  	v4 =	vpop (erf)  }
0xd5: {  	[tilespmem:v3+s26+$0x0] =	vst.idx.msk $0xffff, v4  }
0xd6: {  	v3 =	vld.idx.msk [tilespmem:v2+s19+$0x0], $0xffff  }
0xd7: {  	v4 =	vld.idx.msk [tilespmem:v2+s20+$0x0], $0xffff;
	_ =	sdelay $0x5  }
0xd8: {  	v3 =	vadd.f32 v4, v3;
	_ =	sdelay $0x1  }
0xd9: {  	v4 =	vmul.f32 $2.000000030e-01, v3;
	_ =	sdelay $0x1  }
0xda: {  	v3 =	vmax.f32 v3, v4  }
0xdb: {  	v3 =	vmul.f32 $1.442695020e+00, v3;
	_ =	sdelay $0x1  }
0xdc: {  	(erf) = vpow2.f32 v3;
	_ =	sdelay $0x1  }
0xdd: {  	s10 =	sadd.s32 $0xFFFFFFFA, s7  }
0xde: {  	v3 =	vmov s10  }
0xdf: {  	v3 =	vshll.u32 v3, $0x3  }
0xe0: {  	v3 =	vor.u32 v0, v3  }
0xe1: {  	v3 =	vor.u32 v1, v3;
	_ =	sdelay $0x2  }
0xe2: {  	v4 =	vpop (erf)  }
0xe3: {  	[tilespmem:v2+s26+$0x0] =	vst.idx.msk $0xffff, v4  }
0xe4: {  	v2 =	vld.idx.msk [tilespmem:v3+s19+$0x0], $0xffff  }
0xe5: {  	v4 =	vld.idx.msk [tilespmem:v3+s20+$0x0], $0xffff;
	_ =	sdelay $0x5  }
0xe6: {  	v2 =	vadd.f32 v4, v2;
	_ =	sdelay $0x1  }
0xe7: {  	v4 =	vmul.f32 $2.000000030e-01, v2;
	_ =	sdelay $0x1  }
0xe8: {  	v2 =	vmax.f32 v2, v4  }
0xe9: {  	v2 =	vmul.f32 $1.442695020e+00, v2;
	_ =	sdelay $0x1  }
0xea: {  	(erf) = vpow2.f32 v2;
	_ =	sdelay $0x1  }
0xeb: {  	s10 =	sadd.s32 $0xFFFFFFFC, s7  }
0xec: {  	v2 =	vmov s10  }
0xed: {  	v2 =	vshll.u32 v2, $0x3  }
0xee: {  	v2 =	vor.u32 v0, v2  }
0xef: {  	v2 =	vor.u32 v1, v2;
	_ =	sdelay $0x2  }
0xf0: {  	v4 =	vpop (erf)  }
0xf1: {  	[tilespmem:v3+s26+$0x0] =	vst.idx.msk $0xffff, v4  }
0xf2: {  	v3 =	vld.idx.msk [tilespmem:v2+s19+$0x0], $0xffff  }
0xf3: {  	v4 =	vld.idx.msk [tilespmem:v2+s20+$0x0], $0xffff;
	_ =	sdelay $0x5  }
0xf4: {  	v3 =	vadd.f32 v4, v3;
	_ =	sdelay $0x1  }
0xf5: {  	v4 =	vmul.f32 $2.000000030e-01, v3;
	_ =	sdelay $0x1  }
0xf6: {  	v3 =	vmax.f32 v3, v4  }
0xf7: {  	v3 =	vmul.f32 $1.442695020e+00, v3;
	_ =	sdelay $0x1  }
0xf8: {  	(erf) = vpow2.f32 v3;
	_ =	sdelay $0x1  }
0xf9: {  	s10 =	sadd.s32 $0xFFFFFFFE, s7  }
0xfa: {  	v3 =	vmov s10  }
0xfb: {  	v3 =	vshll.u32 v3, $0x3  }
0xfc: {  	v3 =	vor.u32 v0, v3  }
0xfd: {  	v3 =	vor.u32 v1, v3;
	_ =	sdelay $0x2  }
0xfe: {  	v4 =	vpop (erf)  }
0xff: {  	[tilespmem:v2+s26+$0x0] =	vst.idx.msk $0xffff, v4  }
0x100: {  	v2 =	vld.idx.msk [tilespmem:v3+s19+$0x0], $0xffff  }
0x101: {  	v4 =	vld.idx.msk [tilespmem:v3+s20+$0x0], $0xffff;
	_ =	sdelay $0x5  }
0x102: {  	v2 =	vadd.f32 v4, v2;
	_ =	sdelay $0x1  }
0x103: {  	v4 =	vmul.f32 $2.000000030e-01, v2;
	_ =	sdelay $0x1  }
0x104: {  	v2 =	vmax.f32 v2, v4  }
0x105: {  	v2 =	vmul.f32 $1.442695020e+00, v2;
	_ =	sdelay $0x1  }
0x106: {  	(erf) = vpow2.f32 v2;
	_ =	sdelay $0x2  }
0x107: {  	v2 =	vmov s7  }
0x108: {  	v2 =	vshll.u32 v2, $0x3  }
0x109: {  	v2 =	vor.u32 v0, v2  }
0x10a: {  	v2 =	vor.u32 v1, v2;
	_ =	sdelay $0x2  }
0x10b: {  	v4 =	vpop (erf)  }
0x10c: {  	[tilespmem:v3+s26+$0x0] =	vst.idx.msk $0xffff, v4  }
0x10d: {  	v3 =	vld.idx.msk [tilespmem:v2+s19+$0x0], $0xffff  }
0x10e: {  	v4 =	vld.idx.msk [tilespmem:v2+s20+$0x0], $0xffff;
	_ =	sdelay $0x5  }
0x10f: {  	v3 =	vadd.f32 v4, v3;
	_ =	sdelay $0x1  }
0x110: {  	v4 =	vmul.f32 $2.000000030e-01, v3;
	_ =	sdelay $0x1  }
.Ltmp0:
0x111: {  	v3 =	vmax.f32 v3, v4;
	(pc) =	sbr.rel @p1 .LBB2_3-.Ltmp0, $3  }
0x112: {  	v3 =	vmul.f32 $1.442695020e+00, v3;
	_ =	sdelay $0x1  }
0x113: {  	(erf) = vpow2.f32 v3  }
0x114: {  	s7 =	sadd.s32 $0x10, s7  }
0x115: {  	s9 =	sadd.s32 $0xFFFFFFF2, s7  }
0x116: {  	v3 =	vmov s9  }
0x117: {  	v3 =	vshll.u32 v3, $0x3  }
0x118: {  	v3 =	vor.u32 v0, v3  }
0x119: {  	v3 =	vor.u32 v1, v3;
	_ =	sdelay $0x2  }
0x11a: {  	v4 =	vpop (erf)  }
0x11b: {  	[tilespmem:v2+s26+$0x0] =	vst.idx.msk $0xffff, v4  }
0x11c: {  	v2 =	vld.idx.msk [tilespmem:v3+s19+$0x0], $0xffff  }
0x11d: {  	v4 =	vld.idx.msk [tilespmem:v3+s20+$0x0], $0xffff;
	_ =	sdelay $0x4  }
0x11e: {  	v2 =	vadd.f32 v4, v2;
	_ =	sdelay $0x1  }
0x11f: {  	v4 =	vmul.f32 $2.000000030e-01, v2;
	_ =	sdelay $0x1  }
0x120: {  	v2 =	vmax.f32 v2, v4  }
0x121: {  	v2 =	vmul.f32 $1.442695020e+00, v2;
	_ =	sdelay $0x1  }
0x122: {  	(erf) = vpow2.f32 v2;
	_ =	sdelay $0x1  }
0x123: {  	s10 =	sadd.s32 $0xFFFFFFF4, s7  }
0x124: {  	v2 =	vmov s10  }
0x125: {  	v2 =	vshll.u32 v2, $0x3  }
0x126: {  	v2 =	vor.u32 v0, v2  }
0x127: {  	v2 =	vor.u32 v1, v2;
	_ =	sdelay $0x2  }
0x128: {  	v50 =	vpop (erf)  }
0x129: {  	[tilespmem:v3+s26+$0x0] =	vst.idx.msk $0xffff, v50  }
0x12a: {  	v3 =	vld.idx.msk [tilespmem:v2+s19+$0x0], $0xffff  }
0x12b: {  	v4 =	vld.idx.msk [tilespmem:v2+s20+$0x0], $0xffff;
	_ =	sdelay $0x4  }
0x12c: {  	v3 =	vadd.f32 v4, v3;
	_ =	sdelay $0x1  }
0x12d: {  	v4 =	vmul.f32 $2.000000030e-01, v3;
	_ =	sdelay $0x1  }
0x12e: {  	v3 =	vmax.f32 v3, v4  }
0x12f: {  	v3 =	vmul.f32 $1.442695020e+00, v3;
	_ =	sdelay $0x1  }
0x130: {  	(erf) = vpow2.f32 v3;
	_ =	sdelay $0x1  }
0x131: {  	s14 =	sadd.s32 $0xFFFFFFF6, s7  }
0x132: {  	v3 =	vmov s14  }
0x133: {  	v3 =	vshll.u32 v3, $0x3  }
0x134: {  	v3 =	vor.u32 v0, v3  }
0x135: {  	v3 =	vor.u32 v1, v3;
	_ =	sdelay $0x2  }
0x136: {  	v51 =	vpop (erf)  }
0x137: {  	[tilespmem:v2+s26+$0x0] =	vst.idx.msk $0xffff, v51  }
0x138: {  	v2 =	vld.idx.msk [tilespmem:v3+s19+$0x0], $0xffff  }
0x139: {  	v4 =	vld.idx.msk [tilespmem:v3+s20+$0x0], $0xffff;
	_ =	sdelay $0x4  }
0x13a: {  	v2 =	vadd.f32 v4, v2;
	_ =	sdelay $0x1  }
0x13b: {  	v4 =	vmul.f32 $2.000000030e-01, v2;
	_ =	sdelay $0x1  }
0x13c: {  	v2 =	vmax.f32 v2, v4  }
0x13d: {  	v2 =	vmul.f32 $1.442695020e+00, v2;
	_ =	sdelay $0x1  }
0x13e: {  	(erf) = vpow2.f32 v2;
	_ =	sdelay $0x1  }
0x13f: {  	s10 =	sadd.s32 $0xFFFFFFF8, s7  }
0x140: {  	v2 =	vmov s10  }
0x141: {  	v2 =	vshll.u32 v2, $0x3  }
0x142: {  	v2 =	vor.u32 v0, v2  }
0x143: {  	v2 =	vor.u32 v1, v2;
	_ =	sdelay $0x2  }
0x144: {  	v52 =	vpop (erf)  }
0x145: {  	[tilespmem:v3+s26+$0x0] =	vst.idx.msk $0xffff, v52  }
0x146: {  	v3 =	vld.idx.msk [tilespmem:v2+s19+$0x0], $0xffff  }
0x147: {  	v4 =	vld.idx.msk [tilespmem:v2+s20+$0x0], $0xffff;
	_ =	sdelay $0x4  }
0x148: {  	v3 =	vadd.f32 v4, v3;
	_ =	sdelay $0x1  }
0x149: {  	v4 =	vmul.f32 $2.000000030e-01, v3;
	_ =	sdelay $0x1  }
0x14a: {  	v3 =	vmax.f32 v3, v4  }
0x14b: {  	v3 =	vmul.f32 $1.442695020e+00, v3;
	_ =	sdelay $0x1  }
0x14c: {  	(erf) = vpow2.f32 v3;
	_ =	sdelay $0x1  }
0x14d: {  	s14 =	sadd.s32 $0xFFFFFFFA, s7  }
0x14e: {  	v3 =	vmov s14  }
0x14f: {  	v3 =	vshll.u32 v3, $0x3  }
0x150: {  	v3 =	vor.u32 v0, v3  }
0x151: {  	v3 =	vor.u32 v1, v3;
	_ =	sdelay $0x2  }
0x152: {  	v53 =	vpop (erf)  }
0x153: {  	[tilespmem:v2+s26+$0x0] =	vst.idx.msk $0xffff, v53  }
0x154: {  	v2 =	vld.idx.msk [tilespmem:v3+s19+$0x0], $0xffff  }
0x155: {  	v4 =	vld.idx.msk [tilespmem:v3+s20+$0x0], $0xffff;
	_ =	sdelay $0x4  }
0x156: {  	v2 =	vadd.f32 v4, v2;
	_ =	sdelay $0x1  }
0x157: {  	v4 =	vmul.f32 $2.000000030e-01, v2;
	_ =	sdelay $0x1  }
0x158: {  	v2 =	vmax.f32 v2, v4  }
0x159: {  	v2 =	vmul.f32 $1.442695020e+00, v2;
	_ =	sdelay $0x1  }
0x15a: {  	(erf) = vpow2.f32 v2;
	_ =	sdelay $0x1  }
0x15b: {  	s10 =	sadd.s32 $0xFFFFFFFC, s7  }
0x15c: {  	v2 =	vmov s10  }
0x15d: {  	v2 =	vshll.u32 v2, $0x3  }
0x15e: {  	v2 =	vor.u32 v0, v2  }
0x15f: {  	v2 =	vor.u32 v1, v2;
	_ =	sdelay $0x2  }
0x160: {  	v54 =	vpop (erf)  }
0x161: {  	[tilespmem:v3+s26+$0x0] =	vst.idx.msk $0xffff, v54  }
0x162: {  	v3 =	vld.idx.msk [tilespmem:v2+s19+$0x0], $0xffff  }
0x163: {  	v4 =	vld.idx.msk [tilespmem:v2+s20+$0x0], $0xffff;
	_ =	sdelay $0x4  }
0x164: {  	v3 =	vadd.f32 v4, v3;
	_ =	sdelay $0x1  }
0x165: {  	v4 =	vmul.f32 $2.000000030e-01, v3;
	_ =	sdelay $0x1  }
0x166: {  	v3 =	vmax.f32 v3, v4  }
0x167: {  	v3 =	vmul.f32 $1.442695020e+00, v3;
	_ =	sdelay $0x1  }
0x168: {  	(erf) = vpow2.f32 v3;
	_ =	sdelay $0x1  }
0x169: {  	s14 =	sadd.s32 $0xFFFFFFFE, s7  }
0x16a: {  	v3 =	vmov s14  }
0x16b: {  	v3 =	vshll.u32 v3, $0x3  }
0x16c: {  	v3 =	vor.u32 v0, v3  }
0x16d: {  	v3 =	vor.u32 v1, v3;
	_ =	sdelay $0x2  }
0x16e: {  	v55 =	vpop (erf)  }
0x16f: {  	[tilespmem:v2+s26+$0x0] =	vst.idx.msk $0xffff, v55  }
0x170: {  	v2 =	vld.idx.msk [tilespmem:v3+s19+$0x0], $0xffff  }
0x171: {  	v4 =	vld.idx.msk [tilespmem:v3+s20+$0x0], $0xffff;
	_ =	sdelay $0x4  }
0x172: {  	v2 =	vadd.f32 v4, v2;
	_ =	sdelay $0x1  }
0x173: {  	v4 =	vmul.f32 $2.000000030e-01, v2;
	_ =	sdelay $0x1  }
0x174: {  	v2 =	vmax.f32 v2, v4  }
0x175: {  	v2 =	vmul.f32 $1.442695020e+00, v2;
	_ =	sdelay $0x1  }
0x176: {  	(erf) = vpow2.f32 v2;
	_ =	sdelay $0x2  }
0x177: {  	v2 =	vmov s7  }
0x178: {  	v2 =	vshll.u32 v2, $0x3  }
0x179: {  	v2 =	vor.u32 v0, v2  }
0x17a: {  	v2 =	vor.u32 v1, v2;
	_ =	sdelay $0x2  }
0x17b: {  	v56 =	vpop (erf)  }
0x17c: {  	[tilespmem:v3+s26+$0x0] =	vst.idx.msk $0xffff, v56  }
0x17d: {  	v3 =	vld.idx.msk [tilespmem:v2+s19+$0x0], $0xffff  }
0x17e: {  	v4 =	vld.idx.msk [tilespmem:v2+s20+$0x0], $0xffff;
	_ =	sdelay $0x4  }
0x17f: {  	v3 =	vadd.f32 v4, v3;
	_ =	sdelay $0x1  }
0x180: {  	v4 =	vmul.f32 $2.000000030e-01, v3;
	_ =	sdelay $0x1  }
0x181: {  	v3 =	vmax.f32 v3, v4  }
0x182: {  	v3 =	vmul.f32 $1.442695020e+00, v3;
	_ =	sdelay $0x1  }
0x183: {  	(erf) = vpow2.f32 v3;
	_ =	sdelay $0x8  }
0x184: {  	v3 =	vpop (erf)  }
0x185: {  	[tilespmem:v2+s26+$0x0] =	vst.idx.msk $0xffff, v3  }
0x186: {  	[spmem:s2] =	stream.indirect.scatter.add.f32 [tilespmem:s26], [sflag:$0x3], $0x8, s18, s18, $0xb8;
	[tilespmem:$0x2DC8] =	vst v63  }
0x187: {  	_ =	swait.ge [sflag:s17], $0x400  }
0x188: {  	s9 =	sshll.u32 s31, $0xD;
	[sflag:s17] =	ssyncset.done $0x0  }
0x189: {  	p1 =	seq.s32 s31, $0x27;
	s7 =	sadd.s32 s9, s13;
	[sflag:s17] =	ssyncadd.s32 $0xFFFFFC00  }
0x18a: {  	[hbm4b:s7+s3] =	stream.linear.scatter [tilespmem:s26], [sflag:$0x3], $0x400, $0x38;
	[tilespmem:$0x2DC8] =	vst v63  }
0x18b: {  	s7 =	sshll.u32 @!p1 s31, $0xA;
	_ =	swait.ge [sflag:s17], $0x400  }
0x18c: {  	s7 =	sadd.s32 @!p1 s12, s7;
	[sflag:s17] =	ssyncset.done $0x0  }
0x18d: {  	s10 =	simm.s32 @!p1 $0x0;
	s9 =	sadd.s32 @!p1 s4, s7;
	[sflag:s17] =	ssyncadd.s32 $0xFFFFFC00  }
0x18e: {  	[tilespmem:s10], [sflag:$0x3] =	stream.linear.gather @!p1 [hbm4b:s9+s10], $0x80, $0x38;
	[tilespmem:$0x2DC8] =	vst v63  }
0x18f: {  	s9 =	simm.s32 @!p1 $0x3  }
0x190: {  	_ =	swait.ge @!p1 [sflag:s9], $0x80  }
0x191: {  	[sflag:s9] =	ssyncset.done @!p1 $0x0  }
0x192: {  	s14 =	simm.s32 @!p1 $0x80;
	s7 =	sadd.s32 @!p1 s5, s7;
	[sflag:s9] =	ssyncadd.s32 @!p1 $0xFFFFFF80  }
0x193: {  	[tilespmem:s14], [sflag:$0x3] =	stream.linear.gather @!p1 [hbm4b:s7+s10], $0x80, $0x38;
	[tilespmem:$0x2DC8] =	vst v63  }
0x194: {  	_ =	swait.ge @!p1 [sflag:s9], $0x80  }
0x195: {  	[sflag:s9] =	ssyncset.done @!p1 $0x0  }
0x196: {  	s7 =	simm.s32 @!p1 $0x100;
	[sflag:s9] =	ssyncadd.s32 @!p1 $0xFFFFFF80  }
0x197: {  	[tilespmem:s7], [sflag:$0x1] =	stream.indirect.gather @!p1 [hbm4b:s1+s14], $0x8, s10, s14, $0xb8;
	[tilespmem:$0x2DC8] =	vst v63  }
0x198: {  	s10 =	simm.s32 $0x0  }
0x199: {  	s9 =	simm.s32 @!p1 $0x500;
	v2 =	vmov s10  }
0x19a: {  	[tilespmem:s9], [sflag:$0x1] =	stream.indirect.gather @!p1 [hbm4b:s6+s14], $0x8, s14, s14, $0xb8;
	v2 =	vshll.u32 v2, $0x3;
	[tilespmem:$0x2DC8] =	vst v63  }
0x19b: {  	_ =	swait.ge [sflag:s28], $0x400;
	v2 =	vor.u32 v0, v2  }
0x19c: {  	[sflag:s28] =	ssyncset.done $0x0;
	v2 =	vor.u32 v1, v2  }
0x19d: {  	[sflag:s28] =	ssyncadd.s32 $0xFFFFFC00  }
0x19e: {  	_ =	swait.ge [sflag:s28], $0x400  }
0x19f: {  	[sflag:s28] =	ssyncset.done $0x0  }
0x1a0: {  	[sflag:s28] =	ssyncadd.s32 $0xFFFFFC00  }
0x1a1: {  	v3 =	vld.idx.msk [tilespmem:v2+s23+$0x0], $0xffff  }
0x1a2: {  	v57 =	vld.idx.msk [tilespmem:v2+s24+$0x0], $0xffff;
	_ =	sdelay $0x4  }
0x1a3: {  	v3 =	vadd.f32 v57, v3;
	_ =	sdelay $0x1  }
0x1a4: {  	v4 =	vmul.f32 $2.000000030e-01, v3;
	_ =	sdelay $0x1  }
0x1a5: {  	v3 =	vmax.f32 v3, v4  }
0x1a6: {  	v3 =	vmul.f32 $1.442695020e+00, v3;
	_ =	sdelay $0x1  }
0x1a7: {  	(erf) = vpow2.f32 v3;
	_ =	sdelay $0x1  }
0x1a8: {  	s14 =	simm.s32 $0x2  }
0x1a9: {  	v3 =	vmov s14  }
0x1aa: {  	v3 =	vshll.u32 v3, $0x3  }
0x1ab: {  	v3 =	vor.u32 v0, v3  }
0x1ac: {  	v3 =	vor.u32 v1, v3;
	_ =	sdelay $0x2  }
0x1ad: {  	v58 =	vpop (erf)  }
0x1ae: {  	[tilespmem:v2+s29+$0x0] =	vst.idx.msk $0xffff, v58  }
0x1af: {  	v2 =	vld.idx.msk [tilespmem:v3+s23+$0x0], $0xffff  }
0x1b0: {  	v4 =	vld.idx.msk [tilespmem:v3+s24+$0x0], $0xffff;
	_ =	sdelay $0x4  }
0x1b1: {  	v2 =	vadd.f32 v4, v2;
	_ =	sdelay $0x1  }
0x1b2: {  	v4 =	vmul.f32 $2.000000030e-01, v2;
	_ =	sdelay $0x1  }
0x1b3: {  	v2 =	vmax.f32 v2, v4  }
0x1b4: {  	v2 =	vmul.f32 $1.442695020e+00, v2;
	_ =	sdelay $0x1  }
0x1b5: {  	(erf) = vpow2.f32 v2;
	_ =	sdelay $0x1  }
0x1b6: {  	s9 =	simm.s32 $0x4  }
0x1b7: {  	v2 =	vmov s9  }
0x1b8: {  	v2 =	vshll.u32 v2, $0x3  }
0x1b9: {  	v2 =	vor.u32 v0, v2  }
0x1ba: {  	v2 =	vor.u32 v1, v2;
	_ =	sdelay $0x2  }
0x1bb: {  	v59 =	vpop (erf)  }
0x1bc: {  	[tilespmem:v3+s29+$0x0] =	vst.idx.msk $0xffff, v59  }
0x1bd: {  	v3 =	vld.idx.msk [tilespmem:v2+s23+$0x0], $0xffff  }
0x1be: {  	v4 =	vld.idx.msk [tilespmem:v2+s24+$0x0], $0xffff;
	_ =	sdelay $0x4  }
0x1bf: {  	v3 =	vadd.f32 v4, v3;
	_ =	sdelay $0x1  }
0x1c0: {  	v4 =	vmul.f32 $2.000000030e-01, v3;
	_ =	sdelay $0x1  }
0x1c1: {  	v3 =	vmax.f32 v3, v4  }
0x1c2: {  	v3 =	vmul.f32 $1.442695020e+00, v3;
	_ =	sdelay $0x1  }
0x1c3: {  	(erf) = vpow2.f32 v3;
	_ =	sdelay $0x1  }
0x1c4: {  	s10 =	simm.s32 $0x6  }
0x1c5: {  	v3 =	vmov s10  }
0x1c6: {  	v3 =	vshll.u32 v3, $0x3  }
0x1c7: {  	v3 =	vor.u32 v0, v3  }
0x1c8: {  	v3 =	vor.u32 v1, v3;
	_ =	sdelay $0x2  }
0x1c9: {  	v60 =	vpop (erf)  }
0x1ca: {  	[tilespmem:v2+s29+$0x0] =	vst.idx.msk $0xffff, v60  }
0x1cb: {  	v2 =	vld.idx.msk [tilespmem:v3+s23+$0x0], $0xffff  }
0x1cc: {  	v4 =	vld.idx.msk [tilespmem:v3+s24+$0x0], $0xffff;
	_ =	sdelay $0x4  }
0x1cd: {  	v2 =	vadd.f32 v4, v2;
	_ =	sdelay $0x1  }
0x1ce: {  	v4 =	vmul.f32 $2.000000030e-01, v2;
	_ =	sdelay $0x1  }
0x1cf: {  	v2 =	vmax.f32 v2, v4  }
0x1d0: {  	v2 =	vmul.f32 $1.442695020e+00, v2;
	_ =	sdelay $0x1  }
0x1d1: {  	(erf) = vpow2.f32 v2;
	_ =	sdelay $0x1  }
0x1d2: {  	s14 =	simm.s32 $0x8  }
0x1d3: {  	v2 =	vmov s14  }
0x1d4: {  	v2 =	vshll.u32 v2, $0x3  }
0x1d5: {  	v2 =	vor.u32 v0, v2  }
0x1d6: {  	v2 =	vor.u32 v1, v2;
	_ =	sdelay $0x2  }
0x1d7: {  	v61 =	vpop (erf)  }
0x1d8: {  	[tilespmem:v3+s29+$0x0] =	vst.idx.msk $0xffff, v61  }
0x1d9: {  	v3 =	vld.idx.msk [tilespmem:v2+s23+$0x0], $0xffff  }
0x1da: {  	v4 =	vld.idx.msk [tilespmem:v2+s24+$0x0], $0xffff;
	_ =	sdelay $0x4  }
0x1db: {  	v3 =	vadd.f32 v4, v3;
	_ =	sdelay $0x1  }
0x1dc: {  	v4 =	vmul.f32 $2.000000030e-01, v3;
	_ =	sdelay $0x1  }
0x1dd: {  	v3 =	vmax.f32 v3, v4  }
0x1de: {  	v3 =	vmul.f32 $1.442695020e+00, v3;
	_ =	sdelay $0x1  }
0x1df: {  	(erf) = vpow2.f32 v3;
	_ =	sdelay $0x1  }
0x1e0: {  	s9 =	simm.s32 $0xA  }
0x1e1: {  	v3 =	vmov s9  }
0x1e2: {  	v3 =	vshll.u32 v3, $0x3  }
0x1e3: {  	v3 =	vor.u32 v0, v3  }
0x1e4: {  	v3 =	vor.u32 v1, v3;
	_ =	sdelay $0x2  }
0x1e5: {  	v62 =	vpop (erf)  }
0x1e6: {  	[tilespmem:v2+s29+$0x0] =	vst.idx.msk $0xffff, v62  }
0x1e7: {  	v2 =	vld.idx.msk [tilespmem:v3+s23+$0x0], $0xffff  }
0x1e8: {  	v4 =	vld.idx.msk [tilespmem:v3+s24+$0x0], $0xffff;
	_ =	sdelay $0x4  }
0x1e9: {  	v2 =	vadd.f32 v4, v2;
	_ =	sdelay $0x1  }
0x1ea: {  	v4 =	vmul.f32 $2.000000030e-01, v2;
	_ =	sdelay $0x1  }
0x1eb: {  	v2 =	vmax.f32 v2, v4  }
0x1ec: {  	v2 =	vmul.f32 $1.442695020e+00, v2;
	_ =	sdelay $0x1  }
0x1ed: {  	(erf) = vpow2.f32 v2;
	_ =	sdelay $0x1  }
0x1ee: {  	s10 =	simm.s32 $0xC  }
0x1ef: {  	v2 =	vmov s10  }
0x1f0: {  	v2 =	vshll.u32 v2, $0x3  }
0x1f1: {  	v2 =	vor.u32 v0, v2  }
0x1f2: {  	v63 =	vor.u32 v1, v2;
	_ =	sdelay $0x2  }
0x1f3: {  	v2 =	vpop (erf)  }
0x1f4: {  	[tilespmem:v3+s29+$0x0] =	vst.idx.msk $0xffff, v2  }
0x1f5: {  	v2 =	vld.idx.msk [tilespmem:v63+s23+$0x0], $0xffff  }
0x1f6: {  	v3 =	vld.idx.msk [tilespmem:v63+s24+$0x0], $0xffff;
	_ =	sdelay $0x4  }
0x1f7: {  	v2 =	vadd.f32 v3, v2;
	_ =	sdelay $0x1  }
0x1f8: {  	v3 =	vmul.f32 $2.000000030e-01, v2;
	_ =	sdelay $0x1  }
0x1f9: {  	v2 =	vmax.f32 v2, v3  }
0x1fa: {  	v2 =	vmul.f32 $1.442695020e+00, v2;
	_ =	sdelay $0x1  }
0x1fb: {  	(erf) = vpow2.f32 v2;
	_ =	sdelay $0x1  }
0x1fc: {  	s14 =	simm.s32 $0xE  }
0x1fd: {  	v2 =	vmov s14  }
0x1fe: {  	v2 =	vshll.u32 v2, $0x3  }
0x1ff: {  	v2 =	vor.u32 v0, v2  }
0x200: {  	v2 =	vor.u32 v1, v2;
	_ =	sdelay $0x2  }
0x201: {  	v3 =	vpop (erf)  }
0x202: {  	[tilespmem:v63+s29+$0x0] =	vst.idx.msk $0xffff, v3  }
0x203: {  	v3 =	vld.idx.msk [tilespmem:v2+s23+$0x0], $0xffff  }
0x204: {  	v4 =	vld.idx.msk [tilespmem:v2+s24+$0x0], $0xffff;
	_ =	sdelay $0x4  }
0x205: {  	v3 =	vadd.f32 v4, v3;
	_ =	sdelay $0x1  }
0x206: {  	v4 =	vmul.f32 $2.000000030e-01, v3;
	_ =	sdelay $0x1  }
0x207: {  	v3 =	vmax.f32 v3, v4  }
0x208: {  	v3 =	vmul.f32 $1.442695020e+00, v3;
	_ =	sdelay $0x1  }
0x209: {  	(erf) = vpow2.f32 v3  }
0x20a: {  	s7 =	simm.s32 $0x1E;
	s9 =	simm.s32 $0x8  }
.LBB2_5:
0x20b: {  	s9 =	sadd.s32 $0x8, s9;
	s10 =	sadd.s32 $0xFFFFFFF2, s7  }
0x20c: {  	p1 =	slt.u32 s9, $0x38;
	v3 =	vmov s10  }
0x20d: {  	v3 =	vshll.u32 v3, $0x3  }
0x20e: {  	v3 =	vor.u32 v0, v3  }
0x20f: {  	v3 =	vor.u32 v1, v3;
	_ =	sdelay $0x2  }
0x210: {  	v4 =	vpop (erf)  }
0x211: {  	[tilespmem:v2+s29+$0x0] =	vst.idx.msk $0xffff, v4  }
0x212: {  	v2 =	vld.idx.msk [tilespmem:v3+s23+$0x0], $0xffff  }
0x213: {  	v4 =	vld.idx.msk [tilespmem:v3+s24+$0x0], $0xffff;
	_ =	sdelay $0x5  }
0x214: {  	v2 =	vadd.f32 v4, v2;
	_ =	sdelay $0x1  }
0x215: {  	v4 =	vmul.f32 $2.000000030e-01, v2;
	_ =	sdelay $0x1  }
0x216: {  	v2 =	vmax.f32 v2, v4  }
0x217: {  	v2 =	vmul.f32 $1.442695020e+00, v2;
	_ =	sdelay $0x1  }
0x218: {  	(erf) = vpow2.f32 v2;
	_ =	sdelay $0x1  }
0x219: {  	s10 =	sadd.s32 $0xFFFFFFF4, s7  }
0x21a: {  	v2 =	vmov s10  }
0x21b: {  	v2 =	vshll.u32 v2, $0x3  }
0x21c: {  	v2 =	vor.u32 v0, v2  }
0x21d: {  	v2 =	vor.u32 v1, v2;
	_ =	sdelay $0x2  }
0x21e: {  	v4 =	vpop (erf)  }
0x21f: {  	[tilespmem:v3+s29+$0x0] =	vst.idx.msk $0xffff, v4  }
0x220: {  	v3 =	vld.idx.msk [tilespmem:v2+s23+$0x0], $0xffff  }
0x221: {  	v4 =	vld.idx.msk [tilespmem:v2+s24+$0x0], $0xffff;
	_ =	sdelay $0x5  }
0x222: {  	v3 =	vadd.f32 v4, v3;
	_ =	sdelay $0x1  }
0x223: {  	v4 =	vmul.f32 $2.000000030e-01, v3;
	_ =	sdelay $0x1  }
0x224: {  	v3 =	vmax.f32 v3, v4  }
0x225: {  	v3 =	vmul.f32 $1.442695020e+00, v3;
	_ =	sdelay $0x1  }
0x226: {  	(erf) = vpow2.f32 v3;
	_ =	sdelay $0x1  }
0x227: {  	s10 =	sadd.s32 $0xFFFFFFF6, s7  }
0x228: {  	v3 =	vmov s10  }
0x229: {  	v3 =	vshll.u32 v3, $0x3  }
0x22a: {  	v3 =	vor.u32 v0, v3  }
0x22b: {  	v3 =	vor.u32 v1, v3;
	_ =	sdelay $0x2  }
0x22c: {  	v4 =	vpop (erf)  }
0x22d: {  	[tilespmem:v2+s29+$0x0] =	vst.idx.msk $0xffff, v4  }
0x22e: {  	v2 =	vld.idx.msk [tilespmem:v3+s23+$0x0], $0xffff  }
0x22f: {  	v4 =	vld.idx.msk [tilespmem:v3+s24+$0x0], $0xffff;
	_ =	sdelay $0x5  }
0x230: {  	v2 =	vadd.f32 v4, v2;
	_ =	sdelay $0x1  }
0x231: {  	v4 =	vmul.f32 $2.000000030e-01, v2;
	_ =	sdelay $0x1  }
0x232: {  	v2 =	vmax.f32 v2, v4  }
0x233: {  	v2 =	vmul.f32 $1.442695020e+00, v2;
	_ =	sdelay $0x1  }
0x234: {  	(erf) = vpow2.f32 v2;
	_ =	sdelay $0x1  }
0x235: {  	s10 =	sadd.s32 $0xFFFFFFF8, s7  }
0x236: {  	v2 =	vmov s10  }
0x237: {  	v2 =	vshll.u32 v2, $0x3  }
0x238: {  	v2 =	vor.u32 v0, v2  }
0x239: {  	v2 =	vor.u32 v1, v2;
	_ =	sdelay $0x2  }
0x23a: {  	v4 =	vpop (erf)  }
0x23b: {  	[tilespmem:v3+s29+$0x0] =	vst.idx.msk $0xffff, v4  }
0x23c: {  	v3 =	vld.idx.msk [tilespmem:v2+s23+$0x0], $0xffff  }
0x23d: {  	v4 =	vld.idx.msk [tilespmem:v2+s24+$0x0], $0xffff;
	_ =	sdelay $0x5  }
0x23e: {  	v3 =	vadd.f32 v4, v3;
	_ =	sdelay $0x1  }
0x23f: {  	v4 =	vmul.f32 $2.000000030e-01, v3;
	_ =	sdelay $0x1  }
0x240: {  	v3 =	vmax.f32 v3, v4  }
0x241: {  	v3 =	vmul.f32 $1.442695020e+00, v3;
	_ =	sdelay $0x1  }
0x242: {  	(erf) = vpow2.f32 v3;
	_ =	sdelay $0x1  }
0x243: {  	s10 =	sadd.s32 $0xFFFFFFFA, s7  }
0x244: {  	v3 =	vmov s10  }
0x245: {  	v3 =	vshll.u32 v3, $0x3  }
0x246: {  	v3 =	vor.u32 v0, v3  }
0x247: {  	v3 =	vor.u32 v1, v3;
	_ =	sdelay $0x2  }
0x248: {  	v4 =	vpop (erf)  }
0x249: {  	[tilespmem:v2+s29+$0x0] =	vst.idx.msk $0xffff, v4  }
0x24a: {  	v2 =	vld.idx.msk [tilespmem:v3+s23+$0x0], $0xffff  }
0x24b: {  	v4 =	vld.idx.msk [tilespmem:v3+s24+$0x0], $0xffff;
	_ =	sdelay $0x5  }
0x24c: {  	v2 =	vadd.f32 v4, v2;
	_ =	sdelay $0x1  }
0x24d: {  	v4 =	vmul.f32 $2.000000030e-01, v2;
	_ =	sdelay $0x1  }
0x24e: {  	v2 =	vmax.f32 v2, v4  }
0x24f: {  	v2 =	vmul.f32 $1.442695020e+00, v2;
	_ =	sdelay $0x1  }
0x250: {  	(erf) = vpow2.f32 v2;
	_ =	sdelay $0x1  }
0x251: {  	s10 =	sadd.s32 $0xFFFFFFFC, s7  }
0x252: {  	v2 =	vmov s10  }
0x253: {  	v2 =	vshll.u32 v2, $0x3  }
0x254: {  	v2 =	vor.u32 v0, v2  }
0x255: {  	v2 =	vor.u32 v1, v2;
	_ =	sdelay $0x2  }
0x256: {  	v4 =	vpop (erf)  }
0x257: {  	[tilespmem:v3+s29+$0x0] =	vst.idx.msk $0xffff, v4  }
0x258: {  	v3 =	vld.idx.msk [tilespmem:v2+s23+$0x0], $0xffff  }
0x259: {  	v4 =	vld.idx.msk [tilespmem:v2+s24+$0x0], $0xffff;
	_ =	sdelay $0x5  }
0x25a: {  	v3 =	vadd.f32 v4, v3;
	_ =	sdelay $0x1  }
0x25b: {  	v4 =	vmul.f32 $2.000000030e-01, v3;
	_ =	sdelay $0x1  }
0x25c: {  	v3 =	vmax.f32 v3, v4  }
0x25d: {  	v3 =	vmul.f32 $1.442695020e+00, v3;
	_ =	sdelay $0x1  }
0x25e: {  	(erf) = vpow2.f32 v3;
	_ =	sdelay $0x1  }
0x25f: {  	s10 =	sadd.s32 $0xFFFFFFFE, s7  }
0x260: {  	v3 =	vmov s10  }
0x261: {  	v3 =	vshll.u32 v3, $0x3  }
0x262: {  	v3 =	vor.u32 v0, v3  }
0x263: {  	v3 =	vor.u32 v1, v3;
	_ =	sdelay $0x2  }
0x264: {  	v4 =	vpop (erf)  }
0x265: {  	[tilespmem:v2+s29+$0x0] =	vst.idx.msk $0xffff, v4  }
0x266: {  	v2 =	vld.idx.msk [tilespmem:v3+s23+$0x0], $0xffff  }
0x267: {  	v4 =	vld.idx.msk [tilespmem:v3+s24+$0x0], $0xffff;
	_ =	sdelay $0x5  }
0x268: {  	v2 =	vadd.f32 v4, v2;
	_ =	sdelay $0x1  }
0x269: {  	v4 =	vmul.f32 $2.000000030e-01, v2;
	_ =	sdelay $0x1  }
0x26a: {  	v2 =	vmax.f32 v2, v4  }
0x26b: {  	v2 =	vmul.f32 $1.442695020e+00, v2;
	_ =	sdelay $0x1  }
0x26c: {  	(erf) = vpow2.f32 v2;
	_ =	sdelay $0x2  }
0x26d: {  	v2 =	vmov s7  }
0x26e: {  	v2 =	vshll.u32 v2, $0x3  }
0x26f: {  	v2 =	vor.u32 v0, v2  }
0x270: {  	v2 =	vor.u32 v1, v2;
	_ =	sdelay $0x2  }
0x271: {  	v4 =	vpop (erf)  }
0x272: {  	[tilespmem:v3+s29+$0x0] =	vst.idx.msk $0xffff, v4  }
0x273: {  	v3 =	vld.idx.msk [tilespmem:v2+s23+$0x0], $0xffff  }
0x274: {  	v4 =	vld.idx.msk [tilespmem:v2+s24+$0x0], $0xffff;
	_ =	sdelay $0x5  }
0x275: {  	v3 =	vadd.f32 v4, v3;
	_ =	sdelay $0x1  }
0x276: {  	v4 =	vmul.f32 $2.000000030e-01, v3;
	_ =	sdelay $0x1  }
.Ltmp1:
0x277: {  	v3 =	vmax.f32 v3, v4;
	(pc) =	sbr.rel @p1 .LBB2_5-.Ltmp1, $3  }
0x278: {  	v3 =	vmul.f32 $1.442695020e+00, v3;
	_ =	sdelay $0x1  }
0x279: {  	(erf) = vpow2.f32 v3  }
0x27a: {  	s7 =	sadd.s32 $0x10, s7  }
0x27b: {  	s9 =	sadd.s32 $0xFFFFFFF2, s7  }
0x27c: {  	v3 =	vmov s9  }
0x27d: {  	v3 =	vshll.u32 v3, $0x3  }
0x27e: {  	v3 =	vor.u32 v0, v3  }
0x27f: {  	v3 =	vor.u32 v1, v3;
	_ =	sdelay $0x2  }
0x280: {  	v4 =	vpop (erf)  }
0x281: {  	[tilespmem:v2+s29+$0x0] =	vst.idx.msk $0xffff, v4  }
0x282: {  	v2 =	vld.idx.msk [tilespmem:v3+s23+$0x0], $0xffff  }
0x283: {  	v4 =	vld.idx.msk [tilespmem:v3+s24+$0x0], $0xffff;
	_ =	sdelay $0x4  }
0x284: {  	v2 =	vadd.f32 v4, v2;
	_ =	sdelay $0x1  }
0x285: {  	v4 =	vmul.f32 $2.000000030e-01, v2;
	_ =	sdelay $0x1  }
0x286: {  	v2 =	vmax.f32 v2, v4  }
0x287: {  	v2 =	vmul.f32 $1.442695020e+00, v2;
	_ =	sdelay $0x1  }
0x288: {  	(erf) = vpow2.f32 v2;
	_ =	sdelay $0x1  }
0x289: {  	s10 =	sadd.s32 $0xFFFFFFF4, s7  }
0x28a: {  	v2 =	vmov s10  }
0x28b: {  	v2 =	vshll.u32 v2, $0x3  }
0x28c: {  	v2 =	vor.u32 v0, v2  }
0x28d: {  	v2 =	vor.u32 v1, v2;
	_ =	sdelay $0x2  }
0x28e: {  	v57 =	vpop (erf)  }
0x28f: {  	[tilespmem:v3+s29+$0x0] =	vst.idx.msk $0xffff, v57  }
0x290: {  	v3 =	vld.idx.msk [tilespmem:v2+s23+$0x0], $0xffff  }
0x291: {  	v4 =	vld.idx.msk [tilespmem:v2+s24+$0x0], $0xffff;
	_ =	sdelay $0x4  }
0x292: {  	v3 =	vadd.f32 v4, v3;
	_ =	sdelay $0x1  }
0x293: {  	v4 =	vmul.f32 $2.000000030e-01, v3;
	_ =	sdelay $0x1  }
0x294: {  	v3 =	vmax.f32 v3, v4  }
0x295: {  	v3 =	vmul.f32 $1.442695020e+00, v3;
	_ =	sdelay $0x1  }
0x296: {  	(erf) = vpow2.f32 v3;
	_ =	sdelay $0x1  }
0x297: {  	s14 =	sadd.s32 $0xFFFFFFF6, s7  }
0x298: {  	v3 =	vmov s14  }
0x299: {  	v3 =	vshll.u32 v3, $0x3  }
0x29a: {  	v3 =	vor.u32 v0, v3  }
0x29b: {  	v3 =	vor.u32 v1, v3;
	_ =	sdelay $0x2  }
0x29c: {  	v58 =	vpop (erf)  }
0x29d: {  	[tilespmem:v2+s29+$0x0] =	vst.idx.msk $0xffff, v58  }
0x29e: {  	v2 =	vld.idx.msk [tilespmem:v3+s23+$0x0], $0xffff  }
0x29f: {  	v4 =	vld.idx.msk [tilespmem:v3+s24+$0x0], $0xffff;
	_ =	sdelay $0x4  }
0x2a0: {  	v2 =	vadd.f32 v4, v2;
	_ =	sdelay $0x1  }
0x2a1: {  	v4 =	vmul.f32 $2.000000030e-01, v2;
	_ =	sdelay $0x1  }
0x2a2: {  	v2 =	vmax.f32 v2, v4  }
0x2a3: {  	v2 =	vmul.f32 $1.442695020e+00, v2;
	_ =	sdelay $0x1  }
0x2a4: {  	(erf) = vpow2.f32 v2;
	_ =	sdelay $0x1  }
0x2a5: {  	s10 =	sadd.s32 $0xFFFFFFF8, s7  }
0x2a6: {  	v2 =	vmov s10  }
0x2a7: {  	v2 =	vshll.u32 v2, $0x3  }
0x2a8: {  	v2 =	vor.u32 v0, v2  }
0x2a9: {  	v2 =	vor.u32 v1, v2;
	_ =	sdelay $0x2  }
0x2aa: {  	v59 =	vpop (erf)  }
0x2ab: {  	[tilespmem:v3+s29+$0x0] =	vst.idx.msk $0xffff, v59  }
0x2ac: {  	v3 =	vld.idx.msk [tilespmem:v2+s23+$0x0], $0xffff  }
0x2ad: {  	v4 =	vld.idx.msk [tilespmem:v2+s24+$0x0], $0xffff;
	_ =	sdelay $0x4  }
0x2ae: {  	v3 =	vadd.f32 v4, v3;
	_ =	sdelay $0x1  }
0x2af: {  	v4 =	vmul.f32 $2.000000030e-01, v3;
	_ =	sdelay $0x1  }
0x2b0: {  	v3 =	vmax.f32 v3, v4  }
0x2b1: {  	v3 =	vmul.f32 $1.442695020e+00, v3;
	_ =	sdelay $0x1  }
0x2b2: {  	(erf) = vpow2.f32 v3;
	_ =	sdelay $0x1  }
0x2b3: {  	s14 =	sadd.s32 $0xFFFFFFFA, s7  }
0x2b4: {  	v3 =	vmov s14  }
0x2b5: {  	v3 =	vshll.u32 v3, $0x3  }
0x2b6: {  	v3 =	vor.u32 v0, v3  }
0x2b7: {  	v3 =	vor.u32 v1, v3;
	_ =	sdelay $0x2  }
0x2b8: {  	v60 =	vpop (erf)  }
0x2b9: {  	[tilespmem:v2+s29+$0x0] =	vst.idx.msk $0xffff, v60  }
0x2ba: {  	v2 =	vld.idx.msk [tilespmem:v3+s23+$0x0], $0xffff  }
0x2bb: {  	v4 =	vld.idx.msk [tilespmem:v3+s24+$0x0], $0xffff;
	_ =	sdelay $0x4  }
0x2bc: {  	v2 =	vadd.f32 v4, v2;
	_ =	sdelay $0x1  }
0x2bd: {  	v4 =	vmul.f32 $2.000000030e-01, v2;
	_ =	sdelay $0x1  }
0x2be: {  	v2 =	vmax.f32 v2, v4  }
0x2bf: {  	v2 =	vmul.f32 $1.442695020e+00, v2;
	_ =	sdelay $0x1  }
0x2c0: {  	(erf) = vpow2.f32 v2;
	_ =	sdelay $0x1  }
0x2c1: {  	s10 =	sadd.s32 $0xFFFFFFFC, s7  }
0x2c2: {  	v2 =	vmov s10  }
0x2c3: {  	v2 =	vshll.u32 v2, $0x3  }
0x2c4: {  	v2 =	vor.u32 v0, v2  }
0x2c5: {  	v2 =	vor.u32 v1, v2;
	_ =	sdelay $0x2  }
0x2c6: {  	v61 =	vpop (erf)  }
0x2c7: {  	[tilespmem:v3+s29+$0x0] =	vst.idx.msk $0xffff, v61  }
0x2c8: {  	v3 =	vld.idx.msk [tilespmem:v2+s23+$0x0], $0xffff  }
0x2c9: {  	v4 =	vld.idx.msk [tilespmem:v2+s24+$0x0], $0xffff;
	_ =	sdelay $0x4  }
0x2ca: {  	v3 =	vadd.f32 v4, v3;
	_ =	sdelay $0x1  }
0x2cb: {  	v4 =	vmul.f32 $2.000000030e-01, v3;
	_ =	sdelay $0x1  }
0x2cc: {  	v3 =	vmax.f32 v3, v4  }
0x2cd: {  	v3 =	vmul.f32 $1.442695020e+00, v3;
	_ =	sdelay $0x1  }
0x2ce: {  	(erf) = vpow2.f32 v3;
	_ =	sdelay $0x1  }
0x2cf: {  	s14 =	sadd.s32 $0xFFFFFFFE, s7  }
0x2d0: {  	v3 =	vmov s14  }
0x2d1: {  	v3 =	vshll.u32 v3, $0x3  }
0x2d2: {  	v3 =	vor.u32 v0, v3  }
0x2d3: {  	v3 =	vor.u32 v1, v3;
	_ =	sdelay $0x2  }
0x2d4: {  	v62 =	vpop (erf)  }
0x2d5: {  	[tilespmem:v2+s29+$0x0] =	vst.idx.msk $0xffff, v62  }
0x2d6: {  	v2 =	vld.idx.msk [tilespmem:v3+s23+$0x0], $0xffff  }
0x2d7: {  	v4 =	vld.idx.msk [tilespmem:v3+s24+$0x0], $0xffff;
	_ =	sdelay $0x4  }
0x2d8: {  	v2 =	vadd.f32 v4, v2;
	_ =	sdelay $0x1  }
0x2d9: {  	v4 =	vmul.f32 $2.000000030e-01, v2;
	_ =	sdelay $0x1  }
0x2da: {  	v2 =	vmax.f32 v2, v4  }
0x2db: {  	v2 =	vmul.f32 $1.442695020e+00, v2;
	_ =	sdelay $0x1  }
0x2dc: {  	(erf) = vpow2.f32 v2;
	_ =	sdelay $0x2  }
0x2dd: {  	v2 =	vmov s7  }
0x2de: {  	v2 =	vshll.u32 v2, $0x3  }
0x2df: {  	v2 =	vor.u32 v0, v2  }
0x2e0: {  	v2 =	vor.u32 v1, v2;
	_ =	sdelay $0x2  }
0x2e1: {  	v63 =	vpop (erf)  }
0x2e2: {  	[tilespmem:v3+s29+$0x0] =	vst.idx.msk $0xffff, v63  }
0x2e3: {  	v3 =	vld.idx.msk [tilespmem:v2+s23+$0x0], $0xffff  }
0x2e4: {  	v4 =	vld.idx.msk [tilespmem:v2+s24+$0x0], $0xffff;
	_ =	sdelay $0x4  }
0x2e5: {  	v3 =	vadd.f32 v4, v3;
	_ =	sdelay $0x1  }
0x2e6: {  	v4 =	vmul.f32 $2.000000030e-01, v3;
	_ =	sdelay $0x1  }
0x2e7: {  	v3 =	vmax.f32 v3, v4  }
0x2e8: {  	v3 =	vmul.f32 $1.442695020e+00, v3;
	_ =	sdelay $0x1  }
0x2e9: {  	(erf) = vpow2.f32 v3;
	_ =	sdelay $0x8  }
0x2ea: {  	v3 =	vpop (erf)  }
0x2eb: {  	[tilespmem:v2+s29+$0x0] =	vst.idx.msk $0xffff, v3  }
0x2ec: {  	[spmem:s2] =	stream.indirect.scatter.add.f32 [tilespmem:s29], [sflag:$0x3], $0x8, s22, s18, $0xb8;
	[tilespmem:$0x2DC8] =	vst v63  }
0x2ed: {  	s31 =	sadd.s32 $0x1, s31;
	_ =	swait.ge [sflag:s17], $0x400  }
0x2ee: {  	s0 =	sshll.u32 s0, $0x7;
	p1 =	sne.s32 s31, $0x28;
	[sflag:s17] =	ssyncset.done $0x0  }
.Ltmp2:
0x2ef: {  	s0 =	sadd.s32 s8, s0;
	[sflag:s17] =	ssyncadd.s32 $0xFFFFFC00;
	(pc) =	sbr.rel @p1 .LBB2_2-.Ltmp2, $4  }
0x2f0: {  	[hbm4b:s0+s3] =	stream.linear.scatter [tilespmem:s29], [sflag:$0x3], $0x400, $0x38;
	[tilespmem:$0x2DC8] =	vst v63  }
0x2f1: {  	_ =	swait.ge [sflag:s17], $0x400  }
0x2f2: {  	[sflag:s17] =	ssyncset.done $0x0  }
0x2f3: {  	[sflag:s17] =	ssyncadd.s32 $0xFFFFFC00  }
0x2f4: {  	[bflag:$0x0] =	sbarrier.arrive $0xFFFF;
	s30 =	sadd.s32 $0x1, s30  }
0x2f5: {  	s0 =	simm.s32 @!p0 $0x1C03;
	s7 =	rddreg [dreg:$0x7];
	p1 =	sne.s32 s30, s15  }
0x2f6: {  	[hbm:s7], [sflag:s0] =	dma.local @!p0 [spmem:s16], $0x2790  }
.Ltmp3:
0x2f7: {  	_ = 	snop;
	(pc) =	sbr.rel @p1 .LBB2_1-.Ltmp3, $4  }
0x2f8: {  	s0 =	simm.s32 @!p0 $0x3  }
0x2f9: {  	_ =	swait.ge @!p0 [sflag:s0], $0x2790  }
0x2fa: {  	[sflag:s0] =	ssyncset.done @!p0 $0x0  }
0x2fb: {  	[sflag:s0] =	ssyncadd.s32 @!p0 $0xFFFFD870  }
0x2fc: {  	_ =	sfence.sel $0x180000  }
0x2fd: {  	[bflag:$0x0] =	sbarrier.arrive $0xFFFF  }
0x2fe: {  	_ =	strace $0x90000047  }
0x2ff: {  	[bflag:$0x2] =	sbarrier.arrive $0xFFFF  }
0x300: {  	s0 =	rddreg [dreg:$0x3]  }
0x301: {  	s0 =	sadd.s32 @!p0 $0x100000, s0  }
0x302: {  	[sflag:s0] =	ssyncadd.tile.s32 @!p0 $0x1;
	_ =	shalt  }
.Lfunc_end2:
_tile_overlayer_lowered:
.L_overlay_start_2:
0x303: {  	(tag) =	ssettag $0x2  }
0x304: {  	s0 =	rddreg [dreg:$0x0];
	s2 =	stileid.u32  }
0x305: {  	s1 =	rddreg [dreg:$0x1];
	p0 =	sne.s32 s2, $0x0  }
0x306: {  	s3 =	rddreg [dreg:$0x2];
	[bflag:$0x3] =	sbarrier.arrive $0xFFFF;
	s2 =	simm.s32 @!p0 $0x1C03  }
0x307: {  	[timem:s3], [sflag:s2] =	dma.local @!p0 [hbm:s0], s1  }
0x308: {  	s0 =	simm.s32 @!p0 $0x3  }
0x309: {  	_ =	swait.ge @!p0 [sflag:s0], s1  }
0x30a: {  	s1 =	ssub.s32 @!p0 $0x0, s1;
	[sflag:s0] =	ssyncset.done @!p0 $0x0  }
0x30b: {  	[sflag:s0] =	ssyncadd.s32 @!p0 s1  }
0x30c: {  	[bflag:$0x3] =	sbarrier.arrive $0xFFFF  }
0x30d: {  	_ =	shalt  }

</sc_bundles>
